<compile_context>
chip_gen: v7x
topology: tpu7x:2x2x1
jax: 0.10.2.dev20260603
libtpu: 0.0.44.dev20260713+nightly
codegen_flags: <defaults>
</compile_context>

<pallas_src>
import functools

import jax
import jax.numpy as jnp
from jax import lax
from jax.experimental import pallas as pl
from jax.experimental.pallas import tpu as pltpu
from jax.experimental.pallas import tpu_sc as plsc

NUM_NODES = 1000000
EMBED_DIM = 64
BATCH = 16384

_info = plsc.get_sparse_core_info()
_NC, _NS = _info.num_cores, _info.num_subcores
_NW = _NC * _NS
_B_PER_W = BATCH // _NW
_BLK = 128

_mesh = plsc.VectorSubcoreMesh(core_axis_name="c", subcore_axis_name="s")


@functools.partial(
    pl.kernel,
    mesh=_mesh,
    out_type=jax.ShapeDtypeStruct((BATCH, EMBED_DIM), jnp.float32),
    scratch_types=[
        pltpu.VMEM((_B_PER_W,), jnp.int32),
        *[pltpu.VMEM((EMBED_DIM, _BLK), jnp.float32) for _ in range(8)],
        pltpu.VMEM((_B_PER_W // 2, EMBED_DIM), jnp.float32),
        *[pltpu.SemaphoreType.DMA for _ in range(8)],
        pltpu.SemaphoreType.DMA,
    ],
    compiler_params=pltpu.CompilerParams(needs_layout_passes=False),
)
def _gather_kernel(idx_hbm, tableT_hbm, out_hbm, idx_v,
                   t0, t1, t2, t3, t4, t5, t6, t7, rows_v,
                   sem0, sem1, sem2, sem3, sem4, sem5, sem6, sem7, semw):
    wid = lax.axis_index("s") * _NC + lax.axis_index("c")
    base = wid * _B_PER_W
    pltpu.sync_copy(idx_hbm.at[pl.ds(base, _B_PER_W)], idx_v)

    tbufs = (t0, t1, t2, t3, t4, t5, t6, t7)
    sems = (sem0, sem1, sem2, sem3, sem4, sem5, sem6, sem7)
    c16 = [lax.iota(jnp.int32, 16) + 16 * k for k in range(EMBED_DIM // 16)]

    def start_fetch(r, b):
        rbase = pl.multiple_of(r & ~(_BLK - 1), _BLK)
        pltpu.async_copy(tableT_hbm.at[:, pl.ds(rbase, _BLK)],
                         tbufs[b], sems[b])

    def wait_fetch(b):
        pltpu.make_async_copy(tableT_hbm.at[:, pl.ds(0, _BLK)],
                              tbufs[b], sems[b]).wait()

    def extract(j, r, b):
        rr = (c16[0] & 0) + (r & (_BLK - 1))
        for k in range(EMBED_DIM // 16):
            flat = tbufs[b].reshape(1, EMBED_DIM * _BLK).at[0]
            vals = plsc.load_gather(flat, [c16[k] * _BLK + rr])
            rows_v[j, pl.ds(16 * k, 16)] = vals

    _DEPTH = 7
    _NG = _B_PER_W // 16
    _HG = _NG // 2

    v0 = idx_v[pl.ds(0, 16)]
    for d in range(_DEPTH):
        start_fetch(v0[d], d)

    def make_body(half):
        def body(g, carry):
            j0 = 16 * (half * _HG + g)
            v = idx_v[pl.ds(j0, 16)]
            for u in range(16):
                r = v[u]
                b = u & 7
                wait_fetch(b)
                nb = (u + _DEPTH) & 7
                if u < 16 - _DEPTH:
                    start_fetch(v[u + _DEPTH], nb)
                else:
                    @pl.when(j0 + 16 + (u - (16 - _DEPTH)) < _B_PER_W)
                    def _():
                        vn = idx_v[pl.ds(j0 + 16, 16)]
                        start_fetch(vn[u - (16 - _DEPTH)], nb)
                extract(16 * g + u, r, b)
            return carry
        return body

    lax.fori_loop(0, _HG, make_body(0), 0)
    pltpu.sync_copy(rows_v, out_hbm.at[pl.ds(base, _B_PER_W // 2)])
    lax.fori_loop(0, _HG, make_body(1), 0)
    pltpu.sync_copy(rows_v,
                    out_hbm.at[pl.ds(base + _B_PER_W // 2, _B_PER_W // 2)])


def kernel(nodes, ent_features):
    return _gather_kernel(nodes.astype(jnp.int32), ent_features.T)

# --- scband reference (transcript-rebuilt; emitter-appended) ---
"""Pipeline reference for scband-answer-space-model-24068996726989 (READ-ONLY COPY).

The authoritative reference and input builder live on the scoring server;
editing this copy changes nothing except your own understanding.
"""

import jax, jax.numpy as jnp
import numpy as np

NUM_NODES = 1000000
EMBED_DIM = 64
BATCH = 16384

def setup_inputs(seed: int = 0) -> dict:
    key = jax.random.key(seed)
    k_idx, k_tab = jax.random.split(key)
    nodes = jax.random.randint(k_idx, (BATCH,), 0, NUM_NODES, dtype=jnp.int64 if jax.config.jax_enable_x64 else jnp.int32)
    # entity embedding table, initialized as in _build_embeddings: normal(0, 1/embed_dim)
    ent_features = jax.random.normal(k_tab, (NUM_NODES, EMBED_DIM), dtype=jnp.float32) * (1.0 / EMBED_DIM)
    return {"nodes": nodes, "ent_features": ent_features}

def reference(nodes, ent_features):
    # AnswerSpaceModel.embed_ents: nn.Embedding lookup -> gather rows
    return jnp.take(ent_features, nodes, axis=0)

if __name__ == "__main__":
    import jax
    _d = setup_inputs()
    print(jax.jit(kernel)(*tuple(_d.values())))

</pallas_src>

<mosaic_0001>
#map = affine_map<(d0, d1) -> (0)>
#map1 = affine_map<(d0, d1) -> (0, 0)>
module attributes {stable_mosaic.version = 14 : i64} {
  func.func @_gather_kernel(%arg0: i32, %arg1: i32, %arg2: memref<16384xi32, #tpu.memory_space<hbm>>, %arg3: memref<64x1000000xf32, #tpu.memory_space<hbm>>, %arg4: memref<16384x64xf32, #tpu.memory_space<hbm>>, %arg5: memref<512xi32, #tpu.memory_space<vmem>>, %arg6: memref<64x128xf32, #tpu.memory_space<vmem>>, %arg7: memref<64x128xf32, #tpu.memory_space<vmem>>, %arg8: memref<64x128xf32, #tpu.memory_space<vmem>>, %arg9: memref<64x128xf32, #tpu.memory_space<vmem>>, %arg10: memref<64x128xf32, #tpu.memory_space<vmem>>, %arg11: memref<64x128xf32, #tpu.memory_space<vmem>>, %arg12: memref<64x128xf32, #tpu.memory_space<vmem>>, %arg13: memref<64x128xf32, #tpu.memory_space<vmem>>, %arg14: memref<256x64xf32, #tpu.memory_space<vmem>>, %arg15: memref<!tpu.dma_semaphore, #tpu.memory_space<semaphore_mem>>, %arg16: memref<!tpu.dma_semaphore, #tpu.memory_space<semaphore_mem>>, %arg17: memref<!tpu.dma_semaphore, #tpu.memory_space<semaphore_mem>>, %arg18: memref<!tpu.dma_semaphore, #tpu.memory_space<semaphore_mem>>, %arg19: memref<!tpu.dma_semaphore, #tpu.memory_space<semaphore_mem>>, %arg20: memref<!tpu.dma_semaphore, #tpu.memory_space<semaphore_mem>>, %arg21: memref<!tpu.dma_semaphore, #tpu.memory_space<semaphore_mem>>, %arg22: memref<!tpu.dma_semaphore, #tpu.memory_space<semaphore_mem>>, %arg23: memref<!tpu.dma_semaphore, #tpu.memory_space<semaphore_mem>>) attributes {dimension_semantics = [#tpu.dimension_semantics<core_parallel>, #tpu.dimension_semantics<subcore_parallel>], iteration_bounds = array<i64: 2, 16>, scalar_prefetch = 0 : i64, scratch_operands = 19 : i64, tpu.core_type = #tpu.core_type<sc_vector_subcore>, window_params = [{transform_indices = #map}, {transform_indices = #map1}, {transform_indices = #map1}]} {
    %mul3A = arith.constant 2 : i32
    %mul3A_0 = arith.muli %arg1, %mul3A : i32
    %add3A = arith.addi %mul3A_0, %arg0 : i32
    %mul3A_1 = arith.constant 512 : i32
    %mul3A_2 = arith.muli %add3A, %mul3A_1 : i32
    "tpu.region"() ({
      %run_scoped3A = tpu.sem_alloc : memref<!tpu.dma_semaphore, #tpu.memory_space<semaphore_mem>>
      %dma_start3A_90 = tpu.memref_slice %arg2[%mul3A_2] : memref<16384xi32, #tpu.memory_space<hbm>> -> memref<512xi32, #tpu.memory_space<hbm>>
      %dma_start3A_91 = tpu.memref_slice %arg2[%mul3A_2] : memref<16384xi32, #tpu.memory_space<hbm>> -> memref<512xi32, #tpu.memory_space<hbm>>
      tpu.enqueue_dma source(%dma_start3A_91 : memref<512xi32, #tpu.memory_space<hbm>>) target(%arg5 : memref<512xi32, #tpu.memory_space<vmem>>) target_semaphore(%run_scoped3A : memref<!tpu.dma_semaphore, #tpu.memory_space<semaphore_mem>>)
      %dma_wait3A = tpu.memref_slice %arg2[%mul3A_2] : memref<16384xi32, #tpu.memory_space<hbm>> -> memref<512xi32, #tpu.memory_space<hbm>>
      %dma_wait3A_92 = tpu.memref_slice %arg2[%mul3A_2] : memref<16384xi32, #tpu.memory_space<hbm>> -> memref<512xi32, #tpu.memory_space<hbm>>
      tpu.wait_dma2 semaphore(%run_scoped3A : memref<!tpu.dma_semaphore, #tpu.memory_space<semaphore_mem>>) src(%dma_wait3A_92 : memref<512xi32, #tpu.memory_space<hbm>>) dst(%arg5 : memref<512xi32, #tpu.memory_space<vmem>>)
      tpu.yield
    }) : () -> ()
    %iota3A = tpu.iota {dimensions = array<i32: 0>} : vector<16xi32>
    %add3A_3 = arith.constant 0 : i32
    %add3A_4 = vector.broadcast %add3A_3 : i32 to vector<16xi32>
    %add3A_5 = arith.addi %iota3A, %add3A_4 : vector<16xi32>
    %iota3A_6 = tpu.iota {dimensions = array<i32: 0>} : vector<16xi32>
    %add3A_7 = arith.constant 16 : i32
    %add3A_8 = vector.broadcast %add3A_7 : i32 to vector<16xi32>
    %add3A_9 = arith.addi %iota3A_6, %add3A_8 : vector<16xi32>
    %iota3A_10 = tpu.iota {dimensions = array<i32: 0>} : vector<16xi32>
    %add3A_11 = arith.constant 32 : i32
    %add3A_12 = vector.broadcast %add3A_11 : i32 to vector<16xi32>
    %add3A_13 = arith.addi %iota3A_10, %add3A_12 : vector<16xi32>
    %iota3A_14 = tpu.iota {dimensions = array<i32: 0>} : vector<16xi32>
    %add3A_15 = arith.constant 48 : i32
    %add3A_16 = vector.broadcast %add3A_15 : i32 to vector<16xi32>
    %add3A_17 = arith.addi %iota3A_14, %add3A_16 : vector<16xi32>
    %get3A = arith.constant 0 : index
    %get3A_18 = tpu.vector_load %arg5[%get3A] {strides = array<i32>} : memref<512xi32, #tpu.memory_space<vmem>>, vector<16xi32>,
    %slice3A = vector.extract_strided_slice %get3A_18 {offsets = [0], sizes = [1], strides = [1]} : vector<16xi32> to vector<1xi32>
    %squeeze3A = vector.extract %slice3A[0] : i32 from vector<1xi32>
    %and3A = arith.constant -128 : i32
    %and3A_19 = arith.andi %squeeze3A, %and3A : i32
    %multiple_of3A = tpu.assume_multiple %and3A_19, 128 : i32
    %dma_start3A = arith.constant 0 : i32
    %dma_start3A_20 = tpu.memref_slice %arg3[%dma_start3A, %multiple_of3A] : memref<64x1000000xf32, #tpu.memory_space<hbm>> -> memref<64x128xf32, #tpu.memory_space<hbm>>
    %dma_start3A_21 = arith.constant 0 : i32
    %dma_start3A_22 = tpu.memref_slice %arg3[%dma_start3A_21, %multiple_of3A] : memref<64x1000000xf32, #tpu.memory_space<hbm>> -> memref<64x128xf32, #tpu.memory_space<hbm>>
    tpu.enqueue_dma source(%dma_start3A_22 : memref<64x128xf32, #tpu.memory_space<hbm>>) target(%arg6 : memref<64x128xf32, #tpu.memory_space<vmem>>) target_semaphore(%arg15 : memref<!tpu.dma_semaphore, #tpu.memory_space<semaphore_mem>>)
    %slice3A_23 = vector.extract_strided_slice %get3A_18 {offsets = [1], sizes = [1], strides = [1]} : vector<16xi32> to vector<1xi32>
    %squeeze3A_24 = vector.extract %slice3A_23[0] : i32 from vector<1xi32>
    %and3A_25 = arith.constant -128 : i32
    %and3A_26 = arith.andi %squeeze3A_24, %and3A_25 : i32
    %multiple_of3A_27 = tpu.assume_multiple %and3A_26, 128 : i32
    %dma_start3A_28 = arith.constant 0 : i32
    %dma_start3A_29 = tpu.memref_slice %arg3[%dma_start3A_28, %multiple_of3A_27] : memref<64x1000000xf32, #tpu.memory_space<hbm>> -> memref<64x128xf32, #tpu.memory_space<hbm>>
    %dma_start3A_30 = arith.constant 0 : i32
    %dma_start3A_31 = tpu.memref_slice %arg3[%dma_start3A_30, %multiple_of3A_27] : memref<64x1000000xf32, #tpu.memory_space<hbm>> -> memref<64x128xf32, #tpu.memory_space<hbm>>
    tpu.enqueue_dma source(%dma_start3A_31 : memref<64x128xf32, #tpu.memory_space<hbm>>) target(%arg7 : memref<64x128xf32, #tpu.memory_space<vmem>>) target_semaphore(%arg16 : memref<!tpu.dma_semaphore, #tpu.memory_space<semaphore_mem>>)
    %slice3A_32 = vector.extract_strided_slice %get3A_18 {offsets = [2], sizes = [1], strides = [1]} : vector<16xi32> to vector<1xi32>
    %squeeze3A_33 = vector.extract %slice3A_32[0] : i32 from vector<1xi32>
    %and3A_34 = arith.constant -128 : i32
    %and3A_35 = arith.andi %squeeze3A_33, %and3A_34 : i32
    %multiple_of3A_36 = tpu.assume_multiple %and3A_35, 128 : i32
    %dma_start3A_37 = arith.constant 0 : i32
    %dma_start3A_38 = tpu.memref_slice %arg3[%dma_start3A_37, %multiple_of3A_36] : memref<64x1000000xf32, #tpu.memory_space<hbm>> -> memref<64x128xf32, #tpu.memory_space<hbm>>
    %dma_start3A_39 = arith.constant 0 : i32
    %dma_start3A_40 = tpu.memref_slice %arg3[%dma_start3A_39, %multiple_of3A_36] : memref<64x1000000xf32, #tpu.memory_space<hbm>> -> memref<64x128xf32, #tpu.memory_space<hbm>>
    tpu.enqueue_dma source(%dma_start3A_40 : memref<64x128xf32, #tpu.memory_space<hbm>>) target(%arg8 : memref<64x128xf32, #tpu.memory_space<vmem>>) target_semaphore(%arg17 : memref<!tpu.dma_semaphore, #tpu.memory_space<semaphore_mem>>)
    %slice3A_41 = vector.extract_strided_slice %get3A_18 {offsets = [3], sizes = [1], strides = [1]} : vector<16xi32> to vector<1xi32>
    %squeeze3A_42 = vector.extract %slice3A_41[0] : i32 from vector<1xi32>
    %and3A_43 = arith.constant -128 : i32
    %and3A_44 = arith.andi %squeeze3A_42, %and3A_43 : i32
    %multiple_of3A_45 = tpu.assume_multiple %and3A_44, 128 : i32
    %dma_start3A_46 = arith.constant 0 : i32
    %dma_start3A_47 = tpu.memref_slice %arg3[%dma_start3A_46, %multiple_of3A_45] : memref<64x1000000xf32, #tpu.memory_space<hbm>> -> memref<64x128xf32, #tpu.memory_space<hbm>>
    %dma_start3A_48 = arith.constant 0 : i32
    %dma_start3A_49 = tpu.memref_slice %arg3[%dma_start3A_48, %multiple_of3A_45] : memref<64x1000000xf32, #tpu.memory_space<hbm>> -> memref<64x128xf32, #tpu.memory_space<hbm>>
    tpu.enqueue_dma source(%dma_start3A_49 : memref<64x128xf32, #tpu.memory_space<hbm>>) target(%arg9 : memref<64x128xf32, #tpu.memory_space<vmem>>) target_semaphore(%arg18 : memref<!tpu.dma_semaphore, #tpu.memory_space<semaphore_mem>>)
    %slice3A_50 = vector.extract_strided_slice %get3A_18 {offsets = [4], sizes = [1], strides = [1]} : vector<16xi32> to vector<1xi32>
    %squeeze3A_51 = vector.extract %slice3A_50[0] : i32 from vector<1xi32>
    %and3A_52 = arith.constant -128 : i32
    %and3A_53 = arith.andi %squeeze3A_51, %and3A_52 : i32
    %multiple_of3A_54 = tpu.assume_multiple %and3A_53, 128 : i32
    %dma_start3A_55 = arith.constant 0 : i32
    %dma_start3A_56 = tpu.memref_slice %arg3[%dma_start3A_55, %multiple_of3A_54] : memref<64x1000000xf32, #tpu.memory_space<hbm>> -> memref<64x128xf32, #tpu.memory_space<hbm>>
    %dma_start3A_57 = arith.constant 0 : i32
    %dma_start3A_58 = tpu.memref_slice %arg3[%dma_start3A_57, %multiple_of3A_54] : memref<64x1000000xf32, #tpu.memory_space<hbm>> -> memref<64x128xf32, #tpu.memory_space<hbm>>
    tpu.enqueue_dma source(%dma_start3A_58 : memref<64x128xf32, #tpu.memory_space<hbm>>) target(%arg10 : memref<64x128xf32, #tpu.memory_space<vmem>>) target_semaphore(%arg19 : memref<!tpu.dma_semaphore, #tpu.memory_space<semaphore_mem>>)
    %slice3A_59 = vector.extract_strided_slice %get3A_18 {offsets = [5], sizes = [1], strides = [1]} : vector<16xi32> to vector<1xi32>
    %squeeze3A_60 = vector.extract %slice3A_59[0] : i32 from vector<1xi32>
    %and3A_61 = arith.constant -128 : i32
    %and3A_62 = arith.andi %squeeze3A_60, %and3A_61 : i32
    %multiple_of3A_63 = tpu.assume_multiple %and3A_62, 128 : i32
    %dma_start3A_64 = arith.constant 0 : i32
    %dma_start3A_65 = tpu.memref_slice %arg3[%dma_start3A_64, %multiple_of3A_63] : memref<64x1000000xf32, #tpu.memory_space<hbm>> -> memref<64x128xf32, #tpu.memory_space<hbm>>
    %dma_start3A_66 = arith.constant 0 : i32
    %dma_start3A_67 = tpu.memref_slice %arg3[%dma_start3A_66, %multiple_of3A_63] : memref<64x1000000xf32, #tpu.memory_space<hbm>> -> memref<64x128xf32, #tpu.memory_space<hbm>>
    tpu.enqueue_dma source(%dma_start3A_67 : memref<64x128xf32, #tpu.memory_space<hbm>>) target(%arg11 : memref<64x128xf32, #tpu.memory_space<vmem>>) target_semaphore(%arg20 : memref<!tpu.dma_semaphore, #tpu.memory_space<semaphore_mem>>)
    %slice3A_68 = vector.extract_strided_slice %get3A_18 {offsets = [6], sizes = [1], strides = [1]} : vector<16xi32> to vector<1xi32>
    %squeeze3A_69 = vector.extract %slice3A_68[0] : i32 from vector<1xi32>
    %and3A_70 = arith.constant -128 : i32
    %and3A_71 = arith.andi %squeeze3A_69, %and3A_70 : i32
    %multiple_of3A_72 = tpu.assume_multiple %and3A_71, 128 : i32
    %dma_start3A_73 = arith.constant 0 : i32
    %dma_start3A_74 = tpu.memref_slice %arg3[%dma_start3A_73, %multiple_of3A_72] : memref<64x1000000xf32, #tpu.memory_space<hbm>> -> memref<64x128xf32, #tpu.memory_space<hbm>>
    %dma_start3A_75 = arith.constant 0 : i32
    %dma_start3A_76 = tpu.memref_slice %arg3[%dma_start3A_75, %multiple_of3A_72] : memref<64x1000000xf32, #tpu.memory_space<hbm>> -> memref<64x128xf32, #tpu.memory_space<hbm>>
    tpu.enqueue_dma source(%dma_start3A_76 : memref<64x128xf32, #tpu.memory_space<hbm>>) target(%arg12 : memref<64x128xf32, #tpu.memory_space<vmem>>) target_semaphore(%arg21 : memref<!tpu.dma_semaphore, #tpu.memory_space<semaphore_mem>>)
    %scan3A = arith.constant 0 : i32
    %scan3A_77 = arith.constant 0 : i32
    %scan3A_78 = arith.constant 16 : i32
    %scan3A_79 = arith.addi %scan3A_77, %scan3A_78 : i32
    %scan3A_80 = arith.constant 1 : i32
    scf.for %scan3A_90 = %scan3A_77 to %scan3A_79 step %scan3A_80  : i32 {
      %add3A_91 = arith.constant 0 : i32
      %add3A_92 = arith.addi %add3A_91, %scan3A_90 : i32
      %mul3A_93 = arith.constant 16 : i32
      %mul3A_94 = arith.muli %mul3A_93, %add3A_92 : i32
      %get3A_95 = arith.index_cast %mul3A_94 : i32 to index
      %get3A_96 = tpu.vector_load %arg5[%get3A_95] {strides = array<i32>} : memref<512xi32, #tpu.memory_space<vmem>>, vector<16xi32>,
      %slice3A_97 = vector.extract_strided_slice %get3A_96 {offsets = [0], sizes = [1], strides = [1]} : vector<16xi32> to vector<1xi32>
      %squeeze3A_98 = vector.extract %slice3A_97[0] : i32 from vector<1xi32>
      %dma_wait3A = arith.constant 0 : i32
      %dma_wait3A_99 = arith.constant 0 : i32
      %dma_wait3A_100 = tpu.memref_slice %arg3[%dma_wait3A, %dma_wait3A_99] : memref<64x1000000xf32, #tpu.memory_space<hbm>> -> memref<64x128xf32, #tpu.memory_space<hbm>>
      %dma_wait3A_101 = arith.constant 0 : i32
      %dma_wait3A_102 = arith.constant 0 : i32
      %dma_wait3A_103 = tpu.memref_slice %arg3[%dma_wait3A_101, %dma_wait3A_102] : memref<64x1000000xf32, #tpu.memory_space<hbm>> -> memref<64x128xf32, #tpu.memory_space<hbm>>
      tpu.wait_dma2 semaphore(%arg15 : memref<!tpu.dma_semaphore, #tpu.memory_space<semaphore_mem>>) src(%dma_wait3A_103 : memref<64x128xf32, #tpu.memory_space<hbm>>) dst(%arg6 : memref<64x128xf32, #tpu.memory_space<vmem>>)
      %slice3A_104 = vector.extract_strided_slice %get3A_96 {offsets = [7], sizes = [1], strides = [1]} : vector<16xi32> to vector<1xi32>
      %squeeze3A_105 = vector.extract %slice3A_104[0] : i32 from vector<1xi32>
      %and3A_106 = arith.constant -128 : i32
      %and3A_107 = arith.andi %squeeze3A_105, %and3A_106 : i32
      %multiple_of3A_108 = tpu.assume_multiple %and3A_107, 128 : i32
      %dma_start3A_109 = arith.constant 0 : i32
      %dma_start3A_110 = tpu.memref_slice %arg3[%dma_start3A_109, %multiple_of3A_108] : memref<64x1000000xf32, #tpu.memory_space<hbm>> -> memref<64x128xf32, #tpu.memory_space<hbm>>
      %dma_start3A_111 = arith.constant 0 : i32
      %dma_start3A_112 = tpu.memref_slice %arg3[%dma_start3A_111, %multiple_of3A_108] : memref<64x1000000xf32, #tpu.memory_space<hbm>> -> memref<64x128xf32, #tpu.memory_space<hbm>>
      tpu.enqueue_dma source(%dma_start3A_112 : memref<64x128xf32, #tpu.memory_space<hbm>>) target(%arg13 : memref<64x128xf32, #tpu.memory_space<vmem>>) target_semaphore(%arg22 : memref<!tpu.dma_semaphore, #tpu.memory_space<semaphore_mem>>)
      %mul3A_113 = arith.constant 16 : i32
      %mul3A_114 = arith.muli %mul3A_113, %scan3A_90 : i32
      %add3A_115 = arith.constant 0 : i32
      %add3A_116 = arith.addi %mul3A_114, %add3A_115 : i32
      %and3A_117 = arith.constant 0 : i32
      %and3A_118 = vector.broadcast %and3A_117 : i32 to vector<16xi32>
      %and3A_119 = arith.andi %add3A_5, %and3A_118 : vector<16xi32>
      %and3A_120 = arith.constant 127 : i32
      %and3A_121 = arith.andi %squeeze3A_98, %and3A_120 : i32
      %add3A_122 = vector.broadcast %and3A_121 : i32 to vector<16xi32>
      %add3A_123 = arith.addi %and3A_119, %add3A_122 : vector<16xi32>
      %mul3A_124 = arith.constant 128 : i32
      %mul3A_125 = vector.broadcast %mul3A_124 : i32 to vector<16xi32>
      %mul3A_126 = arith.muli %add3A_5, %mul3A_125 : vector<16xi32>
      %add3A_127 = arith.addi %mul3A_126, %add3A_123 : vector<16xi32>
      %gather3A = arith.constant 0 : i32
      %gather3A_128 = tpu.memref_reshape %arg6 : memref<64x128xf32, #tpu.memory_space<vmem>> -> memref<1x8192xf32, #tpu.memory_space<vmem>>
      %gather3A_129 = arith.constant 0 : i32
      %gather3A_130 = tpu.memref_slice %gather3A_128[%gather3A, %gather3A_129] : memref<1x8192xf32, #tpu.memory_space<vmem>> -> memref<1x8192xf32, #tpu.memory_space<vmem>>
      %gather3A_131 = tpu.memref_squeeze %gather3A_130 : memref<1x8192xf32, #tpu.memory_space<vmem>> -> memref<8192xf32, #tpu.memory_space<vmem>>
      %gather3A_132 = tpu.vector_load_idx %gather3A_131[%add3A_127] : memref<8192xf32, #tpu.memory_space<vmem>>[vector<16xi32>], vector<16xf32>,
      %swap3A = arith.index_cast %add3A_116 : i32 to index
      %swap3A_133 = arith.constant 0 : index
      %swap3A_134 = tpu.vector_load %arg14[%swap3A, %swap3A_133] {strides = array<i32>} : memref<256x64xf32, #tpu.memory_space<vmem>>, vector<16xf32>,
      tpu.vector_store %arg14[%swap3A, %swap3A_133], %gather3A_132 {strides = array<i32>} : memref<256x64xf32, #tpu.memory_space<vmem>>, vector<16xf32>,
      %mul3A_135 = arith.constant 128 : i32
      %mul3A_136 = vector.broadcast %mul3A_135 : i32 to vector<16xi32>
      %mul3A_137 = arith.muli %add3A_9, %mul3A_136 : vector<16xi32>
      %add3A_138 = arith.addi %mul3A_137, %add3A_123 : vector<16xi32>
      %gather3A_139 = arith.constant 0 : i32
      %gather3A_140 = tpu.memref_reshape %arg6 : memref<64x128xf32, #tpu.memory_space<vmem>> -> memref<1x8192xf32, #tpu.memory_space<vmem>>
      %gather3A_141 = arith.constant 0 : i32
      %gather3A_142 = tpu.memref_slice %gather3A_140[%gather3A_139, %gather3A_141] : memref<1x8192xf32, #tpu.memory_space<vmem>> -> memref<1x8192xf32, #tpu.memory_space<vmem>>
      %gather3A_143 = tpu.memref_squeeze %gather3A_142 : memref<1x8192xf32, #tpu.memory_space<vmem>> -> memref<8192xf32, #tpu.memory_space<vmem>>
      %gather3A_144 = tpu.vector_load_idx %gather3A_143[%add3A_138] : memref<8192xf32, #tpu.memory_space<vmem>>[vector<16xi32>], vector<16xf32>,
      %swap3A_145 = arith.index_cast %add3A_116 : i32 to index
      %swap3A_146 = arith.constant 16 : index
      %swap3A_147 = tpu.vector_load %arg14[%swap3A_145, %swap3A_146] {strides = array<i32>} : memref<256x64xf32, #tpu.memory_space<vmem>>, vector<16xf32>,
      tpu.vector_store %arg14[%swap3A_145, %swap3A_146], %gather3A_144 {strides = array<i32>} : memref<256x64xf32, #tpu.memory_space<vmem>>, vector<16xf32>,
      %mul3A_148 = arith.constant 128 : i32
      %mul3A_149 = vector.broadcast %mul3A_148 : i32 to vector<16xi32>
      %mul3A_150 = arith.muli %add3A_13, %mul3A_149 : vector<16xi32>
      %add3A_151 = arith.addi %mul3A_150, %add3A_123 : vector<16xi32>
      %gather3A_152 = arith.constant 0 : i32
      %gather3A_153 = tpu.memref_reshape %arg6 : memref<64x128xf32, #tpu.memory_space<vmem>> -> memref<1x8192xf32, #tpu.memory_space<vmem>>
      %gather3A_154 = arith.constant 0 : i32
      %gather3A_155 = tpu.memref_slice %gather3A_153[%gather3A_152, %gather3A_154] : memref<1x8192xf32, #tpu.memory_space<vmem>> -> memref<1x8192xf32, #tpu.memory_space<vmem>>
      %gather3A_156 = tpu.memref_squeeze %gather3A_155 : memref<1x8192xf32, #tpu.memory_space<vmem>> -> memref<8192xf32, #tpu.memory_space<vmem>>
      %gather3A_157 = tpu.vector_load_idx %gather3A_156[%add3A_151] : memref<8192xf32, #tpu.memory_space<vmem>>[vector<16xi32>], vector<16xf32>,
      %swap3A_158 = arith.index_cast %add3A_116 : i32 to index
      %swap3A_159 = arith.constant 32 : index
      %swap3A_160 = tpu.vector_load %arg14[%swap3A_158, %swap3A_159] {strides = array<i32>} : memref<256x64xf32, #tpu.memory_space<vmem>>, vector<16xf32>,
      tpu.vector_store %arg14[%swap3A_158, %swap3A_159], %gather3A_157 {strides = array<i32>} : memref<256x64xf32, #tpu.memory_space<vmem>>, vector<16xf32>,
      %mul3A_161 = arith.constant 128 : i32
      %mul3A_162 = vector.broadcast %mul3A_161 : i32 to vector<16xi32>
      %mul3A_163 = arith.muli %add3A_17, %mul3A_162 : vector<16xi32>
      %add3A_164 = arith.addi %mul3A_163, %add3A_123 : vector<16xi32>
      %gather3A_165 = arith.constant 0 : i32
      %gather3A_166 = tpu.memref_reshape %arg6 : memref<64x128xf32, #tpu.memory_space<vmem>> -> memref<1x8192xf32, #tpu.memory_space<vmem>>
      %gather3A_167 = arith.constant 0 : i32
      %gather3A_168 = tpu.memref_slice %gather3A_166[%gather3A_165, %gather3A_167] : memref<1x8192xf32, #tpu.memory_space<vmem>> -> memref<1x8192xf32, #tpu.memory_space<vmem>>
      %gather3A_169 = tpu.memref_squeeze %gather3A_168 : memref<1x8192xf32, #tpu.memory_space<vmem>> -> memref<8192xf32, #tpu.memory_space<vmem>>
      %gather3A_170 = tpu.vector_load_idx %gather3A_169[%add3A_164] : memref<8192xf32, #tpu.memory_space<vmem>>[vector<16xi32>], vector<16xf32>,
      %swap3A_171 = arith.index_cast %add3A_116 : i32 to index
      %swap3A_172 = arith.constant 48 : index
      %swap3A_173 = tpu.vector_load %arg14[%swap3A_171, %swap3A_172] {strides = array<i32>} : memref<256x64xf32, #tpu.memory_space<vmem>>, vector<16xf32>,
      tpu.vector_store %arg14[%swap3A_171, %swap3A_172], %gather3A_170 {strides = array<i32>} : memref<256x64xf32, #tpu.memory_space<vmem>>, vector<16xf32>,
      %slice3A_174 = vector.extract_strided_slice %get3A_96 {offsets = [1], sizes = [1], strides = [1]} : vector<16xi32> to vector<1xi32>
      %squeeze3A_175 = vector.extract %slice3A_174[0] : i32 from vector<1xi32>
      %dma_wait3A_176 = arith.constant 0 : i32
      %dma_wait3A_177 = arith.constant 0 : i32
      %dma_wait3A_178 = tpu.memref_slice %arg3[%dma_wait3A_176, %dma_wait3A_177] : memref<64x1000000xf32, #tpu.memory_space<hbm>> -> memref<64x128xf32, #tpu.memory_space<hbm>>
      %dma_wait3A_179 = arith.constant 0 : i32
      %dma_wait3A_180 = arith.constant 0 : i32
      %dma_wait3A_181 = tpu.memref_slice %arg3[%dma_wait3A_179, %dma_wait3A_180] : memref<64x1000000xf32, #tpu.memory_space<hbm>> -> memref<64x128xf32, #tpu.memory_space<hbm>>
      tpu.wait_dma2 semaphore(%arg16 : memref<!tpu.dma_semaphore, #tpu.memory_space<semaphore_mem>>) src(%dma_wait3A_181 : memref<64x128xf32, #tpu.memory_space<hbm>>) dst(%arg7 : memref<64x128xf32, #tpu.memory_space<vmem>>)
      %slice3A_182 = vector.extract_strided_slice %get3A_96 {offsets = [8], sizes = [1], strides = [1]} : vector<16xi32> to vector<1xi32>
      %squeeze3A_183 = vector.extract %slice3A_182[0] : i32 from vector<1xi32>
      %and3A_184 = arith.constant -128 : i32
      %and3A_185 = arith.andi %squeeze3A_183, %and3A_184 : i32
      %multiple_of3A_186 = tpu.assume_multiple %and3A_185, 128 : i32
      %dma_start3A_187 = arith.constant 0 : i32
      %dma_start3A_188 = tpu.memref_slice %arg3[%dma_start3A_187, %multiple_of3A_186] : memref<64x1000000xf32, #tpu.memory_space<hbm>> -> memref<64x128xf32, #tpu.memory_space<hbm>>
      %dma_start3A_189 = arith.constant 0 : i32
      %dma_start3A_190 = tpu.memref_slice %arg3[%dma_start3A_189, %multiple_of3A_186] : memref<64x1000000xf32, #tpu.memory_space<hbm>> -> memref<64x128xf32, #tpu.memory_space<hbm>>
      tpu.enqueue_dma source(%dma_start3A_190 : memref<64x128xf32, #tpu.memory_space<hbm>>) target(%arg6 : memref<64x128xf32, #tpu.memory_space<vmem>>) target_semaphore(%arg15 : memref<!tpu.dma_semaphore, #tpu.memory_space<semaphore_mem>>)
      %mul3A_191 = arith.constant 16 : i32
      %mul3A_192 = arith.muli %mul3A_191, %scan3A_90 : i32
      %add3A_193 = arith.constant 1 : i32
      %add3A_194 = arith.addi %mul3A_192, %add3A_193 : i32
      %and3A_195 = arith.constant 0 : i32
      %and3A_196 = vector.broadcast %and3A_195 : i32 to vector<16xi32>
      %and3A_197 = arith.andi %add3A_5, %and3A_196 : vector<16xi32>
      %and3A_198 = arith.constant 127 : i32
      %and3A_199 = arith.andi %squeeze3A_175, %and3A_198 : i32
      %add3A_200 = vector.broadcast %and3A_199 : i32 to vector<16xi32>
      %add3A_201 = arith.addi %and3A_197, %add3A_200 : vector<16xi32>
      %mul3A_202 = arith.constant 128 : i32
      %mul3A_203 = vector.broadcast %mul3A_202 : i32 to vector<16xi32>
      %mul3A_204 = arith.muli %add3A_5, %mul3A_203 : vector<16xi32>
      %add3A_205 = arith.addi %mul3A_204, %add3A_201 : vector<16xi32>
      %gather3A_206 = arith.constant 0 : i32
      %gather3A_207 = tpu.memref_reshape %arg7 : memref<64x128xf32, #tpu.memory_space<vmem>> -> memref<1x8192xf32, #tpu.memory_space<vmem>>
      %gather3A_208 = arith.constant 0 : i32
      %gather3A_209 = tpu.memref_slice %gather3A_207[%gather3A_206, %gather3A_208] : memref<1x8192xf32, #tpu.memory_space<vmem>> -> memref<1x8192xf32, #tpu.memory_space<vmem>>
      %gather3A_210 = tpu.memref_squeeze %gather3A_209 : memref<1x8192xf32, #tpu.memory_space<vmem>> -> memref<8192xf32, #tpu.memory_space<vmem>>
      %gather3A_211 = tpu.vector_load_idx %gather3A_210[%add3A_205] : memref<8192xf32, #tpu.memory_space<vmem>>[vector<16xi32>], vector<16xf32>,
      %swap3A_212 = arith.index_cast %add3A_194 : i32 to index
      %swap3A_213 = arith.constant 0 : index
      %swap3A_214 = tpu.vector_load %arg14[%swap3A_212, %swap3A_213] {strides = array<i32>} : memref<256x64xf32, #tpu.memory_space<vmem>>, vector<16xf32>,
      tpu.vector_store %arg14[%swap3A_212, %swap3A_213], %gather3A_211 {strides = array<i32>} : memref<256x64xf32, #tpu.memory_space<vmem>>, vector<16xf32>,
      %mul3A_215 = arith.constant 128 : i32
      %mul3A_216 = vector.broadcast %mul3A_215 : i32 to vector<16xi32>
      %mul3A_217 = arith.muli %add3A_9, %mul3A_216 : vector<16xi32>
      %add3A_218 = arith.addi %mul3A_217, %add3A_201 : vector<16xi32>
      %gather3A_219 = arith.constant 0 : i32
      %gather3A_220 = tpu.memref_reshape %arg7 : memref<64x128xf32, #tpu.memory_space<vmem>> -> memref<1x8192xf32, #tpu.memory_space<vmem>>
      %gather3A_221 = arith.constant 0 : i32
      %gather3A_222 = tpu.memref_slice %gather3A_220[%gather3A_219, %gather3A_221] : memref<1x8192xf32, #tpu.memory_space<vmem>> -> memref<1x8192xf32, #tpu.memory_space<vmem>>
      %gather3A_223 = tpu.memref_squeeze %gather3A_222 : memref<1x8192xf32, #tpu.memory_space<vmem>> -> memref<8192xf32, #tpu.memory_space<vmem>>
      %gather3A_224 = tpu.vector_load_idx %gather3A_223[%add3A_218] : memref<8192xf32, #tpu.memory_space<vmem>>[vector<16xi32>], vector<16xf32>,
      %swap3A_225 = arith.index_cast %add3A_194 : i32 to index
      %swap3A_226 = arith.constant 16 : index
      %swap3A_227 = tpu.vector_load %arg14[%swap3A_225, %swap3A_226] {strides = array<i32>} : memref<256x64xf32, #tpu.memory_space<vmem>>, vector<16xf32>,
      tpu.vector_store %arg14[%swap3A_225, %swap3A_226], %gather3A_224 {strides = array<i32>} : memref<256x64xf32, #tpu.memory_space<vmem>>, vector<16xf32>,
      %mul3A_228 = arith.constant 128 : i32
      %mul3A_229 = vector.broadcast %mul3A_228 : i32 to vector<16xi32>
      %mul3A_230 = arith.muli %add3A_13, %mul3A_229 : vector<16xi32>
      %add3A_231 = arith.addi %mul3A_230, %add3A_201 : vector<16xi32>
      %gather3A_232 = arith.constant 0 : i32
      %gather3A_233 = tpu.memref_reshape %arg7 : memref<64x128xf32, #tpu.memory_space<vmem>> -> memref<1x8192xf32, #tpu.memory_space<vmem>>
      %gather3A_234 = arith.constant 0 : i32
      %gather3A_235 = tpu.memref_slice %gather3A_233[%gather3A_232, %gather3A_234] : memref<1x8192xf32, #tpu.memory_space<vmem>> -> memref<1x8192xf32, #tpu.memory_space<vmem>>
      %gather3A_236 = tpu.memref_squeeze %gather3A_235 : memref<1x8192xf32, #tpu.memory_space<vmem>> -> memref<8192xf32, #tpu.memory_space<vmem>>
      %gather3A_237 = tpu.vector_load_idx %gather3A_236[%add3A_231] : memref<8192xf32, #tpu.memory_space<vmem>>[vector<16xi32>], vector<16xf32>,
      %swap3A_238 = arith.index_cast %add3A_194 : i32 to index
      %swap3A_239 = arith.constant 32 : index
      %swap3A_240 = tpu.vector_load %arg14[%swap3A_238, %swap3A_239] {strides = array<i32>} : memref<256x64xf32, #tpu.memory_space<vmem>>, vector<16xf32>,
      tpu.vector_store %arg14[%swap3A_238, %swap3A_239], %gather3A_237 {strides = array<i32>} : memref<256x64xf32, #tpu.memory_space<vmem>>, vector<16xf32>,
      %mul3A_241 = arith.constant 128 : i32
      %mul3A_242 = vector.broadcast %mul3A_241 : i32 to vector<16xi32>
      %mul3A_243 = arith.muli %add3A_17, %mul3A_242 : vector<16xi32>
      %add3A_244 = arith.addi %mul3A_243, %add3A_201 : vector<16xi32>
      %gather3A_245 = arith.constant 0 : i32
      %gather3A_246 = tpu.memref_reshape %arg7 : memref<64x128xf32, #tpu.memory_space<vmem>> -> memref<1x8192xf32, #tpu.memory_space<vmem>>
      %gather3A_247 = arith.constant 0 : i32
      %gather3A_248 = tpu.memref_slice %gather3A_246[%gather3A_245, %gather3A_247] : memref<1x8192xf32, #tpu.memory_space<vmem>> -> memref<1x8192xf32, #tpu.memory_space<vmem>>
      %gather3A_249 = tpu.memref_squeeze %gather3A_248 : memref<1x8192xf32, #tpu.memory_space<vmem>> -> memref<8192xf32, #tpu.memory_space<vmem>>
      %gather3A_250 = tpu.vector_load_idx %gather3A_249[%add3A_244] : memref<8192xf32, #tpu.memory_space<vmem>>[vector<16xi32>], vector<16xf32>,
      %swap3A_251 = arith.index_cast %add3A_194 : i32 to index
      %swap3A_252 = arith.constant 48 : index
      %swap3A_253 = tpu.vector_load %arg14[%swap3A_251, %swap3A_252] {strides = array<i32>} : memref<256x64xf32, #tpu.memory_space<vmem>>, vector<16xf32>,
      tpu.vector_store %arg14[%swap3A_251, %swap3A_252], %gather3A_250 {strides = array<i32>} : memref<256x64xf32, #tpu.memory_space<vmem>>, vector<16xf32>,
      %slice3A_254 = vector.extract_strided_slice %get3A_96 {offsets = [2], sizes = [1], strides = [1]} : vector<16xi32> to vector<1xi32>
      %squeeze3A_255 = vector.extract %slice3A_254[0] : i32 from vector<1xi32>
      %dma_wait3A_256 = arith.constant 0 : i32
      %dma_wait3A_257 = arith.constant 0 : i32
      %dma_wait3A_258 = tpu.memref_slice %arg3[%dma_wait3A_256, %dma_wait3A_257] : memref<64x1000000xf32, #tpu.memory_space<hbm>> -> memref<64x128xf32, #tpu.memory_space<hbm>>
      %dma_wait3A_259 = arith.constant 0 : i32
      %dma_wait3A_260 = arith.constant 0 : i32
      %dma_wait3A_261 = tpu.memref_slice %arg3[%dma_wait3A_259, %dma_wait3A_260] : memref<64x1000000xf32, #tpu.memory_space<hbm>> -> memref<64x128xf32, #tpu.memory_space<hbm>>
      tpu.wait_dma2 semaphore(%arg17 : memref<!tpu.dma_semaphore, #tpu.memory_space<semaphore_mem>>) src(%dma_wait3A_261 : memref<64x128xf32, #tpu.memory_space<hbm>>) dst(%arg8 : memref<64x128xf32, #tpu.memory_space<vmem>>)
      %slice3A_262 = vector.extract_strided_slice %get3A_96 {offsets = [9], sizes = [1], strides = [1]} : vector<16xi32> to vector<1xi32>
      %squeeze3A_263 = vector.extract %slice3A_262[0] : i32 from vector<1xi32>
      %and3A_264 = arith.constant -128 : i32
      %and3A_265 = arith.andi %squeeze3A_263, %and3A_264 : i32
      %multiple_of3A_266 = tpu.assume_multiple %and3A_265, 128 : i32
      %dma_start3A_267 = arith.constant 0 : i32
      %dma_start3A_268 = tpu.memref_slice %arg3[%dma_start3A_267, %multiple_of3A_266] : memref<64x1000000xf32, #tpu.memory_space<hbm>> -> memref<64x128xf32, #tpu.memory_space<hbm>>
      %dma_start3A_269 = arith.constant 0 : i32
      %dma_start3A_270 = tpu.memref_slice %arg3[%dma_start3A_269, %multiple_of3A_266] : memref<64x1000000xf32, #tpu.memory_space<hbm>> -> memref<64x128xf32, #tpu.memory_space<hbm>>
      tpu.enqueue_dma source(%dma_start3A_270 : memref<64x128xf32, #tpu.memory_space<hbm>>) target(%arg7 : memref<64x128xf32, #tpu.memory_space<vmem>>) target_semaphore(%arg16 : memref<!tpu.dma_semaphore, #tpu.memory_space<semaphore_mem>>)
      %mul3A_271 = arith.constant 16 : i32
      %mul3A_272 = arith.muli %mul3A_271, %scan3A_90 : i32
      %add3A_273 = arith.constant 2 : i32
      %add3A_274 = arith.addi %mul3A_272, %add3A_273 : i32
      %and3A_275 = arith.constant 0 : i32
      %and3A_276 = vector.broadcast %and3A_275 : i32 to vector<16xi32>
      %and3A_277 = arith.andi %add3A_5, %and3A_276 : vector<16xi32>
      %and3A_278 = arith.constant 127 : i32
      %and3A_279 = arith.andi %squeeze3A_255, %and3A_278 : i32
      %add3A_280 = vector.broadcast %and3A_279 : i32 to vector<16xi32>
      %add3A_281 = arith.addi %and3A_277, %add3A_280 : vector<16xi32>
      %mul3A_282 = arith.constant 128 : i32
      %mul3A_283 = vector.broadcast %mul3A_282 : i32 to vector<16xi32>
      %mul3A_284 = arith.muli %add3A_5, %mul3A_283 : vector<16xi32>
      %add3A_285 = arith.addi %mul3A_284, %add3A_281 : vector<16xi32>
      %gather3A_286 = arith.constant 0 : i32
      %gather3A_287 = tpu.memref_reshape %arg8 : memref<64x128xf32, #tpu.memory_space<vmem>> -> memref<1x8192xf32, #tpu.memory_space<vmem>>
      %gather3A_288 = arith.constant 0 : i32
      %gather3A_289 = tpu.memref_slice %gather3A_287[%gather3A_286, %gather3A_288] : memref<1x8192xf32, #tpu.memory_space<vmem>> -> memref<1x8192xf32, #tpu.memory_space<vmem>>
      %gather3A_290 = tpu.memref_squeeze %gather3A_289 : memref<1x8192xf32, #tpu.memory_space<vmem>> -> memref<8192xf32, #tpu.memory_space<vmem>>
      %gather3A_291 = tpu.vector_load_idx %gather3A_290[%add3A_285] : memref<8192xf32, #tpu.memory_space<vmem>>[vector<16xi32>], vector<16xf32>,
      %swap3A_292 = arith.index_cast %add3A_274 : i32 to index
      %swap3A_293 = arith.constant 0 : index
      %swap3A_294 = tpu.vector_load %arg14[%swap3A_292, %swap3A_293] {strides = array<i32>} : memref<256x64xf32, #tpu.memory_space<vmem>>, vector<16xf32>,
      tpu.vector_store %arg14[%swap3A_292, %swap3A_293], %gather3A_291 {strides = array<i32>} : memref<256x64xf32, #tpu.memory_space<vmem>>, vector<16xf32>,
      %mul3A_295 = arith.constant 128 : i32
      %mul3A_296 = vector.broadcast %mul3A_295 : i32 to vector<16xi32>
      %mul3A_297 = arith.muli %add3A_9, %mul3A_296 : vector<16xi32>
      %add3A_298 = arith.addi %mul3A_297, %add3A_281 : vector<16xi32>
      %gather3A_299 = arith.constant 0 : i32
      %gather3A_300 = tpu.memref_reshape %arg8 : memref<64x128xf32, #tpu.memory_space<vmem>> -> memref<1x8192xf32, #tpu.memory_space<vmem>>
      %gather3A_301 = arith.constant 0 : i32
      %gather3A_302 = tpu.memref_slice %gather3A_300[%gather3A_299, %gather3A_301] : memref<1x8192xf32, #tpu.memory_space<vmem>> -> memref<1x8192xf32, #tpu.memory_space<vmem>>
      %gather3A_303 = tpu.memref_squeeze %gather3A_302 : memref<1x8192xf32, #tpu.memory_space<vmem>> -> memref<8192xf32, #tpu.memory_space<vmem>>
      %gather3A_304 = tpu.vector_load_idx %gather3A_303[%add3A_298] : memref<8192xf32, #tpu.memory_space<vmem>>[vector<16xi32>], vector<16xf32>,
      %swap3A_305 = arith.index_cast %add3A_274 : i32 to index
      %swap3A_306 = arith.constant 16 : index
      %swap3A_307 = tpu.vector_load %arg14[%swap3A_305, %swap3A_306] {strides = array<i32>} : memref<256x64xf32, #tpu.memory_space<vmem>>, vector<16xf32>,
      tpu.vector_store %arg14[%swap3A_305, %swap3A_306], %gather3A_304 {strides = array<i32>} : memref<256x64xf32, #tpu.memory_space<vmem>>, vector<16xf32>,
      %mul3A_308 = arith.constant 128 : i32
      %mul3A_309 = vector.broadcast %mul3A_308 : i32 to vector<16xi32>
      %mul3A_310 = arith.muli %add3A_13, %mul3A_309 : vector<16xi32>
      %add3A_311 = arith.addi %mul3A_310, %add3A_281 : vector<16xi32>
      %gather3A_312 = arith.constant 0 : i32
      %gather3A_313 = tpu.memref_reshape %arg8 : memref<64x128xf32, #tpu.memory_space<vmem>> -> memref<1x8192xf32, #tpu.memory_space<vmem>>
      %gather3A_314 = arith.constant 0 : i32
      %gather3A_315 = tpu.memref_slice %gather3A_313[%gather3A_312, %gather3A_314] : memref<1x8192xf32, #tpu.memory_space<vmem>> -> memref<1x8192xf32, #tpu.memory_space<vmem>>
      %gather3A_316 = tpu.memref_squeeze %gather3A_315 : memref<1x8192xf32, #tpu.memory_space<vmem>> -> memref<8192xf32, #tpu.memory_space<vmem>>
      %gather3A_317 = tpu.vector_load_idx %gather3A_316[%add3A_311] : memref<8192xf32, #tpu.memory_space<vmem>>[vector<16xi32>], vector<16xf32>,
      %swap3A_318 = arith.index_cast %add3A_274 : i32 to index
      %swap3A_319 = arith.constant 32 : index
      %swap3A_320 = tpu.vector_load %arg14[%swap3A_318, %swap3A_319] {strides = array<i32>} : memref<256x64xf32, #tpu.memory_space<vmem>>, vector<16xf32>,
      tpu.vector_store %arg14[%swap3A_318, %swap3A_319], %gather3A_317 {strides = array<i32>} : memref<256x64xf32, #tpu.memory_space<vmem>>, vector<16xf32>,
      %mul3A_321 = arith.constant 128 : i32
      %mul3A_322 = vector.broadcast %mul3A_321 : i32 to vector<16xi32>
      %mul3A_323 = arith.muli %add3A_17, %mul3A_322 : vector<16xi32>
      %add3A_324 = arith.addi %mul3A_323, %add3A_281 : vector<16xi32>
      %gather3A_325 = arith.constant 0 : i32
      %gather3A_326 = tpu.memref_reshape %arg8 : memref<64x128xf32, #tpu.memory_space<vmem>> -> memref<1x8192xf32, #tpu.memory_space<vmem>>
      %gather3A_327 = arith.constant 0 : i32
      %gather3A_328 = tpu.memref_slice %gather3A_326[%gather3A_325, %gather3A_327] : memref<1x8192xf32, #tpu.memory_space<vmem>> -> memref<1x8192xf32, #tpu.memory_space<vmem>>
      %gather3A_329 = tpu.memref_squeeze %gather3A_328 : memref<1x8192xf32, #tpu.memory_space<vmem>> -> memref<8192xf32, #tpu.memory_space<vmem>>
      %gather3A_330 = tpu.vector_load_idx %gather3A_329[%add3A_324] : memref<8192xf32, #tpu.memory_space<vmem>>[vector<16xi32>], vector<16xf32>,
      %swap3A_331 = arith.index_cast %add3A_274 : i32 to index
      %swap3A_332 = arith.constant 48 : index
      %swap3A_333 = tpu.vector_load %arg14[%swap3A_331, %swap3A_332] {strides = array<i32>} : memref<256x64xf32, #tpu.memory_space<vmem>>, vector<16xf32>,
      tpu.vector_store %arg14[%swap3A_331, %swap3A_332], %gather3A_330 {strides = array<i32>} : memref<256x64xf32, #tpu.memory_space<vmem>>, vector<16xf32>,
      %slice3A_334 = vector.extract_strided_slice %get3A_96 {offsets = [3], sizes = [1], strides = [1]} : vector<16xi32> to vector<1xi32>
      %squeeze3A_335 = vector.extract %slice3A_334[0] : i32 from vector<1xi32>
      %dma_wait3A_336 = arith.constant 0 : i32
      %dma_wait3A_337 = arith.constant 0 : i32
      %dma_wait3A_338 = tpu.memref_slice %arg3[%dma_wait3A_336, %dma_wait3A_337] : memref<64x1000000xf32, #tpu.memory_space<hbm>> -> memref<64x128xf32, #tpu.memory_space<hbm>>
      %dma_wait3A_339 = arith.constant 0 : i32
      %dma_wait3A_340 = arith.constant 0 : i32
      %dma_wait3A_341 = tpu.memref_slice %arg3[%dma_wait3A_339, %dma_wait3A_340] : memref<64x1000000xf32, #tpu.memory_space<hbm>> -> memref<64x128xf32, #tpu.memory_space<hbm>>
      tpu.wait_dma2 semaphore(%arg18 : memref<!tpu.dma_semaphore, #tpu.memory_space<semaphore_mem>>) src(%dma_wait3A_341 : memref<64x128xf32, #tpu.memory_space<hbm>>) dst(%arg9 : memref<64x128xf32, #tpu.memory_space<vmem>>)
      %slice3A_342 = vector.extract_strided_slice %get3A_96 {offsets = [10], sizes = [1], strides = [1]} : vector<16xi32> to vector<1xi32>
      %squeeze3A_343 = vector.extract %slice3A_342[0] : i32 from vector<1xi32>
      %and3A_344 = arith.constant -128 : i32
      %and3A_345 = arith.andi %squeeze3A_343, %and3A_344 : i32
      %multiple_of3A_346 = tpu.assume_multiple %and3A_345, 128 : i32
      %dma_start3A_347 = arith.constant 0 : i32
      %dma_start3A_348 = tpu.memref_slice %arg3[%dma_start3A_347, %multiple_of3A_346] : memref<64x1000000xf32, #tpu.memory_space<hbm>> -> memref<64x128xf32, #tpu.memory_space<hbm>>
      %dma_start3A_349 = arith.constant 0 : i32
      %dma_start3A_350 = tpu.memref_slice %arg3[%dma_start3A_349, %multiple_of3A_346] : memref<64x1000000xf32, #tpu.memory_space<hbm>> -> memref<64x128xf32, #tpu.memory_space<hbm>>
      tpu.enqueue_dma source(%dma_start3A_350 : memref<64x128xf32, #tpu.memory_space<hbm>>) target(%arg8 : memref<64x128xf32, #tpu.memory_space<vmem>>) target_semaphore(%arg17 : memref<!tpu.dma_semaphore, #tpu.memory_space<semaphore_mem>>)
      %mul3A_351 = arith.constant 16 : i32
      %mul3A_352 = arith.muli %mul3A_351, %scan3A_90 : i32
      %add3A_353 = arith.constant 3 : i32
      %add3A_354 = arith.addi %mul3A_352, %add3A_353 : i32
      %and3A_355 = arith.constant 0 : i32
      %and3A_356 = vector.broadcast %and3A_355 : i32 to vector<16xi32>
      %and3A_357 = arith.andi %add3A_5, %and3A_356 : vector<16xi32>
      %and3A_358 = arith.constant 127 : i32
      %and3A_359 = arith.andi %squeeze3A_335, %and3A_358 : i32
      %add3A_360 = vector.broadcast %and3A_359 : i32 to vector<16xi32>
      %add3A_361 = arith.addi %and3A_357, %add3A_360 : vector<16xi32>
      %mul3A_362 = arith.constant 128 : i32
      %mul3A_363 = vector.broadcast %mul3A_362 : i32 to vector<16xi32>
      %mul3A_364 = arith.muli %add3A_5, %mul3A_363 : vector<16xi32>
      %add3A_365 = arith.addi %mul3A_364, %add3A_361 : vector<16xi32>
      %gather3A_366 = arith.constant 0 : i32
      %gather3A_367 = tpu.memref_reshape %arg9 : memref<64x128xf32, #tpu.memory_space<vmem>> -> memref<1x8192xf32, #tpu.memory_space<vmem>>
      %gather3A_368 = arith.constant 0 : i32
      %gather3A_369 = tpu.memref_slice %gather3A_367[%gather3A_366, %gather3A_368] : memref<1x8192xf32, #tpu.memory_space<vmem>> -> memref<1x8192xf32, #tpu.memory_space<vmem>>
      %gather3A_370 = tpu.memref_squeeze %gather3A_369 : memref<1x8192xf32, #tpu.memory_space<vmem>> -> memref<8192xf32, #tpu.memory_space<vmem>>
      %gather3A_371 = tpu.vector_load_idx %gather3A_370[%add3A_365] : memref<8192xf32, #tpu.memory_space<vmem>>[vector<16xi32>], vector<16xf32>,
      %swap3A_372 = arith.index_cast %add3A_354 : i32 to index
      %swap3A_373 = arith.constant 0 : index
      %swap3A_374 = tpu.vector_load %arg14[%swap3A_372, %swap3A_373] {strides = array<i32>} : memref<256x64xf32, #tpu.memory_space<vmem>>, vector<16xf32>,
      tpu.vector_store %arg14[%swap3A_372, %swap3A_373], %gather3A_371 {strides = array<i32>} : memref<256x64xf32, #tpu.memory_space<vmem>>, vector<16xf32>,
      %mul3A_375 = arith.constant 128 : i32
      %mul3A_376 = vector.broadcast %mul3A_375 : i32 to vector<16xi32>
      %mul3A_377 = arith.muli %add3A_9, %mul3A_376 : vector<16xi32>
      %add3A_378 = arith.addi %mul3A_377, %add3A_361 : vector<16xi32>
      %gather3A_379 = arith.constant 0 : i32
      %gather3A_380 = tpu.memref_reshape %arg9 : memref<64x128xf32, #tpu.memory_space<vmem>> -> memref<1x8192xf32, #tpu.memory_space<vmem>>
      %gather3A_381 = arith.constant 0 : i32
      %gather3A_382 = tpu.memref_slice %gather3A_380[%gather3A_379, %gather3A_381] : memref<1x8192xf32, #tpu.memory_space<vmem>> -> memref<1x8192xf32, #tpu.memory_space<vmem>>
      %gather3A_383 = tpu.memref_squeeze %gather3A_382 : memref<1x8192xf32, #tpu.memory_space<vmem>> -> memref<8192xf32, #tpu.memory_space<vmem>>
      %gather3A_384 = tpu.vector_load_idx %gather3A_383[%add3A_378] : memref<8192xf32, #tpu.memory_space<vmem>>[vector<16xi32>], vector<16xf32>,
      %swap3A_385 = arith.index_cast %add3A_354 : i32 to index
      %swap3A_386 = arith.constant 16 : index
      %swap3A_387 = tpu.vector_load %arg14[%swap3A_385, %swap3A_386] {strides = array<i32>} : memref<256x64xf32, #tpu.memory_space<vmem>>, vector<16xf32>,
      tpu.vector_store %arg14[%swap3A_385, %swap3A_386], %gather3A_384 {strides = array<i32>} : memref<256x64xf32, #tpu.memory_space<vmem>>, vector<16xf32>,
      %mul3A_388 = arith.constant 128 : i32
      %mul3A_389 = vector.broadcast %mul3A_388 : i32 to vector<16xi32>
      %mul3A_390 = arith.muli %add3A_13, %mul3A_389 : vector<16xi32>
      %add3A_391 = arith.addi %mul3A_390, %add3A_361 : vector<16xi32>
      %gather3A_392 = arith.constant 0 : i32
      %gather3A_393 = tpu.memref_reshape %arg9 : memref<64x128xf32, #tpu.memory_space<vmem>> -> memref<1x8192xf32, #tpu.memory_space<vmem>>
      %gather3A_394 = arith.constant 0 : i32
      %gather3A_395 = tpu.memref_slice %gather3A_393[%gather3A_392, %gather3A_394] : memref<1x8192xf32, #tpu.memory_space<vmem>> -> memref<1x8192xf32, #tpu.memory_space<vmem>>
      %gather3A_396 = tpu.memref_squeeze %gather3A_395 : memref<1x8192xf32, #tpu.memory_space<vmem>> -> memref<8192xf32, #tpu.memory_space<vmem>>
      %gather3A_397 = tpu.vector_load_idx %gather3A_396[%add3A_391] : memref<8192xf32, #tpu.memory_space<vmem>>[vector<16xi32>], vector<16xf32>,
      %swap3A_398 = arith.index_cast %add3A_354 : i32 to index
      %swap3A_399 = arith.constant 32 : index
      %swap3A_400 = tpu.vector_load %arg14[%swap3A_398, %swap3A_399] {strides = array<i32>} : memref<256x64xf32, #tpu.memory_space<vmem>>, vector<16xf32>,
      tpu.vector_store %arg14[%swap3A_398, %swap3A_399], %gather3A_397 {strides = array<i32>} : memref<256x64xf32, #tpu.memory_space<vmem>>, vector<16xf32>,
      %mul3A_401 = arith.constant 128 : i32
      %mul3A_402 = vector.broadcast %mul3A_401 : i32 to vector<16xi32>
      %mul3A_403 = arith.muli %add3A_17, %mul3A_402 : vector<16xi32>
      %add3A_404 = arith.addi %mul3A_403, %add3A_361 : vector<16xi32>
      %gather3A_405 = arith.constant 0 : i32
      %gather3A_406 = tpu.memref_reshape %arg9 : memref<64x128xf32, #tpu.memory_space<vmem>> -> memref<1x8192xf32, #tpu.memory_space<vmem>>
      %gather3A_407 = arith.constant 0 : i32
      %gather3A_408 = tpu.memref_slice %gather3A_406[%gather3A_405, %gather3A_407] : memref<1x8192xf32, #tpu.memory_space<vmem>> -> memref<1x8192xf32, #tpu.memory_space<vmem>>
      %gather3A_409 = tpu.memref_squeeze %gather3A_408 : memref<1x8192xf32, #tpu.memory_space<vmem>> -> memref<8192xf32, #tpu.memory_space<vmem>>
      %gather3A_410 = tpu.vector_load_idx %gather3A_409[%add3A_404] : memref<8192xf32, #tpu.memory_space<vmem>>[vector<16xi32>], vector<16xf32>,
      %swap3A_411 = arith.index_cast %add3A_354 : i32 to index
      %swap3A_412 = arith.constant 48 : index
      %swap3A_413 = tpu.vector_load %arg14[%swap3A_411, %swap3A_412] {strides = array<i32>} : memref<256x64xf32, #tpu.memory_space<vmem>>, vector<16xf32>,
      tpu.vector_store %arg14[%swap3A_411, %swap3A_412], %gather3A_410 {strides = array<i32>} : memref<256x64xf32, #tpu.memory_space<vmem>>, vector<16xf32>,
      %slice3A_414 = vector.extract_strided_slice %get3A_96 {offsets = [4], sizes = [1], strides = [1]} : vector<16xi32> to vector<1xi32>
      %squeeze3A_415 = vector.extract %slice3A_414[0] : i32 from vector<1xi32>
      %dma_wait3A_416 = arith.constant 0 : i32
      %dma_wait3A_417 = arith.constant 0 : i32
      %dma_wait3A_418 = tpu.memref_slice %arg3[%dma_wait3A_416, %dma_wait3A_417] : memref<64x1000000xf32, #tpu.memory_space<hbm>> -> memref<64x128xf32, #tpu.memory_space<hbm>>
      %dma_wait3A_419 = arith.constant 0 : i32
      %dma_wait3A_420 = arith.constant 0 : i32
      %dma_wait3A_421 = tpu.memref_slice %arg3[%dma_wait3A_419, %dma_wait3A_420] : memref<64x1000000xf32, #tpu.memory_space<hbm>> -> memref<64x128xf32, #tpu.memory_space<hbm>>
      tpu.wait_dma2 semaphore(%arg19 : memref<!tpu.dma_semaphore, #tpu.memory_space<semaphore_mem>>) src(%dma_wait3A_421 : memref<64x128xf32, #tpu.memory_space<hbm>>) dst(%arg10 : memref<64x128xf32, #tpu.memory_space<vmem>>)
      %slice3A_422 = vector.extract_strided_slice %get3A_96 {offsets = [11], sizes = [1], strides = [1]} : vector<16xi32> to vector<1xi32>
      %squeeze3A_423 = vector.extract %slice3A_422[0] : i32 from vector<1xi32>
      %and3A_424 = arith.constant -128 : i32
      %and3A_425 = arith.andi %squeeze3A_423, %and3A_424 : i32
      %multiple_of3A_426 = tpu.assume_multiple %and3A_425, 128 : i32
      %dma_start3A_427 = arith.constant 0 : i32
      %dma_start3A_428 = tpu.memref_slice %arg3[%dma_start3A_427, %multiple_of3A_426] : memref<64x1000000xf32, #tpu.memory_space<hbm>> -> memref<64x128xf32, #tpu.memory_space<hbm>>
      %dma_start3A_429 = arith.constant 0 : i32
      %dma_start3A_430 = tpu.memref_slice %arg3[%dma_start3A_429, %multiple_of3A_426] : memref<64x1000000xf32, #tpu.memory_space<hbm>> -> memref<64x128xf32, #tpu.memory_space<hbm>>
      tpu.enqueue_dma source(%dma_start3A_430 : memref<64x128xf32, #tpu.memory_space<hbm>>) target(%arg9 : memref<64x128xf32, #tpu.memory_space<vmem>>) target_semaphore(%arg18 : memref<!tpu.dma_semaphore, #tpu.memory_space<semaphore_mem>>)
      %mul3A_431 = arith.constant 16 : i32
      %mul3A_432 = arith.muli %mul3A_431, %scan3A_90 : i32
      %add3A_433 = arith.constant 4 : i32
      %add3A_434 = arith.addi %mul3A_432, %add3A_433 : i32
      %and3A_435 = arith.constant 0 : i32
      %and3A_436 = vector.broadcast %and3A_435 : i32 to vector<16xi32>
      %and3A_437 = arith.andi %add3A_5, %and3A_436 : vector<16xi32>
      %and3A_438 = arith.constant 127 : i32
      %and3A_439 = arith.andi %squeeze3A_415, %and3A_438 : i32
      %add3A_440 = vector.broadcast %and3A_439 : i32 to vector<16xi32>
      %add3A_441 = arith.addi %and3A_437, %add3A_440 : vector<16xi32>
      %mul3A_442 = arith.constant 128 : i32
      %mul3A_443 = vector.broadcast %mul3A_442 : i32 to vector<16xi32>
      %mul3A_444 = arith.muli %add3A_5, %mul3A_443 : vector<16xi32>
      %add3A_445 = arith.addi %mul3A_444, %add3A_441 : vector<16xi32>
      %gather3A_446 = arith.constant 0 : i32
      %gather3A_447 = tpu.memref_reshape %arg10 : memref<64x128xf32, #tpu.memory_space<vmem>> -> memref<1x8192xf32, #tpu.memory_space<vmem>>
      %gather3A_448 = arith.constant 0 : i32
      %gather3A_449 = tpu.memref_slice %gather3A_447[%gather3A_446, %gather3A_448] : memref<1x8192xf32, #tpu.memory_space<vmem>> -> memref<1x8192xf32, #tpu.memory_space<vmem>>
      %gather3A_450 = tpu.memref_squeeze %gather3A_449 : memref<1x8192xf32, #tpu.memory_space<vmem>> -> memref<8192xf32, #tpu.memory_space<vmem>>
      %gather3A_451 = tpu.vector_load_idx %gather3A_450[%add3A_445] : memref<8192xf32, #tpu.memory_space<vmem>>[vector<16xi32>], vector<16xf32>,
      %swap3A_452 = arith.index_cast %add3A_434 : i32 to index
      %swap3A_453 = arith.constant 0 : index
      %swap3A_454 = tpu.vector_load %arg14[%swap3A_452, %swap3A_453] {strides = array<i32>} : memref<256x64xf32, #tpu.memory_space<vmem>>, vector<16xf32>,
      tpu.vector_store %arg14[%swap3A_452, %swap3A_453], %gather3A_451 {strides = array<i32>} : memref<256x64xf32, #tpu.memory_space<vmem>>, vector<16xf32>,
      %mul3A_455 = arith.constant 128 : i32
      %mul3A_456 = vector.broadcast %mul3A_455 : i32 to vector<16xi32>
      %mul3A_457 = arith.muli %add3A_9, %mul3A_456 : vector<16xi32>
      %add3A_458 = arith.addi %mul3A_457, %add3A_441 : vector<16xi32>
      %gather3A_459 = arith.constant 0 : i32
      %gather3A_460 = tpu.memref_reshape %arg10 : memref<64x128xf32, #tpu.memory_space<vmem>> -> memref<1x8192xf32, #tpu.memory_space<vmem>>
      %gather3A_461 = arith.constant 0 : i32
      %gather3A_462 = tpu.memref_slice %gather3A_460[%gather3A_459, %gather3A_461] : memref<1x8192xf32, #tpu.memory_space<vmem>> -> memref<1x8192xf32, #tpu.memory_space<vmem>>
      %gather3A_463 = tpu.memref_squeeze %gather3A_462 : memref<1x8192xf32, #tpu.memory_space<vmem>> -> memref<8192xf32, #tpu.memory_space<vmem>>
      %gather3A_464 = tpu.vector_load_idx %gather3A_463[%add3A_458] : memref<8192xf32, #tpu.memory_space<vmem>>[vector<16xi32>], vector<16xf32>,
      %swap3A_465 = arith.index_cast %add3A_434 : i32 to index
      %swap3A_466 = arith.constant 16 : index
      %swap3A_467 = tpu.vector_load %arg14[%swap3A_465, %swap3A_466] {strides = array<i32>} : memref<256x64xf32, #tpu.memory_space<vmem>>, vector<16xf32>,
      tpu.vector_store %arg14[%swap3A_465, %swap3A_466], %gather3A_464 {strides = array<i32>} : memref<256x64xf32, #tpu.memory_space<vmem>>, vector<16xf32>,
      %mul3A_468 = arith.constant 128 : i32
      %mul3A_469 = vector.broadcast %mul3A_468 : i32 to vector<16xi32>
      %mul3A_470 = arith.muli %add3A_13, %mul3A_469 : vector<16xi32>
      %add3A_471 = arith.addi %mul3A_470, %add3A_441 : vector<16xi32>
      %gather3A_472 = arith.constant 0 : i32
      %gather3A_473 = tpu.memref_reshape %arg10 : memref<64x128xf32, #tpu.memory_space<vmem>> -> memref<1x8192xf32, #tpu.memory_space<vmem>>
      %gather3A_474 = arith.constant 0 : i32
      %gather3A_475 = tpu.memref_slice %gather3A_473[%gather3A_472, %gather3A_474] : memref<1x8192xf32, #tpu.memory_space<vmem>> -> memref<1x8192xf32, #tpu.memory_space<vmem>>
      %gather3A_476 = tpu.memref_squeeze %gather3A_475 : memref<1x8192xf32, #tpu.memory_space<vmem>> -> memref<8192xf32, #tpu.memory_space<vmem>>
      %gather3A_477 = tpu.vector_load_idx %gather3A_476[%add3A_471] : memref<8192xf32, #tpu.memory_space<vmem>>[vector<16xi32>], vector<16xf32>,
      %swap3A_478 = arith.index_cast %add3A_434 : i32 to index
      %swap3A_479 = arith.constant 32 : index
      %swap3A_480 = tpu.vector_load %arg14[%swap3A_478, %swap3A_479] {strides = array<i32>} : memref<256x64xf32, #tpu.memory_space<vmem>>, vector<16xf32>,
      tpu.vector_store %arg14[%swap3A_478, %swap3A_479], %gather3A_477 {strides = array<i32>} : memref<256x64xf32, #tpu.memory_space<vmem>>, vector<16xf32>,
      %mul3A_481 = arith.constant 128 : i32
      %mul3A_482 = vector.broadcast %mul3A_481 : i32 to vector<16xi32>
      %mul3A_483 = arith.muli %add3A_17, %mul3A_482 : vector<16xi32>
      %add3A_484 = arith.addi %mul3A_483, %add3A_441 : vector<16xi32>
      %gather3A_485 = arith.constant 0 : i32
      %gather3A_486 = tpu.memref_reshape %arg10 : memref<64x128xf32, #tpu.memory_space<vmem>> -> memref<1x8192xf32, #tpu.memory_space<vmem>>
      %gather3A_487 = arith.constant 0 : i32
      %gather3A_488 = tpu.memref_slice %gather3A_486[%gather3A_485, %gather3A_487] : memref<1x8192xf32, #tpu.memory_space<vmem>> -> memref<1x8192xf32, #tpu.memory_space<vmem>>
      %gather3A_489 = tpu.memref_squeeze %gather3A_488 : memref<1x8192xf32, #tpu.memory_space<vmem>> -> memref<8192xf32, #tpu.memory_space<vmem>>
      %gather3A_490 = tpu.vector_load_idx %gather3A_489[%add3A_484] : memref<8192xf32, #tpu.memory_space<vmem>>[vector<16xi32>], vector<16xf32>,
      %swap3A_491 = arith.index_cast %add3A_434 : i32 to index
      %swap3A_492 = arith.constant 48 : index
      %swap3A_493 = tpu.vector_load %arg14[%swap3A_491, %swap3A_492] {strides = array<i32>} : memref<256x64xf32, #tpu.memory_space<vmem>>, vector<16xf32>,
      tpu.vector_store %arg14[%swap3A_491, %swap3A_492], %gather3A_490 {strides = array<i32>} : memref<256x64xf32, #tpu.memory_space<vmem>>, vector<16xf32>,
      %slice3A_494 = vector.extract_strided_slice %get3A_96 {offsets = [5], sizes = [1], strides = [1]} : vector<16xi32> to vector<1xi32>
      %squeeze3A_495 = vector.extract %slice3A_494[0] : i32 from vector<1xi32>
      %dma_wait3A_496 = arith.constant 0 : i32
      %dma_wait3A_497 = arith.constant 0 : i32
      %dma_wait3A_498 = tpu.memref_slice %arg3[%dma_wait3A_496, %dma_wait3A_497] : memref<64x1000000xf32, #tpu.memory_space<hbm>> -> memref<64x128xf32, #tpu.memory_space<hbm>>
      %dma_wait3A_499 = arith.constant 0 : i32
      %dma_wait3A_500 = arith.constant 0 : i32
      %dma_wait3A_501 = tpu.memref_slice %arg3[%dma_wait3A_499, %dma_wait3A_500] : memref<64x1000000xf32, #tpu.memory_space<hbm>> -> memref<64x128xf32, #tpu.memory_space<hbm>>
      tpu.wait_dma2 semaphore(%arg20 : memref<!tpu.dma_semaphore, #tpu.memory_space<semaphore_mem>>) src(%dma_wait3A_501 : memref<64x128xf32, #tpu.memory_space<hbm>>) dst(%arg11 : memref<64x128xf32, #tpu.memory_space<vmem>>)
      %slice3A_502 = vector.extract_strided_slice %get3A_96 {offsets = [12], sizes = [1], strides = [1]} : vector<16xi32> to vector<1xi32>
      %squeeze3A_503 = vector.extract %slice3A_502[0] : i32 from vector<1xi32>
      %and3A_504 = arith.constant -128 : i32
      %and3A_505 = arith.andi %squeeze3A_503, %and3A_504 : i32
      %multiple_of3A_506 = tpu.assume_multiple %and3A_505, 128 : i32
      %dma_start3A_507 = arith.constant 0 : i32
      %dma_start3A_508 = tpu.memref_slice %arg3[%dma_start3A_507, %multiple_of3A_506] : memref<64x1000000xf32, #tpu.memory_space<hbm>> -> memref<64x128xf32, #tpu.memory_space<hbm>>
      %dma_start3A_509 = arith.constant 0 : i32
      %dma_start3A_510 = tpu.memref_slice %arg3[%dma_start3A_509, %multiple_of3A_506] : memref<64x1000000xf32, #tpu.memory_space<hbm>> -> memref<64x128xf32, #tpu.memory_space<hbm>>
      tpu.enqueue_dma source(%dma_start3A_510 : memref<64x128xf32, #tpu.memory_space<hbm>>) target(%arg10 : memref<64x128xf32, #tpu.memory_space<vmem>>) target_semaphore(%arg19 : memref<!tpu.dma_semaphore, #tpu.memory_space<semaphore_mem>>)
      %mul3A_511 = arith.constant 16 : i32
      %mul3A_512 = arith.muli %mul3A_511, %scan3A_90 : i32
      %add3A_513 = arith.constant 5 : i32
      %add3A_514 = arith.addi %mul3A_512, %add3A_513 : i32
      %and3A_515 = arith.constant 0 : i32
      %and3A_516 = vector.broadcast %and3A_515 : i32 to vector<16xi32>
      %and3A_517 = arith.andi %add3A_5, %and3A_516 : vector<16xi32>
      %and3A_518 = arith.constant 127 : i32
      %and3A_519 = arith.andi %squeeze3A_495, %and3A_518 : i32
      %add3A_520 = vector.broadcast %and3A_519 : i32 to vector<16xi32>
      %add3A_521 = arith.addi %and3A_517, %add3A_520 : vector<16xi32>
      %mul3A_522 = arith.constant 128 : i32
      %mul3A_523 = vector.broadcast %mul3A_522 : i32 to vector<16xi32>
      %mul3A_524 = arith.muli %add3A_5, %mul3A_523 : vector<16xi32>
      %add3A_525 = arith.addi %mul3A_524, %add3A_521 : vector<16xi32>
      %gather3A_526 = arith.constant 0 : i32
      %gather3A_527 = tpu.memref_reshape %arg11 : memref<64x128xf32, #tpu.memory_space<vmem>> -> memref<1x8192xf32, #tpu.memory_space<vmem>>
      %gather3A_528 = arith.constant 0 : i32
      %gather3A_529 = tpu.memref_slice %gather3A_527[%gather3A_526, %gather3A_528] : memref<1x8192xf32, #tpu.memory_space<vmem>> -> memref<1x8192xf32, #tpu.memory_space<vmem>>
      %gather3A_530 = tpu.memref_squeeze %gather3A_529 : memref<1x8192xf32, #tpu.memory_space<vmem>> -> memref<8192xf32, #tpu.memory_space<vmem>>
      %gather3A_531 = tpu.vector_load_idx %gather3A_530[%add3A_525] : memref<8192xf32, #tpu.memory_space<vmem>>[vector<16xi32>], vector<16xf32>,
      %swap3A_532 = arith.index_cast %add3A_514 : i32 to index
      %swap3A_533 = arith.constant 0 : index
      %swap3A_534 = tpu.vector_load %arg14[%swap3A_532, %swap3A_533] {strides = array<i32>} : memref<256x64xf32, #tpu.memory_space<vmem>>, vector<16xf32>,
      tpu.vector_store %arg14[%swap3A_532, %swap3A_533], %gather3A_531 {strides = array<i32>} : memref<256x64xf32, #tpu.memory_space<vmem>>, vector<16xf32>,
      %mul3A_535 = arith.constant 128 : i32
      %mul3A_536 = vector.broadcast %mul3A_535 : i32 to vector<16xi32>
      %mul3A_537 = arith.muli %add3A_9, %mul3A_536 : vector<16xi32>
      %add3A_538 = arith.addi %mul3A_537, %add3A_521 : vector<16xi32>
      %gather3A_539 = arith.constant 0 : i32
      %gather3A_540 = tpu.memref_reshape %arg11 : memref<64x128xf32, #tpu.memory_space<vmem>> -> memref<1x8192xf32, #tpu.memory_space<vmem>>
      %gather3A_541 = arith.constant 0 : i32
      %gather3A_542 = tpu.memref_slice %gather3A_540[%gather3A_539, %gather3A_541] : memref<1x8192xf32, #tpu.memory_space<vmem>> -> memref<1x8192xf32, #tpu.memory_space<vmem>>
      %gather3A_543 = tpu.memref_squeeze %gather3A_542 : memref<1x8192xf32, #tpu.memory_space<vmem>> -> memref<8192xf32, #tpu.memory_space<vmem>>
      %gather3A_544 = tpu.vector_load_idx %gather3A_543[%add3A_538] : memref<8192xf32, #tpu.memory_space<vmem>>[vector<16xi32>], vector<16xf32>,
      %swap3A_545 = arith.index_cast %add3A_514 : i32 to index
      %swap3A_546 = arith.constant 16 : index
      %swap3A_547 = tpu.vector_load %arg14[%swap3A_545, %swap3A_546] {strides = array<i32>} : memref<256x64xf32, #tpu.memory_space<vmem>>, vector<16xf32>,
      tpu.vector_store %arg14[%swap3A_545, %swap3A_546], %gather3A_544 {strides = array<i32>} : memref<256x64xf32, #tpu.memory_space<vmem>>, vector<16xf32>,
      %mul3A_548 = arith.constant 128 : i32
      %mul3A_549 = vector.broadcast %mul3A_548 : i32 to vector<16xi32>
      %mul3A_550 = arith.muli %add3A_13, %mul3A_549 : vector<16xi32>
      %add3A_551 = arith.addi %mul3A_550, %add3A_521 : vector<16xi32>
      %gather3A_552 = arith.constant 0 : i32
      %gather3A_553 = tpu.memref_reshape %arg11 : memref<64x128xf32, #tpu.memory_space<vmem>> -> memref<1x8192xf32, #tpu.memory_space<vmem>>
      %gather3A_554 = arith.constant 0 : i32
      %gather3A_555 = tpu.memref_slice %gather3A_553[%gather3A_552, %gather3A_554] : memref<1x8192xf32, #tpu.memory_space<vmem>> -> memref<1x8192xf32, #tpu.memory_space<vmem>>
      %gather3A_556 = tpu.memref_squeeze %gather3A_555 : memref<1x8192xf32, #tpu.memory_space<vmem>> -> memref<8192xf32, #tpu.memory_space<vmem>>
      %gather3A_557 = tpu.vector_load_idx %gather3A_556[%add3A_551] : memref<8192xf32, #tpu.memory_space<vmem>>[vector<16xi32>], vector<16xf32>,
      %swap3A_558 = arith.index_cast %add3A_514 : i32 to index
      %swap3A_559 = arith.constant 32 : index
      %swap3A_560 = tpu.vector_load %arg14[%swap3A_558, %swap3A_559] {strides = array<i32>} : memref<256x64xf32, #tpu.memory_space<vmem>>, vector<16xf32>,
      tpu.vector_store %arg14[%swap3A_558, %swap3A_559], %gather3A_557 {strides = array<i32>} : memref<256x64xf32, #tpu.memory_space<vmem>>, vector<16xf32>,
      %mul3A_561 = arith.constant 128 : i32
      %mul3A_562 = vector.broadcast %mul3A_561 : i32 to vector<16xi32>
      %mul3A_563 = arith.muli %add3A_17, %mul3A_562 : vector<16xi32>
      %add3A_564 = arith.addi %mul3A_563, %add3A_521 : vector<16xi32>
      %gather3A_565 = arith.constant 0 : i32
      %gather3A_566 = tpu.memref_reshape %arg11 : memref<64x128xf32, #tpu.memory_space<vmem>> -> memref<1x8192xf32, #tpu.memory_space<vmem>>
      %gather3A_567 = arith.constant 0 : i32
      %gather3A_568 = tpu.memref_slice %gather3A_566[%gather3A_565, %gather3A_567] : memref<1x8192xf32, #tpu.memory_space<vmem>> -> memref<1x8192xf32, #tpu.memory_space<vmem>>
      %gather3A_569 = tpu.memref_squeeze %gather3A_568 : memref<1x8192xf32, #tpu.memory_space<vmem>> -> memref<8192xf32, #tpu.memory_space<vmem>>
      %gather3A_570 = tpu.vector_load_idx %gather3A_569[%add3A_564] : memref<8192xf32, #tpu.memory_space<vmem>>[vector<16xi32>], vector<16xf32>,
      %swap3A_571 = arith.index_cast %add3A_514 : i32 to index
      %swap3A_572 = arith.constant 48 : index
      %swap3A_573 = tpu.vector_load %arg14[%swap3A_571, %swap3A_572] {strides = array<i32>} : memref<256x64xf32, #tpu.memory_space<vmem>>, vector<16xf32>,
      tpu.vector_store %arg14[%swap3A_571, %swap3A_572], %gather3A_570 {strides = array<i32>} : memref<256x64xf32, #tpu.memory_space<vmem>>, vector<16xf32>,
      %slice3A_574 = vector.extract_strided_slice %get3A_96 {offsets = [6], sizes = [1], strides = [1]} : vector<16xi32> to vector<1xi32>
      %squeeze3A_575 = vector.extract %slice3A_574[0] : i32 from vector<1xi32>
      %dma_wait3A_576 = arith.constant 0 : i32
      %dma_wait3A_577 = arith.constant 0 : i32
      %dma_wait3A_578 = tpu.memref_slice %arg3[%dma_wait3A_576, %dma_wait3A_577] : memref<64x1000000xf32, #tpu.memory_space<hbm>> -> memref<64x128xf32, #tpu.memory_space<hbm>>
      %dma_wait3A_579 = arith.constant 0 : i32
      %dma_wait3A_580 = arith.constant 0 : i32
      %dma_wait3A_581 = tpu.memref_slice %arg3[%dma_wait3A_579, %dma_wait3A_580] : memref<64x1000000xf32, #tpu.memory_space<hbm>> -> memref<64x128xf32, #tpu.memory_space<hbm>>
      tpu.wait_dma2 semaphore(%arg21 : memref<!tpu.dma_semaphore, #tpu.memory_space<semaphore_mem>>) src(%dma_wait3A_581 : memref<64x128xf32, #tpu.memory_space<hbm>>) dst(%arg12 : memref<64x128xf32, #tpu.memory_space<vmem>>)
      %slice3A_582 = vector.extract_strided_slice %get3A_96 {offsets = [13], sizes = [1], strides = [1]} : vector<16xi32> to vector<1xi32>
      %squeeze3A_583 = vector.extract %slice3A_582[0] : i32 from vector<1xi32>
      %and3A_584 = arith.constant -128 : i32
      %and3A_585 = arith.andi %squeeze3A_583, %and3A_584 : i32
      %multiple_of3A_586 = tpu.assume_multiple %and3A_585, 128 : i32
      %dma_start3A_587 = arith.constant 0 : i32
      %dma_start3A_588 = tpu.memref_slice %arg3[%dma_start3A_587, %multiple_of3A_586] : memref<64x1000000xf32, #tpu.memory_space<hbm>> -> memref<64x128xf32, #tpu.memory_space<hbm>>
      %dma_start3A_589 = arith.constant 0 : i32
      %dma_start3A_590 = tpu.memref_slice %arg3[%dma_start3A_589, %multiple_of3A_586] : memref<64x1000000xf32, #tpu.memory_space<hbm>> -> memref<64x128xf32, #tpu.memory_space<hbm>>
      tpu.enqueue_dma source(%dma_start3A_590 : memref<64x128xf32, #tpu.memory_space<hbm>>) target(%arg11 : memref<64x128xf32, #tpu.memory_space<vmem>>) target_semaphore(%arg20 : memref<!tpu.dma_semaphore, #tpu.memory_space<semaphore_mem>>)
      %mul3A_591 = arith.constant 16 : i32
      %mul3A_592 = arith.muli %mul3A_591, %scan3A_90 : i32
      %add3A_593 = arith.constant 6 : i32
      %add3A_594 = arith.addi %mul3A_592, %add3A_593 : i32
      %and3A_595 = arith.constant 0 : i32
      %and3A_596 = vector.broadcast %and3A_595 : i32 to vector<16xi32>
      %and3A_597 = arith.andi %add3A_5, %and3A_596 : vector<16xi32>
      %and3A_598 = arith.constant 127 : i32
      %and3A_599 = arith.andi %squeeze3A_575, %and3A_598 : i32
      %add3A_600 = vector.broadcast %and3A_599 : i32 to vector<16xi32>
      %add3A_601 = arith.addi %and3A_597, %add3A_600 : vector<16xi32>
      %mul3A_602 = arith.constant 128 : i32
      %mul3A_603 = vector.broadcast %mul3A_602 : i32 to vector<16xi32>
      %mul3A_604 = arith.muli %add3A_5, %mul3A_603 : vector<16xi32>
      %add3A_605 = arith.addi %mul3A_604, %add3A_601 : vector<16xi32>
      %gather3A_606 = arith.constant 0 : i32
      %gather3A_607 = tpu.memref_reshape %arg12 : memref<64x128xf32, #tpu.memory_space<vmem>> -> memref<1x8192xf32, #tpu.memory_space<vmem>>
      %gather3A_608 = arith.constant 0 : i32
      %gather3A_609 = tpu.memref_slice %gather3A_607[%gather3A_606, %gather3A_608] : memref<1x8192xf32, #tpu.memory_space<vmem>> -> memref<1x8192xf32, #tpu.memory_space<vmem>>
      %gather3A_610 = tpu.memref_squeeze %gather3A_609 : memref<1x8192xf32, #tpu.memory_space<vmem>> -> memref<8192xf32, #tpu.memory_space<vmem>>
      %gather3A_611 = tpu.vector_load_idx %gather3A_610[%add3A_605] : memref<8192xf32, #tpu.memory_space<vmem>>[vector<16xi32>], vector<16xf32>,
      %swap3A_612 = arith.index_cast %add3A_594 : i32 to index
      %swap3A_613 = arith.constant 0 : index
      %swap3A_614 = tpu.vector_load %arg14[%swap3A_612, %swap3A_613] {strides = array<i32>} : memref<256x64xf32, #tpu.memory_space<vmem>>, vector<16xf32>,
      tpu.vector_store %arg14[%swap3A_612, %swap3A_613], %gather3A_611 {strides = array<i32>} : memref<256x64xf32, #tpu.memory_space<vmem>>, vector<16xf32>,
      %mul3A_615 = arith.constant 128 : i32
      %mul3A_616 = vector.broadcast %mul3A_615 : i32 to vector<16xi32>
      %mul3A_617 = arith.muli %add3A_9, %mul3A_616 : vector<16xi32>
      %add3A_618 = arith.addi %mul3A_617, %add3A_601 : vector<16xi32>
      %gather3A_619 = arith.constant 0 : i32
      %gather3A_620 = tpu.memref_reshape %arg12 : memref<64x128xf32, #tpu.memory_space<vmem>> -> memref<1x8192xf32, #tpu.memory_space<vmem>>
      %gather3A_621 = arith.constant 0 : i32
      %gather3A_622 = tpu.memref_slice %gather3A_620[%gather3A_619, %gather3A_621] : memref<1x8192xf32, #tpu.memory_space<vmem>> -> memref<1x8192xf32, #tpu.memory_space<vmem>>
      %gather3A_623 = tpu.memref_squeeze %gather3A_622 : memref<1x8192xf32, #tpu.memory_space<vmem>> -> memref<8192xf32, #tpu.memory_space<vmem>>
      %gather3A_624 = tpu.vector_load_idx %gather3A_623[%add3A_618] : memref<8192xf32, #tpu.memory_space<vmem>>[vector<16xi32>], vector<16xf32>,
      %swap3A_625 = arith.index_cast %add3A_594 : i32 to index
      %swap3A_626 = arith.constant 16 : index
      %swap3A_627 = tpu.vector_load %arg14[%swap3A_625, %swap3A_626] {strides = array<i32>} : memref<256x64xf32, #tpu.memory_space<vmem>>, vector<16xf32>,
      tpu.vector_store %arg14[%swap3A_625, %swap3A_626], %gather3A_624 {strides = array<i32>} : memref<256x64xf32, #tpu.memory_space<vmem>>, vector<16xf32>,
      %mul3A_628 = arith.constant 128 : i32
      %mul3A_629 = vector.broadcast %mul3A_628 : i32 to vector<16xi32>
      %mul3A_630 = arith.muli %add3A_13, %mul3A_629 : vector<16xi32>
      %add3A_631 = arith.addi %mul3A_630, %add3A_601 : vector<16xi32>
      %gather3A_632 = arith.constant 0 : i32
      %gather3A_633 = tpu.memref_reshape %arg12 : memref<64x128xf32, #tpu.memory_space<vmem>> -> memref<1x8192xf32, #tpu.memory_space<vmem>>
      %gather3A_634 = arith.constant 0 : i32
      %gather3A_635 = tpu.memref_slice %gather3A_633[%gather3A_632, %gather3A_634] : memref<1x8192xf32, #tpu.memory_space<vmem>> -> memref<1x8192xf32, #tpu.memory_space<vmem>>
      %gather3A_636 = tpu.memref_squeeze %gather3A_635 : memref<1x8192xf32, #tpu.memory_space<vmem>> -> memref<8192xf32, #tpu.memory_space<vmem>>
      %gather3A_637 = tpu.vector_load_idx %gather3A_636[%add3A_631] : memref<8192xf32, #tpu.memory_space<vmem>>[vector<16xi32>], vector<16xf32>,
      %swap3A_638 = arith.index_cast %add3A_594 : i32 to index
      %swap3A_639 = arith.constant 32 : index
      %swap3A_640 = tpu.vector_load %arg14[%swap3A_638, %swap3A_639] {strides = array<i32>} : memref<256x64xf32, #tpu.memory_space<vmem>>, vector<16xf32>,
      tpu.vector_store %arg14[%swap3A_638, %swap3A_639], %gather3A_637 {strides = array<i32>} : memref<256x64xf32, #tpu.memory_space<vmem>>, vector<16xf32>,
      %mul3A_641 = arith.constant 128 : i32
      %mul3A_642 = vector.broadcast %mul3A_641 : i32 to vector<16xi32>
      %mul3A_643 = arith.muli %add3A_17, %mul3A_642 : vector<16xi32>
      %add3A_644 = arith.addi %mul3A_643, %add3A_601 : vector<16xi32>
      %gather3A_645 = arith.constant 0 : i32
      %gather3A_646 = tpu.memref_reshape %arg12 : memref<64x128xf32, #tpu.memory_space<vmem>> -> memref<1x8192xf32, #tpu.memory_space<vmem>>
      %gather3A_647 = arith.constant 0 : i32
      %gather3A_648 = tpu.memref_slice %gather3A_646[%gather3A_645, %gather3A_647] : memref<1x8192xf32, #tpu.memory_space<vmem>> -> memref<1x8192xf32, #tpu.memory_space<vmem>>
      %gather3A_649 = tpu.memref_squeeze %gather3A_648 : memref<1x8192xf32, #tpu.memory_space<vmem>> -> memref<8192xf32, #tpu.memory_space<vmem>>
      %gather3A_650 = tpu.vector_load_idx %gather3A_649[%add3A_644] : memref<8192xf32, #tpu.memory_space<vmem>>[vector<16xi32>], vector<16xf32>,
      %swap3A_651 = arith.index_cast %add3A_594 : i32 to index
      %swap3A_652 = arith.constant 48 : index
      %swap3A_653 = tpu.vector_load %arg14[%swap3A_651, %swap3A_652] {strides = array<i32>} : memref<256x64xf32, #tpu.memory_space<vmem>>, vector<16xf32>,
      tpu.vector_store %arg14[%swap3A_651, %swap3A_652], %gather3A_650 {strides = array<i32>} : memref<256x64xf32, #tpu.memory_space<vmem>>, vector<16xf32>,
      %slice3A_654 = vector.extract_strided_slice %get3A_96 {offsets = [7], sizes = [1], strides = [1]} : vector<16xi32> to vector<1xi32>
      %squeeze3A_655 = vector.extract %slice3A_654[0] : i32 from vector<1xi32>
      %dma_wait3A_656 = arith.constant 0 : i32
      %dma_wait3A_657 = arith.constant 0 : i32
      %dma_wait3A_658 = tpu.memref_slice %arg3[%dma_wait3A_656, %dma_wait3A_657] : memref<64x1000000xf32, #tpu.memory_space<hbm>> -> memref<64x128xf32, #tpu.memory_space<hbm>>
      %dma_wait3A_659 = arith.constant 0 : i32
      %dma_wait3A_660 = arith.constant 0 : i32
      %dma_wait3A_661 = tpu.memref_slice %arg3[%dma_wait3A_659, %dma_wait3A_660] : memref<64x1000000xf32, #tpu.memory_space<hbm>> -> memref<64x128xf32, #tpu.memory_space<hbm>>
      tpu.wait_dma2 semaphore(%arg22 : memref<!tpu.dma_semaphore, #tpu.memory_space<semaphore_mem>>) src(%dma_wait3A_661 : memref<64x128xf32, #tpu.memory_space<hbm>>) dst(%arg13 : memref<64x128xf32, #tpu.memory_space<vmem>>)
      %slice3A_662 = vector.extract_strided_slice %get3A_96 {offsets = [14], sizes = [1], strides = [1]} : vector<16xi32> to vector<1xi32>
      %squeeze3A_663 = vector.extract %slice3A_662[0] : i32 from vector<1xi32>
      %and3A_664 = arith.constant -128 : i32
      %and3A_665 = arith.andi %squeeze3A_663, %and3A_664 : i32
      %multiple_of3A_666 = tpu.assume_multiple %and3A_665, 128 : i32
      %dma_start3A_667 = arith.constant 0 : i32
      %dma_start3A_668 = tpu.memref_slice %arg3[%dma_start3A_667, %multiple_of3A_666] : memref<64x1000000xf32, #tpu.memory_space<hbm>> -> memref<64x128xf32, #tpu.memory_space<hbm>>
      %dma_start3A_669 = arith.constant 0 : i32
      %dma_start3A_670 = tpu.memref_slice %arg3[%dma_start3A_669, %multiple_of3A_666] : memref<64x1000000xf32, #tpu.memory_space<hbm>> -> memref<64x128xf32, #tpu.memory_space<hbm>>
      tpu.enqueue_dma source(%dma_start3A_670 : memref<64x128xf32, #tpu.memory_space<hbm>>) target(%arg12 : memref<64x128xf32, #tpu.memory_space<vmem>>) target_semaphore(%arg21 : memref<!tpu.dma_semaphore, #tpu.memory_space<semaphore_mem>>)
      %mul3A_671 = arith.constant 16 : i32
      %mul3A_672 = arith.muli %mul3A_671, %scan3A_90 : i32
      %add3A_673 = arith.constant 7 : i32
      %add3A_674 = arith.addi %mul3A_672, %add3A_673 : i32
      %and3A_675 = arith.constant 0 : i32
      %and3A_676 = vector.broadcast %and3A_675 : i32 to vector<16xi32>
      %and3A_677 = arith.andi %add3A_5, %and3A_676 : vector<16xi32>
      %and3A_678 = arith.constant 127 : i32
      %and3A_679 = arith.andi %squeeze3A_655, %and3A_678 : i32
      %add3A_680 = vector.broadcast %and3A_679 : i32 to vector<16xi32>
      %add3A_681 = arith.addi %and3A_677, %add3A_680 : vector<16xi32>
      %mul3A_682 = arith.constant 128 : i32
      %mul3A_683 = vector.broadcast %mul3A_682 : i32 to vector<16xi32>
      %mul3A_684 = arith.muli %add3A_5, %mul3A_683 : vector<16xi32>
      %add3A_685 = arith.addi %mul3A_684, %add3A_681 : vector<16xi32>
      %gather3A_686 = arith.constant 0 : i32
      %gather3A_687 = tpu.memref_reshape %arg13 : memref<64x128xf32, #tpu.memory_space<vmem>> -> memref<1x8192xf32, #tpu.memory_space<vmem>>
      %gather3A_688 = arith.constant 0 : i32
      %gather3A_689 = tpu.memref_slice %gather3A_687[%gather3A_686, %gather3A_688] : memref<1x8192xf32, #tpu.memory_space<vmem>> -> memref<1x8192xf32, #tpu.memory_space<vmem>>
      %gather3A_690 = tpu.memref_squeeze %gather3A_689 : memref<1x8192xf32, #tpu.memory_space<vmem>> -> memref<8192xf32, #tpu.memory_space<vmem>>
      %gather3A_691 = tpu.vector_load_idx %gather3A_690[%add3A_685] : memref<8192xf32, #tpu.memory_space<vmem>>[vector<16xi32>], vector<16xf32>,
      %swap3A_692 = arith.index_cast %add3A_674 : i32 to index
      %swap3A_693 = arith.constant 0 : index
      %swap3A_694 = tpu.vector_load %arg14[%swap3A_692, %swap3A_693] {strides = array<i32>} : memref<256x64xf32, #tpu.memory_space<vmem>>, vector<16xf32>,
      tpu.vector_store %arg14[%swap3A_692, %swap3A_693], %gather3A_691 {strides = array<i32>} : memref<256x64xf32, #tpu.memory_space<vmem>>, vector<16xf32>,
      %mul3A_695 = arith.constant 128 : i32
      %mul3A_696 = vector.broadcast %mul3A_695 : i32 to vector<16xi32>
      %mul3A_697 = arith.muli %add3A_9, %mul3A_696 : vector<16xi32>
      %add3A_698 = arith.addi %mul3A_697, %add3A_681 : vector<16xi32>
      %gather3A_699 = arith.constant 0 : i32
      %gather3A_700 = tpu.memref_reshape %arg13 : memref<64x128xf32, #tpu.memory_space<vmem>> -> memref<1x8192xf32, #tpu.memory_space<vmem>>
      %gather3A_701 = arith.constant 0 : i32
      %gather3A_702 = tpu.memref_slice %gather3A_700[%gather3A_699, %gather3A_701] : memref<1x8192xf32, #tpu.memory_space<vmem>> -> memref<1x8192xf32, #tpu.memory_space<vmem>>
      %gather3A_703 = tpu.memref_squeeze %gather3A_702 : memref<1x8192xf32, #tpu.memory_space<vmem>> -> memref<8192xf32, #tpu.memory_space<vmem>>
      %gather3A_704 = tpu.vector_load_idx %gather3A_703[%add3A_698] : memref<8192xf32, #tpu.memory_space<vmem>>[vector<16xi32>], vector<16xf32>,
      %swap3A_705 = arith.index_cast %add3A_674 : i32 to index
      %swap3A_706 = arith.constant 16 : index
      %swap3A_707 = tpu.vector_load %arg14[%swap3A_705, %swap3A_706] {strides = array<i32>} : memref<256x64xf32, #tpu.memory_space<vmem>>, vector<16xf32>,
      tpu.vector_store %arg14[%swap3A_705, %swap3A_706], %gather3A_704 {strides = array<i32>} : memref<256x64xf32, #tpu.memory_space<vmem>>, vector<16xf32>,
      %mul3A_708 = arith.constant 128 : i32
      %mul3A_709 = vector.broadcast %mul3A_708 : i32 to vector<16xi32>
      %mul3A_710 = arith.muli %add3A_13, %mul3A_709 : vector<16xi32>
      %add3A_711 = arith.addi %mul3A_710, %add3A_681 : vector<16xi32>
      %gather3A_712 = arith.constant 0 : i32
      %gather3A_713 = tpu.memref_reshape %arg13 : memref<64x128xf32, #tpu.memory_space<vmem>> -> memref<1x8192xf32, #tpu.memory_space<vmem>>
      %gather3A_714 = arith.constant 0 : i32
      %gather3A_715 = tpu.memref_slice %gather3A_713[%gather3A_712, %gather3A_714] : memref<1x8192xf32, #tpu.memory_space<vmem>> -> memref<1x8192xf32, #tpu.memory_space<vmem>>
      %gather3A_716 = tpu.memref_squeeze %gather3A_715 : memref<1x8192xf32, #tpu.memory_space<vmem>> -> memref<8192xf32, #tpu.memory_space<vmem>>
      %gather3A_717 = tpu.vector_load_idx %gather3A_716[%add3A_711] : memref<8192xf32, #tpu.memory_space<vmem>>[vector<16xi32>], vector<16xf32>,
      %swap3A_718 = arith.index_cast %add3A_674 : i32 to index
      %swap3A_719 = arith.constant 32 : index
      %swap3A_720 = tpu.vector_load %arg14[%swap3A_718, %swap3A_719] {strides = array<i32>} : memref<256x64xf32, #tpu.memory_space<vmem>>, vector<16xf32>,
      tpu.vector_store %arg14[%swap3A_718, %swap3A_719], %gather3A_717 {strides = array<i32>} : memref<256x64xf32, #tpu.memory_space<vmem>>, vector<16xf32>,
      %mul3A_721 = arith.constant 128 : i32
      %mul3A_722 = vector.broadcast %mul3A_721 : i32 to vector<16xi32>
      %mul3A_723 = arith.muli %add3A_17, %mul3A_722 : vector<16xi32>
      %add3A_724 = arith.addi %mul3A_723, %add3A_681 : vector<16xi32>
      %gather3A_725 = arith.constant 0 : i32
      %gather3A_726 = tpu.memref_reshape %arg13 : memref<64x128xf32, #tpu.memory_space<vmem>> -> memref<1x8192xf32, #tpu.memory_space<vmem>>
      %gather3A_727 = arith.constant 0 : i32
      %gather3A_728 = tpu.memref_slice %gather3A_726[%gather3A_725, %gather3A_727] : memref<1x8192xf32, #tpu.memory_space<vmem>> -> memref<1x8192xf32, #tpu.memory_space<vmem>>
      %gather3A_729 = tpu.memref_squeeze %gather3A_728 : memref<1x8192xf32, #tpu.memory_space<vmem>> -> memref<8192xf32, #tpu.memory_space<vmem>>
      %gather3A_730 = tpu.vector_load_idx %gather3A_729[%add3A_724] : memref<8192xf32, #tpu.memory_space<vmem>>[vector<16xi32>], vector<16xf32>,
      %swap3A_731 = arith.index_cast %add3A_674 : i32 to index
      %swap3A_732 = arith.constant 48 : index
      %swap3A_733 = tpu.vector_load %arg14[%swap3A_731, %swap3A_732] {strides = array<i32>} : memref<256x64xf32, #tpu.memory_space<vmem>>, vector<16xf32>,
      tpu.vector_store %arg14[%swap3A_731, %swap3A_732], %gather3A_730 {strides = array<i32>} : memref<256x64xf32, #tpu.memory_space<vmem>>, vector<16xf32>,
      %slice3A_734 = vector.extract_strided_slice %get3A_96 {offsets = [8], sizes = [1], strides = [1]} : vector<16xi32> to vector<1xi32>
      %squeeze3A_735 = vector.extract %slice3A_734[0] : i32 from vector<1xi32>
      %dma_wait3A_736 = arith.constant 0 : i32
      %dma_wait3A_737 = arith.constant 0 : i32
      %dma_wait3A_738 = tpu.memref_slice %arg3[%dma_wait3A_736, %dma_wait3A_737] : memref<64x1000000xf32, #tpu.memory_space<hbm>> -> memref<64x128xf32, #tpu.memory_space<hbm>>
      %dma_wait3A_739 = arith.constant 0 : i32
      %dma_wait3A_740 = arith.constant 0 : i32
      %dma_wait3A_741 = tpu.memref_slice %arg3[%dma_wait3A_739, %dma_wait3A_740] : memref<64x1000000xf32, #tpu.memory_space<hbm>> -> memref<64x128xf32, #tpu.memory_space<hbm>>
      tpu.wait_dma2 semaphore(%arg15 : memref<!tpu.dma_semaphore, #tpu.memory_space<semaphore_mem>>) src(%dma_wait3A_741 : memref<64x128xf32, #tpu.memory_space<hbm>>) dst(%arg6 : memref<64x128xf32, #tpu.memory_space<vmem>>)
      %slice3A_742 = vector.extract_strided_slice %get3A_96 {offsets = [15], sizes = [1], strides = [1]} : vector<16xi32> to vector<1xi32>
      %squeeze3A_743 = vector.extract %slice3A_742[0] : i32 from vector<1xi32>
      %and3A_744 = arith.constant -128 : i32
      %and3A_745 = arith.andi %squeeze3A_743, %and3A_744 : i32
      %multiple_of3A_746 = tpu.assume_multiple %and3A_745, 128 : i32
      %dma_start3A_747 = arith.constant 0 : i32
      %dma_start3A_748 = tpu.memref_slice %arg3[%dma_start3A_747, %multiple_of3A_746] : memref<64x1000000xf32, #tpu.memory_space<hbm>> -> memref<64x128xf32, #tpu.memory_space<hbm>>
      %dma_start3A_749 = arith.constant 0 : i32
      %dma_start3A_750 = tpu.memref_slice %arg3[%dma_start3A_749, %multiple_of3A_746] : memref<64x1000000xf32, #tpu.memory_space<hbm>> -> memref<64x128xf32, #tpu.memory_space<hbm>>
      tpu.enqueue_dma source(%dma_start3A_750 : memref<64x128xf32, #tpu.memory_space<hbm>>) target(%arg13 : memref<64x128xf32, #tpu.memory_space<vmem>>) target_semaphore(%arg22 : memref<!tpu.dma_semaphore, #tpu.memory_space<semaphore_mem>>)
      %mul3A_751 = arith.constant 16 : i32
      %mul3A_752 = arith.muli %mul3A_751, %scan3A_90 : i32
      %add3A_753 = arith.constant 8 : i32
      %add3A_754 = arith.addi %mul3A_752, %add3A_753 : i32
      %and3A_755 = arith.constant 0 : i32
      %and3A_756 = vector.broadcast %and3A_755 : i32 to vector<16xi32>
      %and3A_757 = arith.andi %add3A_5, %and3A_756 : vector<16xi32>
      %and3A_758 = arith.constant 127 : i32
      %and3A_759 = arith.andi %squeeze3A_735, %and3A_758 : i32
      %add3A_760 = vector.broadcast %and3A_759 : i32 to vector<16xi32>
      %add3A_761 = arith.addi %and3A_757, %add3A_760 : vector<16xi32>
      %mul3A_762 = arith.constant 128 : i32
      %mul3A_763 = vector.broadcast %mul3A_762 : i32 to vector<16xi32>
      %mul3A_764 = arith.muli %add3A_5, %mul3A_763 : vector<16xi32>
      %add3A_765 = arith.addi %mul3A_764, %add3A_761 : vector<16xi32>
      %gather3A_766 = arith.constant 0 : i32
      %gather3A_767 = tpu.memref_reshape %arg6 : memref<64x128xf32, #tpu.memory_space<vmem>> -> memref<1x8192xf32, #tpu.memory_space<vmem>>
      %gather3A_768 = arith.constant 0 : i32
      %gather3A_769 = tpu.memref_slice %gather3A_767[%gather3A_766, %gather3A_768] : memref<1x8192xf32, #tpu.memory_space<vmem>> -> memref<1x8192xf32, #tpu.memory_space<vmem>>
      %gather3A_770 = tpu.memref_squeeze %gather3A_769 : memref<1x8192xf32, #tpu.memory_space<vmem>> -> memref<8192xf32, #tpu.memory_space<vmem>>
      %gather3A_771 = tpu.vector_load_idx %gather3A_770[%add3A_765] : memref<8192xf32, #tpu.memory_space<vmem>>[vector<16xi32>], vector<16xf32>,
      %swap3A_772 = arith.index_cast %add3A_754 : i32 to index
      %swap3A_773 = arith.constant 0 : index
      %swap3A_774 = tpu.vector_load %arg14[%swap3A_772, %swap3A_773] {strides = array<i32>} : memref<256x64xf32, #tpu.memory_space<vmem>>, vector<16xf32>,
      tpu.vector_store %arg14[%swap3A_772, %swap3A_773], %gather3A_771 {strides = array<i32>} : memref<256x64xf32, #tpu.memory_space<vmem>>, vector<16xf32>,
      %mul3A_775 = arith.constant 128 : i32
      %mul3A_776 = vector.broadcast %mul3A_775 : i32 to vector<16xi32>
      %mul3A_777 = arith.muli %add3A_9, %mul3A_776 : vector<16xi32>
      %add3A_778 = arith.addi %mul3A_777, %add3A_761 : vector<16xi32>
      %gather3A_779 = arith.constant 0 : i32
      %gather3A_780 = tpu.memref_reshape %arg6 : memref<64x128xf32, #tpu.memory_space<vmem>> -> memref<1x8192xf32, #tpu.memory_space<vmem>>
      %gather3A_781 = arith.constant 0 : i32
      %gather3A_782 = tpu.memref_slice %gather3A_780[%gather3A_779, %gather3A_781] : memref<1x8192xf32, #tpu.memory_space<vmem>> -> memref<1x8192xf32, #tpu.memory_space<vmem>>
      %gather3A_783 = tpu.memref_squeeze %gather3A_782 : memref<1x8192xf32, #tpu.memory_space<vmem>> -> memref<8192xf32, #tpu.memory_space<vmem>>
      %gather3A_784 = tpu.vector_load_idx %gather3A_783[%add3A_778] : memref<8192xf32, #tpu.memory_space<vmem>>[vector<16xi32>], vector<16xf32>,
      %swap3A_785 = arith.index_cast %add3A_754 : i32 to index
      %swap3A_786 = arith.constant 16 : index
      %swap3A_787 = tpu.vector_load %arg14[%swap3A_785, %swap3A_786] {strides = array<i32>} : memref<256x64xf32, #tpu.memory_space<vmem>>, vector<16xf32>,
      tpu.vector_store %arg14[%swap3A_785, %swap3A_786], %gather3A_784 {strides = array<i32>} : memref<256x64xf32, #tpu.memory_space<vmem>>, vector<16xf32>,
      %mul3A_788 = arith.constant 128 : i32
      %mul3A_789 = vector.broadcast %mul3A_788 : i32 to vector<16xi32>
      %mul3A_790 = arith.muli %add3A_13, %mul3A_789 : vector<16xi32>
      %add3A_791 = arith.addi %mul3A_790, %add3A_761 : vector<16xi32>
      %gather3A_792 = arith.constant 0 : i32
      %gather3A_793 = tpu.memref_reshape %arg6 : memref<64x128xf32, #tpu.memory_space<vmem>> -> memref<1x8192xf32, #tpu.memory_space<vmem>>
      %gather3A_794 = arith.constant 0 : i32
      %gather3A_795 = tpu.memref_slice %gather3A_793[%gather3A_792, %gather3A_794] : memref<1x8192xf32, #tpu.memory_space<vmem>> -> memref<1x8192xf32, #tpu.memory_space<vmem>>
      %gather3A_796 = tpu.memref_squeeze %gather3A_795 : memref<1x8192xf32, #tpu.memory_space<vmem>> -> memref<8192xf32, #tpu.memory_space<vmem>>
      %gather3A_797 = tpu.vector_load_idx %gather3A_796[%add3A_791] : memref<8192xf32, #tpu.memory_space<vmem>>[vector<16xi32>], vector<16xf32>,
      %swap3A_798 = arith.index_cast %add3A_754 : i32 to index
      %swap3A_799 = arith.constant 32 : index
      %swap3A_800 = tpu.vector_load %arg14[%swap3A_798, %swap3A_799] {strides = array<i32>} : memref<256x64xf32, #tpu.memory_space<vmem>>, vector<16xf32>,
      tpu.vector_store %arg14[%swap3A_798, %swap3A_799], %gather3A_797 {strides = array<i32>} : memref<256x64xf32, #tpu.memory_space<vmem>>, vector<16xf32>,
      %mul3A_801 = arith.constant 128 : i32
      %mul3A_802 = vector.broadcast %mul3A_801 : i32 to vector<16xi32>
      %mul3A_803 = arith.muli %add3A_17, %mul3A_802 : vector<16xi32>
      %add3A_804 = arith.addi %mul3A_803, %add3A_761 : vector<16xi32>
      %gather3A_805 = arith.constant 0 : i32
      %gather3A_806 = tpu.memref_reshape %arg6 : memref<64x128xf32, #tpu.memory_space<vmem>> -> memref<1x8192xf32, #tpu.memory_space<vmem>>
      %gather3A_807 = arith.constant 0 : i32
      %gather3A_808 = tpu.memref_slice %gather3A_806[%gather3A_805, %gather3A_807] : memref<1x8192xf32, #tpu.memory_space<vmem>> -> memref<1x8192xf32, #tpu.memory_space<vmem>>
      %gather3A_809 = tpu.memref_squeeze %gather3A_808 : memref<1x8192xf32, #tpu.memory_space<vmem>> -> memref<8192xf32, #tpu.memory_space<vmem>>
      %gather3A_810 = tpu.vector_load_idx %gather3A_809[%add3A_804] : memref<8192xf32, #tpu.memory_space<vmem>>[vector<16xi32>], vector<16xf32>,
      %swap3A_811 = arith.index_cast %add3A_754 : i32 to index
      %swap3A_812 = arith.constant 48 : index
      %swap3A_813 = tpu.vector_load %arg14[%swap3A_811, %swap3A_812] {strides = array<i32>} : memref<256x64xf32, #tpu.memory_space<vmem>>, vector<16xf32>,
      tpu.vector_store %arg14[%swap3A_811, %swap3A_812], %gather3A_810 {strides = array<i32>} : memref<256x64xf32, #tpu.memory_space<vmem>>, vector<16xf32>,
      %slice3A_814 = vector.extract_strided_slice %get3A_96 {offsets = [9], sizes = [1], strides = [1]} : vector<16xi32> to vector<1xi32>
      %squeeze3A_815 = vector.extract %slice3A_814[0] : i32 from vector<1xi32>
      %dma_wait3A_816 = arith.constant 0 : i32
      %dma_wait3A_817 = arith.constant 0 : i32
      %dma_wait3A_818 = tpu.memref_slice %arg3[%dma_wait3A_816, %dma_wait3A_817] : memref<64x1000000xf32, #tpu.memory_space<hbm>> -> memref<64x128xf32, #tpu.memory_space<hbm>>
      %dma_wait3A_819 = arith.constant 0 : i32
      %dma_wait3A_820 = arith.constant 0 : i32
      %dma_wait3A_821 = tpu.memref_slice %arg3[%dma_wait3A_819, %dma_wait3A_820] : memref<64x1000000xf32, #tpu.memory_space<hbm>> -> memref<64x128xf32, #tpu.memory_space<hbm>>
      tpu.wait_dma2 semaphore(%arg16 : memref<!tpu.dma_semaphore, #tpu.memory_space<semaphore_mem>>) src(%dma_wait3A_821 : memref<64x128xf32, #tpu.memory_space<hbm>>) dst(%arg7 : memref<64x128xf32, #tpu.memory_space<vmem>>)
      %add3A_822 = arith.constant 16 : i32
      %add3A_823 = arith.addi %mul3A_94, %add3A_822 : i32
      %add3A_824 = arith.constant 0 : i32
      %add3A_825 = arith.addi %add3A_823, %add3A_824 : i32
      %lt3A = arith.constant 512 : i32
      %lt3A_826 = arith.cmpi slt, %add3A_825, %lt3A : i32
      %convert_element_type3A = arith.extui %lt3A_826 : i1 to i32
      %cond3A = arith.constant 0 : i32
      %cond3A_827 = arith.cmpi ne, %convert_element_type3A, %cond3A : i32
      scf.if %cond3A_827 {
        %add3A_1371 = arith.constant 16 : i32
        %add3A_1372 = arith.addi %mul3A_94, %add3A_1371 : i32
        %get3A_1373 = arith.index_cast %add3A_1372 : i32 to index
        %get3A_1374 = tpu.vector_load %arg5[%get3A_1373] {strides = array<i32>} : memref<512xi32, #tpu.memory_space<vmem>>, vector<16xi32>,
        %slice3A_1375 = vector.extract_strided_slice %get3A_1374 {offsets = [0], sizes = [1], strides = [1]} : vector<16xi32> to vector<1xi32>
        %squeeze3A_1376 = vector.extract %slice3A_1375[0] : i32 from vector<1xi32>
        %and3A_1377 = arith.constant -128 : i32
        %and3A_1378 = arith.andi %squeeze3A_1376, %and3A_1377 : i32
        %multiple_of3A_1379 = tpu.assume_multiple %and3A_1378, 128 : i32
        %dma_start3A_1380 = arith.constant 0 : i32
        %dma_start3A_1381 = tpu.memref_slice %arg3[%dma_start3A_1380, %multiple_of3A_1379] : memref<64x1000000xf32, #tpu.memory_space<hbm>> -> memref<64x128xf32, #tpu.memory_space<hbm>>
        %dma_start3A_1382 = arith.constant 0 : i32
        %dma_start3A_1383 = tpu.memref_slice %arg3[%dma_start3A_1382, %multiple_of3A_1379] : memref<64x1000000xf32, #tpu.memory_space<hbm>> -> memref<64x128xf32, #tpu.memory_space<hbm>>
        tpu.enqueue_dma source(%dma_start3A_1383 : memref<64x128xf32, #tpu.memory_space<hbm>>) target(%arg6 : memref<64x128xf32, #tpu.memory_space<vmem>>) target_semaphore(%arg15 : memref<!tpu.dma_semaphore, #tpu.memory_space<semaphore_mem>>)
      } else {
      }
      %mul3A_828 = arith.constant 16 : i32
      %mul3A_829 = arith.muli %mul3A_828, %scan3A_90 : i32
      %add3A_830 = arith.constant 9 : i32
      %add3A_831 = arith.addi %mul3A_829, %add3A_830 : i32
      %and3A_832 = arith.constant 0 : i32
      %and3A_833 = vector.broadcast %and3A_832 : i32 to vector<16xi32>
      %and3A_834 = arith.andi %add3A_5, %and3A_833 : vector<16xi32>
      %and3A_835 = arith.constant 127 : i32
      %and3A_836 = arith.andi %squeeze3A_815, %and3A_835 : i32
      %add3A_837 = vector.broadcast %and3A_836 : i32 to vector<16xi32>
      %add3A_838 = arith.addi %and3A_834, %add3A_837 : vector<16xi32>
      %mul3A_839 = arith.constant 128 : i32
      %mul3A_840 = vector.broadcast %mul3A_839 : i32 to vector<16xi32>
      %mul3A_841 = arith.muli %add3A_5, %mul3A_840 : vector<16xi32>
      %add3A_842 = arith.addi %mul3A_841, %add3A_838 : vector<16xi32>
      %gather3A_843 = arith.constant 0 : i32
      %gather3A_844 = tpu.memref_reshape %arg7 : memref<64x128xf32, #tpu.memory_space<vmem>> -> memref<1x8192xf32, #tpu.memory_space<vmem>>
      %gather3A_845 = arith.constant 0 : i32
      %gather3A_846 = tpu.memref_slice %gather3A_844[%gather3A_843, %gather3A_845] : memref<1x8192xf32, #tpu.memory_space<vmem>> -> memref<1x8192xf32, #tpu.memory_space<vmem>>
      %gather3A_847 = tpu.memref_squeeze %gather3A_846 : memref<1x8192xf32, #tpu.memory_space<vmem>> -> memref<8192xf32, #tpu.memory_space<vmem>>
      %gather3A_848 = tpu.vector_load_idx %gather3A_847[%add3A_842] : memref<8192xf32, #tpu.memory_space<vmem>>[vector<16xi32>], vector<16xf32>,
      %swap3A_849 = arith.index_cast %add3A_831 : i32 to index
      %swap3A_850 = arith.constant 0 : index
      %swap3A_851 = tpu.vector_load %arg14[%swap3A_849, %swap3A_850] {strides = array<i32>} : memref<256x64xf32, #tpu.memory_space<vmem>>, vector<16xf32>,
      tpu.vector_store %arg14[%swap3A_849, %swap3A_850], %gather3A_848 {strides = array<i32>} : memref<256x64xf32, #tpu.memory_space<vmem>>, vector<16xf32>,
      %mul3A_852 = arith.constant 128 : i32
      %mul3A_853 = vector.broadcast %mul3A_852 : i32 to vector<16xi32>
      %mul3A_854 = arith.muli %add3A_9, %mul3A_853 : vector<16xi32>
      %add3A_855 = arith.addi %mul3A_854, %add3A_838 : vector<16xi32>
      %gather3A_856 = arith.constant 0 : i32
      %gather3A_857 = tpu.memref_reshape %arg7 : memref<64x128xf32, #tpu.memory_space<vmem>> -> memref<1x8192xf32, #tpu.memory_space<vmem>>
      %gather3A_858 = arith.constant 0 : i32
      %gather3A_859 = tpu.memref_slice %gather3A_857[%gather3A_856, %gather3A_858] : memref<1x8192xf32, #tpu.memory_space<vmem>> -> memref<1x8192xf32, #tpu.memory_space<vmem>>
      %gather3A_860 = tpu.memref_squeeze %gather3A_859 : memref<1x8192xf32, #tpu.memory_space<vmem>> -> memref<8192xf32, #tpu.memory_space<vmem>>
      %gather3A_861 = tpu.vector_load_idx %gather3A_860[%add3A_855] : memref<8192xf32, #tpu.memory_space<vmem>>[vector<16xi32>], vector<16xf32>,
      %swap3A_862 = arith.index_cast %add3A_831 : i32 to index
      %swap3A_863 = arith.constant 16 : index
      %swap3A_864 = tpu.vector_load %arg14[%swap3A_862, %swap3A_863] {strides = array<i32>} : memref<256x64xf32, #tpu.memory_space<vmem>>, vector<16xf32>,
      tpu.vector_store %arg14[%swap3A_862, %swap3A_863], %gather3A_861 {strides = array<i32>} : memref<256x64xf32, #tpu.memory_space<vmem>>, vector<16xf32>,
      %mul3A_865 = arith.constant 128 : i32
      %mul3A_866 = vector.broadcast %mul3A_865 : i32 to vector<16xi32>
      %mul3A_867 = arith.muli %add3A_13, %mul3A_866 : vector<16xi32>
      %add3A_868 = arith.addi %mul3A_867, %add3A_838 : vector<16xi32>
      %gather3A_869 = arith.constant 0 : i32
      %gather3A_870 = tpu.memref_reshape %arg7 : memref<64x128xf32, #tpu.memory_space<vmem>> -> memref<1x8192xf32, #tpu.memory_space<vmem>>
      %gather3A_871 = arith.constant 0 : i32
      %gather3A_872 = tpu.memref_slice %gather3A_870[%gather3A_869, %gather3A_871] : memref<1x8192xf32, #tpu.memory_space<vmem>> -> memref<1x8192xf32, #tpu.memory_space<vmem>>
      %gather3A_873 = tpu.memref_squeeze %gather3A_872 : memref<1x8192xf32, #tpu.memory_space<vmem>> -> memref<8192xf32, #tpu.memory_space<vmem>>
      %gather3A_874 = tpu.vector_load_idx %gather3A_873[%add3A_868] : memref<8192xf32, #tpu.memory_space<vmem>>[vector<16xi32>], vector<16xf32>,
      %swap3A_875 = arith.index_cast %add3A_831 : i32 to index
      %swap3A_876 = arith.constant 32 : index
      %swap3A_877 = tpu.vector_load %arg14[%swap3A_875, %swap3A_876] {strides = array<i32>} : memref<256x64xf32, #tpu.memory_space<vmem>>, vector<16xf32>,
      tpu.vector_store %arg14[%swap3A_875, %swap3A_876], %gather3A_874 {strides = array<i32>} : memref<256x64xf32, #tpu.memory_space<vmem>>, vector<16xf32>,
      %mul3A_878 = arith.constant 128 : i32
      %mul3A_879 = vector.broadcast %mul3A_878 : i32 to vector<16xi32>
      %mul3A_880 = arith.muli %add3A_17, %mul3A_879 : vector<16xi32>
      %add3A_881 = arith.addi %mul3A_880, %add3A_838 : vector<16xi32>
      %gather3A_882 = arith.constant 0 : i32
      %gather3A_883 = tpu.memref_reshape %arg7 : memref<64x128xf32, #tpu.memory_space<vmem>> -> memref<1x8192xf32, #tpu.memory_space<vmem>>
      %gather3A_884 = arith.constant 0 : i32
      %gather3A_885 = tpu.memref_slice %gather3A_883[%gather3A_882, %gather3A_884] : memref<1x8192xf32, #tpu.memory_space<vmem>> -> memref<1x8192xf32, #tpu.memory_space<vmem>>
      %gather3A_886 = tpu.memref_squeeze %gather3A_885 : memref<1x8192xf32, #tpu.memory_space<vmem>> -> memref<8192xf32, #tpu.memory_space<vmem>>
      %gather3A_887 = tpu.vector_load_idx %gather3A_886[%add3A_881] : memref<8192xf32, #tpu.memory_space<vmem>>[vector<16xi32>], vector<16xf32>,
      %swap3A_888 = arith.index_cast %add3A_831 : i32 to index
      %swap3A_889 = arith.constant 48 : index
      %swap3A_890 = tpu.vector_load %arg14[%swap3A_888, %swap3A_889] {strides = array<i32>} : memref<256x64xf32, #tpu.memory_space<vmem>>, vector<16xf32>,
      tpu.vector_store %arg14[%swap3A_888, %swap3A_889], %gather3A_887 {strides = array<i32>} : memref<256x64xf32, #tpu.memory_space<vmem>>, vector<16xf32>,
      %slice3A_891 = vector.extract_strided_slice %get3A_96 {offsets = [10], sizes = [1], strides = [1]} : vector<16xi32> to vector<1xi32>
      %squeeze3A_892 = vector.extract %slice3A_891[0] : i32 from vector<1xi32>
      %dma_wait3A_893 = arith.constant 0 : i32
      %dma_wait3A_894 = arith.constant 0 : i32
      %dma_wait3A_895 = tpu.memref_slice %arg3[%dma_wait3A_893, %dma_wait3A_894] : memref<64x1000000xf32, #tpu.memory_space<hbm>> -> memref<64x128xf32, #tpu.memory_space<hbm>>
      %dma_wait3A_896 = arith.constant 0 : i32
      %dma_wait3A_897 = arith.constant 0 : i32
      %dma_wait3A_898 = tpu.memref_slice %arg3[%dma_wait3A_896, %dma_wait3A_897] : memref<64x1000000xf32, #tpu.memory_space<hbm>> -> memref<64x128xf32, #tpu.memory_space<hbm>>
      tpu.wait_dma2 semaphore(%arg17 : memref<!tpu.dma_semaphore, #tpu.memory_space<semaphore_mem>>) src(%dma_wait3A_898 : memref<64x128xf32, #tpu.memory_space<hbm>>) dst(%arg8 : memref<64x128xf32, #tpu.memory_space<vmem>>)
      %add3A_899 = arith.constant 16 : i32
      %add3A_900 = arith.addi %mul3A_94, %add3A_899 : i32
      %add3A_901 = arith.constant 1 : i32
      %add3A_902 = arith.addi %add3A_900, %add3A_901 : i32
      %lt3A_903 = arith.constant 512 : i32
      %lt3A_904 = arith.cmpi slt, %add3A_902, %lt3A_903 : i32
      %convert_element_type3A_905 = arith.extui %lt3A_904 : i1 to i32
      %cond3A_906 = arith.constant 0 : i32
      %cond3A_907 = arith.cmpi ne, %convert_element_type3A_905, %cond3A_906 : i32
      scf.if %cond3A_907 {
        %add3A_1371 = arith.constant 16 : i32
        %add3A_1372 = arith.addi %mul3A_94, %add3A_1371 : i32
        %get3A_1373 = arith.index_cast %add3A_1372 : i32 to index
        %get3A_1374 = tpu.vector_load %arg5[%get3A_1373] {strides = array<i32>} : memref<512xi32, #tpu.memory_space<vmem>>, vector<16xi32>,
        %slice3A_1375 = vector.extract_strided_slice %get3A_1374 {offsets = [1], sizes = [1], strides = [1]} : vector<16xi32> to vector<1xi32>
        %squeeze3A_1376 = vector.extract %slice3A_1375[0] : i32 from vector<1xi32>
        %and3A_1377 = arith.constant -128 : i32
        %and3A_1378 = arith.andi %squeeze3A_1376, %and3A_1377 : i32
        %multiple_of3A_1379 = tpu.assume_multiple %and3A_1378, 128 : i32
        %dma_start3A_1380 = arith.constant 0 : i32
        %dma_start3A_1381 = tpu.memref_slice %arg3[%dma_start3A_1380, %multiple_of3A_1379] : memref<64x1000000xf32, #tpu.memory_space<hbm>> -> memref<64x128xf32, #tpu.memory_space<hbm>>
        %dma_start3A_1382 = arith.constant 0 : i32
        %dma_start3A_1383 = tpu.memref_slice %arg3[%dma_start3A_1382, %multiple_of3A_1379] : memref<64x1000000xf32, #tpu.memory_space<hbm>> -> memref<64x128xf32, #tpu.memory_space<hbm>>
        tpu.enqueue_dma source(%dma_start3A_1383 : memref<64x128xf32, #tpu.memory_space<hbm>>) target(%arg7 : memref<64x128xf32, #tpu.memory_space<vmem>>) target_semaphore(%arg16 : memref<!tpu.dma_semaphore, #tpu.memory_space<semaphore_mem>>)
      } else {
      }
      %mul3A_908 = arith.constant 16 : i32
      %mul3A_909 = arith.muli %mul3A_908, %scan3A_90 : i32
      %add3A_910 = arith.constant 10 : i32
      %add3A_911 = arith.addi %mul3A_909, %add3A_910 : i32
      %and3A_912 = arith.constant 0 : i32
      %and3A_913 = vector.broadcast %and3A_912 : i32 to vector<16xi32>
      %and3A_914 = arith.andi %add3A_5, %and3A_913 : vector<16xi32>
      %and3A_915 = arith.constant 127 : i32
      %and3A_916 = arith.andi %squeeze3A_892, %and3A_915 : i32
      %add3A_917 = vector.broadcast %and3A_916 : i32 to vector<16xi32>
      %add3A_918 = arith.addi %and3A_914, %add3A_917 : vector<16xi32>
      %mul3A_919 = arith.constant 128 : i32
      %mul3A_920 = vector.broadcast %mul3A_919 : i32 to vector<16xi32>
      %mul3A_921 = arith.muli %add3A_5, %mul3A_920 : vector<16xi32>
      %add3A_922 = arith.addi %mul3A_921, %add3A_918 : vector<16xi32>
      %gather3A_923 = arith.constant 0 : i32
      %gather3A_924 = tpu.memref_reshape %arg8 : memref<64x128xf32, #tpu.memory_space<vmem>> -> memref<1x8192xf32, #tpu.memory_space<vmem>>
      %gather3A_925 = arith.constant 0 : i32
      %gather3A_926 = tpu.memref_slice %gather3A_924[%gather3A_923, %gather3A_925] : memref<1x8192xf32, #tpu.memory_space<vmem>> -> memref<1x8192xf32, #tpu.memory_space<vmem>>
      %gather3A_927 = tpu.memref_squeeze %gather3A_926 : memref<1x8192xf32, #tpu.memory_space<vmem>> -> memref<8192xf32, #tpu.memory_space<vmem>>
      %gather3A_928 = tpu.vector_load_idx %gather3A_927[%add3A_922] : memref<8192xf32, #tpu.memory_space<vmem>>[vector<16xi32>], vector<16xf32>,
      %swap3A_929 = arith.index_cast %add3A_911 : i32 to index
      %swap3A_930 = arith.constant 0 : index
      %swap3A_931 = tpu.vector_load %arg14[%swap3A_929, %swap3A_930] {strides = array<i32>} : memref<256x64xf32, #tpu.memory_space<vmem>>, vector<16xf32>,
      tpu.vector_store %arg14[%swap3A_929, %swap3A_930], %gather3A_928 {strides = array<i32>} : memref<256x64xf32, #tpu.memory_space<vmem>>, vector<16xf32>,
      %mul3A_932 = arith.constant 128 : i32
      %mul3A_933 = vector.broadcast %mul3A_932 : i32 to vector<16xi32>
      %mul3A_934 = arith.muli %add3A_9, %mul3A_933 : vector<16xi32>
      %add3A_935 = arith.addi %mul3A_934, %add3A_918 : vector<16xi32>
      %gather3A_936 = arith.constant 0 : i32
      %gather3A_937 = tpu.memref_reshape %arg8 : memref<64x128xf32, #tpu.memory_space<vmem>> -> memref<1x8192xf32, #tpu.memory_space<vmem>>
      %gather3A_938 = arith.constant 0 : i32
      %gather3A_939 = tpu.memref_slice %gather3A_937[%gather3A_936, %gather3A_938] : memref<1x8192xf32, #tpu.memory_space<vmem>> -> memref<1x8192xf32, #tpu.memory_space<vmem>>
      %gather3A_940 = tpu.memref_squeeze %gather3A_939 : memref<1x8192xf32, #tpu.memory_space<vmem>> -> memref<8192xf32, #tpu.memory_space<vmem>>
      %gather3A_941 = tpu.vector_load_idx %gather3A_940[%add3A_935] : memref<8192xf32, #tpu.memory_space<vmem>>[vector<16xi32>], vector<16xf32>,
      %swap3A_942 = arith.index_cast %add3A_911 : i32 to index
      %swap3A_943 = arith.constant 16 : index
      %swap3A_944 = tpu.vector_load %arg14[%swap3A_942, %swap3A_943] {strides = array<i32>} : memref<256x64xf32, #tpu.memory_space<vmem>>, vector<16xf32>,
      tpu.vector_store %arg14[%swap3A_942, %swap3A_943], %gather3A_941 {strides = array<i32>} : memref<256x64xf32, #tpu.memory_space<vmem>>, vector<16xf32>,
      %mul3A_945 = arith.constant 128 : i32
      %mul3A_946 = vector.broadcast %mul3A_945 : i32 to vector<16xi32>
      %mul3A_947 = arith.muli %add3A_13, %mul3A_946 : vector<16xi32>
      %add3A_948 = arith.addi %mul3A_947, %add3A_918 : vector<16xi32>
      %gather3A_949 = arith.constant 0 : i32
      %gather3A_950 = tpu.memref_reshape %arg8 : memref<64x128xf32, #tpu.memory_space<vmem>> -> memref<1x8192xf32, #tpu.memory_space<vmem>>
      %gather3A_951 = arith.constant 0 : i32
      %gather3A_952 = tpu.memref_slice %gather3A_950[%gather3A_949, %gather3A_951] : memref<1x8192xf32, #tpu.memory_space<vmem>> -> memref<1x8192xf32, #tpu.memory_space<vmem>>
      %gather3A_953 = tpu.memref_squeeze %gather3A_952 : memref<1x8192xf32, #tpu.memory_space<vmem>> -> memref<8192xf32, #tpu.memory_space<vmem>>
      %gather3A_954 = tpu.vector_load_idx %gather3A_953[%add3A_948] : memref<8192xf32, #tpu.memory_space<vmem>>[vector<16xi32>], vector<16xf32>,
      %swap3A_955 = arith.index_cast %add3A_911 : i32 to index
      %swap3A_956 = arith.constant 32 : index
      %swap3A_957 = tpu.vector_load %arg14[%swap3A_955, %swap3A_956] {strides = array<i32>} : memref<256x64xf32, #tpu.memory_space<vmem>>, vector<16xf32>,
      tpu.vector_store %arg14[%swap3A_955, %swap3A_956], %gather3A_954 {strides = array<i32>} : memref<256x64xf32, #tpu.memory_space<vmem>>, vector<16xf32>,
      %mul3A_958 = arith.constant 128 : i32
      %mul3A_959 = vector.broadcast %mul3A_958 : i32 to vector<16xi32>
      %mul3A_960 = arith.muli %add3A_17, %mul3A_959 : vector<16xi32>
      %add3A_961 = arith.addi %mul3A_960, %add3A_918 : vector<16xi32>
      %gather3A_962 = arith.constant 0 : i32
      %gather3A_963 = tpu.memref_reshape %arg8 : memref<64x128xf32, #tpu.memory_space<vmem>> -> memref<1x8192xf32, #tpu.memory_space<vmem>>
      %gather3A_964 = arith.constant 0 : i32
      %gather3A_965 = tpu.memref_slice %gather3A_963[%gather3A_962, %gather3A_964] : memref<1x8192xf32, #tpu.memory_space<vmem>> -> memref<1x8192xf32, #tpu.memory_space<vmem>>
      %gather3A_966 = tpu.memref_squeeze %gather3A_965 : memref<1x8192xf32, #tpu.memory_space<vmem>> -> memref<8192xf32, #tpu.memory_space<vmem>>
      %gather3A_967 = tpu.vector_load_idx %gather3A_966[%add3A_961] : memref<8192xf32, #tpu.memory_space<vmem>>[vector<16xi32>], vector<16xf32>,
      %swap3A_968 = arith.index_cast %add3A_911 : i32 to index
      %swap3A_969 = arith.constant 48 : index
      %swap3A_970 = tpu.vector_load %arg14[%swap3A_968, %swap3A_969] {strides = array<i32>} : memref<256x64xf32, #tpu.memory_space<vmem>>, vector<16xf32>,
      tpu.vector_store %arg14[%swap3A_968, %swap3A_969], %gather3A_967 {strides = array<i32>} : memref<256x64xf32, #tpu.memory_space<vmem>>, vector<16xf32>,
      %slice3A_971 = vector.extract_strided_slice %get3A_96 {offsets = [11], sizes = [1], strides = [1]} : vector<16xi32> to vector<1xi32>
      %squeeze3A_972 = vector.extract %slice3A_971[0] : i32 from vector<1xi32>
      %dma_wait3A_973 = arith.constant 0 : i32
      %dma_wait3A_974 = arith.constant 0 : i32
      %dma_wait3A_975 = tpu.memref_slice %arg3[%dma_wait3A_973, %dma_wait3A_974] : memref<64x1000000xf32, #tpu.memory_space<hbm>> -> memref<64x128xf32, #tpu.memory_space<hbm>>
      %dma_wait3A_976 = arith.constant 0 : i32
      %dma_wait3A_977 = arith.constant 0 : i32
      %dma_wait3A_978 = tpu.memref_slice %arg3[%dma_wait3A_976, %dma_wait3A_977] : memref<64x1000000xf32, #tpu.memory_space<hbm>> -> memref<64x128xf32, #tpu.memory_space<hbm>>
      tpu.wait_dma2 semaphore(%arg18 : memref<!tpu.dma_semaphore, #tpu.memory_space<semaphore_mem>>) src(%dma_wait3A_978 : memref<64x128xf32, #tpu.memory_space<hbm>>) dst(%arg9 : memref<64x128xf32, #tpu.memory_space<vmem>>)
      %add3A_979 = arith.constant 16 : i32
      %add3A_980 = arith.addi %mul3A_94, %add3A_979 : i32
      %add3A_981 = arith.constant 2 : i32
      %add3A_982 = arith.addi %add3A_980, %add3A_981 : i32
      %lt3A_983 = arith.constant 512 : i32
      %lt3A_984 = arith.cmpi slt, %add3A_982, %lt3A_983 : i32
      %convert_element_type3A_985 = arith.extui %lt3A_984 : i1 to i32
      %cond3A_986 = arith.constant 0 : i32
      %cond3A_987 = arith.cmpi ne, %convert_element_type3A_985, %cond3A_986 : i32
      scf.if %cond3A_987 {
        %add3A_1371 = arith.constant 16 : i32
        %add3A_1372 = arith.addi %mul3A_94, %add3A_1371 : i32
        %get3A_1373 = arith.index_cast %add3A_1372 : i32 to index
        %get3A_1374 = tpu.vector_load %arg5[%get3A_1373] {strides = array<i32>} : memref<512xi32, #tpu.memory_space<vmem>>, vector<16xi32>,
        %slice3A_1375 = vector.extract_strided_slice %get3A_1374 {offsets = [2], sizes = [1], strides = [1]} : vector<16xi32> to vector<1xi32>
        %squeeze3A_1376 = vector.extract %slice3A_1375[0] : i32 from vector<1xi32>
        %and3A_1377 = arith.constant -128 : i32
        %and3A_1378 = arith.andi %squeeze3A_1376, %and3A_1377 : i32
        %multiple_of3A_1379 = tpu.assume_multiple %and3A_1378, 128 : i32
        %dma_start3A_1380 = arith.constant 0 : i32
        %dma_start3A_1381 = tpu.memref_slice %arg3[%dma_start3A_1380, %multiple_of3A_1379] : memref<64x1000000xf32, #tpu.memory_space<hbm>> -> memref<64x128xf32, #tpu.memory_space<hbm>>
        %dma_start3A_1382 = arith.constant 0 : i32
        %dma_start3A_1383 = tpu.memref_slice %arg3[%dma_start3A_1382, %multiple_of3A_1379] : memref<64x1000000xf32, #tpu.memory_space<hbm>> -> memref<64x128xf32, #tpu.memory_space<hbm>>
        tpu.enqueue_dma source(%dma_start3A_1383 : memref<64x128xf32, #tpu.memory_space<hbm>>) target(%arg8 : memref<64x128xf32, #tpu.memory_space<vmem>>) target_semaphore(%arg17 : memref<!tpu.dma_semaphore, #tpu.memory_space<semaphore_mem>>)
      } else {
      }
      %mul3A_988 = arith.constant 16 : i32
      %mul3A_989 = arith.muli %mul3A_988, %scan3A_90 : i32
      %add3A_990 = arith.constant 11 : i32
      %add3A_991 = arith.addi %mul3A_989, %add3A_990 : i32
      %and3A_992 = arith.constant 0 : i32
      %and3A_993 = vector.broadcast %and3A_992 : i32 to vector<16xi32>
      %and3A_994 = arith.andi %add3A_5, %and3A_993 : vector<16xi32>
      %and3A_995 = arith.constant 127 : i32
      %and3A_996 = arith.andi %squeeze3A_972, %and3A_995 : i32
      %add3A_997 = vector.broadcast %and3A_996 : i32 to vector<16xi32>
      %add3A_998 = arith.addi %and3A_994, %add3A_997 : vector<16xi32>
      %mul3A_999 = arith.constant 128 : i32
      %mul3A_1000 = vector.broadcast %mul3A_999 : i32 to vector<16xi32>
      %mul3A_1001 = arith.muli %add3A_5, %mul3A_1000 : vector<16xi32>
      %add3A_1002 = arith.addi %mul3A_1001, %add3A_998 : vector<16xi32>
      %gather3A_1003 = arith.constant 0 : i32
      %gather3A_1004 = tpu.memref_reshape %arg9 : memref<64x128xf32, #tpu.memory_space<vmem>> -> memref<1x8192xf32, #tpu.memory_space<vmem>>
      %gather3A_1005 = arith.constant 0 : i32
      %gather3A_1006 = tpu.memref_slice %gather3A_1004[%gather3A_1003, %gather3A_1005] : memref<1x8192xf32, #tpu.memory_space<vmem>> -> memref<1x8192xf32, #tpu.memory_space<vmem>>
      %gather3A_1007 = tpu.memref_squeeze %gather3A_1006 : memref<1x8192xf32, #tpu.memory_space<vmem>> -> memref<8192xf32, #tpu.memory_space<vmem>>
      %gather3A_1008 = tpu.vector_load_idx %gather3A_1007[%add3A_1002] : memref<8192xf32, #tpu.memory_space<vmem>>[vector<16xi32>], vector<16xf32>,
      %swap3A_1009 = arith.index_cast %add3A_991 : i32 to index
      %swap3A_1010 = arith.constant 0 : index
      %swap3A_1011 = tpu.vector_load %arg14[%swap3A_1009, %swap3A_1010] {strides = array<i32>} : memref<256x64xf32, #tpu.memory_space<vmem>>, vector<16xf32>,
      tpu.vector_store %arg14[%swap3A_1009, %swap3A_1010], %gather3A_1008 {strides = array<i32>} : memref<256x64xf32, #tpu.memory_space<vmem>>, vector<16xf32>,
      %mul3A_1012 = arith.constant 128 : i32
      %mul3A_1013 = vector.broadcast %mul3A_1012 : i32 to vector<16xi32>
      %mul3A_1014 = arith.muli %add3A_9, %mul3A_1013 : vector<16xi32>
      %add3A_1015 = arith.addi %mul3A_1014, %add3A_998 : vector<16xi32>
      %gather3A_1016 = arith.constant 0 : i32
      %gather3A_1017 = tpu.memref_reshape %arg9 : memref<64x128xf32, #tpu.memory_space<vmem>> -> memref<1x8192xf32, #tpu.memory_space<vmem>>
      %gather3A_1018 = arith.constant 0 : i32
      %gather3A_1019 = tpu.memref_slice %gather3A_1017[%gather3A_1016, %gather3A_1018] : memref<1x8192xf32, #tpu.memory_space<vmem>> -> memref<1x8192xf32, #tpu.memory_space<vmem>>
      %gather3A_1020 = tpu.memref_squeeze %gather3A_1019 : memref<1x8192xf32, #tpu.memory_space<vmem>> -> memref<8192xf32, #tpu.memory_space<vmem>>
      %gather3A_1021 = tpu.vector_load_idx %gather3A_1020[%add3A_1015] : memref<8192xf32, #tpu.memory_space<vmem>>[vector<16xi32>], vector<16xf32>,
      %swap3A_1022 = arith.index_cast %add3A_991 : i32 to index
      %swap3A_1023 = arith.constant 16 : index
      %swap3A_1024 = tpu.vector_load %arg14[%swap3A_1022, %swap3A_1023] {strides = array<i32>} : memref<256x64xf32, #tpu.memory_space<vmem>>, vector<16xf32>,
      tpu.vector_store %arg14[%swap3A_1022, %swap3A_1023], %gather3A_1021 {strides = array<i32>} : memref<256x64xf32, #tpu.memory_space<vmem>>, vector<16xf32>,
      %mul3A_1025 = arith.constant 128 : i32
      %mul3A_1026 = vector.broadcast %mul3A_1025 : i32 to vector<16xi32>
      %mul3A_1027 = arith.muli %add3A_13, %mul3A_1026 : vector<16xi32>
      %add3A_1028 = arith.addi %mul3A_1027, %add3A_998 : vector<16xi32>
      %gather3A_1029 = arith.constant 0 : i32
      %gather3A_1030 = tpu.memref_reshape %arg9 : memref<64x128xf32, #tpu.memory_space<vmem>> -> memref<1x8192xf32, #tpu.memory_space<vmem>>
      %gather3A_1031 = arith.constant 0 : i32
      %gather3A_1032 = tpu.memref_slice %gather3A_1030[%gather3A_1029, %gather3A_1031] : memref<1x8192xf32, #tpu.memory_space<vmem>> -> memref<1x8192xf32, #tpu.memory_space<vmem>>
      %gather3A_1033 = tpu.memref_squeeze %gather3A_1032 : memref<1x8192xf32, #tpu.memory_space<vmem>> -> memref<8192xf32, #tpu.memory_space<vmem>>
      %gather3A_1034 = tpu.vector_load_idx %gather3A_1033[%add3A_1028] : memref<8192xf32, #tpu.memory_space<vmem>>[vector<16xi32>], vector<16xf32>,
      %swap3A_1035 = arith.index_cast %add3A_991 : i32 to index
      %swap3A_1036 = arith.constant 32 : index
      %swap3A_1037 = tpu.vector_load %arg14[%swap3A_1035, %swap3A_1036] {strides = array<i32>} : memref<256x64xf32, #tpu.memory_space<vmem>>, vector<16xf32>,
      tpu.vector_store %arg14[%swap3A_1035, %swap3A_1036], %gather3A_1034 {strides = array<i32>} : memref<256x64xf32, #tpu.memory_space<vmem>>, vector<16xf32>,
      %mul3A_1038 = arith.constant 128 : i32
      %mul3A_1039 = vector.broadcast %mul3A_1038 : i32 to vector<16xi32>
      %mul3A_1040 = arith.muli %add3A_17, %mul3A_1039 : vector<16xi32>
      %add3A_1041 = arith.addi %mul3A_1040, %add3A_998 : vector<16xi32>
      %gather3A_1042 = arith.constant 0 : i32
      %gather3A_1043 = tpu.memref_reshape %arg9 : memref<64x128xf32, #tpu.memory_space<vmem>> -> memref<1x8192xf32, #tpu.memory_space<vmem>>
      %gather3A_1044 = arith.constant 0 : i32
      %gather3A_1045 = tpu.memref_slice %gather3A_1043[%gather3A_1042, %gather3A_1044] : memref<1x8192xf32, #tpu.memory_space<vmem>> -> memref<1x8192xf32, #tpu.memory_space<vmem>>
      %gather3A_1046 = tpu.memref_squeeze %gather3A_1045 : memref<1x8192xf32, #tpu.memory_space<vmem>> -> memref<8192xf32, #tpu.memory_space<vmem>>
      %gather3A_1047 = tpu.vector_load_idx %gather3A_1046[%add3A_1041] : memref<8192xf32, #tpu.memory_space<vmem>>[vector<16xi32>], vector<16xf32>,
      %swap3A_1048 = arith.index_cast %add3A_991 : i32 to index
      %swap3A_1049 = arith.constant 48 : index
      %swap3A_1050 = tpu.vector_load %arg14[%swap3A_1048, %swap3A_1049] {strides = array<i32>} : memref<256x64xf32, #tpu.memory_space<vmem>>, vector<16xf32>,
      tpu.vector_store %arg14[%swap3A_1048, %swap3A_1049], %gather3A_1047 {strides = array<i32>} : memref<256x64xf32, #tpu.memory_space<vmem>>, vector<16xf32>,
      %slice3A_1051 = vector.extract_strided_slice %get3A_96 {offsets = [12], sizes = [1], strides = [1]} : vector<16xi32> to vector<1xi32>
      %squeeze3A_1052 = vector.extract %slice3A_1051[0] : i32 from vector<1xi32>
      %dma_wait3A_1053 = arith.constant 0 : i32
      %dma_wait3A_1054 = arith.constant 0 : i32
      %dma_wait3A_1055 = tpu.memref_slice %arg3[%dma_wait3A_1053, %dma_wait3A_1054] : memref<64x1000000xf32, #tpu.memory_space<hbm>> -> memref<64x128xf32, #tpu.memory_space<hbm>>
      %dma_wait3A_1056 = arith.constant 0 : i32
      %dma_wait3A_1057 = arith.constant 0 : i32
      %dma_wait3A_1058 = tpu.memref_slice %arg3[%dma_wait3A_1056, %dma_wait3A_1057] : memref<64x1000000xf32, #tpu.memory_space<hbm>> -> memref<64x128xf32, #tpu.memory_space<hbm>>
      tpu.wait_dma2 semaphore(%arg19 : memref<!tpu.dma_semaphore, #tpu.memory_space<semaphore_mem>>) src(%dma_wait3A_1058 : memref<64x128xf32, #tpu.memory_space<hbm>>) dst(%arg10 : memref<64x128xf32, #tpu.memory_space<vmem>>)
      %add3A_1059 = arith.constant 16 : i32
      %add3A_1060 = arith.addi %mul3A_94, %add3A_1059 : i32
      %add3A_1061 = arith.constant 3 : i32
      %add3A_1062 = arith.addi %add3A_1060, %add3A_1061 : i32
      %lt3A_1063 = arith.constant 512 : i32
      %lt3A_1064 = arith.cmpi slt, %add3A_1062, %lt3A_1063 : i32
      %convert_element_type3A_1065 = arith.extui %lt3A_1064 : i1 to i32
      %cond3A_1066 = arith.constant 0 : i32
      %cond3A_1067 = arith.cmpi ne, %convert_element_type3A_1065, %cond3A_1066 : i32
      scf.if %cond3A_1067 {
        %add3A_1371 = arith.constant 16 : i32
        %add3A_1372 = arith.addi %mul3A_94, %add3A_1371 : i32
        %get3A_1373 = arith.index_cast %add3A_1372 : i32 to index
        %get3A_1374 = tpu.vector_load %arg5[%get3A_1373] {strides = array<i32>} : memref<512xi32, #tpu.memory_space<vmem>>, vector<16xi32>,
        %slice3A_1375 = vector.extract_strided_slice %get3A_1374 {offsets = [3], sizes = [1], strides = [1]} : vector<16xi32> to vector<1xi32>
        %squeeze3A_1376 = vector.extract %slice3A_1375[0] : i32 from vector<1xi32>
        %and3A_1377 = arith.constant -128 : i32
        %and3A_1378 = arith.andi %squeeze3A_1376, %and3A_1377 : i32
        %multiple_of3A_1379 = tpu.assume_multiple %and3A_1378, 128 : i32
        %dma_start3A_1380 = arith.constant 0 : i32
        %dma_start3A_1381 = tpu.memref_slice %arg3[%dma_start3A_1380, %multiple_of3A_1379] : memref<64x1000000xf32, #tpu.memory_space<hbm>> -> memref<64x128xf32, #tpu.memory_space<hbm>>
        %dma_start3A_1382 = arith.constant 0 : i32
        %dma_start3A_1383 = tpu.memref_slice %arg3[%dma_start3A_1382, %multiple_of3A_1379] : memref<64x1000000xf32, #tpu.memory_space<hbm>> -> memref<64x128xf32, #tpu.memory_space<hbm>>
        tpu.enqueue_dma source(%dma_start3A_1383 : memref<64x128xf32, #tpu.memory_space<hbm>>) target(%arg9 : memref<64x128xf32, #tpu.memory_space<vmem>>) target_semaphore(%arg18 : memref<!tpu.dma_semaphore, #tpu.memory_space<semaphore_mem>>)
      } else {
      }
      %mul3A_1068 = arith.constant 16 : i32
      %mul3A_1069 = arith.muli %mul3A_1068, %scan3A_90 : i32
      %add3A_1070 = arith.constant 12 : i32
      %add3A_1071 = arith.addi %mul3A_1069, %add3A_1070 : i32
      %and3A_1072 = arith.constant 0 : i32
      %and3A_1073 = vector.broadcast %and3A_1072 : i32 to vector<16xi32>
      %and3A_1074 = arith.andi %add3A_5, %and3A_1073 : vector<16xi32>
      %and3A_1075 = arith.constant 127 : i32
      %and3A_1076 = arith.andi %squeeze3A_1052, %and3A_1075 : i32
      %add3A_1077 = vector.broadcast %and3A_1076 : i32 to vector<16xi32>
      %add3A_1078 = arith.addi %and3A_1074, %add3A_1077 : vector<16xi32>
      %mul3A_1079 = arith.constant 128 : i32
      %mul3A_1080 = vector.broadcast %mul3A_1079 : i32 to vector<16xi32>
      %mul3A_1081 = arith.muli %add3A_5, %mul3A_1080 : vector<16xi32>
      %add3A_1082 = arith.addi %mul3A_1081, %add3A_1078 : vector<16xi32>
      %gather3A_1083 = arith.constant 0 : i32
      %gather3A_1084 = tpu.memref_reshape %arg10 : memref<64x128xf32, #tpu.memory_space<vmem>> -> memref<1x8192xf32, #tpu.memory_space<vmem>>
      %gather3A_1085 = arith.constant 0 : i32
      %gather3A_1086 = tpu.memref_slice %gather3A_1084[%gather3A_1083, %gather3A_1085] : memref<1x8192xf32, #tpu.memory_space<vmem>> -> memref<1x8192xf32, #tpu.memory_space<vmem>>
      %gather3A_1087 = tpu.memref_squeeze %gather3A_1086 : memref<1x8192xf32, #tpu.memory_space<vmem>> -> memref<8192xf32, #tpu.memory_space<vmem>>
      %gather3A_1088 = tpu.vector_load_idx %gather3A_1087[%add3A_1082] : memref<8192xf32, #tpu.memory_space<vmem>>[vector<16xi32>], vector<16xf32>,
      %swap3A_1089 = arith.index_cast %add3A_1071 : i32 to index
      %swap3A_1090 = arith.constant 0 : index
      %swap3A_1091 = tpu.vector_load %arg14[%swap3A_1089, %swap3A_1090] {strides = array<i32>} : memref<256x64xf32, #tpu.memory_space<vmem>>, vector<16xf32>,
      tpu.vector_store %arg14[%swap3A_1089, %swap3A_1090], %gather3A_1088 {strides = array<i32>} : memref<256x64xf32, #tpu.memory_space<vmem>>, vector<16xf32>,
      %mul3A_1092 = arith.constant 128 : i32
      %mul3A_1093 = vector.broadcast %mul3A_1092 : i32 to vector<16xi32>
      %mul3A_1094 = arith.muli %add3A_9, %mul3A_1093 : vector<16xi32>
      %add3A_1095 = arith.addi %mul3A_1094, %add3A_1078 : vector<16xi32>
      %gather3A_1096 = arith.constant 0 : i32
      %gather3A_1097 = tpu.memref_reshape %arg10 : memref<64x128xf32, #tpu.memory_space<vmem>> -> memref<1x8192xf32, #tpu.memory_space<vmem>>
      %gather3A_1098 = arith.constant 0 : i32
      %gather3A_1099 = tpu.memref_slice %gather3A_1097[%gather3A_1096, %gather3A_1098] : memref<1x8192xf32, #tpu.memory_space<vmem>> -> memref<1x8192xf32, #tpu.memory_space<vmem>>
      %gather3A_1100 = tpu.memref_squeeze %gather3A_1099 : memref<1x8192xf32, #tpu.memory_space<vmem>> -> memref<8192xf32, #tpu.memory_space<vmem>>
      %gather3A_1101 = tpu.vector_load_idx %gather3A_1100[%add3A_1095] : memref<8192xf32, #tpu.memory_space<vmem>>[vector<16xi32>], vector<16xf32>,
      %swap3A_1102 = arith.index_cast %add3A_1071 : i32 to index
      %swap3A_1103 = arith.constant 16 : index
      %swap3A_1104 = tpu.vector_load %arg14[%swap3A_1102, %swap3A_1103] {strides = array<i32>} : memref<256x64xf32, #tpu.memory_space<vmem>>, vector<16xf32>,
      tpu.vector_store %arg14[%swap3A_1102, %swap3A_1103], %gather3A_1101 {strides = array<i32>} : memref<256x64xf32, #tpu.memory_space<vmem>>, vector<16xf32>,
      %mul3A_1105 = arith.constant 128 : i32
      %mul3A_1106 = vector.broadcast %mul3A_1105 : i32 to vector<16xi32>
      %mul3A_1107 = arith.muli %add3A_13, %mul3A_1106 : vector<16xi32>
      %add3A_1108 = arith.addi %mul3A_1107, %add3A_1078 : vector<16xi32>
      %gather3A_1109 = arith.constant 0 : i32
      %gather3A_1110 = tpu.memref_reshape %arg10 : memref<64x128xf32, #tpu.memory_space<vmem>> -> memref<1x8192xf32, #tpu.memory_space<vmem>>
      %gather3A_1111 = arith.constant 0 : i32
      %gather3A_1112 = tpu.memref_slice %gather3A_1110[%gather3A_1109, %gather3A_1111] : memref<1x8192xf32, #tpu.memory_space<vmem>> -> memref<1x8192xf32, #tpu.memory_space<vmem>>
      %gather3A_1113 = tpu.memref_squeeze %gather3A_1112 : memref<1x8192xf32, #tpu.memory_space<vmem>> -> memref<8192xf32, #tpu.memory_space<vmem>>
      %gather3A_1114 = tpu.vector_load_idx %gather3A_1113[%add3A_1108] : memref<8192xf32, #tpu.memory_space<vmem>>[vector<16xi32>], vector<16xf32>,
      %swap3A_1115 = arith.index_cast %add3A_1071 : i32 to index
      %swap3A_1116 = arith.constant 32 : index
      %swap3A_1117 = tpu.vector_load %arg14[%swap3A_1115, %swap3A_1116] {strides = array<i32>} : memref<256x64xf32, #tpu.memory_space<vmem>>, vector<16xf32>,
      tpu.vector_store %arg14[%swap3A_1115, %swap3A_1116], %gather3A_1114 {strides = array<i32>} : memref<256x64xf32, #tpu.memory_space<vmem>>, vector<16xf32>,
      %mul3A_1118 = arith.constant 128 : i32
      %mul3A_1119 = vector.broadcast %mul3A_1118 : i32 to vector<16xi32>
      %mul3A_1120 = arith.muli %add3A_17, %mul3A_1119 : vector<16xi32>
      %add3A_1121 = arith.addi %mul3A_1120, %add3A_1078 : vector<16xi32>
      %gather3A_1122 = arith.constant 0 : i32
      %gather3A_1123 = tpu.memref_reshape %arg10 : memref<64x128xf32, #tpu.memory_space<vmem>> -> memref<1x8192xf32, #tpu.memory_space<vmem>>
      %gather3A_1124 = arith.constant 0 : i32
      %gather3A_1125 = tpu.memref_slice %gather3A_1123[%gather3A_1122, %gather3A_1124] : memref<1x8192xf32, #tpu.memory_space<vmem>> -> memref<1x8192xf32, #tpu.memory_space<vmem>>
      %gather3A_1126 = tpu.memref_squeeze %gather3A_1125 : memref<1x8192xf32, #tpu.memory_space<vmem>> -> memref<8192xf32, #tpu.memory_space<vmem>>
      %gather3A_1127 = tpu.vector_load_idx %gather3A_1126[%add3A_1121] : memref<8192xf32, #tpu.memory_space<vmem>>[vector<16xi32>], vector<16xf32>,
      %swap3A_1128 = arith.index_cast %add3A_1071 : i32 to index
      %swap3A_1129 = arith.constant 48 : index
      %swap3A_1130 = tpu.vector_load %arg14[%swap3A_1128, %swap3A_1129] {strides = array<i32>} : memref<256x64xf32, #tpu.memory_space<vmem>>, vector<16xf32>,
      tpu.vector_store %arg14[%swap3A_1128, %swap3A_1129], %gather3A_1127 {strides = array<i32>} : memref<256x64xf32, #tpu.memory_space<vmem>>, vector<16xf32>,
      %slice3A_1131 = vector.extract_strided_slice %get3A_96 {offsets = [13], sizes = [1], strides = [1]} : vector<16xi32> to vector<1xi32>
      %squeeze3A_1132 = vector.extract %slice3A_1131[0] : i32 from vector<1xi32>
      %dma_wait3A_1133 = arith.constant 0 : i32
      %dma_wait3A_1134 = arith.constant 0 : i32
      %dma_wait3A_1135 = tpu.memref_slice %arg3[%dma_wait3A_1133, %dma_wait3A_1134] : memref<64x1000000xf32, #tpu.memory_space<hbm>> -> memref<64x128xf32, #tpu.memory_space<hbm>>
      %dma_wait3A_1136 = arith.constant 0 : i32
      %dma_wait3A_1137 = arith.constant 0 : i32
      %dma_wait3A_1138 = tpu.memref_slice %arg3[%dma_wait3A_1136, %dma_wait3A_1137] : memref<64x1000000xf32, #tpu.memory_space<hbm>> -> memref<64x128xf32, #tpu.memory_space<hbm>>
      tpu.wait_dma2 semaphore(%arg20 : memref<!tpu.dma_semaphore, #tpu.memory_space<semaphore_mem>>) src(%dma_wait3A_1138 : memref<64x128xf32, #tpu.memory_space<hbm>>) dst(%arg11 : memref<64x128xf32, #tpu.memory_space<vmem>>)
      %add3A_1139 = arith.constant 16 : i32
      %add3A_1140 = arith.addi %mul3A_94, %add3A_1139 : i32
      %add3A_1141 = arith.constant 4 : i32
      %add3A_1142 = arith.addi %add3A_1140, %add3A_1141 : i32
      %lt3A_1143 = arith.constant 512 : i32
      %lt3A_1144 = arith.cmpi slt, %add3A_1142, %lt3A_1143 : i32
      %convert_element_type3A_1145 = arith.extui %lt3A_1144 : i1 to i32
      %cond3A_1146 = arith.constant 0 : i32
      %cond3A_1147 = arith.cmpi ne, %convert_element_type3A_1145, %cond3A_1146 : i32
      scf.if %cond3A_1147 {
        %add3A_1371 = arith.constant 16 : i32
        %add3A_1372 = arith.addi %mul3A_94, %add3A_1371 : i32
        %get3A_1373 = arith.index_cast %add3A_1372 : i32 to index
        %get3A_1374 = tpu.vector_load %arg5[%get3A_1373] {strides = array<i32>} : memref<512xi32, #tpu.memory_space<vmem>>, vector<16xi32>,
        %slice3A_1375 = vector.extract_strided_slice %get3A_1374 {offsets = [4], sizes = [1], strides = [1]} : vector<16xi32> to vector<1xi32>
        %squeeze3A_1376 = vector.extract %slice3A_1375[0] : i32 from vector<1xi32>
        %and3A_1377 = arith.constant -128 : i32
        %and3A_1378 = arith.andi %squeeze3A_1376, %and3A_1377 : i32
        %multiple_of3A_1379 = tpu.assume_multiple %and3A_1378, 128 : i32
        %dma_start3A_1380 = arith.constant 0 : i32
        %dma_start3A_1381 = tpu.memref_slice %arg3[%dma_start3A_1380, %multiple_of3A_1379] : memref<64x1000000xf32, #tpu.memory_space<hbm>> -> memref<64x128xf32, #tpu.memory_space<hbm>>
        %dma_start3A_1382 = arith.constant 0 : i32
        %dma_start3A_1383 = tpu.memref_slice %arg3[%dma_start3A_1382, %multiple_of3A_1379] : memref<64x1000000xf32, #tpu.memory_space<hbm>> -> memref<64x128xf32, #tpu.memory_space<hbm>>
        tpu.enqueue_dma source(%dma_start3A_1383 : memref<64x128xf32, #tpu.memory_space<hbm>>) target(%arg10 : memref<64x128xf32, #tpu.memory_space<vmem>>) target_semaphore(%arg19 : memref<!tpu.dma_semaphore, #tpu.memory_space<semaphore_mem>>)
      } else {
      }
      %mul3A_1148 = arith.constant 16 : i32
      %mul3A_1149 = arith.muli %mul3A_1148, %scan3A_90 : i32
      %add3A_1150 = arith.constant 13 : i32
      %add3A_1151 = arith.addi %mul3A_1149, %add3A_1150 : i32
      %and3A_1152 = arith.constant 0 : i32
      %and3A_1153 = vector.broadcast %and3A_1152 : i32 to vector<16xi32>
      %and3A_1154 = arith.andi %add3A_5, %and3A_1153 : vector<16xi32>
      %and3A_1155 = arith.constant 127 : i32
      %and3A_1156 = arith.andi %squeeze3A_1132, %and3A_1155 : i32
      %add3A_1157 = vector.broadcast %and3A_1156 : i32 to vector<16xi32>
      %add3A_1158 = arith.addi %and3A_1154, %add3A_1157 : vector<16xi32>
      %mul3A_1159 = arith.constant 128 : i32
      %mul3A_1160 = vector.broadcast %mul3A_1159 : i32 to vector<16xi32>
      %mul3A_1161 = arith.muli %add3A_5, %mul3A_1160 : vector<16xi32>
      %add3A_1162 = arith.addi %mul3A_1161, %add3A_1158 : vector<16xi32>
      %gather3A_1163 = arith.constant 0 : i32
      %gather3A_1164 = tpu.memref_reshape %arg11 : memref<64x128xf32, #tpu.memory_space<vmem>> -> memref<1x8192xf32, #tpu.memory_space<vmem>>
      %gather3A_1165 = arith.constant 0 : i32
      %gather3A_1166 = tpu.memref_slice %gather3A_1164[%gather3A_1163, %gather3A_1165] : memref<1x8192xf32, #tpu.memory_space<vmem>> -> memref<1x8192xf32, #tpu.memory_space<vmem>>
      %gather3A_1167 = tpu.memref_squeeze %gather3A_1166 : memref<1x8192xf32, #tpu.memory_space<vmem>> -> memref<8192xf32, #tpu.memory_space<vmem>>
      %gather3A_1168 = tpu.vector_load_idx %gather3A_1167[%add3A_1162] : memref<8192xf32, #tpu.memory_space<vmem>>[vector<16xi32>], vector<16xf32>,
      %swap3A_1169 = arith.index_cast %add3A_1151 : i32 to index
      %swap3A_1170 = arith.constant 0 : index
      %swap3A_1171 = tpu.vector_load %arg14[%swap3A_1169, %swap3A_1170] {strides = array<i32>} : memref<256x64xf32, #tpu.memory_space<vmem>>, vector<16xf32>,
      tpu.vector_store %arg14[%swap3A_1169, %swap3A_1170], %gather3A_1168 {strides = array<i32>} : memref<256x64xf32, #tpu.memory_space<vmem>>, vector<16xf32>,
      %mul3A_1172 = arith.constant 128 : i32
      %mul3A_1173 = vector.broadcast %mul3A_1172 : i32 to vector<16xi32>
      %mul3A_1174 = arith.muli %add3A_9, %mul3A_1173 : vector<16xi32>
      %add3A_1175 = arith.addi %mul3A_1174, %add3A_1158 : vector<16xi32>
      %gather3A_1176 = arith.constant 0 : i32
      %gather3A_1177 = tpu.memref_reshape %arg11 : memref<64x128xf32, #tpu.memory_space<vmem>> -> memref<1x8192xf32, #tpu.memory_space<vmem>>
      %gather3A_1178 = arith.constant 0 : i32
      %gather3A_1179 = tpu.memref_slice %gather3A_1177[%gather3A_1176, %gather3A_1178] : memref<1x8192xf32, #tpu.memory_space<vmem>> -> memref<1x8192xf32, #tpu.memory_space<vmem>>
      %gather3A_1180 = tpu.memref_squeeze %gather3A_1179 : memref<1x8192xf32, #tpu.memory_space<vmem>> -> memref<8192xf32, #tpu.memory_space<vmem>>
      %gather3A_1181 = tpu.vector_load_idx %gather3A_1180[%add3A_1175] : memref<8192xf32, #tpu.memory_space<vmem>>[vector<16xi32>], vector<16xf32>,
      %swap3A_1182 = arith.index_cast %add3A_1151 : i32 to index
      %swap3A_1183 = arith.constant 16 : index
      %swap3A_1184 = tpu.vector_load %arg14[%swap3A_1182, %swap3A_1183] {strides = array<i32>} : memref<256x64xf32, #tpu.memory_space<vmem>>, vector<16xf32>,
      tpu.vector_store %arg14[%swap3A_1182, %swap3A_1183], %gather3A_1181 {strides = array<i32>} : memref<256x64xf32, #tpu.memory_space<vmem>>, vector<16xf32>,
      %mul3A_1185 = arith.constant 128 : i32
      %mul3A_1186 = vector.broadcast %mul3A_1185 : i32 to vector<16xi32>
      %mul3A_1187 = arith.muli %add3A_13, %mul3A_1186 : vector<16xi32>
      %add3A_1188 = arith.addi %mul3A_1187, %add3A_1158 : vector<16xi32>
      %gather3A_1189 = arith.constant 0 : i32
      %gather3A_1190 = tpu.memref_reshape %arg11 : memref<64x128xf32, #tpu.memory_space<vmem>> -> memref<1x8192xf32, #tpu.memory_space<vmem>>
      %gather3A_1191 = arith.constant 0 : i32
      %gather3A_1192 = tpu.memref_slice %gather3A_1190[%gather3A_1189, %gather3A_1191] : memref<1x8192xf32, #tpu.memory_space<vmem>> -> memref<1x8192xf32, #tpu.memory_space<vmem>>
      %gather3A_1193 = tpu.memref_squeeze %gather3A_1192 : memref<1x8192xf32, #tpu.memory_space<vmem>> -> memref<8192xf32, #tpu.memory_space<vmem>>
      %gather3A_1194 = tpu.vector_load_idx %gather3A_1193[%add3A_1188] : memref<8192xf32, #tpu.memory_space<vmem>>[vector<16xi32>], vector<16xf32>,
      %swap3A_1195 = arith.index_cast %add3A_1151 : i32 to index
      %swap3A_1196 = arith.constant 32 : index
      %swap3A_1197 = tpu.vector_load %arg14[%swap3A_1195, %swap3A_1196] {strides = array<i32>} : memref<256x64xf32, #tpu.memory_space<vmem>>, vector<16xf32>,
      tpu.vector_store %arg14[%swap3A_1195, %swap3A_1196], %gather3A_1194 {strides = array<i32>} : memref<256x64xf32, #tpu.memory_space<vmem>>, vector<16xf32>,
      %mul3A_1198 = arith.constant 128 : i32
      %mul3A_1199 = vector.broadcast %mul3A_1198 : i32 to vector<16xi32>
      %mul3A_1200 = arith.muli %add3A_17, %mul3A_1199 : vector<16xi32>
      %add3A_1201 = arith.addi %mul3A_1200, %add3A_1158 : vector<16xi32>
      %gather3A_1202 = arith.constant 0 : i32
      %gather3A_1203 = tpu.memref_reshape %arg11 : memref<64x128xf32, #tpu.memory_space<vmem>> -> memref<1x8192xf32, #tpu.memory_space<vmem>>
      %gather3A_1204 = arith.constant 0 : i32
      %gather3A_1205 = tpu.memref_slice %gather3A_1203[%gather3A_1202, %gather3A_1204] : memref<1x8192xf32, #tpu.memory_space<vmem>> -> memref<1x8192xf32, #tpu.memory_space<vmem>>
      %gather3A_1206 = tpu.memref_squeeze %gather3A_1205 : memref<1x8192xf32, #tpu.memory_space<vmem>> -> memref<8192xf32, #tpu.memory_space<vmem>>
      %gather3A_1207 = tpu.vector_load_idx %gather3A_1206[%add3A_1201] : memref<8192xf32, #tpu.memory_space<vmem>>[vector<16xi32>], vector<16xf32>,
      %swap3A_1208 = arith.index_cast %add3A_1151 : i32 to index
      %swap3A_1209 = arith.constant 48 : index
      %swap3A_1210 = tpu.vector_load %arg14[%swap3A_1208, %swap3A_1209] {strides = array<i32>} : memref<256x64xf32, #tpu.memory_space<vmem>>, vector<16xf32>,
      tpu.vector_store %arg14[%swap3A_1208, %swap3A_1209], %gather3A_1207 {strides = array<i32>} : memref<256x64xf32, #tpu.memory_space<vmem>>, vector<16xf32>,
      %slice3A_1211 = vector.extract_strided_slice %get3A_96 {offsets = [14], sizes = [1], strides = [1]} : vector<16xi32> to vector<1xi32>
      %squeeze3A_1212 = vector.extract %slice3A_1211[0] : i32 from vector<1xi32>
      %dma_wait3A_1213 = arith.constant 0 : i32
      %dma_wait3A_1214 = arith.constant 0 : i32
      %dma_wait3A_1215 = tpu.memref_slice %arg3[%dma_wait3A_1213, %dma_wait3A_1214] : memref<64x1000000xf32, #tpu.memory_space<hbm>> -> memref<64x128xf32, #tpu.memory_space<hbm>>
      %dma_wait3A_1216 = arith.constant 0 : i32
      %dma_wait3A_1217 = arith.constant 0 : i32
      %dma_wait3A_1218 = tpu.memref_slice %arg3[%dma_wait3A_1216, %dma_wait3A_1217] : memref<64x1000000xf32, #tpu.memory_space<hbm>> -> memref<64x128xf32, #tpu.memory_space<hbm>>
      tpu.wait_dma2 semaphore(%arg21 : memref<!tpu.dma_semaphore, #tpu.memory_space<semaphore_mem>>) src(%dma_wait3A_1218 : memref<64x128xf32, #tpu.memory_space<hbm>>) dst(%arg12 : memref<64x128xf32, #tpu.memory_space<vmem>>)
      %add3A_1219 = arith.constant 16 : i32
      %add3A_1220 = arith.addi %mul3A_94, %add3A_1219 : i32
      %add3A_1221 = arith.constant 5 : i32
      %add3A_1222 = arith.addi %add3A_1220, %add3A_1221 : i32
      %lt3A_1223 = arith.constant 512 : i32
      %lt3A_1224 = arith.cmpi slt, %add3A_1222, %lt3A_1223 : i32
      %convert_element_type3A_1225 = arith.extui %lt3A_1224 : i1 to i32
      %cond3A_1226 = arith.constant 0 : i32
      %cond3A_1227 = arith.cmpi ne, %convert_element_type3A_1225, %cond3A_1226 : i32
      scf.if %cond3A_1227 {
        %add3A_1371 = arith.constant 16 : i32
        %add3A_1372 = arith.addi %mul3A_94, %add3A_1371 : i32
        %get3A_1373 = arith.index_cast %add3A_1372 : i32 to index
        %get3A_1374 = tpu.vector_load %arg5[%get3A_1373] {strides = array<i32>} : memref<512xi32, #tpu.memory_space<vmem>>, vector<16xi32>,
        %slice3A_1375 = vector.extract_strided_slice %get3A_1374 {offsets = [5], sizes = [1], strides = [1]} : vector<16xi32> to vector<1xi32>
        %squeeze3A_1376 = vector.extract %slice3A_1375[0] : i32 from vector<1xi32>
        %and3A_1377 = arith.constant -128 : i32
        %and3A_1378 = arith.andi %squeeze3A_1376, %and3A_1377 : i32
        %multiple_of3A_1379 = tpu.assume_multiple %and3A_1378, 128 : i32
        %dma_start3A_1380 = arith.constant 0 : i32
        %dma_start3A_1381 = tpu.memref_slice %arg3[%dma_start3A_1380, %multiple_of3A_1379] : memref<64x1000000xf32, #tpu.memory_space<hbm>> -> memref<64x128xf32, #tpu.memory_space<hbm>>
        %dma_start3A_1382 = arith.constant 0 : i32
        %dma_start3A_1383 = tpu.memref_slice %arg3[%dma_start3A_1382, %multiple_of3A_1379] : memref<64x1000000xf32, #tpu.memory_space<hbm>> -> memref<64x128xf32, #tpu.memory_space<hbm>>
        tpu.enqueue_dma source(%dma_start3A_1383 : memref<64x128xf32, #tpu.memory_space<hbm>>) target(%arg11 : memref<64x128xf32, #tpu.memory_space<vmem>>) target_semaphore(%arg20 : memref<!tpu.dma_semaphore, #tpu.memory_space<semaphore_mem>>)
      } else {
      }
      %mul3A_1228 = arith.constant 16 : i32
      %mul3A_1229 = arith.muli %mul3A_1228, %scan3A_90 : i32
      %add3A_1230 = arith.constant 14 : i32
      %add3A_1231 = arith.addi %mul3A_1229, %add3A_1230 : i32
      %and3A_1232 = arith.constant 0 : i32
      %and3A_1233 = vector.broadcast %and3A_1232 : i32 to vector<16xi32>
      %and3A_1234 = arith.andi %add3A_5, %and3A_1233 : vector<16xi32>
      %and3A_1235 = arith.constant 127 : i32
      %and3A_1236 = arith.andi %squeeze3A_1212, %and3A_1235 : i32
      %add3A_1237 = vector.broadcast %and3A_1236 : i32 to vector<16xi32>
      %add3A_1238 = arith.addi %and3A_1234, %add3A_1237 : vector<16xi32>
      %mul3A_1239 = arith.constant 128 : i32
      %mul3A_1240 = vector.broadcast %mul3A_1239 : i32 to vector<16xi32>
      %mul3A_1241 = arith.muli %add3A_5, %mul3A_1240 : vector<16xi32>
      %add3A_1242 = arith.addi %mul3A_1241, %add3A_1238 : vector<16xi32>
      %gather3A_1243 = arith.constant 0 : i32
      %gather3A_1244 = tpu.memref_reshape %arg12 : memref<64x128xf32, #tpu.memory_space<vmem>> -> memref<1x8192xf32, #tpu.memory_space<vmem>>
      %gather3A_1245 = arith.constant 0 : i32
      %gather3A_1246 = tpu.memref_slice %gather3A_1244[%gather3A_1243, %gather3A_1245] : memref<1x8192xf32, #tpu.memory_space<vmem>> -> memref<1x8192xf32, #tpu.memory_space<vmem>>
      %gather3A_1247 = tpu.memref_squeeze %gather3A_1246 : memref<1x8192xf32, #tpu.memory_space<vmem>> -> memref<8192xf32, #tpu.memory_space<vmem>>
      %gather3A_1248 = tpu.vector_load_idx %gather3A_1247[%add3A_1242] : memref<8192xf32, #tpu.memory_space<vmem>>[vector<16xi32>], vector<16xf32>,
      %swap3A_1249 = arith.index_cast %add3A_1231 : i32 to index
      %swap3A_1250 = arith.constant 0 : index
      %swap3A_1251 = tpu.vector_load %arg14[%swap3A_1249, %swap3A_1250] {strides = array<i32>} : memref<256x64xf32, #tpu.memory_space<vmem>>, vector<16xf32>,
      tpu.vector_store %arg14[%swap3A_1249, %swap3A_1250], %gather3A_1248 {strides = array<i32>} : memref<256x64xf32, #tpu.memory_space<vmem>>, vector<16xf32>,
      %mul3A_1252 = arith.constant 128 : i32
      %mul3A_1253 = vector.broadcast %mul3A_1252 : i32 to vector<16xi32>
      %mul3A_1254 = arith.muli %add3A_9, %mul3A_1253 : vector<16xi32>
      %add3A_1255 = arith.addi %mul3A_1254, %add3A_1238 : vector<16xi32>
      %gather3A_1256 = arith.constant 0 : i32
      %gather3A_1257 = tpu.memref_reshape %arg12 : memref<64x128xf32, #tpu.memory_space<vmem>> -> memref<1x8192xf32, #tpu.memory_space<vmem>>
      %gather3A_1258 = arith.constant 0 : i32
      %gather3A_1259 = tpu.memref_slice %gather3A_1257[%gather3A_1256, %gather3A_1258] : memref<1x8192xf32, #tpu.memory_space<vmem>> -> memref<1x8192xf32, #tpu.memory_space<vmem>>
      %gather3A_1260 = tpu.memref_squeeze %gather3A_1259 : memref<1x8192xf32, #tpu.memory_space<vmem>> -> memref<8192xf32, #tpu.memory_space<vmem>>
      %gather3A_1261 = tpu.vector_load_idx %gather3A_1260[%add3A_1255] : memref<8192xf32, #tpu.memory_space<vmem>>[vector<16xi32>], vector<16xf32>,
      %swap3A_1262 = arith.index_cast %add3A_1231 : i32 to index
      %swap3A_1263 = arith.constant 16 : index
      %swap3A_1264 = tpu.vector_load %arg14[%swap3A_1262, %swap3A_1263] {strides = array<i32>} : memref<256x64xf32, #tpu.memory_space<vmem>>, vector<16xf32>,
      tpu.vector_store %arg14[%swap3A_1262, %swap3A_1263], %gather3A_1261 {strides = array<i32>} : memref<256x64xf32, #tpu.memory_space<vmem>>, vector<16xf32>,
      %mul3A_1265 = arith.constant 128 : i32
      %mul3A_1266 = vector.broadcast %mul3A_1265 : i32 to vector<16xi32>
      %mul3A_1267 = arith.muli %add3A_13, %mul3A_1266 : vector<16xi32>
      %add3A_1268 = arith.addi %mul3A_1267, %add3A_1238 : vector<16xi32>
      %gather3A_1269 = arith.constant 0 : i32
      %gather3A_1270 = tpu.memref_reshape %arg12 : memref<64x128xf32, #tpu.memory_space<vmem>> -> memref<1x8192xf32, #tpu.memory_space<vmem>>
      %gather3A_1271 = arith.constant 0 : i32
      %gather3A_1272 = tpu.memref_slice %gather3A_1270[%gather3A_1269, %gather3A_1271] : memref<1x8192xf32, #tpu.memory_space<vmem>> -> memref<1x8192xf32, #tpu.memory_space<vmem>>
      %gather3A_1273 = tpu.memref_squeeze %gather3A_1272 : memref<1x8192xf32, #tpu.memory_space<vmem>> -> memref<8192xf32, #tpu.memory_space<vmem>>
      %gather3A_1274 = tpu.vector_load_idx %gather3A_1273[%add3A_1268] : memref<8192xf32, #tpu.memory_space<vmem>>[vector<16xi32>], vector<16xf32>,
      %swap3A_1275 = arith.index_cast %add3A_1231 : i32 to index
      %swap3A_1276 = arith.constant 32 : index
      %swap3A_1277 = tpu.vector_load %arg14[%swap3A_1275, %swap3A_1276] {strides = array<i32>} : memref<256x64xf32, #tpu.memory_space<vmem>>, vector<16xf32>,
      tpu.vector_store %arg14[%swap3A_1275, %swap3A_1276], %gather3A_1274 {strides = array<i32>} : memref<256x64xf32, #tpu.memory_space<vmem>>, vector<16xf32>,
      %mul3A_1278 = arith.constant 128 : i32
      %mul3A_1279 = vector.broadcast %mul3A_1278 : i32 to vector<16xi32>
      %mul3A_1280 = arith.muli %add3A_17, %mul3A_1279 : vector<16xi32>
      %add3A_1281 = arith.addi %mul3A_1280, %add3A_1238 : vector<16xi32>
      %gather3A_1282 = arith.constant 0 : i32
      %gather3A_1283 = tpu.memref_reshape %arg12 : memref<64x128xf32, #tpu.memory_space<vmem>> -> memref<1x8192xf32, #tpu.memory_space<vmem>>
      %gather3A_1284 = arith.constant 0 : i32
      %gather3A_1285 = tpu.memref_slice %gather3A_1283[%gather3A_1282, %gather3A_1284] : memref<1x8192xf32, #tpu.memory_space<vmem>> -> memref<1x8192xf32, #tpu.memory_space<vmem>>
      %gather3A_1286 = tpu.memref_squeeze %gather3A_1285 : memref<1x8192xf32, #tpu.memory_space<vmem>> -> memref<8192xf32, #tpu.memory_space<vmem>>
      %gather3A_1287 = tpu.vector_load_idx %gather3A_1286[%add3A_1281] : memref<8192xf32, #tpu.memory_space<vmem>>[vector<16xi32>], vector<16xf32>,
      %swap3A_1288 = arith.index_cast %add3A_1231 : i32 to index
      %swap3A_1289 = arith.constant 48 : index
      %swap3A_1290 = tpu.vector_load %arg14[%swap3A_1288, %swap3A_1289] {strides = array<i32>} : memref<256x64xf32, #tpu.memory_space<vmem>>, vector<16xf32>,
      tpu.vector_store %arg14[%swap3A_1288, %swap3A_1289], %gather3A_1287 {strides = array<i32>} : memref<256x64xf32, #tpu.memory_space<vmem>>, vector<16xf32>,
      %slice3A_1291 = vector.extract_strided_slice %get3A_96 {offsets = [15], sizes = [1], strides = [1]} : vector<16xi32> to vector<1xi32>
      %squeeze3A_1292 = vector.extract %slice3A_1291[0] : i32 from vector<1xi32>
      %dma_wait3A_1293 = arith.constant 0 : i32
      %dma_wait3A_1294 = arith.constant 0 : i32
      %dma_wait3A_1295 = tpu.memref_slice %arg3[%dma_wait3A_1293, %dma_wait3A_1294] : memref<64x1000000xf32, #tpu.memory_space<hbm>> -> memref<64x128xf32, #tpu.memory_space<hbm>>
      %dma_wait3A_1296 = arith.constant 0 : i32
      %dma_wait3A_1297 = arith.constant 0 : i32
      %dma_wait3A_1298 = tpu.memref_slice %arg3[%dma_wait3A_1296, %dma_wait3A_1297] : memref<64x1000000xf32, #tpu.memory_space<hbm>> -> memref<64x128xf32, #tpu.memory_space<hbm>>
      tpu.wait_dma2 semaphore(%arg22 : memref<!tpu.dma_semaphore, #tpu.memory_space<semaphore_mem>>) src(%dma_wait3A_1298 : memref<64x128xf32, #tpu.memory_space<hbm>>) dst(%arg13 : memref<64x128xf32, #tpu.memory_space<vmem>>)
      %add3A_1299 = arith.constant 16 : i32
      %add3A_1300 = arith.addi %mul3A_94, %add3A_1299 : i32
      %add3A_1301 = arith.constant 6 : i32
      %add3A_1302 = arith.addi %add3A_1300, %add3A_1301 : i32
      %lt3A_1303 = arith.constant 512 : i32
      %lt3A_1304 = arith.cmpi slt, %add3A_1302, %lt3A_1303 : i32
      %convert_element_type3A_1305 = arith.extui %lt3A_1304 : i1 to i32
      %cond3A_1306 = arith.constant 0 : i32
      %cond3A_1307 = arith.cmpi ne, %convert_element_type3A_1305, %cond3A_1306 : i32
      scf.if %cond3A_1307 {
        %add3A_1371 = arith.constant 16 : i32
        %add3A_1372 = arith.addi %mul3A_94, %add3A_1371 : i32
        %get3A_1373 = arith.index_cast %add3A_1372 : i32 to index
        %get3A_1374 = tpu.vector_load %arg5[%get3A_1373] {strides = array<i32>} : memref<512xi32, #tpu.memory_space<vmem>>, vector<16xi32>,
        %slice3A_1375 = vector.extract_strided_slice %get3A_1374 {offsets = [6], sizes = [1], strides = [1]} : vector<16xi32> to vector<1xi32>
        %squeeze3A_1376 = vector.extract %slice3A_1375[0] : i32 from vector<1xi32>
        %and3A_1377 = arith.constant -128 : i32
        %and3A_1378 = arith.andi %squeeze3A_1376, %and3A_1377 : i32
        %multiple_of3A_1379 = tpu.assume_multiple %and3A_1378, 128 : i32
        %dma_start3A_1380 = arith.constant 0 : i32
        %dma_start3A_1381 = tpu.memref_slice %arg3[%dma_start3A_1380, %multiple_of3A_1379] : memref<64x1000000xf32, #tpu.memory_space<hbm>> -> memref<64x128xf32, #tpu.memory_space<hbm>>
        %dma_start3A_1382 = arith.constant 0 : i32
        %dma_start3A_1383 = tpu.memref_slice %arg3[%dma_start3A_1382, %multiple_of3A_1379] : memref<64x1000000xf32, #tpu.memory_space<hbm>> -> memref<64x128xf32, #tpu.memory_space<hbm>>
        tpu.enqueue_dma source(%dma_start3A_1383 : memref<64x128xf32, #tpu.memory_space<hbm>>) target(%arg12 : memref<64x128xf32, #tpu.memory_space<vmem>>) target_semaphore(%arg21 : memref<!tpu.dma_semaphore, #tpu.memory_space<semaphore_mem>>)
      } else {
      }
      %mul3A_1308 = arith.constant 16 : i32
      %mul3A_1309 = arith.muli %mul3A_1308, %scan3A_90 : i32
      %add3A_1310 = arith.constant 15 : i32
      %add3A_1311 = arith.addi %mul3A_1309, %add3A_1310 : i32
      %and3A_1312 = arith.constant 0 : i32
      %and3A_1313 = vector.broadcast %and3A_1312 : i32 to vector<16xi32>
      %and3A_1314 = arith.andi %add3A_5, %and3A_1313 : vector<16xi32>
      %and3A_1315 = arith.constant 127 : i32
      %and3A_1316 = arith.andi %squeeze3A_1292, %and3A_1315 : i32
      %add3A_1317 = vector.broadcast %and3A_1316 : i32 to vector<16xi32>
      %add3A_1318 = arith.addi %and3A_1314, %add3A_1317 : vector<16xi32>
      %mul3A_1319 = arith.constant 128 : i32
      %mul3A_1320 = vector.broadcast %mul3A_1319 : i32 to vector<16xi32>
      %mul3A_1321 = arith.muli %add3A_5, %mul3A_1320 : vector<16xi32>
      %add3A_1322 = arith.addi %mul3A_1321, %add3A_1318 : vector<16xi32>
      %gather3A_1323 = arith.constant 0 : i32
      %gather3A_1324 = tpu.memref_reshape %arg13 : memref<64x128xf32, #tpu.memory_space<vmem>> -> memref<1x8192xf32, #tpu.memory_space<vmem>>
      %gather3A_1325 = arith.constant 0 : i32
      %gather3A_1326 = tpu.memref_slice %gather3A_1324[%gather3A_1323, %gather3A_1325] : memref<1x8192xf32, #tpu.memory_space<vmem>> -> memref<1x8192xf32, #tpu.memory_space<vmem>>
      %gather3A_1327 = tpu.memref_squeeze %gather3A_1326 : memref<1x8192xf32, #tpu.memory_space<vmem>> -> memref<8192xf32, #tpu.memory_space<vmem>>
      %gather3A_1328 = tpu.vector_load_idx %gather3A_1327[%add3A_1322] : memref<8192xf32, #tpu.memory_space<vmem>>[vector<16xi32>], vector<16xf32>,
      %swap3A_1329 = arith.index_cast %add3A_1311 : i32 to index
      %swap3A_1330 = arith.constant 0 : index
      %swap3A_1331 = tpu.vector_load %arg14[%swap3A_1329, %swap3A_1330] {strides = array<i32>} : memref<256x64xf32, #tpu.memory_space<vmem>>, vector<16xf32>,
      tpu.vector_store %arg14[%swap3A_1329, %swap3A_1330], %gather3A_1328 {strides = array<i32>} : memref<256x64xf32, #tpu.memory_space<vmem>>, vector<16xf32>,
      %mul3A_1332 = arith.constant 128 : i32
      %mul3A_1333 = vector.broadcast %mul3A_1332 : i32 to vector<16xi32>
      %mul3A_1334 = arith.muli %add3A_9, %mul3A_1333 : vector<16xi32>
      %add3A_1335 = arith.addi %mul3A_1334, %add3A_1318 : vector<16xi32>
      %gather3A_1336 = arith.constant 0 : i32
      %gather3A_1337 = tpu.memref_reshape %arg13 : memref<64x128xf32, #tpu.memory_space<vmem>> -> memref<1x8192xf32, #tpu.memory_space<vmem>>
      %gather3A_1338 = arith.constant 0 : i32
      %gather3A_1339 = tpu.memref_slice %gather3A_1337[%gather3A_1336, %gather3A_1338] : memref<1x8192xf32, #tpu.memory_space<vmem>> -> memref<1x8192xf32, #tpu.memory_space<vmem>>
      %gather3A_1340 = tpu.memref_squeeze %gather3A_1339 : memref<1x8192xf32, #tpu.memory_space<vmem>> -> memref<8192xf32, #tpu.memory_space<vmem>>
      %gather3A_1341 = tpu.vector_load_idx %gather3A_1340[%add3A_1335] : memref<8192xf32, #tpu.memory_space<vmem>>[vector<16xi32>], vector<16xf32>,
      %swap3A_1342 = arith.index_cast %add3A_1311 : i32 to index
      %swap3A_1343 = arith.constant 16 : index
      %swap3A_1344 = tpu.vector_load %arg14[%swap3A_1342, %swap3A_1343] {strides = array<i32>} : memref<256x64xf32, #tpu.memory_space<vmem>>, vector<16xf32>,
      tpu.vector_store %arg14[%swap3A_1342, %swap3A_1343], %gather3A_1341 {strides = array<i32>} : memref<256x64xf32, #tpu.memory_space<vmem>>, vector<16xf32>,
      %mul3A_1345 = arith.constant 128 : i32
      %mul3A_1346 = vector.broadcast %mul3A_1345 : i32 to vector<16xi32>
      %mul3A_1347 = arith.muli %add3A_13, %mul3A_1346 : vector<16xi32>
      %add3A_1348 = arith.addi %mul3A_1347, %add3A_1318 : vector<16xi32>
      %gather3A_1349 = arith.constant 0 : i32
      %gather3A_1350 = tpu.memref_reshape %arg13 : memref<64x128xf32, #tpu.memory_space<vmem>> -> memref<1x8192xf32, #tpu.memory_space<vmem>>
      %gather3A_1351 = arith.constant 0 : i32
      %gather3A_1352 = tpu.memref_slice %gather3A_1350[%gather3A_1349, %gather3A_1351] : memref<1x8192xf32, #tpu.memory_space<vmem>> -> memref<1x8192xf32, #tpu.memory_space<vmem>>
      %gather3A_1353 = tpu.memref_squeeze %gather3A_1352 : memref<1x8192xf32, #tpu.memory_space<vmem>> -> memref<8192xf32, #tpu.memory_space<vmem>>
      %gather3A_1354 = tpu.vector_load_idx %gather3A_1353[%add3A_1348] : memref<8192xf32, #tpu.memory_space<vmem>>[vector<16xi32>], vector<16xf32>,
      %swap3A_1355 = arith.index_cast %add3A_1311 : i32 to index
      %swap3A_1356 = arith.constant 32 : index
      %swap3A_1357 = tpu.vector_load %arg14[%swap3A_1355, %swap3A_1356] {strides = array<i32>} : memref<256x64xf32, #tpu.memory_space<vmem>>, vector<16xf32>,
      tpu.vector_store %arg14[%swap3A_1355, %swap3A_1356], %gather3A_1354 {strides = array<i32>} : memref<256x64xf32, #tpu.memory_space<vmem>>, vector<16xf32>,
      %mul3A_1358 = arith.constant 128 : i32
      %mul3A_1359 = vector.broadcast %mul3A_1358 : i32 to vector<16xi32>
      %mul3A_1360 = arith.muli %add3A_17, %mul3A_1359 : vector<16xi32>
      %add3A_1361 = arith.addi %mul3A_1360, %add3A_1318 : vector<16xi32>
      %gather3A_1362 = arith.constant 0 : i32
      %gather3A_1363 = tpu.memref_reshape %arg13 : memref<64x128xf32, #tpu.memory_space<vmem>> -> memref<1x8192xf32, #tpu.memory_space<vmem>>
      %gather3A_1364 = arith.constant 0 : i32
      %gather3A_1365 = tpu.memref_slice %gather3A_1363[%gather3A_1362, %gather3A_1364] : memref<1x8192xf32, #tpu.memory_space<vmem>> -> memref<1x8192xf32, #tpu.memory_space<vmem>>
      %gather3A_1366 = tpu.memref_squeeze %gather3A_1365 : memref<1x8192xf32, #tpu.memory_space<vmem>> -> memref<8192xf32, #tpu.memory_space<vmem>>
      %gather3A_1367 = tpu.vector_load_idx %gather3A_1366[%add3A_1361] : memref<8192xf32, #tpu.memory_space<vmem>>[vector<16xi32>], vector<16xf32>,
      %swap3A_1368 = arith.index_cast %add3A_1311 : i32 to index
      %swap3A_1369 = arith.constant 48 : index
      %swap3A_1370 = tpu.vector_load %arg14[%swap3A_1368, %swap3A_1369] {strides = array<i32>} : memref<256x64xf32, #tpu.memory_space<vmem>>, vector<16xf32>,
      tpu.vector_store %arg14[%swap3A_1368, %swap3A_1369], %gather3A_1367 {strides = array<i32>} : memref<256x64xf32, #tpu.memory_space<vmem>>, vector<16xf32>,
    }
    %scan3A_81 = arith.constant 16 : i32
    "tpu.region"() ({
      %run_scoped3A = tpu.sem_alloc : memref<!tpu.dma_semaphore, #tpu.memory_space<semaphore_mem>>
      %dma_start3A_90 = arith.constant 0 : i32
      %dma_start3A_91 = tpu.memref_slice %arg4[%mul3A_2, %dma_start3A_90] : memref<16384x64xf32, #tpu.memory_space<hbm>> -> memref<256x64xf32, #tpu.memory_space<hbm>>
      %dma_start3A_92 = arith.constant 0 : i32
      %dma_start3A_93 = tpu.memref_slice %arg4[%mul3A_2, %dma_start3A_92] : memref<16384x64xf32, #tpu.memory_space<hbm>> -> memref<256x64xf32, #tpu.memory_space<hbm>>
      tpu.enqueue_dma source(%arg14 : memref<256x64xf32, #tpu.memory_space<vmem>>) target(%dma_start3A_93 : memref<256x64xf32, #tpu.memory_space<hbm>>) target_semaphore(%run_scoped3A : memref<!tpu.dma_semaphore, #tpu.memory_space<semaphore_mem>>)
      %dma_wait3A = arith.constant 0 : i32
      %dma_wait3A_94 = tpu.memref_slice %arg4[%mul3A_2, %dma_wait3A] : memref<16384x64xf32, #tpu.memory_space<hbm>> -> memref<256x64xf32, #tpu.memory_space<hbm>>
      %dma_wait3A_95 = arith.constant 0 : i32
      %dma_wait3A_96 = tpu.memref_slice %arg4[%mul3A_2, %dma_wait3A_95] : memref<16384x64xf32, #tpu.memory_space<hbm>> -> memref<256x64xf32, #tpu.memory_space<hbm>>
      tpu.wait_dma2 semaphore(%run_scoped3A : memref<!tpu.dma_semaphore, #tpu.memory_space<semaphore_mem>>) src(%arg14 : memref<256x64xf32, #tpu.memory_space<vmem>>) dst(%dma_wait3A_96 : memref<256x64xf32, #tpu.memory_space<hbm>>)
      tpu.yield
    }) : () -> ()
    %scan3A_82 = arith.constant 0 : i32
    %scan3A_83 = arith.constant 0 : i32
    %scan3A_84 = arith.constant 16 : i32
    %scan3A_85 = arith.addi %scan3A_83, %scan3A_84 : i32
    %scan3A_86 = arith.constant 1 : i32
    scf.for %scan3A_90 = %scan3A_83 to %scan3A_85 step %scan3A_86  : i32 {
      %add3A_91 = arith.constant 16 : i32
      %add3A_92 = arith.addi %add3A_91, %scan3A_90 : i32
      %mul3A_93 = arith.constant 16 : i32
      %mul3A_94 = arith.muli %mul3A_93, %add3A_92 : i32
      %get3A_95 = arith.index_cast %mul3A_94 : i32 to index
      %get3A_96 = tpu.vector_load %arg5[%get3A_95] {strides = array<i32>} : memref<512xi32, #tpu.memory_space<vmem>>, vector<16xi32>,
      %slice3A_97 = vector.extract_strided_slice %get3A_96 {offsets = [0], sizes = [1], strides = [1]} : vector<16xi32> to vector<1xi32>
      %squeeze3A_98 = vector.extract %slice3A_97[0] : i32 from vector<1xi32>
      %dma_wait3A = arith.constant 0 : i32
      %dma_wait3A_99 = arith.constant 0 : i32
      %dma_wait3A_100 = tpu.memref_slice %arg3[%dma_wait3A, %dma_wait3A_99] : memref<64x1000000xf32, #tpu.memory_space<hbm>> -> memref<64x128xf32, #tpu.memory_space<hbm>>
      %dma_wait3A_101 = arith.constant 0 : i32
      %dma_wait3A_102 = arith.constant 0 : i32
      %dma_wait3A_103 = tpu.memref_slice %arg3[%dma_wait3A_101, %dma_wait3A_102] : memref<64x1000000xf32, #tpu.memory_space<hbm>> -> memref<64x128xf32, #tpu.memory_space<hbm>>
      tpu.wait_dma2 semaphore(%arg15 : memref<!tpu.dma_semaphore, #tpu.memory_space<semaphore_mem>>) src(%dma_wait3A_103 : memref<64x128xf32, #tpu.memory_space<hbm>>) dst(%arg6 : memref<64x128xf32, #tpu.memory_space<vmem>>)
      %slice3A_104 = vector.extract_strided_slice %get3A_96 {offsets = [7], sizes = [1], strides = [1]} : vector<16xi32> to vector<1xi32>
      %squeeze3A_105 = vector.extract %slice3A_104[0] : i32 from vector<1xi32>
      %and3A_106 = arith.constant -128 : i32
      %and3A_107 = arith.andi %squeeze3A_105, %and3A_106 : i32
      %multiple_of3A_108 = tpu.assume_multiple %and3A_107, 128 : i32
      %dma_start3A_109 = arith.constant 0 : i32
      %dma_start3A_110 = tpu.memref_slice %arg3[%dma_start3A_109, %multiple_of3A_108] : memref<64x1000000xf32, #tpu.memory_space<hbm>> -> memref<64x128xf32, #tpu.memory_space<hbm>>
      %dma_start3A_111 = arith.constant 0 : i32
      %dma_start3A_112 = tpu.memref_slice %arg3[%dma_start3A_111, %multiple_of3A_108] : memref<64x1000000xf32, #tpu.memory_space<hbm>> -> memref<64x128xf32, #tpu.memory_space<hbm>>
      tpu.enqueue_dma source(%dma_start3A_112 : memref<64x128xf32, #tpu.memory_space<hbm>>) target(%arg13 : memref<64x128xf32, #tpu.memory_space<vmem>>) target_semaphore(%arg22 : memref<!tpu.dma_semaphore, #tpu.memory_space<semaphore_mem>>)
      %mul3A_113 = arith.constant 16 : i32
      %mul3A_114 = arith.muli %mul3A_113, %scan3A_90 : i32
      %add3A_115 = arith.constant 0 : i32
      %add3A_116 = arith.addi %mul3A_114, %add3A_115 : i32
      %and3A_117 = arith.constant 0 : i32
      %and3A_118 = vector.broadcast %and3A_117 : i32 to vector<16xi32>
      %and3A_119 = arith.andi %add3A_5, %and3A_118 : vector<16xi32>
      %and3A_120 = arith.constant 127 : i32
      %and3A_121 = arith.andi %squeeze3A_98, %and3A_120 : i32
      %add3A_122 = vector.broadcast %and3A_121 : i32 to vector<16xi32>
      %add3A_123 = arith.addi %and3A_119, %add3A_122 : vector<16xi32>
      %mul3A_124 = arith.constant 128 : i32
      %mul3A_125 = vector.broadcast %mul3A_124 : i32 to vector<16xi32>
      %mul3A_126 = arith.muli %add3A_5, %mul3A_125 : vector<16xi32>
      %add3A_127 = arith.addi %mul3A_126, %add3A_123 : vector<16xi32>
      %gather3A = arith.constant 0 : i32
      %gather3A_128 = tpu.memref_reshape %arg6 : memref<64x128xf32, #tpu.memory_space<vmem>> -> memref<1x8192xf32, #tpu.memory_space<vmem>>
      %gather3A_129 = arith.constant 0 : i32
      %gather3A_130 = tpu.memref_slice %gather3A_128[%gather3A, %gather3A_129] : memref<1x8192xf32, #tpu.memory_space<vmem>> -> memref<1x8192xf32, #tpu.memory_space<vmem>>
      %gather3A_131 = tpu.memref_squeeze %gather3A_130 : memref<1x8192xf32, #tpu.memory_space<vmem>> -> memref<8192xf32, #tpu.memory_space<vmem>>
      %gather3A_132 = tpu.vector_load_idx %gather3A_131[%add3A_127] : memref<8192xf32, #tpu.memory_space<vmem>>[vector<16xi32>], vector<16xf32>,
      %swap3A = arith.index_cast %add3A_116 : i32 to index
      %swap3A_133 = arith.constant 0 : index
      %swap3A_134 = tpu.vector_load %arg14[%swap3A, %swap3A_133] {strides = array<i32>} : memref<256x64xf32, #tpu.memory_space<vmem>>, vector<16xf32>,
      tpu.vector_store %arg14[%swap3A, %swap3A_133], %gather3A_132 {strides = array<i32>} : memref<256x64xf32, #tpu.memory_space<vmem>>, vector<16xf32>,
      %mul3A_135 = arith.constant 128 : i32
      %mul3A_136 = vector.broadcast %mul3A_135 : i32 to vector<16xi32>
      %mul3A_137 = arith.muli %add3A_9, %mul3A_136 : vector<16xi32>
      %add3A_138 = arith.addi %mul3A_137, %add3A_123 : vector<16xi32>
      %gather3A_139 = arith.constant 0 : i32
      %gather3A_140 = tpu.memref_reshape %arg6 : memref<64x128xf32, #tpu.memory_space<vmem>> -> memref<1x8192xf32, #tpu.memory_space<vmem>>
      %gather3A_141 = arith.constant 0 : i32
      %gather3A_142 = tpu.memref_slice %gather3A_140[%gather3A_139, %gather3A_141] : memref<1x8192xf32, #tpu.memory_space<vmem>> -> memref<1x8192xf32, #tpu.memory_space<vmem>>
      %gather3A_143 = tpu.memref_squeeze %gather3A_142 : memref<1x8192xf32, #tpu.memory_space<vmem>> -> memref<8192xf32, #tpu.memory_space<vmem>>
      %gather3A_144 = tpu.vector_load_idx %gather3A_143[%add3A_138] : memref<8192xf32, #tpu.memory_space<vmem>>[vector<16xi32>], vector<16xf32>,
      %swap3A_145 = arith.index_cast %add3A_116 : i32 to index
      %swap3A_146 = arith.constant 16 : index
      %swap3A_147 = tpu.vector_load %arg14[%swap3A_145, %swap3A_146] {strides = array<i32>} : memref<256x64xf32, #tpu.memory_space<vmem>>, vector<16xf32>,
      tpu.vector_store %arg14[%swap3A_145, %swap3A_146], %gather3A_144 {strides = array<i32>} : memref<256x64xf32, #tpu.memory_space<vmem>>, vector<16xf32>,
      %mul3A_148 = arith.constant 128 : i32
      %mul3A_149 = vector.broadcast %mul3A_148 : i32 to vector<16xi32>
      %mul3A_150 = arith.muli %add3A_13, %mul3A_149 : vector<16xi32>
      %add3A_151 = arith.addi %mul3A_150, %add3A_123 : vector<16xi32>
      %gather3A_152 = arith.constant 0 : i32
      %gather3A_153 = tpu.memref_reshape %arg6 : memref<64x128xf32, #tpu.memory_space<vmem>> -> memref<1x8192xf32, #tpu.memory_space<vmem>>
      %gather3A_154 = arith.constant 0 : i32
      %gather3A_155 = tpu.memref_slice %gather3A_153[%gather3A_152, %gather3A_154] : memref<1x8192xf32, #tpu.memory_space<vmem>> -> memref<1x8192xf32, #tpu.memory_space<vmem>>
      %gather3A_156 = tpu.memref_squeeze %gather3A_155 : memref<1x8192xf32, #tpu.memory_space<vmem>> -> memref<8192xf32, #tpu.memory_space<vmem>>
      %gather3A_157 = tpu.vector_load_idx %gather3A_156[%add3A_151] : memref<8192xf32, #tpu.memory_space<vmem>>[vector<16xi32>], vector<16xf32>,
      %swap3A_158 = arith.index_cast %add3A_116 : i32 to index
      %swap3A_159 = arith.constant 32 : index
      %swap3A_160 = tpu.vector_load %arg14[%swap3A_158, %swap3A_159] {strides = array<i32>} : memref<256x64xf32, #tpu.memory_space<vmem>>, vector<16xf32>,
      tpu.vector_store %arg14[%swap3A_158, %swap3A_159], %gather3A_157 {strides = array<i32>} : memref<256x64xf32, #tpu.memory_space<vmem>>, vector<16xf32>,
      %mul3A_161 = arith.constant 128 : i32
      %mul3A_162 = vector.broadcast %mul3A_161 : i32 to vector<16xi32>
      %mul3A_163 = arith.muli %add3A_17, %mul3A_162 : vector<16xi32>
      %add3A_164 = arith.addi %mul3A_163, %add3A_123 : vector<16xi32>
      %gather3A_165 = arith.constant 0 : i32
      %gather3A_166 = tpu.memref_reshape %arg6 : memref<64x128xf32, #tpu.memory_space<vmem>> -> memref<1x8192xf32, #tpu.memory_space<vmem>>
      %gather3A_167 = arith.constant 0 : i32
      %gather3A_168 = tpu.memref_slice %gather3A_166[%gather3A_165, %gather3A_167] : memref<1x8192xf32, #tpu.memory_space<vmem>> -> memref<1x8192xf32, #tpu.memory_space<vmem>>
      %gather3A_169 = tpu.memref_squeeze %gather3A_168 : memref<1x8192xf32, #tpu.memory_space<vmem>> -> memref<8192xf32, #tpu.memory_space<vmem>>
      %gather3A_170 = tpu.vector_load_idx %gather3A_169[%add3A_164] : memref<8192xf32, #tpu.memory_space<vmem>>[vector<16xi32>], vector<16xf32>,
      %swap3A_171 = arith.index_cast %add3A_116 : i32 to index
      %swap3A_172 = arith.constant 48 : index
      %swap3A_173 = tpu.vector_load %arg14[%swap3A_171, %swap3A_172] {strides = array<i32>} : memref<256x64xf32, #tpu.memory_space<vmem>>, vector<16xf32>,
      tpu.vector_store %arg14[%swap3A_171, %swap3A_172], %gather3A_170 {strides = array<i32>} : memref<256x64xf32, #tpu.memory_space<vmem>>, vector<16xf32>,
      %slice3A_174 = vector.extract_strided_slice %get3A_96 {offsets = [1], sizes = [1], strides = [1]} : vector<16xi32> to vector<1xi32>
      %squeeze3A_175 = vector.extract %slice3A_174[0] : i32 from vector<1xi32>
      %dma_wait3A_176 = arith.constant 0 : i32
      %dma_wait3A_177 = arith.constant 0 : i32
      %dma_wait3A_178 = tpu.memref_slice %arg3[%dma_wait3A_176, %dma_wait3A_177] : memref<64x1000000xf32, #tpu.memory_space<hbm>> -> memref<64x128xf32, #tpu.memory_space<hbm>>
      %dma_wait3A_179 = arith.constant 0 : i32
      %dma_wait3A_180 = arith.constant 0 : i32
      %dma_wait3A_181 = tpu.memref_slice %arg3[%dma_wait3A_179, %dma_wait3A_180] : memref<64x1000000xf32, #tpu.memory_space<hbm>> -> memref<64x128xf32, #tpu.memory_space<hbm>>
      tpu.wait_dma2 semaphore(%arg16 : memref<!tpu.dma_semaphore, #tpu.memory_space<semaphore_mem>>) src(%dma_wait3A_181 : memref<64x128xf32, #tpu.memory_space<hbm>>) dst(%arg7 : memref<64x128xf32, #tpu.memory_space<vmem>>)
      %slice3A_182 = vector.extract_strided_slice %get3A_96 {offsets = [8], sizes = [1], strides = [1]} : vector<16xi32> to vector<1xi32>
      %squeeze3A_183 = vector.extract %slice3A_182[0] : i32 from vector<1xi32>
      %and3A_184 = arith.constant -128 : i32
      %and3A_185 = arith.andi %squeeze3A_183, %and3A_184 : i32
      %multiple_of3A_186 = tpu.assume_multiple %and3A_185, 128 : i32
      %dma_start3A_187 = arith.constant 0 : i32
      %dma_start3A_188 = tpu.memref_slice %arg3[%dma_start3A_187, %multiple_of3A_186] : memref<64x1000000xf32, #tpu.memory_space<hbm>> -> memref<64x128xf32, #tpu.memory_space<hbm>>
      %dma_start3A_189 = arith.constant 0 : i32
      %dma_start3A_190 = tpu.memref_slice %arg3[%dma_start3A_189, %multiple_of3A_186] : memref<64x1000000xf32, #tpu.memory_space<hbm>> -> memref<64x128xf32, #tpu.memory_space<hbm>>
      tpu.enqueue_dma source(%dma_start3A_190 : memref<64x128xf32, #tpu.memory_space<hbm>>) target(%arg6 : memref<64x128xf32, #tpu.memory_space<vmem>>) target_semaphore(%arg15 : memref<!tpu.dma_semaphore, #tpu.memory_space<semaphore_mem>>)
      %mul3A_191 = arith.constant 16 : i32
      %mul3A_192 = arith.muli %mul3A_191, %scan3A_90 : i32
      %add3A_193 = arith.constant 1 : i32
      %add3A_194 = arith.addi %mul3A_192, %add3A_193 : i32
      %and3A_195 = arith.constant 0 : i32
      %and3A_196 = vector.broadcast %and3A_195 : i32 to vector<16xi32>
      %and3A_197 = arith.andi %add3A_5, %and3A_196 : vector<16xi32>
      %and3A_198 = arith.constant 127 : i32
      %and3A_199 = arith.andi %squeeze3A_175, %and3A_198 : i32
      %add3A_200 = vector.broadcast %and3A_199 : i32 to vector<16xi32>
      %add3A_201 = arith.addi %and3A_197, %add3A_200 : vector<16xi32>
      %mul3A_202 = arith.constant 128 : i32
      %mul3A_203 = vector.broadcast %mul3A_202 : i32 to vector<16xi32>
      %mul3A_204 = arith.muli %add3A_5, %mul3A_203 : vector<16xi32>
      %add3A_205 = arith.addi %mul3A_204, %add3A_201 : vector<16xi32>
      %gather3A_206 = arith.constant 0 : i32
      %gather3A_207 = tpu.memref_reshape %arg7 : memref<64x128xf32, #tpu.memory_space<vmem>> -> memref<1x8192xf32, #tpu.memory_space<vmem>>
      %gather3A_208 = arith.constant 0 : i32
      %gather3A_209 = tpu.memref_slice %gather3A_207[%gather3A_206, %gather3A_208] : memref<1x8192xf32, #tpu.memory_space<vmem>> -> memref<1x8192xf32, #tpu.memory_space<vmem>>
      %gather3A_210 = tpu.memref_squeeze %gather3A_209 : memref<1x8192xf32, #tpu.memory_space<vmem>> -> memref<8192xf32, #tpu.memory_space<vmem>>
      %gather3A_211 = tpu.vector_load_idx %gather3A_210[%add3A_205] : memref<8192xf32, #tpu.memory_space<vmem>>[vector<16xi32>], vector<16xf32>,
      %swap3A_212 = arith.index_cast %add3A_194 : i32 to index
      %swap3A_213 = arith.constant 0 : index
      %swap3A_214 = tpu.vector_load %arg14[%swap3A_212, %swap3A_213] {strides = array<i32>} : memref<256x64xf32, #tpu.memory_space<vmem>>, vector<16xf32>,
      tpu.vector_store %arg14[%swap3A_212, %swap3A_213], %gather3A_211 {strides = array<i32>} : memref<256x64xf32, #tpu.memory_space<vmem>>, vector<16xf32>,
      %mul3A_215 = arith.constant 128 : i32
      %mul3A_216 = vector.broadcast %mul3A_215 : i32 to vector<16xi32>
      %mul3A_217 = arith.muli %add3A_9, %mul3A_216 : vector<16xi32>
      %add3A_218 = arith.addi %mul3A_217, %add3A_201 : vector<16xi32>
      %gather3A_219 = arith.constant 0 : i32
      %gather3A_220 = tpu.memref_reshape %arg7 : memref<64x128xf32, #tpu.memory_space<vmem>> -> memref<1x8192xf32, #tpu.memory_space<vmem>>
      %gather3A_221 = arith.constant 0 : i32
      %gather3A_222 = tpu.memref_slice %gather3A_220[%gather3A_219, %gather3A_221] : memref<1x8192xf32, #tpu.memory_space<vmem>> -> memref<1x8192xf32, #tpu.memory_space<vmem>>
      %gather3A_223 = tpu.memref_squeeze %gather3A_222 : memref<1x8192xf32, #tpu.memory_space<vmem>> -> memref<8192xf32, #tpu.memory_space<vmem>>
      %gather3A_224 = tpu.vector_load_idx %gather3A_223[%add3A_218] : memref<8192xf32, #tpu.memory_space<vmem>>[vector<16xi32>], vector<16xf32>,
      %swap3A_225 = arith.index_cast %add3A_194 : i32 to index
      %swap3A_226 = arith.constant 16 : index
      %swap3A_227 = tpu.vector_load %arg14[%swap3A_225, %swap3A_226] {strides = array<i32>} : memref<256x64xf32, #tpu.memory_space<vmem>>, vector<16xf32>,
      tpu.vector_store %arg14[%swap3A_225, %swap3A_226], %gather3A_224 {strides = array<i32>} : memref<256x64xf32, #tpu.memory_space<vmem>>, vector<16xf32>,
      %mul3A_228 = arith.constant 128 : i32
      %mul3A_229 = vector.broadcast %mul3A_228 : i32 to vector<16xi32>
      %mul3A_230 = arith.muli %add3A_13, %mul3A_229 : vector<16xi32>
      %add3A_231 = arith.addi %mul3A_230, %add3A_201 : vector<16xi32>
      %gather3A_232 = arith.constant 0 : i32
      %gather3A_233 = tpu.memref_reshape %arg7 : memref<64x128xf32, #tpu.memory_space<vmem>> -> memref<1x8192xf32, #tpu.memory_space<vmem>>
      %gather3A_234 = arith.constant 0 : i32
      %gather3A_235 = tpu.memref_slice %gather3A_233[%gather3A_232, %gather3A_234] : memref<1x8192xf32, #tpu.memory_space<vmem>> -> memref<1x8192xf32, #tpu.memory_space<vmem>>
      %gather3A_236 = tpu.memref_squeeze %gather3A_235 : memref<1x8192xf32, #tpu.memory_space<vmem>> -> memref<8192xf32, #tpu.memory_space<vmem>>
      %gather3A_237 = tpu.vector_load_idx %gather3A_236[%add3A_231] : memref<8192xf32, #tpu.memory_space<vmem>>[vector<16xi32>], vector<16xf32>,
      %swap3A_238 = arith.index_cast %add3A_194 : i32 to index
      %swap3A_239 = arith.constant 32 : index
      %swap3A_240 = tpu.vector_load %arg14[%swap3A_238, %swap3A_239] {strides = array<i32>} : memref<256x64xf32, #tpu.memory_space<vmem>>, vector<16xf32>,
      tpu.vector_store %arg14[%swap3A_238, %swap3A_239], %gather3A_237 {strides = array<i32>} : memref<256x64xf32, #tpu.memory_space<vmem>>, vector<16xf32>,
      %mul3A_241 = arith.constant 128 : i32
      %mul3A_242 = vector.broadcast %mul3A_241 : i32 to vector<16xi32>
      %mul3A_243 = arith.muli %add3A_17, %mul3A_242 : vector<16xi32>
      %add3A_244 = arith.addi %mul3A_243, %add3A_201 : vector<16xi32>
      %gather3A_245 = arith.constant 0 : i32
      %gather3A_246 = tpu.memref_reshape %arg7 : memref<64x128xf32, #tpu.memory_space<vmem>> -> memref<1x8192xf32, #tpu.memory_space<vmem>>
      %gather3A_247 = arith.constant 0 : i32
      %gather3A_248 = tpu.memref_slice %gather3A_246[%gather3A_245, %gather3A_247] : memref<1x8192xf32, #tpu.memory_space<vmem>> -> memref<1x8192xf32, #tpu.memory_space<vmem>>
      %gather3A_249 = tpu.memref_squeeze %gather3A_248 : memref<1x8192xf32, #tpu.memory_space<vmem>> -> memref<8192xf32, #tpu.memory_space<vmem>>
      %gather3A_250 = tpu.vector_load_idx %gather3A_249[%add3A_244] : memref<8192xf32, #tpu.memory_space<vmem>>[vector<16xi32>], vector<16xf32>,
      %swap3A_251 = arith.index_cast %add3A_194 : i32 to index
      %swap3A_252 = arith.constant 48 : index
      %swap3A_253 = tpu.vector_load %arg14[%swap3A_251, %swap3A_252] {strides = array<i32>} : memref<256x64xf32, #tpu.memory_space<vmem>>, vector<16xf32>,
      tpu.vector_store %arg14[%swap3A_251, %swap3A_252], %gather3A_250 {strides = array<i32>} : memref<256x64xf32, #tpu.memory_space<vmem>>, vector<16xf32>,
      %slice3A_254 = vector.extract_strided_slice %get3A_96 {offsets = [2], sizes = [1], strides = [1]} : vector<16xi32> to vector<1xi32>
      %squeeze3A_255 = vector.extract %slice3A_254[0] : i32 from vector<1xi32>
      %dma_wait3A_256 = arith.constant 0 : i32
      %dma_wait3A_257 = arith.constant 0 : i32
      %dma_wait3A_258 = tpu.memref_slice %arg3[%dma_wait3A_256, %dma_wait3A_257] : memref<64x1000000xf32, #tpu.memory_space<hbm>> -> memref<64x128xf32, #tpu.memory_space<hbm>>
      %dma_wait3A_259 = arith.constant 0 : i32
      %dma_wait3A_260 = arith.constant 0 : i32
      %dma_wait3A_261 = tpu.memref_slice %arg3[%dma_wait3A_259, %dma_wait3A_260] : memref<64x1000000xf32, #tpu.memory_space<hbm>> -> memref<64x128xf32, #tpu.memory_space<hbm>>
      tpu.wait_dma2 semaphore(%arg17 : memref<!tpu.dma_semaphore, #tpu.memory_space<semaphore_mem>>) src(%dma_wait3A_261 : memref<64x128xf32, #tpu.memory_space<hbm>>) dst(%arg8 : memref<64x128xf32, #tpu.memory_space<vmem>>)
      %slice3A_262 = vector.extract_strided_slice %get3A_96 {offsets = [9], sizes = [1], strides = [1]} : vector<16xi32> to vector<1xi32>
      %squeeze3A_263 = vector.extract %slice3A_262[0] : i32 from vector<1xi32>
      %and3A_264 = arith.constant -128 : i32
      %and3A_265 = arith.andi %squeeze3A_263, %and3A_264 : i32
      %multiple_of3A_266 = tpu.assume_multiple %and3A_265, 128 : i32
      %dma_start3A_267 = arith.constant 0 : i32
      %dma_start3A_268 = tpu.memref_slice %arg3[%dma_start3A_267, %multiple_of3A_266] : memref<64x1000000xf32, #tpu.memory_space<hbm>> -> memref<64x128xf32, #tpu.memory_space<hbm>>
      %dma_start3A_269 = arith.constant 0 : i32
      %dma_start3A_270 = tpu.memref_slice %arg3[%dma_start3A_269, %multiple_of3A_266] : memref<64x1000000xf32, #tpu.memory_space<hbm>> -> memref<64x128xf32, #tpu.memory_space<hbm>>
      tpu.enqueue_dma source(%dma_start3A_270 : memref<64x128xf32, #tpu.memory_space<hbm>>) target(%arg7 : memref<64x128xf32, #tpu.memory_space<vmem>>) target_semaphore(%arg16 : memref<!tpu.dma_semaphore, #tpu.memory_space<semaphore_mem>>)
      %mul3A_271 = arith.constant 16 : i32
      %mul3A_272 = arith.muli %mul3A_271, %scan3A_90 : i32
      %add3A_273 = arith.constant 2 : i32
      %add3A_274 = arith.addi %mul3A_272, %add3A_273 : i32
      %and3A_275 = arith.constant 0 : i32
      %and3A_276 = vector.broadcast %and3A_275 : i32 to vector<16xi32>
      %and3A_277 = arith.andi %add3A_5, %and3A_276 : vector<16xi32>
      %and3A_278 = arith.constant 127 : i32
      %and3A_279 = arith.andi %squeeze3A_255, %and3A_278 : i32
      %add3A_280 = vector.broadcast %and3A_279 : i32 to vector<16xi32>
      %add3A_281 = arith.addi %and3A_277, %add3A_280 : vector<16xi32>
      %mul3A_282 = arith.constant 128 : i32
      %mul3A_283 = vector.broadcast %mul3A_282 : i32 to vector<16xi32>
      %mul3A_284 = arith.muli %add3A_5, %mul3A_283 : vector<16xi32>
      %add3A_285 = arith.addi %mul3A_284, %add3A_281 : vector<16xi32>
      %gather3A_286 = arith.constant 0 : i32
      %gather3A_287 = tpu.memref_reshape %arg8 : memref<64x128xf32, #tpu.memory_space<vmem>> -> memref<1x8192xf32, #tpu.memory_space<vmem>>
      %gather3A_288 = arith.constant 0 : i32
      %gather3A_289 = tpu.memref_slice %gather3A_287[%gather3A_286, %gather3A_288] : memref<1x8192xf32, #tpu.memory_space<vmem>> -> memref<1x8192xf32, #tpu.memory_space<vmem>>
      %gather3A_290 = tpu.memref_squeeze %gather3A_289 : memref<1x8192xf32, #tpu.memory_space<vmem>> -> memref<8192xf32, #tpu.memory_space<vmem>>
      %gather3A_291 = tpu.vector_load_idx %gather3A_290[%add3A_285] : memref<8192xf32, #tpu.memory_space<vmem>>[vector<16xi32>], vector<16xf32>,
      %swap3A_292 = arith.index_cast %add3A_274 : i32 to index
      %swap3A_293 = arith.constant 0 : index
      %swap3A_294 = tpu.vector_load %arg14[%swap3A_292, %swap3A_293] {strides = array<i32>} : memref<256x64xf32, #tpu.memory_space<vmem>>, vector<16xf32>,
      tpu.vector_store %arg14[%swap3A_292, %swap3A_293], %gather3A_291 {strides = array<i32>} : memref<256x64xf32, #tpu.memory_space<vmem>>, vector<16xf32>,
      %mul3A_295 = arith.constant 128 : i32
      %mul3A_296 = vector.broadcast %mul3A_295 : i32 to vector<16xi32>
      %mul3A_297 = arith.muli %add3A_9, %mul3A_296 : vector<16xi32>
      %add3A_298 = arith.addi %mul3A_297, %add3A_281 : vector<16xi32>
      %gather3A_299 = arith.constant 0 : i32
      %gather3A_300 = tpu.memref_reshape %arg8 : memref<64x128xf32, #tpu.memory_space<vmem>> -> memref<1x8192xf32, #tpu.memory_space<vmem>>
      %gather3A_301 = arith.constant 0 : i32
      %gather3A_302 = tpu.memref_slice %gather3A_300[%gather3A_299, %gather3A_301] : memref<1x8192xf32, #tpu.memory_space<vmem>> -> memref<1x8192xf32, #tpu.memory_space<vmem>>
      %gather3A_303 = tpu.memref_squeeze %gather3A_302 : memref<1x8192xf32, #tpu.memory_space<vmem>> -> memref<8192xf32, #tpu.memory_space<vmem>>
      %gather3A_304 = tpu.vector_load_idx %gather3A_303[%add3A_298] : memref<8192xf32, #tpu.memory_space<vmem>>[vector<16xi32>], vector<16xf32>,
      %swap3A_305 = arith.index_cast %add3A_274 : i32 to index
      %swap3A_306 = arith.constant 16 : index
      %swap3A_307 = tpu.vector_load %arg14[%swap3A_305, %swap3A_306] {strides = array<i32>} : memref<256x64xf32, #tpu.memory_space<vmem>>, vector<16xf32>,
      tpu.vector_store %arg14[%swap3A_305, %swap3A_306], %gather3A_304 {strides = array<i32>} : memref<256x64xf32, #tpu.memory_space<vmem>>, vector<16xf32>,
      %mul3A_308 = arith.constant 128 : i32
      %mul3A_309 = vector.broadcast %mul3A_308 : i32 to vector<16xi32>
      %mul3A_310 = arith.muli %add3A_13, %mul3A_309 : vector<16xi32>
      %add3A_311 = arith.addi %mul3A_310, %add3A_281 : vector<16xi32>
      %gather3A_312 = arith.constant 0 : i32
      %gather3A_313 = tpu.memref_reshape %arg8 : memref<64x128xf32, #tpu.memory_space<vmem>> -> memref<1x8192xf32, #tpu.memory_space<vmem>>
      %gather3A_314 = arith.constant 0 : i32
      %gather3A_315 = tpu.memref_slice %gather3A_313[%gather3A_312, %gather3A_314] : memref<1x8192xf32, #tpu.memory_space<vmem>> -> memref<1x8192xf32, #tpu.memory_space<vmem>>
      %gather3A_316 = tpu.memref_squeeze %gather3A_315 : memref<1x8192xf32, #tpu.memory_space<vmem>> -> memref<8192xf32, #tpu.memory_space<vmem>>
      %gather3A_317 = tpu.vector_load_idx %gather3A_316[%add3A_311] : memref<8192xf32, #tpu.memory_space<vmem>>[vector<16xi32>], vector<16xf32>,
      %swap3A_318 = arith.index_cast %add3A_274 : i32 to index
      %swap3A_319 = arith.constant 32 : index
      %swap3A_320 = tpu.vector_load %arg14[%swap3A_318, %swap3A_319] {strides = array<i32>} : memref<256x64xf32, #tpu.memory_space<vmem>>, vector<16xf32>,
      tpu.vector_store %arg14[%swap3A_318, %swap3A_319], %gather3A_317 {strides = array<i32>} : memref<256x64xf32, #tpu.memory_space<vmem>>, vector<16xf32>,
      %mul3A_321 = arith.constant 128 : i32
      %mul3A_322 = vector.broadcast %mul3A_321 : i32 to vector<16xi32>
      %mul3A_323 = arith.muli %add3A_17, %mul3A_322 : vector<16xi32>
      %add3A_324 = arith.addi %mul3A_323, %add3A_281 : vector<16xi32>
      %gather3A_325 = arith.constant 0 : i32
      %gather3A_326 = tpu.memref_reshape %arg8 : memref<64x128xf32, #tpu.memory_space<vmem>> -> memref<1x8192xf32, #tpu.memory_space<vmem>>
      %gather3A_327 = arith.constant 0 : i32
      %gather3A_328 = tpu.memref_slice %gather3A_326[%gather3A_325, %gather3A_327] : memref<1x8192xf32, #tpu.memory_space<vmem>> -> memref<1x8192xf32, #tpu.memory_space<vmem>>
      %gather3A_329 = tpu.memref_squeeze %gather3A_328 : memref<1x8192xf32, #tpu.memory_space<vmem>> -> memref<8192xf32, #tpu.memory_space<vmem>>
      %gather3A_330 = tpu.vector_load_idx %gather3A_329[%add3A_324] : memref<8192xf32, #tpu.memory_space<vmem>>[vector<16xi32>], vector<16xf32>,
      %swap3A_331 = arith.index_cast %add3A_274 : i32 to index
      %swap3A_332 = arith.constant 48 : index
      %swap3A_333 = tpu.vector_load %arg14[%swap3A_331, %swap3A_332] {strides = array<i32>} : memref<256x64xf32, #tpu.memory_space<vmem>>, vector<16xf32>,
      tpu.vector_store %arg14[%swap3A_331, %swap3A_332], %gather3A_330 {strides = array<i32>} : memref<256x64xf32, #tpu.memory_space<vmem>>, vector<16xf32>,
      %slice3A_334 = vector.extract_strided_slice %get3A_96 {offsets = [3], sizes = [1], strides = [1]} : vector<16xi32> to vector<1xi32>
      %squeeze3A_335 = vector.extract %slice3A_334[0] : i32 from vector<1xi32>
      %dma_wait3A_336 = arith.constant 0 : i32
      %dma_wait3A_337 = arith.constant 0 : i32
      %dma_wait3A_338 = tpu.memref_slice %arg3[%dma_wait3A_336, %dma_wait3A_337] : memref<64x1000000xf32, #tpu.memory_space<hbm>> -> memref<64x128xf32, #tpu.memory_space<hbm>>
      %dma_wait3A_339 = arith.constant 0 : i32
      %dma_wait3A_340 = arith.constant 0 : i32
      %dma_wait3A_341 = tpu.memref_slice %arg3[%dma_wait3A_339, %dma_wait3A_340] : memref<64x1000000xf32, #tpu.memory_space<hbm>> -> memref<64x128xf32, #tpu.memory_space<hbm>>
      tpu.wait_dma2 semaphore(%arg18 : memref<!tpu.dma_semaphore, #tpu.memory_space<semaphore_mem>>) src(%dma_wait3A_341 : memref<64x128xf32, #tpu.memory_space<hbm>>) dst(%arg9 : memref<64x128xf32, #tpu.memory_space<vmem>>)
      %slice3A_342 = vector.extract_strided_slice %get3A_96 {offsets = [10], sizes = [1], strides = [1]} : vector<16xi32> to vector<1xi32>
      %squeeze3A_343 = vector.extract %slice3A_342[0] : i32 from vector<1xi32>
      %and3A_344 = arith.constant -128 : i32
      %and3A_345 = arith.andi %squeeze3A_343, %and3A_344 : i32
      %multiple_of3A_346 = tpu.assume_multiple %and3A_345, 128 : i32
      %dma_start3A_347 = arith.constant 0 : i32
      %dma_start3A_348 = tpu.memref_slice %arg3[%dma_start3A_347, %multiple_of3A_346] : memref<64x1000000xf32, #tpu.memory_space<hbm>> -> memref<64x128xf32, #tpu.memory_space<hbm>>
      %dma_start3A_349 = arith.constant 0 : i32
      %dma_start3A_350 = tpu.memref_slice %arg3[%dma_start3A_349, %multiple_of3A_346] : memref<64x1000000xf32, #tpu.memory_space<hbm>> -> memref<64x128xf32, #tpu.memory_space<hbm>>
      tpu.enqueue_dma source(%dma_start3A_350 : memref<64x128xf32, #tpu.memory_space<hbm>>) target(%arg8 : memref<64x128xf32, #tpu.memory_space<vmem>>) target_semaphore(%arg17 : memref<!tpu.dma_semaphore, #tpu.memory_space<semaphore_mem>>)
      %mul3A_351 = arith.constant 16 : i32
      %mul3A_352 = arith.muli %mul3A_351, %scan3A_90 : i32
      %add3A_353 = arith.constant 3 : i32
      %add3A_354 = arith.addi %mul3A_352, %add3A_353 : i32
      %and3A_355 = arith.constant 0 : i32
      %and3A_356 = vector.broadcast %and3A_355 : i32 to vector<16xi32>
      %and3A_357 = arith.andi %add3A_5, %and3A_356 : vector<16xi32>
      %and3A_358 = arith.constant 127 : i32
      %and3A_359 = arith.andi %squeeze3A_335, %and3A_358 : i32
      %add3A_360 = vector.broadcast %and3A_359 : i32 to vector<16xi32>
      %add3A_361 = arith.addi %and3A_357, %add3A_360 : vector<16xi32>
      %mul3A_362 = arith.constant 128 : i32
      %mul3A_363 = vector.broadcast %mul3A_362 : i32 to vector<16xi32>
      %mul3A_364 = arith.muli %add3A_5, %mul3A_363 : vector<16xi32>
      %add3A_365 = arith.addi %mul3A_364, %add3A_361 : vector<16xi32>
      %gather3A_366 = arith.constant 0 : i32
      %gather3A_367 = tpu.memref_reshape %arg9 : memref<64x128xf32, #tpu.memory_space<vmem>> -> memref<1x8192xf32, #tpu.memory_space<vmem>>
      %gather3A_368 = arith.constant 0 : i32
      %gather3A_369 = tpu.memref_slice %gather3A_367[%gather3A_366, %gather3A_368] : memref<1x8192xf32, #tpu.memory_space<vmem>> -> memref<1x8192xf32, #tpu.memory_space<vmem>>
      %gather3A_370 = tpu.memref_squeeze %gather3A_369 : memref<1x8192xf32, #tpu.memory_space<vmem>> -> memref<8192xf32, #tpu.memory_space<vmem>>
      %gather3A_371 = tpu.vector_load_idx %gather3A_370[%add3A_365] : memref<8192xf32, #tpu.memory_space<vmem>>[vector<16xi32>], vector<16xf32>,
      %swap3A_372 = arith.index_cast %add3A_354 : i32 to index
      %swap3A_373 = arith.constant 0 : index
      %swap3A_374 = tpu.vector_load %arg14[%swap3A_372, %swap3A_373] {strides = array<i32>} : memref<256x64xf32, #tpu.memory_space<vmem>>, vector<16xf32>,
      tpu.vector_store %arg14[%swap3A_372, %swap3A_373], %gather3A_371 {strides = array<i32>} : memref<256x64xf32, #tpu.memory_space<vmem>>, vector<16xf32>,
      %mul3A_375 = arith.constant 128 : i32
      %mul3A_376 = vector.broadcast %mul3A_375 : i32 to vector<16xi32>
      %mul3A_377 = arith.muli %add3A_9, %mul3A_376 : vector<16xi32>
      %add3A_378 = arith.addi %mul3A_377, %add3A_361 : vector<16xi32>
      %gather3A_379 = arith.constant 0 : i32
      %gather3A_380 = tpu.memref_reshape %arg9 : memref<64x128xf32, #tpu.memory_space<vmem>> -> memref<1x8192xf32, #tpu.memory_space<vmem>>
      %gather3A_381 = arith.constant 0 : i32
      %gather3A_382 = tpu.memref_slice %gather3A_380[%gather3A_379, %gather3A_381] : memref<1x8192xf32, #tpu.memory_space<vmem>> -> memref<1x8192xf32, #tpu.memory_space<vmem>>
      %gather3A_383 = tpu.memref_squeeze %gather3A_382 : memref<1x8192xf32, #tpu.memory_space<vmem>> -> memref<8192xf32, #tpu.memory_space<vmem>>
      %gather3A_384 = tpu.vector_load_idx %gather3A_383[%add3A_378] : memref<8192xf32, #tpu.memory_space<vmem>>[vector<16xi32>], vector<16xf32>,
      %swap3A_385 = arith.index_cast %add3A_354 : i32 to index
      %swap3A_386 = arith.constant 16 : index
      %swap3A_387 = tpu.vector_load %arg14[%swap3A_385, %swap3A_386] {strides = array<i32>} : memref<256x64xf32, #tpu.memory_space<vmem>>, vector<16xf32>,
      tpu.vector_store %arg14[%swap3A_385, %swap3A_386], %gather3A_384 {strides = array<i32>} : memref<256x64xf32, #tpu.memory_space<vmem>>, vector<16xf32>,
      %mul3A_388 = arith.constant 128 : i32
      %mul3A_389 = vector.broadcast %mul3A_388 : i32 to vector<16xi32>
      %mul3A_390 = arith.muli %add3A_13, %mul3A_389 : vector<16xi32>
      %add3A_391 = arith.addi %mul3A_390, %add3A_361 : vector<16xi32>
      %gather3A_392 = arith.constant 0 : i32
      %gather3A_393 = tpu.memref_reshape %arg9 : memref<64x128xf32, #tpu.memory_space<vmem>> -> memref<1x8192xf32, #tpu.memory_space<vmem>>
      %gather3A_394 = arith.constant 0 : i32
      %gather3A_395 = tpu.memref_slice %gather3A_393[%gather3A_392, %gather3A_394] : memref<1x8192xf32, #tpu.memory_space<vmem>> -> memref<1x8192xf32, #tpu.memory_space<vmem>>
      %gather3A_396 = tpu.memref_squeeze %gather3A_395 : memref<1x8192xf32, #tpu.memory_space<vmem>> -> memref<8192xf32, #tpu.memory_space<vmem>>
      %gather3A_397 = tpu.vector_load_idx %gather3A_396[%add3A_391] : memref<8192xf32, #tpu.memory_space<vmem>>[vector<16xi32>], vector<16xf32>,
      %swap3A_398 = arith.index_cast %add3A_354 : i32 to index
      %swap3A_399 = arith.constant 32 : index
      %swap3A_400 = tpu.vector_load %arg14[%swap3A_398, %swap3A_399] {strides = array<i32>} : memref<256x64xf32, #tpu.memory_space<vmem>>, vector<16xf32>,
      tpu.vector_store %arg14[%swap3A_398, %swap3A_399], %gather3A_397 {strides = array<i32>} : memref<256x64xf32, #tpu.memory_space<vmem>>, vector<16xf32>,
      %mul3A_401 = arith.constant 128 : i32
      %mul3A_402 = vector.broadcast %mul3A_401 : i32 to vector<16xi32>
      %mul3A_403 = arith.muli %add3A_17, %mul3A_402 : vector<16xi32>
      %add3A_404 = arith.addi %mul3A_403, %add3A_361 : vector<16xi32>
      %gather3A_405 = arith.constant 0 : i32
      %gather3A_406 = tpu.memref_reshape %arg9 : memref<64x128xf32, #tpu.memory_space<vmem>> -> memref<1x8192xf32, #tpu.memory_space<vmem>>
      %gather3A_407 = arith.constant 0 : i32
      %gather3A_408 = tpu.memref_slice %gather3A_406[%gather3A_405, %gather3A_407] : memref<1x8192xf32, #tpu.memory_space<vmem>> -> memref<1x8192xf32, #tpu.memory_space<vmem>>
      %gather3A_409 = tpu.memref_squeeze %gather3A_408 : memref<1x8192xf32, #tpu.memory_space<vmem>> -> memref<8192xf32, #tpu.memory_space<vmem>>
      %gather3A_410 = tpu.vector_load_idx %gather3A_409[%add3A_404] : memref<8192xf32, #tpu.memory_space<vmem>>[vector<16xi32>], vector<16xf32>,
      %swap3A_411 = arith.index_cast %add3A_354 : i32 to index
      %swap3A_412 = arith.constant 48 : index
      %swap3A_413 = tpu.vector_load %arg14[%swap3A_411, %swap3A_412] {strides = array<i32>} : memref<256x64xf32, #tpu.memory_space<vmem>>, vector<16xf32>,
      tpu.vector_store %arg14[%swap3A_411, %swap3A_412], %gather3A_410 {strides = array<i32>} : memref<256x64xf32, #tpu.memory_space<vmem>>, vector<16xf32>,
      %slice3A_414 = vector.extract_strided_slice %get3A_96 {offsets = [4], sizes = [1], strides = [1]} : vector<16xi32> to vector<1xi32>
      %squeeze3A_415 = vector.extract %slice3A_414[0] : i32 from vector<1xi32>
      %dma_wait3A_416 = arith.constant 0 : i32
      %dma_wait3A_417 = arith.constant 0 : i32
      %dma_wait3A_418 = tpu.memref_slice %arg3[%dma_wait3A_416, %dma_wait3A_417] : memref<64x1000000xf32, #tpu.memory_space<hbm>> -> memref<64x128xf32, #tpu.memory_space<hbm>>
      %dma_wait3A_419 = arith.constant 0 : i32
      %dma_wait3A_420 = arith.constant 0 : i32
      %dma_wait3A_421 = tpu.memref_slice %arg3[%dma_wait3A_419, %dma_wait3A_420] : memref<64x1000000xf32, #tpu.memory_space<hbm>> -> memref<64x128xf32, #tpu.memory_space<hbm>>
      tpu.wait_dma2 semaphore(%arg19 : memref<!tpu.dma_semaphore, #tpu.memory_space<semaphore_mem>>) src(%dma_wait3A_421 : memref<64x128xf32, #tpu.memory_space<hbm>>) dst(%arg10 : memref<64x128xf32, #tpu.memory_space<vmem>>)
      %slice3A_422 = vector.extract_strided_slice %get3A_96 {offsets = [11], sizes = [1], strides = [1]} : vector<16xi32> to vector<1xi32>
      %squeeze3A_423 = vector.extract %slice3A_422[0] : i32 from vector<1xi32>
      %and3A_424 = arith.constant -128 : i32
      %and3A_425 = arith.andi %squeeze3A_423, %and3A_424 : i32
      %multiple_of3A_426 = tpu.assume_multiple %and3A_425, 128 : i32
      %dma_start3A_427 = arith.constant 0 : i32
      %dma_start3A_428 = tpu.memref_slice %arg3[%dma_start3A_427, %multiple_of3A_426] : memref<64x1000000xf32, #tpu.memory_space<hbm>> -> memref<64x128xf32, #tpu.memory_space<hbm>>
      %dma_start3A_429 = arith.constant 0 : i32
      %dma_start3A_430 = tpu.memref_slice %arg3[%dma_start3A_429, %multiple_of3A_426] : memref<64x1000000xf32, #tpu.memory_space<hbm>> -> memref<64x128xf32, #tpu.memory_space<hbm>>
      tpu.enqueue_dma source(%dma_start3A_430 : memref<64x128xf32, #tpu.memory_space<hbm>>) target(%arg9 : memref<64x128xf32, #tpu.memory_space<vmem>>) target_semaphore(%arg18 : memref<!tpu.dma_semaphore, #tpu.memory_space<semaphore_mem>>)
      %mul3A_431 = arith.constant 16 : i32
      %mul3A_432 = arith.muli %mul3A_431, %scan3A_90 : i32
      %add3A_433 = arith.constant 4 : i32
      %add3A_434 = arith.addi %mul3A_432, %add3A_433 : i32
      %and3A_435 = arith.constant 0 : i32
      %and3A_436 = vector.broadcast %and3A_435 : i32 to vector<16xi32>
      %and3A_437 = arith.andi %add3A_5, %and3A_436 : vector<16xi32>
      %and3A_438 = arith.constant 127 : i32
      %and3A_439 = arith.andi %squeeze3A_415, %and3A_438 : i32
      %add3A_440 = vector.broadcast %and3A_439 : i32 to vector<16xi32>
      %add3A_441 = arith.addi %and3A_437, %add3A_440 : vector<16xi32>
      %mul3A_442 = arith.constant 128 : i32
      %mul3A_443 = vector.broadcast %mul3A_442 : i32 to vector<16xi32>
      %mul3A_444 = arith.muli %add3A_5, %mul3A_443 : vector<16xi32>
      %add3A_445 = arith.addi %mul3A_444, %add3A_441 : vector<16xi32>
      %gather3A_446 = arith.constant 0 : i32
      %gather3A_447 = tpu.memref_reshape %arg10 : memref<64x128xf32, #tpu.memory_space<vmem>> -> memref<1x8192xf32, #tpu.memory_space<vmem>>
      %gather3A_448 = arith.constant 0 : i32
      %gather3A_449 = tpu.memref_slice %gather3A_447[%gather3A_446, %gather3A_448] : memref<1x8192xf32, #tpu.memory_space<vmem>> -> memref<1x8192xf32, #tpu.memory_space<vmem>>
      %gather3A_450 = tpu.memref_squeeze %gather3A_449 : memref<1x8192xf32, #tpu.memory_space<vmem>> -> memref<8192xf32, #tpu.memory_space<vmem>>
      %gather3A_451 = tpu.vector_load_idx %gather3A_450[%add3A_445] : memref<8192xf32, #tpu.memory_space<vmem>>[vector<16xi32>], vector<16xf32>,
      %swap3A_452 = arith.index_cast %add3A_434 : i32 to index
      %swap3A_453 = arith.constant 0 : index
      %swap3A_454 = tpu.vector_load %arg14[%swap3A_452, %swap3A_453] {strides = array<i32>} : memref<256x64xf32, #tpu.memory_space<vmem>>, vector<16xf32>,
      tpu.vector_store %arg14[%swap3A_452, %swap3A_453], %gather3A_451 {strides = array<i32>} : memref<256x64xf32, #tpu.memory_space<vmem>>, vector<16xf32>,
      %mul3A_455 = arith.constant 128 : i32
      %mul3A_456 = vector.broadcast %mul3A_455 : i32 to vector<16xi32>
      %mul3A_457 = arith.muli %add3A_9, %mul3A_456 : vector<16xi32>
      %add3A_458 = arith.addi %mul3A_457, %add3A_441 : vector<16xi32>
      %gather3A_459 = arith.constant 0 : i32
      %gather3A_460 = tpu.memref_reshape %arg10 : memref<64x128xf32, #tpu.memory_space<vmem>> -> memref<1x8192xf32, #tpu.memory_space<vmem>>
      %gather3A_461 = arith.constant 0 : i32
      %gather3A_462 = tpu.memref_slice %gather3A_460[%gather3A_459, %gather3A_461] : memref<1x8192xf32, #tpu.memory_space<vmem>> -> memref<1x8192xf32, #tpu.memory_space<vmem>>
      %gather3A_463 = tpu.memref_squeeze %gather3A_462 : memref<1x8192xf32, #tpu.memory_space<vmem>> -> memref<8192xf32, #tpu.memory_space<vmem>>
      %gather3A_464 = tpu.vector_load_idx %gather3A_463[%add3A_458] : memref<8192xf32, #tpu.memory_space<vmem>>[vector<16xi32>], vector<16xf32>,
      %swap3A_465 = arith.index_cast %add3A_434 : i32 to index
      %swap3A_466 = arith.constant 16 : index
      %swap3A_467 = tpu.vector_load %arg14[%swap3A_465, %swap3A_466] {strides = array<i32>} : memref<256x64xf32, #tpu.memory_space<vmem>>, vector<16xf32>,
      tpu.vector_store %arg14[%swap3A_465, %swap3A_466], %gather3A_464 {strides = array<i32>} : memref<256x64xf32, #tpu.memory_space<vmem>>, vector<16xf32>,
      %mul3A_468 = arith.constant 128 : i32
      %mul3A_469 = vector.broadcast %mul3A_468 : i32 to vector<16xi32>
      %mul3A_470 = arith.muli %add3A_13, %mul3A_469 : vector<16xi32>
      %add3A_471 = arith.addi %mul3A_470, %add3A_441 : vector<16xi32>
      %gather3A_472 = arith.constant 0 : i32
      %gather3A_473 = tpu.memref_reshape %arg10 : memref<64x128xf32, #tpu.memory_space<vmem>> -> memref<1x8192xf32, #tpu.memory_space<vmem>>
      %gather3A_474 = arith.constant 0 : i32
      %gather3A_475 = tpu.memref_slice %gather3A_473[%gather3A_472, %gather3A_474] : memref<1x8192xf32, #tpu.memory_space<vmem>> -> memref<1x8192xf32, #tpu.memory_space<vmem>>
      %gather3A_476 = tpu.memref_squeeze %gather3A_475 : memref<1x8192xf32, #tpu.memory_space<vmem>> -> memref<8192xf32, #tpu.memory_space<vmem>>
      %gather3A_477 = tpu.vector_load_idx %gather3A_476[%add3A_471] : memref<8192xf32, #tpu.memory_space<vmem>>[vector<16xi32>], vector<16xf32>,
      %swap3A_478 = arith.index_cast %add3A_434 : i32 to index
      %swap3A_479 = arith.constant 32 : index
      %swap3A_480 = tpu.vector_load %arg14[%swap3A_478, %swap3A_479] {strides = array<i32>} : memref<256x64xf32, #tpu.memory_space<vmem>>, vector<16xf32>,
      tpu.vector_store %arg14[%swap3A_478, %swap3A_479], %gather3A_477 {strides = array<i32>} : memref<256x64xf32, #tpu.memory_space<vmem>>, vector<16xf32>,
      %mul3A_481 = arith.constant 128 : i32
      %mul3A_482 = vector.broadcast %mul3A_481 : i32 to vector<16xi32>
      %mul3A_483 = arith.muli %add3A_17, %mul3A_482 : vector<16xi32>
      %add3A_484 = arith.addi %mul3A_483, %add3A_441 : vector<16xi32>
      %gather3A_485 = arith.constant 0 : i32
      %gather3A_486 = tpu.memref_reshape %arg10 : memref<64x128xf32, #tpu.memory_space<vmem>> -> memref<1x8192xf32, #tpu.memory_space<vmem>>
      %gather3A_487 = arith.constant 0 : i32
      %gather3A_488 = tpu.memref_slice %gather3A_486[%gather3A_485, %gather3A_487] : memref<1x8192xf32, #tpu.memory_space<vmem>> -> memref<1x8192xf32, #tpu.memory_space<vmem>>
      %gather3A_489 = tpu.memref_squeeze %gather3A_488 : memref<1x8192xf32, #tpu.memory_space<vmem>> -> memref<8192xf32, #tpu.memory_space<vmem>>
      %gather3A_490 = tpu.vector_load_idx %gather3A_489[%add3A_484] : memref<8192xf32, #tpu.memory_space<vmem>>[vector<16xi32>], vector<16xf32>,
      %swap3A_491 = arith.index_cast %add3A_434 : i32 to index
      %swap3A_492 = arith.constant 48 : index
      %swap3A_493 = tpu.vector_load %arg14[%swap3A_491, %swap3A_492] {strides = array<i32>} : memref<256x64xf32, #tpu.memory_space<vmem>>, vector<16xf32>,
      tpu.vector_store %arg14[%swap3A_491, %swap3A_492], %gather3A_490 {strides = array<i32>} : memref<256x64xf32, #tpu.memory_space<vmem>>, vector<16xf32>,
      %slice3A_494 = vector.extract_strided_slice %get3A_96 {offsets = [5], sizes = [1], strides = [1]} : vector<16xi32> to vector<1xi32>
      %squeeze3A_495 = vector.extract %slice3A_494[0] : i32 from vector<1xi32>
      %dma_wait3A_496 = arith.constant 0 : i32
      %dma_wait3A_497 = arith.constant 0 : i32
      %dma_wait3A_498 = tpu.memref_slice %arg3[%dma_wait3A_496, %dma_wait3A_497] : memref<64x1000000xf32, #tpu.memory_space<hbm>> -> memref<64x128xf32, #tpu.memory_space<hbm>>
      %dma_wait3A_499 = arith.constant 0 : i32
      %dma_wait3A_500 = arith.constant 0 : i32
      %dma_wait3A_501 = tpu.memref_slice %arg3[%dma_wait3A_499, %dma_wait3A_500] : memref<64x1000000xf32, #tpu.memory_space<hbm>> -> memref<64x128xf32, #tpu.memory_space<hbm>>
      tpu.wait_dma2 semaphore(%arg20 : memref<!tpu.dma_semaphore, #tpu.memory_space<semaphore_mem>>) src(%dma_wait3A_501 : memref<64x128xf32, #tpu.memory_space<hbm>>) dst(%arg11 : memref<64x128xf32, #tpu.memory_space<vmem>>)
      %slice3A_502 = vector.extract_strided_slice %get3A_96 {offsets = [12], sizes = [1], strides = [1]} : vector<16xi32> to vector<1xi32>
      %squeeze3A_503 = vector.extract %slice3A_502[0] : i32 from vector<1xi32>
      %and3A_504 = arith.constant -128 : i32
      %and3A_505 = arith.andi %squeeze3A_503, %and3A_504 : i32
      %multiple_of3A_506 = tpu.assume_multiple %and3A_505, 128 : i32
      %dma_start3A_507 = arith.constant 0 : i32
      %dma_start3A_508 = tpu.memref_slice %arg3[%dma_start3A_507, %multiple_of3A_506] : memref<64x1000000xf32, #tpu.memory_space<hbm>> -> memref<64x128xf32, #tpu.memory_space<hbm>>
      %dma_start3A_509 = arith.constant 0 : i32
      %dma_start3A_510 = tpu.memref_slice %arg3[%dma_start3A_509, %multiple_of3A_506] : memref<64x1000000xf32, #tpu.memory_space<hbm>> -> memref<64x128xf32, #tpu.memory_space<hbm>>
      tpu.enqueue_dma source(%dma_start3A_510 : memref<64x128xf32, #tpu.memory_space<hbm>>) target(%arg10 : memref<64x128xf32, #tpu.memory_space<vmem>>) target_semaphore(%arg19 : memref<!tpu.dma_semaphore, #tpu.memory_space<semaphore_mem>>)
      %mul3A_511 = arith.constant 16 : i32
      %mul3A_512 = arith.muli %mul3A_511, %scan3A_90 : i32
      %add3A_513 = arith.constant 5 : i32
      %add3A_514 = arith.addi %mul3A_512, %add3A_513 : i32
      %and3A_515 = arith.constant 0 : i32
      %and3A_516 = vector.broadcast %and3A_515 : i32 to vector<16xi32>
      %and3A_517 = arith.andi %add3A_5, %and3A_516 : vector<16xi32>
      %and3A_518 = arith.constant 127 : i32
      %and3A_519 = arith.andi %squeeze3A_495, %and3A_518 : i32
      %add3A_520 = vector.broadcast %and3A_519 : i32 to vector<16xi32>
      %add3A_521 = arith.addi %and3A_517, %add3A_520 : vector<16xi32>
      %mul3A_522 = arith.constant 128 : i32
      %mul3A_523 = vector.broadcast %mul3A_522 : i32 to vector<16xi32>
      %mul3A_524 = arith.muli %add3A_5, %mul3A_523 : vector<16xi32>
      %add3A_525 = arith.addi %mul3A_524, %add3A_521 : vector<16xi32>
      %gather3A_526 = arith.constant 0 : i32
      %gather3A_527 = tpu.memref_reshape %arg11 : memref<64x128xf32, #tpu.memory_space<vmem>> -> memref<1x8192xf32, #tpu.memory_space<vmem>>
      %gather3A_528 = arith.constant 0 : i32
      %gather3A_529 = tpu.memref_slice %gather3A_527[%gather3A_526, %gather3A_528] : memref<1x8192xf32, #tpu.memory_space<vmem>> -> memref<1x8192xf32, #tpu.memory_space<vmem>>
      %gather3A_530 = tpu.memref_squeeze %gather3A_529 : memref<1x8192xf32, #tpu.memory_space<vmem>> -> memref<8192xf32, #tpu.memory_space<vmem>>
      %gather3A_531 = tpu.vector_load_idx %gather3A_530[%add3A_525] : memref<8192xf32, #tpu.memory_space<vmem>>[vector<16xi32>], vector<16xf32>,
      %swap3A_532 = arith.index_cast %add3A_514 : i32 to index
      %swap3A_533 = arith.constant 0 : index
      %swap3A_534 = tpu.vector_load %arg14[%swap3A_532, %swap3A_533] {strides = array<i32>} : memref<256x64xf32, #tpu.memory_space<vmem>>, vector<16xf32>,
      tpu.vector_store %arg14[%swap3A_532, %swap3A_533], %gather3A_531 {strides = array<i32>} : memref<256x64xf32, #tpu.memory_space<vmem>>, vector<16xf32>,
      %mul3A_535 = arith.constant 128 : i32
      %mul3A_536 = vector.broadcast %mul3A_535 : i32 to vector<16xi32>
      %mul3A_537 = arith.muli %add3A_9, %mul3A_536 : vector<16xi32>
      %add3A_538 = arith.addi %mul3A_537, %add3A_521 : vector<16xi32>
      %gather3A_539 = arith.constant 0 : i32
      %gather3A_540 = tpu.memref_reshape %arg11 : memref<64x128xf32, #tpu.memory_space<vmem>> -> memref<1x8192xf32, #tpu.memory_space<vmem>>
      %gather3A_541 = arith.constant 0 : i32
      %gather3A_542 = tpu.memref_slice %gather3A_540[%gather3A_539, %gather3A_541] : memref<1x8192xf32, #tpu.memory_space<vmem>> -> memref<1x8192xf32, #tpu.memory_space<vmem>>
      %gather3A_543 = tpu.memref_squeeze %gather3A_542 : memref<1x8192xf32, #tpu.memory_space<vmem>> -> memref<8192xf32, #tpu.memory_space<vmem>>
      %gather3A_544 = tpu.vector_load_idx %gather3A_543[%add3A_538] : memref<8192xf32, #tpu.memory_space<vmem>>[vector<16xi32>], vector<16xf32>,
      %swap3A_545 = arith.index_cast %add3A_514 : i32 to index
      %swap3A_546 = arith.constant 16 : index
      %swap3A_547 = tpu.vector_load %arg14[%swap3A_545, %swap3A_546] {strides = array<i32>} : memref<256x64xf32, #tpu.memory_space<vmem>>, vector<16xf32>,
      tpu.vector_store %arg14[%swap3A_545, %swap3A_546], %gather3A_544 {strides = array<i32>} : memref<256x64xf32, #tpu.memory_space<vmem>>, vector<16xf32>,
      %mul3A_548 = arith.constant 128 : i32
      %mul3A_549 = vector.broadcast %mul3A_548 : i32 to vector<16xi32>
      %mul3A_550 = arith.muli %add3A_13, %mul3A_549 : vector<16xi32>
      %add3A_551 = arith.addi %mul3A_550, %add3A_521 : vector<16xi32>
      %gather3A_552 = arith.constant 0 : i32
      %gather3A_553 = tpu.memref_reshape %arg11 : memref<64x128xf32, #tpu.memory_space<vmem>> -> memref<1x8192xf32, #tpu.memory_space<vmem>>
      %gather3A_554 = arith.constant 0 : i32
      %gather3A_555 = tpu.memref_slice %gather3A_553[%gather3A_552, %gather3A_554] : memref<1x8192xf32, #tpu.memory_space<vmem>> -> memref<1x8192xf32, #tpu.memory_space<vmem>>
      %gather3A_556 = tpu.memref_squeeze %gather3A_555 : memref<1x8192xf32, #tpu.memory_space<vmem>> -> memref<8192xf32, #tpu.memory_space<vmem>>
      %gather3A_557 = tpu.vector_load_idx %gather3A_556[%add3A_551] : memref<8192xf32, #tpu.memory_space<vmem>>[vector<16xi32>], vector<16xf32>,
      %swap3A_558 = arith.index_cast %add3A_514 : i32 to index
      %swap3A_559 = arith.constant 32 : index
      %swap3A_560 = tpu.vector_load %arg14[%swap3A_558, %swap3A_559] {strides = array<i32>} : memref<256x64xf32, #tpu.memory_space<vmem>>, vector<16xf32>,
      tpu.vector_store %arg14[%swap3A_558, %swap3A_559], %gather3A_557 {strides = array<i32>} : memref<256x64xf32, #tpu.memory_space<vmem>>, vector<16xf32>,
      %mul3A_561 = arith.constant 128 : i32
      %mul3A_562 = vector.broadcast %mul3A_561 : i32 to vector<16xi32>
      %mul3A_563 = arith.muli %add3A_17, %mul3A_562 : vector<16xi32>
      %add3A_564 = arith.addi %mul3A_563, %add3A_521 : vector<16xi32>
      %gather3A_565 = arith.constant 0 : i32
      %gather3A_566 = tpu.memref_reshape %arg11 : memref<64x128xf32, #tpu.memory_space<vmem>> -> memref<1x8192xf32, #tpu.memory_space<vmem>>
      %gather3A_567 = arith.constant 0 : i32
      %gather3A_568 = tpu.memref_slice %gather3A_566[%gather3A_565, %gather3A_567] : memref<1x8192xf32, #tpu.memory_space<vmem>> -> memref<1x8192xf32, #tpu.memory_space<vmem>>
      %gather3A_569 = tpu.memref_squeeze %gather3A_568 : memref<1x8192xf32, #tpu.memory_space<vmem>> -> memref<8192xf32, #tpu.memory_space<vmem>>
      %gather3A_570 = tpu.vector_load_idx %gather3A_569[%add3A_564] : memref<8192xf32, #tpu.memory_space<vmem>>[vector<16xi32>], vector<16xf32>,
      %swap3A_571 = arith.index_cast %add3A_514 : i32 to index
      %swap3A_572 = arith.constant 48 : index
      %swap3A_573 = tpu.vector_load %arg14[%swap3A_571, %swap3A_572] {strides = array<i32>} : memref<256x64xf32, #tpu.memory_space<vmem>>, vector<16xf32>,
      tpu.vector_store %arg14[%swap3A_571, %swap3A_572], %gather3A_570 {strides = array<i32>} : memref<256x64xf32, #tpu.memory_space<vmem>>, vector<16xf32>,
      %slice3A_574 = vector.extract_strided_slice %get3A_96 {offsets = [6], sizes = [1], strides = [1]} : vector<16xi32> to vector<1xi32>
      %squeeze3A_575 = vector.extract %slice3A_574[0] : i32 from vector<1xi32>
      %dma_wait3A_576 = arith.constant 0 : i32
      %dma_wait3A_577 = arith.constant 0 : i32
      %dma_wait3A_578 = tpu.memref_slice %arg3[%dma_wait3A_576, %dma_wait3A_577] : memref<64x1000000xf32, #tpu.memory_space<hbm>> -> memref<64x128xf32, #tpu.memory_space<hbm>>
      %dma_wait3A_579 = arith.constant 0 : i32
      %dma_wait3A_580 = arith.constant 0 : i32
      %dma_wait3A_581 = tpu.memref_slice %arg3[%dma_wait3A_579, %dma_wait3A_580] : memref<64x1000000xf32, #tpu.memory_space<hbm>> -> memref<64x128xf32, #tpu.memory_space<hbm>>
      tpu.wait_dma2 semaphore(%arg21 : memref<!tpu.dma_semaphore, #tpu.memory_space<semaphore_mem>>) src(%dma_wait3A_581 : memref<64x128xf32, #tpu.memory_space<hbm>>) dst(%arg12 : memref<64x128xf32, #tpu.memory_space<vmem>>)
      %slice3A_582 = vector.extract_strided_slice %get3A_96 {offsets = [13], sizes = [1], strides = [1]} : vector<16xi32> to vector<1xi32>
      %squeeze3A_583 = vector.extract %slice3A_582[0] : i32 from vector<1xi32>
      %and3A_584 = arith.constant -128 : i32
      %and3A_585 = arith.andi %squeeze3A_583, %and3A_584 : i32
      %multiple_of3A_586 = tpu.assume_multiple %and3A_585, 128 : i32
      %dma_start3A_587 = arith.constant 0 : i32
      %dma_start3A_588 = tpu.memref_slice %arg3[%dma_start3A_587, %multiple_of3A_586] : memref<64x1000000xf32, #tpu.memory_space<hbm>> -> memref<64x128xf32, #tpu.memory_space<hbm>>
      %dma_start3A_589 = arith.constant 0 : i32
      %dma_start3A_590 = tpu.memref_slice %arg3[%dma_start3A_589, %multiple_of3A_586] : memref<64x1000000xf32, #tpu.memory_space<hbm>> -> memref<64x128xf32, #tpu.memory_space<hbm>>
      tpu.enqueue_dma source(%dma_start3A_590 : memref<64x128xf32, #tpu.memory_space<hbm>>) target(%arg11 : memref<64x128xf32, #tpu.memory_space<vmem>>) target_semaphore(%arg20 : memref<!tpu.dma_semaphore, #tpu.memory_space<semaphore_mem>>)
      %mul3A_591 = arith.constant 16 : i32
      %mul3A_592 = arith.muli %mul3A_591, %scan3A_90 : i32
      %add3A_593 = arith.constant 6 : i32
      %add3A_594 = arith.addi %mul3A_592, %add3A_593 : i32
      %and3A_595 = arith.constant 0 : i32
      %and3A_596 = vector.broadcast %and3A_595 : i32 to vector<16xi32>
      %and3A_597 = arith.andi %add3A_5, %and3A_596 : vector<16xi32>
      %and3A_598 = arith.constant 127 : i32
      %and3A_599 = arith.andi %squeeze3A_575, %and3A_598 : i32
      %add3A_600 = vector.broadcast %and3A_599 : i32 to vector<16xi32>
      %add3A_601 = arith.addi %and3A_597, %add3A_600 : vector<16xi32>
      %mul3A_602 = arith.constant 128 : i32
      %mul3A_603 = vector.broadcast %mul3A_602 : i32 to vector<16xi32>
      %mul3A_604 = arith.muli %add3A_5, %mul3A_603 : vector<16xi32>
      %add3A_605 = arith.addi %mul3A_604, %add3A_601 : vector<16xi32>
      %gather3A_606 = arith.constant 0 : i32
      %gather3A_607 = tpu.memref_reshape %arg12 : memref<64x128xf32, #tpu.memory_space<vmem>> -> memref<1x8192xf32, #tpu.memory_space<vmem>>
      %gather3A_608 = arith.constant 0 : i32
      %gather3A_609 = tpu.memref_slice %gather3A_607[%gather3A_606, %gather3A_608] : memref<1x8192xf32, #tpu.memory_space<vmem>> -> memref<1x8192xf32, #tpu.memory_space<vmem>>
      %gather3A_610 = tpu.memref_squeeze %gather3A_609 : memref<1x8192xf32, #tpu.memory_space<vmem>> -> memref<8192xf32, #tpu.memory_space<vmem>>
      %gather3A_611 = tpu.vector_load_idx %gather3A_610[%add3A_605] : memref<8192xf32, #tpu.memory_space<vmem>>[vector<16xi32>], vector<16xf32>,
      %swap3A_612 = arith.index_cast %add3A_594 : i32 to index
      %swap3A_613 = arith.constant 0 : index
      %swap3A_614 = tpu.vector_load %arg14[%swap3A_612, %swap3A_613] {strides = array<i32>} : memref<256x64xf32, #tpu.memory_space<vmem>>, vector<16xf32>,
      tpu.vector_store %arg14[%swap3A_612, %swap3A_613], %gather3A_611 {strides = array<i32>} : memref<256x64xf32, #tpu.memory_space<vmem>>, vector<16xf32>,
      %mul3A_615 = arith.constant 128 : i32
      %mul3A_616 = vector.broadcast %mul3A_615 : i32 to vector<16xi32>
      %mul3A_617 = arith.muli %add3A_9, %mul3A_616 : vector<16xi32>
      %add3A_618 = arith.addi %mul3A_617, %add3A_601 : vector<16xi32>
      %gather3A_619 = arith.constant 0 : i32
      %gather3A_620 = tpu.memref_reshape %arg12 : memref<64x128xf32, #tpu.memory_space<vmem>> -> memref<1x8192xf32, #tpu.memory_space<vmem>>
      %gather3A_621 = arith.constant 0 : i32
      %gather3A_622 = tpu.memref_slice %gather3A_620[%gather3A_619, %gather3A_621] : memref<1x8192xf32, #tpu.memory_space<vmem>> -> memref<1x8192xf32, #tpu.memory_space<vmem>>
      %gather3A_623 = tpu.memref_squeeze %gather3A_622 : memref<1x8192xf32, #tpu.memory_space<vmem>> -> memref<8192xf32, #tpu.memory_space<vmem>>
      %gather3A_624 = tpu.vector_load_idx %gather3A_623[%add3A_618] : memref<8192xf32, #tpu.memory_space<vmem>>[vector<16xi32>], vector<16xf32>,
      %swap3A_625 = arith.index_cast %add3A_594 : i32 to index
      %swap3A_626 = arith.constant 16 : index
      %swap3A_627 = tpu.vector_load %arg14[%swap3A_625, %swap3A_626] {strides = array<i32>} : memref<256x64xf32, #tpu.memory_space<vmem>>, vector<16xf32>,
      tpu.vector_store %arg14[%swap3A_625, %swap3A_626], %gather3A_624 {strides = array<i32>} : memref<256x64xf32, #tpu.memory_space<vmem>>, vector<16xf32>,
      %mul3A_628 = arith.constant 128 : i32
      %mul3A_629 = vector.broadcast %mul3A_628 : i32 to vector<16xi32>
      %mul3A_630 = arith.muli %add3A_13, %mul3A_629 : vector<16xi32>
      %add3A_631 = arith.addi %mul3A_630, %add3A_601 : vector<16xi32>
      %gather3A_632 = arith.constant 0 : i32
      %gather3A_633 = tpu.memref_reshape %arg12 : memref<64x128xf32, #tpu.memory_space<vmem>> -> memref<1x8192xf32, #tpu.memory_space<vmem>>
      %gather3A_634 = arith.constant 0 : i32
      %gather3A_635 = tpu.memref_slice %gather3A_633[%gather3A_632, %gather3A_634] : memref<1x8192xf32, #tpu.memory_space<vmem>> -> memref<1x8192xf32, #tpu.memory_space<vmem>>
      %gather3A_636 = tpu.memref_squeeze %gather3A_635 : memref<1x8192xf32, #tpu.memory_space<vmem>> -> memref<8192xf32, #tpu.memory_space<vmem>>
      %gather3A_637 = tpu.vector_load_idx %gather3A_636[%add3A_631] : memref<8192xf32, #tpu.memory_space<vmem>>[vector<16xi32>], vector<16xf32>,
      %swap3A_638 = arith.index_cast %add3A_594 : i32 to index
      %swap3A_639 = arith.constant 32 : index
      %swap3A_640 = tpu.vector_load %arg14[%swap3A_638, %swap3A_639] {strides = array<i32>} : memref<256x64xf32, #tpu.memory_space<vmem>>, vector<16xf32>,
      tpu.vector_store %arg14[%swap3A_638, %swap3A_639], %gather3A_637 {strides = array<i32>} : memref<256x64xf32, #tpu.memory_space<vmem>>, vector<16xf32>,
      %mul3A_641 = arith.constant 128 : i32
      %mul3A_642 = vector.broadcast %mul3A_641 : i32 to vector<16xi32>
      %mul3A_643 = arith.muli %add3A_17, %mul3A_642 : vector<16xi32>
      %add3A_644 = arith.addi %mul3A_643, %add3A_601 : vector<16xi32>
      %gather3A_645 = arith.constant 0 : i32
      %gather3A_646 = tpu.memref_reshape %arg12 : memref<64x128xf32, #tpu.memory_space<vmem>> -> memref<1x8192xf32, #tpu.memory_space<vmem>>
      %gather3A_647 = arith.constant 0 : i32
      %gather3A_648 = tpu.memref_slice %gather3A_646[%gather3A_645, %gather3A_647] : memref<1x8192xf32, #tpu.memory_space<vmem>> -> memref<1x8192xf32, #tpu.memory_space<vmem>>
      %gather3A_649 = tpu.memref_squeeze %gather3A_648 : memref<1x8192xf32, #tpu.memory_space<vmem>> -> memref<8192xf32, #tpu.memory_space<vmem>>
      %gather3A_650 = tpu.vector_load_idx %gather3A_649[%add3A_644] : memref<8192xf32, #tpu.memory_space<vmem>>[vector<16xi32>], vector<16xf32>,
      %swap3A_651 = arith.index_cast %add3A_594 : i32 to index
      %swap3A_652 = arith.constant 48 : index
      %swap3A_653 = tpu.vector_load %arg14[%swap3A_651, %swap3A_652] {strides = array<i32>} : memref<256x64xf32, #tpu.memory_space<vmem>>, vector<16xf32>,
      tpu.vector_store %arg14[%swap3A_651, %swap3A_652], %gather3A_650 {strides = array<i32>} : memref<256x64xf32, #tpu.memory_space<vmem>>, vector<16xf32>,
      %slice3A_654 = vector.extract_strided_slice %get3A_96 {offsets = [7], sizes = [1], strides = [1]} : vector<16xi32> to vector<1xi32>
      %squeeze3A_655 = vector.extract %slice3A_654[0] : i32 from vector<1xi32>
      %dma_wait3A_656 = arith.constant 0 : i32
      %dma_wait3A_657 = arith.constant 0 : i32
      %dma_wait3A_658 = tpu.memref_slice %arg3[%dma_wait3A_656, %dma_wait3A_657] : memref<64x1000000xf32, #tpu.memory_space<hbm>> -> memref<64x128xf32, #tpu.memory_space<hbm>>
      %dma_wait3A_659 = arith.constant 0 : i32
      %dma_wait3A_660 = arith.constant 0 : i32
      %dma_wait3A_661 = tpu.memref_slice %arg3[%dma_wait3A_659, %dma_wait3A_660] : memref<64x1000000xf32, #tpu.memory_space<hbm>> -> memref<64x128xf32, #tpu.memory_space<hbm>>
      tpu.wait_dma2 semaphore(%arg22 : memref<!tpu.dma_semaphore, #tpu.memory_space<semaphore_mem>>) src(%dma_wait3A_661 : memref<64x128xf32, #tpu.memory_space<hbm>>) dst(%arg13 : memref<64x128xf32, #tpu.memory_space<vmem>>)
      %slice3A_662 = vector.extract_strided_slice %get3A_96 {offsets = [14], sizes = [1], strides = [1]} : vector<16xi32> to vector<1xi32>
      %squeeze3A_663 = vector.extract %slice3A_662[0] : i32 from vector<1xi32>
      %and3A_664 = arith.constant -128 : i32
      %and3A_665 = arith.andi %squeeze3A_663, %and3A_664 : i32
      %multiple_of3A_666 = tpu.assume_multiple %and3A_665, 128 : i32
      %dma_start3A_667 = arith.constant 0 : i32
      %dma_start3A_668 = tpu.memref_slice %arg3[%dma_start3A_667, %multiple_of3A_666] : memref<64x1000000xf32, #tpu.memory_space<hbm>> -> memref<64x128xf32, #tpu.memory_space<hbm>>
      %dma_start3A_669 = arith.constant 0 : i32
      %dma_start3A_670 = tpu.memref_slice %arg3[%dma_start3A_669, %multiple_of3A_666] : memref<64x1000000xf32, #tpu.memory_space<hbm>> -> memref<64x128xf32, #tpu.memory_space<hbm>>
      tpu.enqueue_dma source(%dma_start3A_670 : memref<64x128xf32, #tpu.memory_space<hbm>>) target(%arg12 : memref<64x128xf32, #tpu.memory_space<vmem>>) target_semaphore(%arg21 : memref<!tpu.dma_semaphore, #tpu.memory_space<semaphore_mem>>)
      %mul3A_671 = arith.constant 16 : i32
      %mul3A_672 = arith.muli %mul3A_671, %scan3A_90 : i32
      %add3A_673 = arith.constant 7 : i32
      %add3A_674 = arith.addi %mul3A_672, %add3A_673 : i32
      %and3A_675 = arith.constant 0 : i32
      %and3A_676 = vector.broadcast %and3A_675 : i32 to vector<16xi32>
      %and3A_677 = arith.andi %add3A_5, %and3A_676 : vector<16xi32>
      %and3A_678 = arith.constant 127 : i32
      %and3A_679 = arith.andi %squeeze3A_655, %and3A_678 : i32
      %add3A_680 = vector.broadcast %and3A_679 : i32 to vector<16xi32>
      %add3A_681 = arith.addi %and3A_677, %add3A_680 : vector<16xi32>
      %mul3A_682 = arith.constant 128 : i32
      %mul3A_683 = vector.broadcast %mul3A_682 : i32 to vector<16xi32>
      %mul3A_684 = arith.muli %add3A_5, %mul3A_683 : vector<16xi32>
      %add3A_685 = arith.addi %mul3A_684, %add3A_681 : vector<16xi32>
      %gather3A_686 = arith.constant 0 : i32
      %gather3A_687 = tpu.memref_reshape %arg13 : memref<64x128xf32, #tpu.memory_space<vmem>> -> memref<1x8192xf32, #tpu.memory_space<vmem>>
      %gather3A_688 = arith.constant 0 : i32
      %gather3A_689 = tpu.memref_slice %gather3A_687[%gather3A_686, %gather3A_688] : memref<1x8192xf32, #tpu.memory_space<vmem>> -> memref<1x8192xf32, #tpu.memory_space<vmem>>
      %gather3A_690 = tpu.memref_squeeze %gather3A_689 : memref<1x8192xf32, #tpu.memory_space<vmem>> -> memref<8192xf32, #tpu.memory_space<vmem>>
      %gather3A_691 = tpu.vector_load_idx %gather3A_690[%add3A_685] : memref<8192xf32, #tpu.memory_space<vmem>>[vector<16xi32>], vector<16xf32>,
      %swap3A_692 = arith.index_cast %add3A_674 : i32 to index
      %swap3A_693 = arith.constant 0 : index
      %swap3A_694 = tpu.vector_load %arg14[%swap3A_692, %swap3A_693] {strides = array<i32>} : memref<256x64xf32, #tpu.memory_space<vmem>>, vector<16xf32>,
      tpu.vector_store %arg14[%swap3A_692, %swap3A_693], %gather3A_691 {strides = array<i32>} : memref<256x64xf32, #tpu.memory_space<vmem>>, vector<16xf32>,
      %mul3A_695 = arith.constant 128 : i32
      %mul3A_696 = vector.broadcast %mul3A_695 : i32 to vector<16xi32>
      %mul3A_697 = arith.muli %add3A_9, %mul3A_696 : vector<16xi32>
      %add3A_698 = arith.addi %mul3A_697, %add3A_681 : vector<16xi32>
      %gather3A_699 = arith.constant 0 : i32
      %gather3A_700 = tpu.memref_reshape %arg13 : memref<64x128xf32, #tpu.memory_space<vmem>> -> memref<1x8192xf32, #tpu.memory_space<vmem>>
      %gather3A_701 = arith.constant 0 : i32
      %gather3A_702 = tpu.memref_slice %gather3A_700[%gather3A_699, %gather3A_701] : memref<1x8192xf32, #tpu.memory_space<vmem>> -> memref<1x8192xf32, #tpu.memory_space<vmem>>
      %gather3A_703 = tpu.memref_squeeze %gather3A_702 : memref<1x8192xf32, #tpu.memory_space<vmem>> -> memref<8192xf32, #tpu.memory_space<vmem>>
      %gather3A_704 = tpu.vector_load_idx %gather3A_703[%add3A_698] : memref<8192xf32, #tpu.memory_space<vmem>>[vector<16xi32>], vector<16xf32>,
      %swap3A_705 = arith.index_cast %add3A_674 : i32 to index
      %swap3A_706 = arith.constant 16 : index
      %swap3A_707 = tpu.vector_load %arg14[%swap3A_705, %swap3A_706] {strides = array<i32>} : memref<256x64xf32, #tpu.memory_space<vmem>>, vector<16xf32>,
      tpu.vector_store %arg14[%swap3A_705, %swap3A_706], %gather3A_704 {strides = array<i32>} : memref<256x64xf32, #tpu.memory_space<vmem>>, vector<16xf32>,
      %mul3A_708 = arith.constant 128 : i32
      %mul3A_709 = vector.broadcast %mul3A_708 : i32 to vector<16xi32>
      %mul3A_710 = arith.muli %add3A_13, %mul3A_709 : vector<16xi32>
      %add3A_711 = arith.addi %mul3A_710, %add3A_681 : vector<16xi32>
      %gather3A_712 = arith.constant 0 : i32
      %gather3A_713 = tpu.memref_reshape %arg13 : memref<64x128xf32, #tpu.memory_space<vmem>> -> memref<1x8192xf32, #tpu.memory_space<vmem>>
      %gather3A_714 = arith.constant 0 : i32
      %gather3A_715 = tpu.memref_slice %gather3A_713[%gather3A_712, %gather3A_714] : memref<1x8192xf32, #tpu.memory_space<vmem>> -> memref<1x8192xf32, #tpu.memory_space<vmem>>
      %gather3A_716 = tpu.memref_squeeze %gather3A_715 : memref<1x8192xf32, #tpu.memory_space<vmem>> -> memref<8192xf32, #tpu.memory_space<vmem>>
      %gather3A_717 = tpu.vector_load_idx %gather3A_716[%add3A_711] : memref<8192xf32, #tpu.memory_space<vmem>>[vector<16xi32>], vector<16xf32>,
      %swap3A_718 = arith.index_cast %add3A_674 : i32 to index
      %swap3A_719 = arith.constant 32 : index
      %swap3A_720 = tpu.vector_load %arg14[%swap3A_718, %swap3A_719] {strides = array<i32>} : memref<256x64xf32, #tpu.memory_space<vmem>>, vector<16xf32>,
      tpu.vector_store %arg14[%swap3A_718, %swap3A_719], %gather3A_717 {strides = array<i32>} : memref<256x64xf32, #tpu.memory_space<vmem>>, vector<16xf32>,
      %mul3A_721 = arith.constant 128 : i32
      %mul3A_722 = vector.broadcast %mul3A_721 : i32 to vector<16xi32>
      %mul3A_723 = arith.muli %add3A_17, %mul3A_722 : vector<16xi32>
      %add3A_724 = arith.addi %mul3A_723, %add3A_681 : vector<16xi32>
      %gather3A_725 = arith.constant 0 : i32
      %gather3A_726 = tpu.memref_reshape %arg13 : memref<64x128xf32, #tpu.memory_space<vmem>> -> memref<1x8192xf32, #tpu.memory_space<vmem>>
      %gather3A_727 = arith.constant 0 : i32
      %gather3A_728 = tpu.memref_slice %gather3A_726[%gather3A_725, %gather3A_727] : memref<1x8192xf32, #tpu.memory_space<vmem>> -> memref<1x8192xf32, #tpu.memory_space<vmem>>
      %gather3A_729 = tpu.memref_squeeze %gather3A_728 : memref<1x8192xf32, #tpu.memory_space<vmem>> -> memref<8192xf32, #tpu.memory_space<vmem>>
      %gather3A_730 = tpu.vector_load_idx %gather3A_729[%add3A_724] : memref<8192xf32, #tpu.memory_space<vmem>>[vector<16xi32>], vector<16xf32>,
      %swap3A_731 = arith.index_cast %add3A_674 : i32 to index
      %swap3A_732 = arith.constant 48 : index
      %swap3A_733 = tpu.vector_load %arg14[%swap3A_731, %swap3A_732] {strides = array<i32>} : memref<256x64xf32, #tpu.memory_space<vmem>>, vector<16xf32>,
      tpu.vector_store %arg14[%swap3A_731, %swap3A_732], %gather3A_730 {strides = array<i32>} : memref<256x64xf32, #tpu.memory_space<vmem>>, vector<16xf32>,
      %slice3A_734 = vector.extract_strided_slice %get3A_96 {offsets = [8], sizes = [1], strides = [1]} : vector<16xi32> to vector<1xi32>
      %squeeze3A_735 = vector.extract %slice3A_734[0] : i32 from vector<1xi32>
      %dma_wait3A_736 = arith.constant 0 : i32
      %dma_wait3A_737 = arith.constant 0 : i32
      %dma_wait3A_738 = tpu.memref_slice %arg3[%dma_wait3A_736, %dma_wait3A_737] : memref<64x1000000xf32, #tpu.memory_space<hbm>> -> memref<64x128xf32, #tpu.memory_space<hbm>>
      %dma_wait3A_739 = arith.constant 0 : i32
      %dma_wait3A_740 = arith.constant 0 : i32
      %dma_wait3A_741 = tpu.memref_slice %arg3[%dma_wait3A_739, %dma_wait3A_740] : memref<64x1000000xf32, #tpu.memory_space<hbm>> -> memref<64x128xf32, #tpu.memory_space<hbm>>
      tpu.wait_dma2 semaphore(%arg15 : memref<!tpu.dma_semaphore, #tpu.memory_space<semaphore_mem>>) src(%dma_wait3A_741 : memref<64x128xf32, #tpu.memory_space<hbm>>) dst(%arg6 : memref<64x128xf32, #tpu.memory_space<vmem>>)
      %slice3A_742 = vector.extract_strided_slice %get3A_96 {offsets = [15], sizes = [1], strides = [1]} : vector<16xi32> to vector<1xi32>
      %squeeze3A_743 = vector.extract %slice3A_742[0] : i32 from vector<1xi32>
      %and3A_744 = arith.constant -128 : i32
      %and3A_745 = arith.andi %squeeze3A_743, %and3A_744 : i32
      %multiple_of3A_746 = tpu.assume_multiple %and3A_745, 128 : i32
      %dma_start3A_747 = arith.constant 0 : i32
      %dma_start3A_748 = tpu.memref_slice %arg3[%dma_start3A_747, %multiple_of3A_746] : memref<64x1000000xf32, #tpu.memory_space<hbm>> -> memref<64x128xf32, #tpu.memory_space<hbm>>
      %dma_start3A_749 = arith.constant 0 : i32
      %dma_start3A_750 = tpu.memref_slice %arg3[%dma_start3A_749, %multiple_of3A_746] : memref<64x1000000xf32, #tpu.memory_space<hbm>> -> memref<64x128xf32, #tpu.memory_space<hbm>>
      tpu.enqueue_dma source(%dma_start3A_750 : memref<64x128xf32, #tpu.memory_space<hbm>>) target(%arg13 : memref<64x128xf32, #tpu.memory_space<vmem>>) target_semaphore(%arg22 : memref<!tpu.dma_semaphore, #tpu.memory_space<semaphore_mem>>)
      %mul3A_751 = arith.constant 16 : i32
      %mul3A_752 = arith.muli %mul3A_751, %scan3A_90 : i32
      %add3A_753 = arith.constant 8 : i32
      %add3A_754 = arith.addi %mul3A_752, %add3A_753 : i32
      %and3A_755 = arith.constant 0 : i32
      %and3A_756 = vector.broadcast %and3A_755 : i32 to vector<16xi32>
      %and3A_757 = arith.andi %add3A_5, %and3A_756 : vector<16xi32>
      %and3A_758 = arith.constant 127 : i32
      %and3A_759 = arith.andi %squeeze3A_735, %and3A_758 : i32
      %add3A_760 = vector.broadcast %and3A_759 : i32 to vector<16xi32>
      %add3A_761 = arith.addi %and3A_757, %add3A_760 : vector<16xi32>
      %mul3A_762 = arith.constant 128 : i32
      %mul3A_763 = vector.broadcast %mul3A_762 : i32 to vector<16xi32>
      %mul3A_764 = arith.muli %add3A_5, %mul3A_763 : vector<16xi32>
      %add3A_765 = arith.addi %mul3A_764, %add3A_761 : vector<16xi32>
      %gather3A_766 = arith.constant 0 : i32
      %gather3A_767 = tpu.memref_reshape %arg6 : memref<64x128xf32, #tpu.memory_space<vmem>> -> memref<1x8192xf32, #tpu.memory_space<vmem>>
      %gather3A_768 = arith.constant 0 : i32
      %gather3A_769 = tpu.memref_slice %gather3A_767[%gather3A_766, %gather3A_768] : memref<1x8192xf32, #tpu.memory_space<vmem>> -> memref<1x8192xf32, #tpu.memory_space<vmem>>
      %gather3A_770 = tpu.memref_squeeze %gather3A_769 : memref<1x8192xf32, #tpu.memory_space<vmem>> -> memref<8192xf32, #tpu.memory_space<vmem>>
      %gather3A_771 = tpu.vector_load_idx %gather3A_770[%add3A_765] : memref<8192xf32, #tpu.memory_space<vmem>>[vector<16xi32>], vector<16xf32>,
      %swap3A_772 = arith.index_cast %add3A_754 : i32 to index
      %swap3A_773 = arith.constant 0 : index
      %swap3A_774 = tpu.vector_load %arg14[%swap3A_772, %swap3A_773] {strides = array<i32>} : memref<256x64xf32, #tpu.memory_space<vmem>>, vector<16xf32>,
      tpu.vector_store %arg14[%swap3A_772, %swap3A_773], %gather3A_771 {strides = array<i32>} : memref<256x64xf32, #tpu.memory_space<vmem>>, vector<16xf32>,
      %mul3A_775 = arith.constant 128 : i32
      %mul3A_776 = vector.broadcast %mul3A_775 : i32 to vector<16xi32>
      %mul3A_777 = arith.muli %add3A_9, %mul3A_776 : vector<16xi32>
      %add3A_778 = arith.addi %mul3A_777, %add3A_761 : vector<16xi32>
      %gather3A_779 = arith.constant 0 : i32
      %gather3A_780 = tpu.memref_reshape %arg6 : memref<64x128xf32, #tpu.memory_space<vmem>> -> memref<1x8192xf32, #tpu.memory_space<vmem>>
      %gather3A_781 = arith.constant 0 : i32
      %gather3A_782 = tpu.memref_slice %gather3A_780[%gather3A_779, %gather3A_781] : memref<1x8192xf32, #tpu.memory_space<vmem>> -> memref<1x8192xf32, #tpu.memory_space<vmem>>
      %gather3A_783 = tpu.memref_squeeze %gather3A_782 : memref<1x8192xf32, #tpu.memory_space<vmem>> -> memref<8192xf32, #tpu.memory_space<vmem>>
      %gather3A_784 = tpu.vector_load_idx %gather3A_783[%add3A_778] : memref<8192xf32, #tpu.memory_space<vmem>>[vector<16xi32>], vector<16xf32>,
      %swap3A_785 = arith.index_cast %add3A_754 : i32 to index
      %swap3A_786 = arith.constant 16 : index
      %swap3A_787 = tpu.vector_load %arg14[%swap3A_785, %swap3A_786] {strides = array<i32>} : memref<256x64xf32, #tpu.memory_space<vmem>>, vector<16xf32>,
      tpu.vector_store %arg14[%swap3A_785, %swap3A_786], %gather3A_784 {strides = array<i32>} : memref<256x64xf32, #tpu.memory_space<vmem>>, vector<16xf32>,
      %mul3A_788 = arith.constant 128 : i32
      %mul3A_789 = vector.broadcast %mul3A_788 : i32 to vector<16xi32>
      %mul3A_790 = arith.muli %add3A_13, %mul3A_789 : vector<16xi32>
      %add3A_791 = arith.addi %mul3A_790, %add3A_761 : vector<16xi32>
      %gather3A_792 = arith.constant 0 : i32
      %gather3A_793 = tpu.memref_reshape %arg6 : memref<64x128xf32, #tpu.memory_space<vmem>> -> memref<1x8192xf32, #tpu.memory_space<vmem>>
      %gather3A_794 = arith.constant 0 : i32
      %gather3A_795 = tpu.memref_slice %gather3A_793[%gather3A_792, %gather3A_794] : memref<1x8192xf32, #tpu.memory_space<vmem>> -> memref<1x8192xf32, #tpu.memory_space<vmem>>
      %gather3A_796 = tpu.memref_squeeze %gather3A_795 : memref<1x8192xf32, #tpu.memory_space<vmem>> -> memref<8192xf32, #tpu.memory_space<vmem>>
      %gather3A_797 = tpu.vector_load_idx %gather3A_796[%add3A_791] : memref<8192xf32, #tpu.memory_space<vmem>>[vector<16xi32>], vector<16xf32>,
      %swap3A_798 = arith.index_cast %add3A_754 : i32 to index
      %swap3A_799 = arith.constant 32 : index
      %swap3A_800 = tpu.vector_load %arg14[%swap3A_798, %swap3A_799] {strides = array<i32>} : memref<256x64xf32, #tpu.memory_space<vmem>>, vector<16xf32>,
      tpu.vector_store %arg14[%swap3A_798, %swap3A_799], %gather3A_797 {strides = array<i32>} : memref<256x64xf32, #tpu.memory_space<vmem>>, vector<16xf32>,
      %mul3A_801 = arith.constant 128 : i32
      %mul3A_802 = vector.broadcast %mul3A_801 : i32 to vector<16xi32>
      %mul3A_803 = arith.muli %add3A_17, %mul3A_802 : vector<16xi32>
      %add3A_804 = arith.addi %mul3A_803, %add3A_761 : vector<16xi32>
      %gather3A_805 = arith.constant 0 : i32
      %gather3A_806 = tpu.memref_reshape %arg6 : memref<64x128xf32, #tpu.memory_space<vmem>> -> memref<1x8192xf32, #tpu.memory_space<vmem>>
      %gather3A_807 = arith.constant 0 : i32
      %gather3A_808 = tpu.memref_slice %gather3A_806[%gather3A_805, %gather3A_807] : memref<1x8192xf32, #tpu.memory_space<vmem>> -> memref<1x8192xf32, #tpu.memory_space<vmem>>
      %gather3A_809 = tpu.memref_squeeze %gather3A_808 : memref<1x8192xf32, #tpu.memory_space<vmem>> -> memref<8192xf32, #tpu.memory_space<vmem>>
      %gather3A_810 = tpu.vector_load_idx %gather3A_809[%add3A_804] : memref<8192xf32, #tpu.memory_space<vmem>>[vector<16xi32>], vector<16xf32>,
      %swap3A_811 = arith.index_cast %add3A_754 : i32 to index
      %swap3A_812 = arith.constant 48 : index
      %swap3A_813 = tpu.vector_load %arg14[%swap3A_811, %swap3A_812] {strides = array<i32>} : memref<256x64xf32, #tpu.memory_space<vmem>>, vector<16xf32>,
      tpu.vector_store %arg14[%swap3A_811, %swap3A_812], %gather3A_810 {strides = array<i32>} : memref<256x64xf32, #tpu.memory_space<vmem>>, vector<16xf32>,
      %slice3A_814 = vector.extract_strided_slice %get3A_96 {offsets = [9], sizes = [1], strides = [1]} : vector<16xi32> to vector<1xi32>
      %squeeze3A_815 = vector.extract %slice3A_814[0] : i32 from vector<1xi32>
      %dma_wait3A_816 = arith.constant 0 : i32
      %dma_wait3A_817 = arith.constant 0 : i32
      %dma_wait3A_818 = tpu.memref_slice %arg3[%dma_wait3A_816, %dma_wait3A_817] : memref<64x1000000xf32, #tpu.memory_space<hbm>> -> memref<64x128xf32, #tpu.memory_space<hbm>>
      %dma_wait3A_819 = arith.constant 0 : i32
      %dma_wait3A_820 = arith.constant 0 : i32
      %dma_wait3A_821 = tpu.memref_slice %arg3[%dma_wait3A_819, %dma_wait3A_820] : memref<64x1000000xf32, #tpu.memory_space<hbm>> -> memref<64x128xf32, #tpu.memory_space<hbm>>
      tpu.wait_dma2 semaphore(%arg16 : memref<!tpu.dma_semaphore, #tpu.memory_space<semaphore_mem>>) src(%dma_wait3A_821 : memref<64x128xf32, #tpu.memory_space<hbm>>) dst(%arg7 : memref<64x128xf32, #tpu.memory_space<vmem>>)
      %add3A_822 = arith.constant 16 : i32
      %add3A_823 = arith.addi %mul3A_94, %add3A_822 : i32
      %add3A_824 = arith.constant 0 : i32
      %add3A_825 = arith.addi %add3A_823, %add3A_824 : i32
      %lt3A = arith.constant 512 : i32
      %lt3A_826 = arith.cmpi slt, %add3A_825, %lt3A : i32
      %convert_element_type3A = arith.extui %lt3A_826 : i1 to i32
      %cond3A = arith.constant 0 : i32
      %cond3A_827 = arith.cmpi ne, %convert_element_type3A, %cond3A : i32
      scf.if %cond3A_827 {
        %add3A_1371 = arith.constant 16 : i32
        %add3A_1372 = arith.addi %mul3A_94, %add3A_1371 : i32
        %get3A_1373 = arith.index_cast %add3A_1372 : i32 to index
        %get3A_1374 = tpu.vector_load %arg5[%get3A_1373] {strides = array<i32>} : memref<512xi32, #tpu.memory_space<vmem>>, vector<16xi32>,
        %slice3A_1375 = vector.extract_strided_slice %get3A_1374 {offsets = [0], sizes = [1], strides = [1]} : vector<16xi32> to vector<1xi32>
        %squeeze3A_1376 = vector.extract %slice3A_1375[0] : i32 from vector<1xi32>
        %and3A_1377 = arith.constant -128 : i32
        %and3A_1378 = arith.andi %squeeze3A_1376, %and3A_1377 : i32
        %multiple_of3A_1379 = tpu.assume_multiple %and3A_1378, 128 : i32
        %dma_start3A_1380 = arith.constant 0 : i32
        %dma_start3A_1381 = tpu.memref_slice %arg3[%dma_start3A_1380, %multiple_of3A_1379] : memref<64x1000000xf32, #tpu.memory_space<hbm>> -> memref<64x128xf32, #tpu.memory_space<hbm>>
        %dma_start3A_1382 = arith.constant 0 : i32
        %dma_start3A_1383 = tpu.memref_slice %arg3[%dma_start3A_1382, %multiple_of3A_1379] : memref<64x1000000xf32, #tpu.memory_space<hbm>> -> memref<64x128xf32, #tpu.memory_space<hbm>>
        tpu.enqueue_dma source(%dma_start3A_1383 : memref<64x128xf32, #tpu.memory_space<hbm>>) target(%arg6 : memref<64x128xf32, #tpu.memory_space<vmem>>) target_semaphore(%arg15 : memref<!tpu.dma_semaphore, #tpu.memory_space<semaphore_mem>>)
      } else {
      }
      %mul3A_828 = arith.constant 16 : i32
      %mul3A_829 = arith.muli %mul3A_828, %scan3A_90 : i32
      %add3A_830 = arith.constant 9 : i32
      %add3A_831 = arith.addi %mul3A_829, %add3A_830 : i32
      %and3A_832 = arith.constant 0 : i32
      %and3A_833 = vector.broadcast %and3A_832 : i32 to vector<16xi32>
      %and3A_834 = arith.andi %add3A_5, %and3A_833 : vector<16xi32>
      %and3A_835 = arith.constant 127 : i32
      %and3A_836 = arith.andi %squeeze3A_815, %and3A_835 : i32
      %add3A_837 = vector.broadcast %and3A_836 : i32 to vector<16xi32>
      %add3A_838 = arith.addi %and3A_834, %add3A_837 : vector<16xi32>
      %mul3A_839 = arith.constant 128 : i32
      %mul3A_840 = vector.broadcast %mul3A_839 : i32 to vector<16xi32>
      %mul3A_841 = arith.muli %add3A_5, %mul3A_840 : vector<16xi32>
      %add3A_842 = arith.addi %mul3A_841, %add3A_838 : vector<16xi32>
      %gather3A_843 = arith.constant 0 : i32
      %gather3A_844 = tpu.memref_reshape %arg7 : memref<64x128xf32, #tpu.memory_space<vmem>> -> memref<1x8192xf32, #tpu.memory_space<vmem>>
      %gather3A_845 = arith.constant 0 : i32
      %gather3A_846 = tpu.memref_slice %gather3A_844[%gather3A_843, %gather3A_845] : memref<1x8192xf32, #tpu.memory_space<vmem>> -> memref<1x8192xf32, #tpu.memory_space<vmem>>
      %gather3A_847 = tpu.memref_squeeze %gather3A_846 : memref<1x8192xf32, #tpu.memory_space<vmem>> -> memref<8192xf32, #tpu.memory_space<vmem>>
      %gather3A_848 = tpu.vector_load_idx %gather3A_847[%add3A_842] : memref<8192xf32, #tpu.memory_space<vmem>>[vector<16xi32>], vector<16xf32>,
      %swap3A_849 = arith.index_cast %add3A_831 : i32 to index
      %swap3A_850 = arith.constant 0 : index
      %swap3A_851 = tpu.vector_load %arg14[%swap3A_849, %swap3A_850] {strides = array<i32>} : memref<256x64xf32, #tpu.memory_space<vmem>>, vector<16xf32>,
      tpu.vector_store %arg14[%swap3A_849, %swap3A_850], %gather3A_848 {strides = array<i32>} : memref<256x64xf32, #tpu.memory_space<vmem>>, vector<16xf32>,
      %mul3A_852 = arith.constant 128 : i32
      %mul3A_853 = vector.broadcast %mul3A_852 : i32 to vector<16xi32>
      %mul3A_854 = arith.muli %add3A_9, %mul3A_853 : vector<16xi32>
      %add3A_855 = arith.addi %mul3A_854, %add3A_838 : vector<16xi32>
      %gather3A_856 = arith.constant 0 : i32
      %gather3A_857 = tpu.memref_reshape %arg7 : memref<64x128xf32, #tpu.memory_space<vmem>> -> memref<1x8192xf32, #tpu.memory_space<vmem>>
      %gather3A_858 = arith.constant 0 : i32
      %gather3A_859 = tpu.memref_slice %gather3A_857[%gather3A_856, %gather3A_858] : memref<1x8192xf32, #tpu.memory_space<vmem>> -> memref<1x8192xf32, #tpu.memory_space<vmem>>
      %gather3A_860 = tpu.memref_squeeze %gather3A_859 : memref<1x8192xf32, #tpu.memory_space<vmem>> -> memref<8192xf32, #tpu.memory_space<vmem>>
      %gather3A_861 = tpu.vector_load_idx %gather3A_860[%add3A_855] : memref<8192xf32, #tpu.memory_space<vmem>>[vector<16xi32>], vector<16xf32>,
      %swap3A_862 = arith.index_cast %add3A_831 : i32 to index
      %swap3A_863 = arith.constant 16 : index
      %swap3A_864 = tpu.vector_load %arg14[%swap3A_862, %swap3A_863] {strides = array<i32>} : memref<256x64xf32, #tpu.memory_space<vmem>>, vector<16xf32>,
      tpu.vector_store %arg14[%swap3A_862, %swap3A_863], %gather3A_861 {strides = array<i32>} : memref<256x64xf32, #tpu.memory_space<vmem>>, vector<16xf32>,
      %mul3A_865 = arith.constant 128 : i32
      %mul3A_866 = vector.broadcast %mul3A_865 : i32 to vector<16xi32>
      %mul3A_867 = arith.muli %add3A_13, %mul3A_866 : vector<16xi32>
      %add3A_868 = arith.addi %mul3A_867, %add3A_838 : vector<16xi32>
      %gather3A_869 = arith.constant 0 : i32
      %gather3A_870 = tpu.memref_reshape %arg7 : memref<64x128xf32, #tpu.memory_space<vmem>> -> memref<1x8192xf32, #tpu.memory_space<vmem>>
      %gather3A_871 = arith.constant 0 : i32
      %gather3A_872 = tpu.memref_slice %gather3A_870[%gather3A_869, %gather3A_871] : memref<1x8192xf32, #tpu.memory_space<vmem>> -> memref<1x8192xf32, #tpu.memory_space<vmem>>
      %gather3A_873 = tpu.memref_squeeze %gather3A_872 : memref<1x8192xf32, #tpu.memory_space<vmem>> -> memref<8192xf32, #tpu.memory_space<vmem>>
      %gather3A_874 = tpu.vector_load_idx %gather3A_873[%add3A_868] : memref<8192xf32, #tpu.memory_space<vmem>>[vector<16xi32>], vector<16xf32>,
      %swap3A_875 = arith.index_cast %add3A_831 : i32 to index
      %swap3A_876 = arith.constant 32 : index
      %swap3A_877 = tpu.vector_load %arg14[%swap3A_875, %swap3A_876] {strides = array<i32>} : memref<256x64xf32, #tpu.memory_space<vmem>>, vector<16xf32>,
      tpu.vector_store %arg14[%swap3A_875, %swap3A_876], %gather3A_874 {strides = array<i32>} : memref<256x64xf32, #tpu.memory_space<vmem>>, vector<16xf32>,
      %mul3A_878 = arith.constant 128 : i32
      %mul3A_879 = vector.broadcast %mul3A_878 : i32 to vector<16xi32>
      %mul3A_880 = arith.muli %add3A_17, %mul3A_879 : vector<16xi32>
      %add3A_881 = arith.addi %mul3A_880, %add3A_838 : vector<16xi32>
      %gather3A_882 = arith.constant 0 : i32
      %gather3A_883 = tpu.memref_reshape %arg7 : memref<64x128xf32, #tpu.memory_space<vmem>> -> memref<1x8192xf32, #tpu.memory_space<vmem>>
      %gather3A_884 = arith.constant 0 : i32
      %gather3A_885 = tpu.memref_slice %gather3A_883[%gather3A_882, %gather3A_884] : memref<1x8192xf32, #tpu.memory_space<vmem>> -> memref<1x8192xf32, #tpu.memory_space<vmem>>
      %gather3A_886 = tpu.memref_squeeze %gather3A_885 : memref<1x8192xf32, #tpu.memory_space<vmem>> -> memref<8192xf32, #tpu.memory_space<vmem>>
      %gather3A_887 = tpu.vector_load_idx %gather3A_886[%add3A_881] : memref<8192xf32, #tpu.memory_space<vmem>>[vector<16xi32>], vector<16xf32>,
      %swap3A_888 = arith.index_cast %add3A_831 : i32 to index
      %swap3A_889 = arith.constant 48 : index
      %swap3A_890 = tpu.vector_load %arg14[%swap3A_888, %swap3A_889] {strides = array<i32>} : memref<256x64xf32, #tpu.memory_space<vmem>>, vector<16xf32>,
      tpu.vector_store %arg14[%swap3A_888, %swap3A_889], %gather3A_887 {strides = array<i32>} : memref<256x64xf32, #tpu.memory_space<vmem>>, vector<16xf32>,
      %slice3A_891 = vector.extract_strided_slice %get3A_96 {offsets = [10], sizes = [1], strides = [1]} : vector<16xi32> to vector<1xi32>
      %squeeze3A_892 = vector.extract %slice3A_891[0] : i32 from vector<1xi32>
      %dma_wait3A_893 = arith.constant 0 : i32
      %dma_wait3A_894 = arith.constant 0 : i32
      %dma_wait3A_895 = tpu.memref_slice %arg3[%dma_wait3A_893, %dma_wait3A_894] : memref<64x1000000xf32, #tpu.memory_space<hbm>> -> memref<64x128xf32, #tpu.memory_space<hbm>>
      %dma_wait3A_896 = arith.constant 0 : i32
      %dma_wait3A_897 = arith.constant 0 : i32
      %dma_wait3A_898 = tpu.memref_slice %arg3[%dma_wait3A_896, %dma_wait3A_897] : memref<64x1000000xf32, #tpu.memory_space<hbm>> -> memref<64x128xf32, #tpu.memory_space<hbm>>
      tpu.wait_dma2 semaphore(%arg17 : memref<!tpu.dma_semaphore, #tpu.memory_space<semaphore_mem>>) src(%dma_wait3A_898 : memref<64x128xf32, #tpu.memory_space<hbm>>) dst(%arg8 : memref<64x128xf32, #tpu.memory_space<vmem>>)
      %add3A_899 = arith.constant 16 : i32
      %add3A_900 = arith.addi %mul3A_94, %add3A_899 : i32
      %add3A_901 = arith.constant 1 : i32
      %add3A_902 = arith.addi %add3A_900, %add3A_901 : i32
      %lt3A_903 = arith.constant 512 : i32
      %lt3A_904 = arith.cmpi slt, %add3A_902, %lt3A_903 : i32
      %convert_element_type3A_905 = arith.extui %lt3A_904 : i1 to i32
      %cond3A_906 = arith.constant 0 : i32
      %cond3A_907 = arith.cmpi ne, %convert_element_type3A_905, %cond3A_906 : i32
      scf.if %cond3A_907 {
        %add3A_1371 = arith.constant 16 : i32
        %add3A_1372 = arith.addi %mul3A_94, %add3A_1371 : i32
        %get3A_1373 = arith.index_cast %add3A_1372 : i32 to index
        %get3A_1374 = tpu.vector_load %arg5[%get3A_1373] {strides = array<i32>} : memref<512xi32, #tpu.memory_space<vmem>>, vector<16xi32>,
        %slice3A_1375 = vector.extract_strided_slice %get3A_1374 {offsets = [1], sizes = [1], strides = [1]} : vector<16xi32> to vector<1xi32>
        %squeeze3A_1376 = vector.extract %slice3A_1375[0] : i32 from vector<1xi32>
        %and3A_1377 = arith.constant -128 : i32
        %and3A_1378 = arith.andi %squeeze3A_1376, %and3A_1377 : i32
        %multiple_of3A_1379 = tpu.assume_multiple %and3A_1378, 128 : i32
        %dma_start3A_1380 = arith.constant 0 : i32
        %dma_start3A_1381 = tpu.memref_slice %arg3[%dma_start3A_1380, %multiple_of3A_1379] : memref<64x1000000xf32, #tpu.memory_space<hbm>> -> memref<64x128xf32, #tpu.memory_space<hbm>>
        %dma_start3A_1382 = arith.constant 0 : i32
        %dma_start3A_1383 = tpu.memref_slice %arg3[%dma_start3A_1382, %multiple_of3A_1379] : memref<64x1000000xf32, #tpu.memory_space<hbm>> -> memref<64x128xf32, #tpu.memory_space<hbm>>
        tpu.enqueue_dma source(%dma_start3A_1383 : memref<64x128xf32, #tpu.memory_space<hbm>>) target(%arg7 : memref<64x128xf32, #tpu.memory_space<vmem>>) target_semaphore(%arg16 : memref<!tpu.dma_semaphore, #tpu.memory_space<semaphore_mem>>)
      } else {
      }
      %mul3A_908 = arith.constant 16 : i32
      %mul3A_909 = arith.muli %mul3A_908, %scan3A_90 : i32
      %add3A_910 = arith.constant 10 : i32
      %add3A_911 = arith.addi %mul3A_909, %add3A_910 : i32
      %and3A_912 = arith.constant 0 : i32
      %and3A_913 = vector.broadcast %and3A_912 : i32 to vector<16xi32>
      %and3A_914 = arith.andi %add3A_5, %and3A_913 : vector<16xi32>
      %and3A_915 = arith.constant 127 : i32
      %and3A_916 = arith.andi %squeeze3A_892, %and3A_915 : i32
      %add3A_917 = vector.broadcast %and3A_916 : i32 to vector<16xi32>
      %add3A_918 = arith.addi %and3A_914, %add3A_917 : vector<16xi32>
      %mul3A_919 = arith.constant 128 : i32
      %mul3A_920 = vector.broadcast %mul3A_919 : i32 to vector<16xi32>
      %mul3A_921 = arith.muli %add3A_5, %mul3A_920 : vector<16xi32>
      %add3A_922 = arith.addi %mul3A_921, %add3A_918 : vector<16xi32>
      %gather3A_923 = arith.constant 0 : i32
      %gather3A_924 = tpu.memref_reshape %arg8 : memref<64x128xf32, #tpu.memory_space<vmem>> -> memref<1x8192xf32, #tpu.memory_space<vmem>>
      %gather3A_925 = arith.constant 0 : i32
      %gather3A_926 = tpu.memref_slice %gather3A_924[%gather3A_923, %gather3A_925] : memref<1x8192xf32, #tpu.memory_space<vmem>> -> memref<1x8192xf32, #tpu.memory_space<vmem>>
      %gather3A_927 = tpu.memref_squeeze %gather3A_926 : memref<1x8192xf32, #tpu.memory_space<vmem>> -> memref<8192xf32, #tpu.memory_space<vmem>>
      %gather3A_928 = tpu.vector_load_idx %gather3A_927[%add3A_922] : memref<8192xf32, #tpu.memory_space<vmem>>[vector<16xi32>], vector<16xf32>,
      %swap3A_929 = arith.index_cast %add3A_911 : i32 to index
      %swap3A_930 = arith.constant 0 : index
      %swap3A_931 = tpu.vector_load %arg14[%swap3A_929, %swap3A_930] {strides = array<i32>} : memref<256x64xf32, #tpu.memory_space<vmem>>, vector<16xf32>,
      tpu.vector_store %arg14[%swap3A_929, %swap3A_930], %gather3A_928 {strides = array<i32>} : memref<256x64xf32, #tpu.memory_space<vmem>>, vector<16xf32>,
      %mul3A_932 = arith.constant 128 : i32
      %mul3A_933 = vector.broadcast %mul3A_932 : i32 to vector<16xi32>
      %mul3A_934 = arith.muli %add3A_9, %mul3A_933 : vector<16xi32>
      %add3A_935 = arith.addi %mul3A_934, %add3A_918 : vector<16xi32>
      %gather3A_936 = arith.constant 0 : i32
      %gather3A_937 = tpu.memref_reshape %arg8 : memref<64x128xf32, #tpu.memory_space<vmem>> -> memref<1x8192xf32, #tpu.memory_space<vmem>>
      %gather3A_938 = arith.constant 0 : i32
      %gather3A_939 = tpu.memref_slice %gather3A_937[%gather3A_936, %gather3A_938] : memref<1x8192xf32, #tpu.memory_space<vmem>> -> memref<1x8192xf32, #tpu.memory_space<vmem>>
      %gather3A_940 = tpu.memref_squeeze %gather3A_939 : memref<1x8192xf32, #tpu.memory_space<vmem>> -> memref<8192xf32, #tpu.memory_space<vmem>>
      %gather3A_941 = tpu.vector_load_idx %gather3A_940[%add3A_935] : memref<8192xf32, #tpu.memory_space<vmem>>[vector<16xi32>], vector<16xf32>,
      %swap3A_942 = arith.index_cast %add3A_911 : i32 to index
      %swap3A_943 = arith.constant 16 : index
      %swap3A_944 = tpu.vector_load %arg14[%swap3A_942, %swap3A_943] {strides = array<i32>} : memref<256x64xf32, #tpu.memory_space<vmem>>, vector<16xf32>,
      tpu.vector_store %arg14[%swap3A_942, %swap3A_943], %gather3A_941 {strides = array<i32>} : memref<256x64xf32, #tpu.memory_space<vmem>>, vector<16xf32>,
      %mul3A_945 = arith.constant 128 : i32
      %mul3A_946 = vector.broadcast %mul3A_945 : i32 to vector<16xi32>
      %mul3A_947 = arith.muli %add3A_13, %mul3A_946 : vector<16xi32>
      %add3A_948 = arith.addi %mul3A_947, %add3A_918 : vector<16xi32>
      %gather3A_949 = arith.constant 0 : i32
      %gather3A_950 = tpu.memref_reshape %arg8 : memref<64x128xf32, #tpu.memory_space<vmem>> -> memref<1x8192xf32, #tpu.memory_space<vmem>>
      %gather3A_951 = arith.constant 0 : i32
      %gather3A_952 = tpu.memref_slice %gather3A_950[%gather3A_949, %gather3A_951] : memref<1x8192xf32, #tpu.memory_space<vmem>> -> memref<1x8192xf32, #tpu.memory_space<vmem>>
      %gather3A_953 = tpu.memref_squeeze %gather3A_952 : memref<1x8192xf32, #tpu.memory_space<vmem>> -> memref<8192xf32, #tpu.memory_space<vmem>>
      %gather3A_954 = tpu.vector_load_idx %gather3A_953[%add3A_948] : memref<8192xf32, #tpu.memory_space<vmem>>[vector<16xi32>], vector<16xf32>,
      %swap3A_955 = arith.index_cast %add3A_911 : i32 to index
      %swap3A_956 = arith.constant 32 : index
      %swap3A_957 = tpu.vector_load %arg14[%swap3A_955, %swap3A_956] {strides = array<i32>} : memref<256x64xf32, #tpu.memory_space<vmem>>, vector<16xf32>,
      tpu.vector_store %arg14[%swap3A_955, %swap3A_956], %gather3A_954 {strides = array<i32>} : memref<256x64xf32, #tpu.memory_space<vmem>>, vector<16xf32>,
      %mul3A_958 = arith.constant 128 : i32
      %mul3A_959 = vector.broadcast %mul3A_958 : i32 to vector<16xi32>
      %mul3A_960 = arith.muli %add3A_17, %mul3A_959 : vector<16xi32>
      %add3A_961 = arith.addi %mul3A_960, %add3A_918 : vector<16xi32>
      %gather3A_962 = arith.constant 0 : i32
      %gather3A_963 = tpu.memref_reshape %arg8 : memref<64x128xf32, #tpu.memory_space<vmem>> -> memref<1x8192xf32, #tpu.memory_space<vmem>>
      %gather3A_964 = arith.constant 0 : i32
      %gather3A_965 = tpu.memref_slice %gather3A_963[%gather3A_962, %gather3A_964] : memref<1x8192xf32, #tpu.memory_space<vmem>> -> memref<1x8192xf32, #tpu.memory_space<vmem>>
      %gather3A_966 = tpu.memref_squeeze %gather3A_965 : memref<1x8192xf32, #tpu.memory_space<vmem>> -> memref<8192xf32, #tpu.memory_space<vmem>>
      %gather3A_967 = tpu.vector_load_idx %gather3A_966[%add3A_961] : memref<8192xf32, #tpu.memory_space<vmem>>[vector<16xi32>], vector<16xf32>,
      %swap3A_968 = arith.index_cast %add3A_911 : i32 to index
      %swap3A_969 = arith.constant 48 : index
      %swap3A_970 = tpu.vector_load %arg14[%swap3A_968, %swap3A_969] {strides = array<i32>} : memref<256x64xf32, #tpu.memory_space<vmem>>, vector<16xf32>,
      tpu.vector_store %arg14[%swap3A_968, %swap3A_969], %gather3A_967 {strides = array<i32>} : memref<256x64xf32, #tpu.memory_space<vmem>>, vector<16xf32>,
      %slice3A_971 = vector.extract_strided_slice %get3A_96 {offsets = [11], sizes = [1], strides = [1]} : vector<16xi32> to vector<1xi32>
      %squeeze3A_972 = vector.extract %slice3A_971[0] : i32 from vector<1xi32>
      %dma_wait3A_973 = arith.constant 0 : i32
      %dma_wait3A_974 = arith.constant 0 : i32
      %dma_wait3A_975 = tpu.memref_slice %arg3[%dma_wait3A_973, %dma_wait3A_974] : memref<64x1000000xf32, #tpu.memory_space<hbm>> -> memref<64x128xf32, #tpu.memory_space<hbm>>
      %dma_wait3A_976 = arith.constant 0 : i32
      %dma_wait3A_977 = arith.constant 0 : i32
      %dma_wait3A_978 = tpu.memref_slice %arg3[%dma_wait3A_976, %dma_wait3A_977] : memref<64x1000000xf32, #tpu.memory_space<hbm>> -> memref<64x128xf32, #tpu.memory_space<hbm>>
      tpu.wait_dma2 semaphore(%arg18 : memref<!tpu.dma_semaphore, #tpu.memory_space<semaphore_mem>>) src(%dma_wait3A_978 : memref<64x128xf32, #tpu.memory_space<hbm>>) dst(%arg9 : memref<64x128xf32, #tpu.memory_space<vmem>>)
      %add3A_979 = arith.constant 16 : i32
      %add3A_980 = arith.addi %mul3A_94, %add3A_979 : i32
      %add3A_981 = arith.constant 2 : i32
      %add3A_982 = arith.addi %add3A_980, %add3A_981 : i32
      %lt3A_983 = arith.constant 512 : i32
      %lt3A_984 = arith.cmpi slt, %add3A_982, %lt3A_983 : i32
      %convert_element_type3A_985 = arith.extui %lt3A_984 : i1 to i32
      %cond3A_986 = arith.constant 0 : i32
      %cond3A_987 = arith.cmpi ne, %convert_element_type3A_985, %cond3A_986 : i32
      scf.if %cond3A_987 {
        %add3A_1371 = arith.constant 16 : i32
        %add3A_1372 = arith.addi %mul3A_94, %add3A_1371 : i32
        %get3A_1373 = arith.index_cast %add3A_1372 : i32 to index
        %get3A_1374 = tpu.vector_load %arg5[%get3A_1373] {strides = array<i32>} : memref<512xi32, #tpu.memory_space<vmem>>, vector<16xi32>,
        %slice3A_1375 = vector.extract_strided_slice %get3A_1374 {offsets = [2], sizes = [1], strides = [1]} : vector<16xi32> to vector<1xi32>
        %squeeze3A_1376 = vector.extract %slice3A_1375[0] : i32 from vector<1xi32>
        %and3A_1377 = arith.constant -128 : i32
        %and3A_1378 = arith.andi %squeeze3A_1376, %and3A_1377 : i32
        %multiple_of3A_1379 = tpu.assume_multiple %and3A_1378, 128 : i32
        %dma_start3A_1380 = arith.constant 0 : i32
        %dma_start3A_1381 = tpu.memref_slice %arg3[%dma_start3A_1380, %multiple_of3A_1379] : memref<64x1000000xf32, #tpu.memory_space<hbm>> -> memref<64x128xf32, #tpu.memory_space<hbm>>
        %dma_start3A_1382 = arith.constant 0 : i32
        %dma_start3A_1383 = tpu.memref_slice %arg3[%dma_start3A_1382, %multiple_of3A_1379] : memref<64x1000000xf32, #tpu.memory_space<hbm>> -> memref<64x128xf32, #tpu.memory_space<hbm>>
        tpu.enqueue_dma source(%dma_start3A_1383 : memref<64x128xf32, #tpu.memory_space<hbm>>) target(%arg8 : memref<64x128xf32, #tpu.memory_space<vmem>>) target_semaphore(%arg17 : memref<!tpu.dma_semaphore, #tpu.memory_space<semaphore_mem>>)
      } else {
      }
      %mul3A_988 = arith.constant 16 : i32
      %mul3A_989 = arith.muli %mul3A_988, %scan3A_90 : i32
      %add3A_990 = arith.constant 11 : i32
      %add3A_991 = arith.addi %mul3A_989, %add3A_990 : i32
      %and3A_992 = arith.constant 0 : i32
      %and3A_993 = vector.broadcast %and3A_992 : i32 to vector<16xi32>
      %and3A_994 = arith.andi %add3A_5, %and3A_993 : vector<16xi32>
      %and3A_995 = arith.constant 127 : i32
      %and3A_996 = arith.andi %squeeze3A_972, %and3A_995 : i32
      %add3A_997 = vector.broadcast %and3A_996 : i32 to vector<16xi32>
      %add3A_998 = arith.addi %and3A_994, %add3A_997 : vector<16xi32>
      %mul3A_999 = arith.constant 128 : i32
      %mul3A_1000 = vector.broadcast %mul3A_999 : i32 to vector<16xi32>
      %mul3A_1001 = arith.muli %add3A_5, %mul3A_1000 : vector<16xi32>
      %add3A_1002 = arith.addi %mul3A_1001, %add3A_998 : vector<16xi32>
      %gather3A_1003 = arith.constant 0 : i32
      %gather3A_1004 = tpu.memref_reshape %arg9 : memref<64x128xf32, #tpu.memory_space<vmem>> -> memref<1x8192xf32, #tpu.memory_space<vmem>>
      %gather3A_1005 = arith.constant 0 : i32
      %gather3A_1006 = tpu.memref_slice %gather3A_1004[%gather3A_1003, %gather3A_1005] : memref<1x8192xf32, #tpu.memory_space<vmem>> -> memref<1x8192xf32, #tpu.memory_space<vmem>>
      %gather3A_1007 = tpu.memref_squeeze %gather3A_1006 : memref<1x8192xf32, #tpu.memory_space<vmem>> -> memref<8192xf32, #tpu.memory_space<vmem>>
      %gather3A_1008 = tpu.vector_load_idx %gather3A_1007[%add3A_1002] : memref<8192xf32, #tpu.memory_space<vmem>>[vector<16xi32>], vector<16xf32>,
      %swap3A_1009 = arith.index_cast %add3A_991 : i32 to index
      %swap3A_1010 = arith.constant 0 : index
      %swap3A_1011 = tpu.vector_load %arg14[%swap3A_1009, %swap3A_1010] {strides = array<i32>} : memref<256x64xf32, #tpu.memory_space<vmem>>, vector<16xf32>,
      tpu.vector_store %arg14[%swap3A_1009, %swap3A_1010], %gather3A_1008 {strides = array<i32>} : memref<256x64xf32, #tpu.memory_space<vmem>>, vector<16xf32>,
      %mul3A_1012 = arith.constant 128 : i32
      %mul3A_1013 = vector.broadcast %mul3A_1012 : i32 to vector<16xi32>
      %mul3A_1014 = arith.muli %add3A_9, %mul3A_1013 : vector<16xi32>
      %add3A_1015 = arith.addi %mul3A_1014, %add3A_998 : vector<16xi32>
      %gather3A_1016 = arith.constant 0 : i32
      %gather3A_1017 = tpu.memref_reshape %arg9 : memref<64x128xf32, #tpu.memory_space<vmem>> -> memref<1x8192xf32, #tpu.memory_space<vmem>>
      %gather3A_1018 = arith.constant 0 : i32
      %gather3A_1019 = tpu.memref_slice %gather3A_1017[%gather3A_1016, %gather3A_1018] : memref<1x8192xf32, #tpu.memory_space<vmem>> -> memref<1x8192xf32, #tpu.memory_space<vmem>>
      %gather3A_1020 = tpu.memref_squeeze %gather3A_1019 : memref<1x8192xf32, #tpu.memory_space<vmem>> -> memref<8192xf32, #tpu.memory_space<vmem>>
      %gather3A_1021 = tpu.vector_load_idx %gather3A_1020[%add3A_1015] : memref<8192xf32, #tpu.memory_space<vmem>>[vector<16xi32>], vector<16xf32>,
      %swap3A_1022 = arith.index_cast %add3A_991 : i32 to index
      %swap3A_1023 = arith.constant 16 : index
      %swap3A_1024 = tpu.vector_load %arg14[%swap3A_1022, %swap3A_1023] {strides = array<i32>} : memref<256x64xf32, #tpu.memory_space<vmem>>, vector<16xf32>,
      tpu.vector_store %arg14[%swap3A_1022, %swap3A_1023], %gather3A_1021 {strides = array<i32>} : memref<256x64xf32, #tpu.memory_space<vmem>>, vector<16xf32>,
      %mul3A_1025 = arith.constant 128 : i32
      %mul3A_1026 = vector.broadcast %mul3A_1025 : i32 to vector<16xi32>
      %mul3A_1027 = arith.muli %add3A_13, %mul3A_1026 : vector<16xi32>
      %add3A_1028 = arith.addi %mul3A_1027, %add3A_998 : vector<16xi32>
      %gather3A_1029 = arith.constant 0 : i32
      %gather3A_1030 = tpu.memref_reshape %arg9 : memref<64x128xf32, #tpu.memory_space<vmem>> -> memref<1x8192xf32, #tpu.memory_space<vmem>>
      %gather3A_1031 = arith.constant 0 : i32
      %gather3A_1032 = tpu.memref_slice %gather3A_1030[%gather3A_1029, %gather3A_1031] : memref<1x8192xf32, #tpu.memory_space<vmem>> -> memref<1x8192xf32, #tpu.memory_space<vmem>>
      %gather3A_1033 = tpu.memref_squeeze %gather3A_1032 : memref<1x8192xf32, #tpu.memory_space<vmem>> -> memref<8192xf32, #tpu.memory_space<vmem>>
      %gather3A_1034 = tpu.vector_load_idx %gather3A_1033[%add3A_1028] : memref<8192xf32, #tpu.memory_space<vmem>>[vector<16xi32>], vector<16xf32>,
      %swap3A_1035 = arith.index_cast %add3A_991 : i32 to index
      %swap3A_1036 = arith.constant 32 : index
      %swap3A_1037 = tpu.vector_load %arg14[%swap3A_1035, %swap3A_1036] {strides = array<i32>} : memref<256x64xf32, #tpu.memory_space<vmem>>, vector<16xf32>,
      tpu.vector_store %arg14[%swap3A_1035, %swap3A_1036], %gather3A_1034 {strides = array<i32>} : memref<256x64xf32, #tpu.memory_space<vmem>>, vector<16xf32>,
      %mul3A_1038 = arith.constant 128 : i32
      %mul3A_1039 = vector.broadcast %mul3A_1038 : i32 to vector<16xi32>
      %mul3A_1040 = arith.muli %add3A_17, %mul3A_1039 : vector<16xi32>
      %add3A_1041 = arith.addi %mul3A_1040, %add3A_998 : vector<16xi32>
      %gather3A_1042 = arith.constant 0 : i32
      %gather3A_1043 = tpu.memref_reshape %arg9 : memref<64x128xf32, #tpu.memory_space<vmem>> -> memref<1x8192xf32, #tpu.memory_space<vmem>>
      %gather3A_1044 = arith.constant 0 : i32
      %gather3A_1045 = tpu.memref_slice %gather3A_1043[%gather3A_1042, %gather3A_1044] : memref<1x8192xf32, #tpu.memory_space<vmem>> -> memref<1x8192xf32, #tpu.memory_space<vmem>>
      %gather3A_1046 = tpu.memref_squeeze %gather3A_1045 : memref<1x8192xf32, #tpu.memory_space<vmem>> -> memref<8192xf32, #tpu.memory_space<vmem>>
      %gather3A_1047 = tpu.vector_load_idx %gather3A_1046[%add3A_1041] : memref<8192xf32, #tpu.memory_space<vmem>>[vector<16xi32>], vector<16xf32>,
      %swap3A_1048 = arith.index_cast %add3A_991 : i32 to index
      %swap3A_1049 = arith.constant 48 : index
      %swap3A_1050 = tpu.vector_load %arg14[%swap3A_1048, %swap3A_1049] {strides = array<i32>} : memref<256x64xf32, #tpu.memory_space<vmem>>, vector<16xf32>,
      tpu.vector_store %arg14[%swap3A_1048, %swap3A_1049], %gather3A_1047 {strides = array<i32>} : memref<256x64xf32, #tpu.memory_space<vmem>>, vector<16xf32>,
      %slice3A_1051 = vector.extract_strided_slice %get3A_96 {offsets = [12], sizes = [1], strides = [1]} : vector<16xi32> to vector<1xi32>
      %squeeze3A_1052 = vector.extract %slice3A_1051[0] : i32 from vector<1xi32>
      %dma_wait3A_1053 = arith.constant 0 : i32
      %dma_wait3A_1054 = arith.constant 0 : i32
      %dma_wait3A_1055 = tpu.memref_slice %arg3[%dma_wait3A_1053, %dma_wait3A_1054] : memref<64x1000000xf32, #tpu.memory_space<hbm>> -> memref<64x128xf32, #tpu.memory_space<hbm>>
      %dma_wait3A_1056 = arith.constant 0 : i32
      %dma_wait3A_1057 = arith.constant 0 : i32
      %dma_wait3A_1058 = tpu.memref_slice %arg3[%dma_wait3A_1056, %dma_wait3A_1057] : memref<64x1000000xf32, #tpu.memory_space<hbm>> -> memref<64x128xf32, #tpu.memory_space<hbm>>
      tpu.wait_dma2 semaphore(%arg19 : memref<!tpu.dma_semaphore, #tpu.memory_space<semaphore_mem>>) src(%dma_wait3A_1058 : memref<64x128xf32, #tpu.memory_space<hbm>>) dst(%arg10 : memref<64x128xf32, #tpu.memory_space<vmem>>)
      %add3A_1059 = arith.constant 16 : i32
      %add3A_1060 = arith.addi %mul3A_94, %add3A_1059 : i32
      %add3A_1061 = arith.constant 3 : i32
      %add3A_1062 = arith.addi %add3A_1060, %add3A_1061 : i32
      %lt3A_1063 = arith.constant 512 : i32
      %lt3A_1064 = arith.cmpi slt, %add3A_1062, %lt3A_1063 : i32
      %convert_element_type3A_1065 = arith.extui %lt3A_1064 : i1 to i32
      %cond3A_1066 = arith.constant 0 : i32
      %cond3A_1067 = arith.cmpi ne, %convert_element_type3A_1065, %cond3A_1066 : i32
      scf.if %cond3A_1067 {
        %add3A_1371 = arith.constant 16 : i32
        %add3A_1372 = arith.addi %mul3A_94, %add3A_1371 : i32
        %get3A_1373 = arith.index_cast %add3A_1372 : i32 to index
        %get3A_1374 = tpu.vector_load %arg5[%get3A_1373] {strides = array<i32>} : memref<512xi32, #tpu.memory_space<vmem>>, vector<16xi32>,
        %slice3A_1375 = vector.extract_strided_slice %get3A_1374 {offsets = [3], sizes = [1], strides = [1]} : vector<16xi32> to vector<1xi32>
        %squeeze3A_1376 = vector.extract %slice3A_1375[0] : i32 from vector<1xi32>
        %and3A_1377 = arith.constant -128 : i32
        %and3A_1378 = arith.andi %squeeze3A_1376, %and3A_1377 : i32
        %multiple_of3A_1379 = tpu.assume_multiple %and3A_1378, 128 : i32
        %dma_start3A_1380 = arith.constant 0 : i32
        %dma_start3A_1381 = tpu.memref_slice %arg3[%dma_start3A_1380, %multiple_of3A_1379] : memref<64x1000000xf32, #tpu.memory_space<hbm>> -> memref<64x128xf32, #tpu.memory_space<hbm>>
        %dma_start3A_1382 = arith.constant 0 : i32
        %dma_start3A_1383 = tpu.memref_slice %arg3[%dma_start3A_1382, %multiple_of3A_1379] : memref<64x1000000xf32, #tpu.memory_space<hbm>> -> memref<64x128xf32, #tpu.memory_space<hbm>>
        tpu.enqueue_dma source(%dma_start3A_1383 : memref<64x128xf32, #tpu.memory_space<hbm>>) target(%arg9 : memref<64x128xf32, #tpu.memory_space<vmem>>) target_semaphore(%arg18 : memref<!tpu.dma_semaphore, #tpu.memory_space<semaphore_mem>>)
      } else {
      }
      %mul3A_1068 = arith.constant 16 : i32
      %mul3A_1069 = arith.muli %mul3A_1068, %scan3A_90 : i32
      %add3A_1070 = arith.constant 12 : i32
      %add3A_1071 = arith.addi %mul3A_1069, %add3A_1070 : i32
      %and3A_1072 = arith.constant 0 : i32
      %and3A_1073 = vector.broadcast %and3A_1072 : i32 to vector<16xi32>
      %and3A_1074 = arith.andi %add3A_5, %and3A_1073 : vector<16xi32>
      %and3A_1075 = arith.constant 127 : i32
      %and3A_1076 = arith.andi %squeeze3A_1052, %and3A_1075 : i32
      %add3A_1077 = vector.broadcast %and3A_1076 : i32 to vector<16xi32>
      %add3A_1078 = arith.addi %and3A_1074, %add3A_1077 : vector<16xi32>
      %mul3A_1079 = arith.constant 128 : i32
      %mul3A_1080 = vector.broadcast %mul3A_1079 : i32 to vector<16xi32>
      %mul3A_1081 = arith.muli %add3A_5, %mul3A_1080 : vector<16xi32>
      %add3A_1082 = arith.addi %mul3A_1081, %add3A_1078 : vector<16xi32>
      %gather3A_1083 = arith.constant 0 : i32
      %gather3A_1084 = tpu.memref_reshape %arg10 : memref<64x128xf32, #tpu.memory_space<vmem>> -> memref<1x8192xf32, #tpu.memory_space<vmem>>
      %gather3A_1085 = arith.constant 0 : i32
      %gather3A_1086 = tpu.memref_slice %gather3A_1084[%gather3A_1083, %gather3A_1085] : memref<1x8192xf32, #tpu.memory_space<vmem>> -> memref<1x8192xf32, #tpu.memory_space<vmem>>
      %gather3A_1087 = tpu.memref_squeeze %gather3A_1086 : memref<1x8192xf32, #tpu.memory_space<vmem>> -> memref<8192xf32, #tpu.memory_space<vmem>>
      %gather3A_1088 = tpu.vector_load_idx %gather3A_1087[%add3A_1082] : memref<8192xf32, #tpu.memory_space<vmem>>[vector<16xi32>], vector<16xf32>,
      %swap3A_1089 = arith.index_cast %add3A_1071 : i32 to index
      %swap3A_1090 = arith.constant 0 : index
      %swap3A_1091 = tpu.vector_load %arg14[%swap3A_1089, %swap3A_1090] {strides = array<i32>} : memref<256x64xf32, #tpu.memory_space<vmem>>, vector<16xf32>,
      tpu.vector_store %arg14[%swap3A_1089, %swap3A_1090], %gather3A_1088 {strides = array<i32>} : memref<256x64xf32, #tpu.memory_space<vmem>>, vector<16xf32>,
      %mul3A_1092 = arith.constant 128 : i32
      %mul3A_1093 = vector.broadcast %mul3A_1092 : i32 to vector<16xi32>
      %mul3A_1094 = arith.muli %add3A_9, %mul3A_1093 : vector<16xi32>
      %add3A_1095 = arith.addi %mul3A_1094, %add3A_1078 : vector<16xi32>
      %gather3A_1096 = arith.constant 0 : i32
      %gather3A_1097 = tpu.memref_reshape %arg10 : memref<64x128xf32, #tpu.memory_space<vmem>> -> memref<1x8192xf32, #tpu.memory_space<vmem>>
      %gather3A_1098 = arith.constant 0 : i32
      %gather3A_1099 = tpu.memref_slice %gather3A_1097[%gather3A_1096, %gather3A_1098] : memref<1x8192xf32, #tpu.memory_space<vmem>> -> memref<1x8192xf32, #tpu.memory_space<vmem>>
      %gather3A_1100 = tpu.memref_squeeze %gather3A_1099 : memref<1x8192xf32, #tpu.memory_space<vmem>> -> memref<8192xf32, #tpu.memory_space<vmem>>
      %gather3A_1101 = tpu.vector_load_idx %gather3A_1100[%add3A_1095] : memref<8192xf32, #tpu.memory_space<vmem>>[vector<16xi32>], vector<16xf32>,
      %swap3A_1102 = arith.index_cast %add3A_1071 : i32 to index
      %swap3A_1103 = arith.constant 16 : index
      %swap3A_1104 = tpu.vector_load %arg14[%swap3A_1102, %swap3A_1103] {strides = array<i32>} : memref<256x64xf32, #tpu.memory_space<vmem>>, vector<16xf32>,
      tpu.vector_store %arg14[%swap3A_1102, %swap3A_1103], %gather3A_1101 {strides = array<i32>} : memref<256x64xf32, #tpu.memory_space<vmem>>, vector<16xf32>,
      %mul3A_1105 = arith.constant 128 : i32
      %mul3A_1106 = vector.broadcast %mul3A_1105 : i32 to vector<16xi32>
      %mul3A_1107 = arith.muli %add3A_13, %mul3A_1106 : vector<16xi32>
      %add3A_1108 = arith.addi %mul3A_1107, %add3A_1078 : vector<16xi32>
      %gather3A_1109 = arith.constant 0 : i32
      %gather3A_1110 = tpu.memref_reshape %arg10 : memref<64x128xf32, #tpu.memory_space<vmem>> -> memref<1x8192xf32, #tpu.memory_space<vmem>>
      %gather3A_1111 = arith.constant 0 : i32
      %gather3A_1112 = tpu.memref_slice %gather3A_1110[%gather3A_1109, %gather3A_1111] : memref<1x8192xf32, #tpu.memory_space<vmem>> -> memref<1x8192xf32, #tpu.memory_space<vmem>>
      %gather3A_1113 = tpu.memref_squeeze %gather3A_1112 : memref<1x8192xf32, #tpu.memory_space<vmem>> -> memref<8192xf32, #tpu.memory_space<vmem>>
      %gather3A_1114 = tpu.vector_load_idx %gather3A_1113[%add3A_1108] : memref<8192xf32, #tpu.memory_space<vmem>>[vector<16xi32>], vector<16xf32>,
      %swap3A_1115 = arith.index_cast %add3A_1071 : i32 to index
      %swap3A_1116 = arith.constant 32 : index
      %swap3A_1117 = tpu.vector_load %arg14[%swap3A_1115, %swap3A_1116] {strides = array<i32>} : memref<256x64xf32, #tpu.memory_space<vmem>>, vector<16xf32>,
      tpu.vector_store %arg14[%swap3A_1115, %swap3A_1116], %gather3A_1114 {strides = array<i32>} : memref<256x64xf32, #tpu.memory_space<vmem>>, vector<16xf32>,
      %mul3A_1118 = arith.constant 128 : i32
      %mul3A_1119 = vector.broadcast %mul3A_1118 : i32 to vector<16xi32>
      %mul3A_1120 = arith.muli %add3A_17, %mul3A_1119 : vector<16xi32>
      %add3A_1121 = arith.addi %mul3A_1120, %add3A_1078 : vector<16xi32>
      %gather3A_1122 = arith.constant 0 : i32
      %gather3A_1123 = tpu.memref_reshape %arg10 : memref<64x128xf32, #tpu.memory_space<vmem>> -> memref<1x8192xf32, #tpu.memory_space<vmem>>
      %gather3A_1124 = arith.constant 0 : i32
      %gather3A_1125 = tpu.memref_slice %gather3A_1123[%gather3A_1122, %gather3A_1124] : memref<1x8192xf32, #tpu.memory_space<vmem>> -> memref<1x8192xf32, #tpu.memory_space<vmem>>
      %gather3A_1126 = tpu.memref_squeeze %gather3A_1125 : memref<1x8192xf32, #tpu.memory_space<vmem>> -> memref<8192xf32, #tpu.memory_space<vmem>>
      %gather3A_1127 = tpu.vector_load_idx %gather3A_1126[%add3A_1121] : memref<8192xf32, #tpu.memory_space<vmem>>[vector<16xi32>], vector<16xf32>,
      %swap3A_1128 = arith.index_cast %add3A_1071 : i32 to index
      %swap3A_1129 = arith.constant 48 : index
      %swap3A_1130 = tpu.vector_load %arg14[%swap3A_1128, %swap3A_1129] {strides = array<i32>} : memref<256x64xf32, #tpu.memory_space<vmem>>, vector<16xf32>,
      tpu.vector_store %arg14[%swap3A_1128, %swap3A_1129], %gather3A_1127 {strides = array<i32>} : memref<256x64xf32, #tpu.memory_space<vmem>>, vector<16xf32>,
      %slice3A_1131 = vector.extract_strided_slice %get3A_96 {offsets = [13], sizes = [1], strides = [1]} : vector<16xi32> to vector<1xi32>
      %squeeze3A_1132 = vector.extract %slice3A_1131[0] : i32 from vector<1xi32>
      %dma_wait3A_1133 = arith.constant 0 : i32
      %dma_wait3A_1134 = arith.constant 0 : i32
      %dma_wait3A_1135 = tpu.memref_slice %arg3[%dma_wait3A_1133, %dma_wait3A_1134] : memref<64x1000000xf32, #tpu.memory_space<hbm>> -> memref<64x128xf32, #tpu.memory_space<hbm>>
      %dma_wait3A_1136 = arith.constant 0 : i32
      %dma_wait3A_1137 = arith.constant 0 : i32
      %dma_wait3A_1138 = tpu.memref_slice %arg3[%dma_wait3A_1136, %dma_wait3A_1137] : memref<64x1000000xf32, #tpu.memory_space<hbm>> -> memref<64x128xf32, #tpu.memory_space<hbm>>
      tpu.wait_dma2 semaphore(%arg20 : memref<!tpu.dma_semaphore, #tpu.memory_space<semaphore_mem>>) src(%dma_wait3A_1138 : memref<64x128xf32, #tpu.memory_space<hbm>>) dst(%arg11 : memref<64x128xf32, #tpu.memory_space<vmem>>)
      %add3A_1139 = arith.constant 16 : i32
      %add3A_1140 = arith.addi %mul3A_94, %add3A_1139 : i32
      %add3A_1141 = arith.constant 4 : i32
      %add3A_1142 = arith.addi %add3A_1140, %add3A_1141 : i32
      %lt3A_1143 = arith.constant 512 : i32
      %lt3A_1144 = arith.cmpi slt, %add3A_1142, %lt3A_1143 : i32
      %convert_element_type3A_1145 = arith.extui %lt3A_1144 : i1 to i32
      %cond3A_1146 = arith.constant 0 : i32
      %cond3A_1147 = arith.cmpi ne, %convert_element_type3A_1145, %cond3A_1146 : i32
      scf.if %cond3A_1147 {
        %add3A_1371 = arith.constant 16 : i32
        %add3A_1372 = arith.addi %mul3A_94, %add3A_1371 : i32
        %get3A_1373 = arith.index_cast %add3A_1372 : i32 to index
        %get3A_1374 = tpu.vector_load %arg5[%get3A_1373] {strides = array<i32>} : memref<512xi32, #tpu.memory_space<vmem>>, vector<16xi32>,
        %slice3A_1375 = vector.extract_strided_slice %get3A_1374 {offsets = [4], sizes = [1], strides = [1]} : vector<16xi32> to vector<1xi32>
        %squeeze3A_1376 = vector.extract %slice3A_1375[0] : i32 from vector<1xi32>
        %and3A_1377 = arith.constant -128 : i32
        %and3A_1378 = arith.andi %squeeze3A_1376, %and3A_1377 : i32
        %multiple_of3A_1379 = tpu.assume_multiple %and3A_1378, 128 : i32
        %dma_start3A_1380 = arith.constant 0 : i32
        %dma_start3A_1381 = tpu.memref_slice %arg3[%dma_start3A_1380, %multiple_of3A_1379] : memref<64x1000000xf32, #tpu.memory_space<hbm>> -> memref<64x128xf32, #tpu.memory_space<hbm>>
        %dma_start3A_1382 = arith.constant 0 : i32
        %dma_start3A_1383 = tpu.memref_slice %arg3[%dma_start3A_1382, %multiple_of3A_1379] : memref<64x1000000xf32, #tpu.memory_space<hbm>> -> memref<64x128xf32, #tpu.memory_space<hbm>>
        tpu.enqueue_dma source(%dma_start3A_1383 : memref<64x128xf32, #tpu.memory_space<hbm>>) target(%arg10 : memref<64x128xf32, #tpu.memory_space<vmem>>) target_semaphore(%arg19 : memref<!tpu.dma_semaphore, #tpu.memory_space<semaphore_mem>>)
      } else {
      }
      %mul3A_1148 = arith.constant 16 : i32
      %mul3A_1149 = arith.muli %mul3A_1148, %scan3A_90 : i32
      %add3A_1150 = arith.constant 13 : i32
      %add3A_1151 = arith.addi %mul3A_1149, %add3A_1150 : i32
      %and3A_1152 = arith.constant 0 : i32
      %and3A_1153 = vector.broadcast %and3A_1152 : i32 to vector<16xi32>
      %and3A_1154 = arith.andi %add3A_5, %and3A_1153 : vector<16xi32>
      %and3A_1155 = arith.constant 127 : i32
      %and3A_1156 = arith.andi %squeeze3A_1132, %and3A_1155 : i32
      %add3A_1157 = vector.broadcast %and3A_1156 : i32 to vector<16xi32>
      %add3A_1158 = arith.addi %and3A_1154, %add3A_1157 : vector<16xi32>
      %mul3A_1159 = arith.constant 128 : i32
      %mul3A_1160 = vector.broadcast %mul3A_1159 : i32 to vector<16xi32>
      %mul3A_1161 = arith.muli %add3A_5, %mul3A_1160 : vector<16xi32>
      %add3A_1162 = arith.addi %mul3A_1161, %add3A_1158 : vector<16xi32>
      %gather3A_1163 = arith.constant 0 : i32
      %gather3A_1164 = tpu.memref_reshape %arg11 : memref<64x128xf32, #tpu.memory_space<vmem>> -> memref<1x8192xf32, #tpu.memory_space<vmem>>
      %gather3A_1165 = arith.constant 0 : i32
      %gather3A_1166 = tpu.memref_slice %gather3A_1164[%gather3A_1163, %gather3A_1165] : memref<1x8192xf32, #tpu.memory_space<vmem>> -> memref<1x8192xf32, #tpu.memory_space<vmem>>
      %gather3A_1167 = tpu.memref_squeeze %gather3A_1166 : memref<1x8192xf32, #tpu.memory_space<vmem>> -> memref<8192xf32, #tpu.memory_space<vmem>>
      %gather3A_1168 = tpu.vector_load_idx %gather3A_1167[%add3A_1162] : memref<8192xf32, #tpu.memory_space<vmem>>[vector<16xi32>], vector<16xf32>,
      %swap3A_1169 = arith.index_cast %add3A_1151 : i32 to index
      %swap3A_1170 = arith.constant 0 : index
      %swap3A_1171 = tpu.vector_load %arg14[%swap3A_1169, %swap3A_1170] {strides = array<i32>} : memref<256x64xf32, #tpu.memory_space<vmem>>, vector<16xf32>,
      tpu.vector_store %arg14[%swap3A_1169, %swap3A_1170], %gather3A_1168 {strides = array<i32>} : memref<256x64xf32, #tpu.memory_space<vmem>>, vector<16xf32>,
      %mul3A_1172 = arith.constant 128 : i32
      %mul3A_1173 = vector.broadcast %mul3A_1172 : i32 to vector<16xi32>
      %mul3A_1174 = arith.muli %add3A_9, %mul3A_1173 : vector<16xi32>
      %add3A_1175 = arith.addi %mul3A_1174, %add3A_1158 : vector<16xi32>
      %gather3A_1176 = arith.constant 0 : i32
      %gather3A_1177 = tpu.memref_reshape %arg11 : memref<64x128xf32, #tpu.memory_space<vmem>> -> memref<1x8192xf32, #tpu.memory_space<vmem>>
      %gather3A_1178 = arith.constant 0 : i32
      %gather3A_1179 = tpu.memref_slice %gather3A_1177[%gather3A_1176, %gather3A_1178] : memref<1x8192xf32, #tpu.memory_space<vmem>> -> memref<1x8192xf32, #tpu.memory_space<vmem>>
      %gather3A_1180 = tpu.memref_squeeze %gather3A_1179 : memref<1x8192xf32, #tpu.memory_space<vmem>> -> memref<8192xf32, #tpu.memory_space<vmem>>
      %gather3A_1181 = tpu.vector_load_idx %gather3A_1180[%add3A_1175] : memref<8192xf32, #tpu.memory_space<vmem>>[vector<16xi32>], vector<16xf32>,
      %swap3A_1182 = arith.index_cast %add3A_1151 : i32 to index
      %swap3A_1183 = arith.constant 16 : index
      %swap3A_1184 = tpu.vector_load %arg14[%swap3A_1182, %swap3A_1183] {strides = array<i32>} : memref<256x64xf32, #tpu.memory_space<vmem>>, vector<16xf32>,
      tpu.vector_store %arg14[%swap3A_1182, %swap3A_1183], %gather3A_1181 {strides = array<i32>} : memref<256x64xf32, #tpu.memory_space<vmem>>, vector<16xf32>,
      %mul3A_1185 = arith.constant 128 : i32
      %mul3A_1186 = vector.broadcast %mul3A_1185 : i32 to vector<16xi32>
      %mul3A_1187 = arith.muli %add3A_13, %mul3A_1186 : vector<16xi32>
      %add3A_1188 = arith.addi %mul3A_1187, %add3A_1158 : vector<16xi32>
      %gather3A_1189 = arith.constant 0 : i32
      %gather3A_1190 = tpu.memref_reshape %arg11 : memref<64x128xf32, #tpu.memory_space<vmem>> -> memref<1x8192xf32, #tpu.memory_space<vmem>>
      %gather3A_1191 = arith.constant 0 : i32
      %gather3A_1192 = tpu.memref_slice %gather3A_1190[%gather3A_1189, %gather3A_1191] : memref<1x8192xf32, #tpu.memory_space<vmem>> -> memref<1x8192xf32, #tpu.memory_space<vmem>>
      %gather3A_1193 = tpu.memref_squeeze %gather3A_1192 : memref<1x8192xf32, #tpu.memory_space<vmem>> -> memref<8192xf32, #tpu.memory_space<vmem>>
      %gather3A_1194 = tpu.vector_load_idx %gather3A_1193[%add3A_1188] : memref<8192xf32, #tpu.memory_space<vmem>>[vector<16xi32>], vector<16xf32>,
      %swap3A_1195 = arith.index_cast %add3A_1151 : i32 to index
      %swap3A_1196 = arith.constant 32 : index
      %swap3A_1197 = tpu.vector_load %arg14[%swap3A_1195, %swap3A_1196] {strides = array<i32>} : memref<256x64xf32, #tpu.memory_space<vmem>>, vector<16xf32>,
      tpu.vector_store %arg14[%swap3A_1195, %swap3A_1196], %gather3A_1194 {strides = array<i32>} : memref<256x64xf32, #tpu.memory_space<vmem>>, vector<16xf32>,
      %mul3A_1198 = arith.constant 128 : i32
      %mul3A_1199 = vector.broadcast %mul3A_1198 : i32 to vector<16xi32>
      %mul3A_1200 = arith.muli %add3A_17, %mul3A_1199 : vector<16xi32>
      %add3A_1201 = arith.addi %mul3A_1200, %add3A_1158 : vector<16xi32>
      %gather3A_1202 = arith.constant 0 : i32
      %gather3A_1203 = tpu.memref_reshape %arg11 : memref<64x128xf32, #tpu.memory_space<vmem>> -> memref<1x8192xf32, #tpu.memory_space<vmem>>
      %gather3A_1204 = arith.constant 0 : i32
      %gather3A_1205 = tpu.memref_slice %gather3A_1203[%gather3A_1202, %gather3A_1204] : memref<1x8192xf32, #tpu.memory_space<vmem>> -> memref<1x8192xf32, #tpu.memory_space<vmem>>
      %gather3A_1206 = tpu.memref_squeeze %gather3A_1205 : memref<1x8192xf32, #tpu.memory_space<vmem>> -> memref<8192xf32, #tpu.memory_space<vmem>>
      %gather3A_1207 = tpu.vector_load_idx %gather3A_1206[%add3A_1201] : memref<8192xf32, #tpu.memory_space<vmem>>[vector<16xi32>], vector<16xf32>,
      %swap3A_1208 = arith.index_cast %add3A_1151 : i32 to index
      %swap3A_1209 = arith.constant 48 : index
      %swap3A_1210 = tpu.vector_load %arg14[%swap3A_1208, %swap3A_1209] {strides = array<i32>} : memref<256x64xf32, #tpu.memory_space<vmem>>, vector<16xf32>,
      tpu.vector_store %arg14[%swap3A_1208, %swap3A_1209], %gather3A_1207 {strides = array<i32>} : memref<256x64xf32, #tpu.memory_space<vmem>>, vector<16xf32>,
      %slice3A_1211 = vector.extract_strided_slice %get3A_96 {offsets = [14], sizes = [1], strides = [1]} : vector<16xi32> to vector<1xi32>
      %squeeze3A_1212 = vector.extract %slice3A_1211[0] : i32 from vector<1xi32>
      %dma_wait3A_1213 = arith.constant 0 : i32
      %dma_wait3A_1214 = arith.constant 0 : i32
      %dma_wait3A_1215 = tpu.memref_slice %arg3[%dma_wait3A_1213, %dma_wait3A_1214] : memref<64x1000000xf32, #tpu.memory_space<hbm>> -> memref<64x128xf32, #tpu.memory_space<hbm>>
      %dma_wait3A_1216 = arith.constant 0 : i32
      %dma_wait3A_1217 = arith.constant 0 : i32
      %dma_wait3A_1218 = tpu.memref_slice %arg3[%dma_wait3A_1216, %dma_wait3A_1217] : memref<64x1000000xf32, #tpu.memory_space<hbm>> -> memref<64x128xf32, #tpu.memory_space<hbm>>
      tpu.wait_dma2 semaphore(%arg21 : memref<!tpu.dma_semaphore, #tpu.memory_space<semaphore_mem>>) src(%dma_wait3A_1218 : memref<64x128xf32, #tpu.memory_space<hbm>>) dst(%arg12 : memref<64x128xf32, #tpu.memory_space<vmem>>)
      %add3A_1219 = arith.constant 16 : i32
      %add3A_1220 = arith.addi %mul3A_94, %add3A_1219 : i32
      %add3A_1221 = arith.constant 5 : i32
      %add3A_1222 = arith.addi %add3A_1220, %add3A_1221 : i32
      %lt3A_1223 = arith.constant 512 : i32
      %lt3A_1224 = arith.cmpi slt, %add3A_1222, %lt3A_1223 : i32
      %convert_element_type3A_1225 = arith.extui %lt3A_1224 : i1 to i32
      %cond3A_1226 = arith.constant 0 : i32
      %cond3A_1227 = arith.cmpi ne, %convert_element_type3A_1225, %cond3A_1226 : i32
      scf.if %cond3A_1227 {
        %add3A_1371 = arith.constant 16 : i32
        %add3A_1372 = arith.addi %mul3A_94, %add3A_1371 : i32
        %get3A_1373 = arith.index_cast %add3A_1372 : i32 to index
        %get3A_1374 = tpu.vector_load %arg5[%get3A_1373] {strides = array<i32>} : memref<512xi32, #tpu.memory_space<vmem>>, vector<16xi32>,
        %slice3A_1375 = vector.extract_strided_slice %get3A_1374 {offsets = [5], sizes = [1], strides = [1]} : vector<16xi32> to vector<1xi32>
        %squeeze3A_1376 = vector.extract %slice3A_1375[0] : i32 from vector<1xi32>
        %and3A_1377 = arith.constant -128 : i32
        %and3A_1378 = arith.andi %squeeze3A_1376, %and3A_1377 : i32
        %multiple_of3A_1379 = tpu.assume_multiple %and3A_1378, 128 : i32
        %dma_start3A_1380 = arith.constant 0 : i32
        %dma_start3A_1381 = tpu.memref_slice %arg3[%dma_start3A_1380, %multiple_of3A_1379] : memref<64x1000000xf32, #tpu.memory_space<hbm>> -> memref<64x128xf32, #tpu.memory_space<hbm>>
        %dma_start3A_1382 = arith.constant 0 : i32
        %dma_start3A_1383 = tpu.memref_slice %arg3[%dma_start3A_1382, %multiple_of3A_1379] : memref<64x1000000xf32, #tpu.memory_space<hbm>> -> memref<64x128xf32, #tpu.memory_space<hbm>>
        tpu.enqueue_dma source(%dma_start3A_1383 : memref<64x128xf32, #tpu.memory_space<hbm>>) target(%arg11 : memref<64x128xf32, #tpu.memory_space<vmem>>) target_semaphore(%arg20 : memref<!tpu.dma_semaphore, #tpu.memory_space<semaphore_mem>>)
      } else {
      }
      %mul3A_1228 = arith.constant 16 : i32
      %mul3A_1229 = arith.muli %mul3A_1228, %scan3A_90 : i32
      %add3A_1230 = arith.constant 14 : i32
      %add3A_1231 = arith.addi %mul3A_1229, %add3A_1230 : i32
      %and3A_1232 = arith.constant 0 : i32
      %and3A_1233 = vector.broadcast %and3A_1232 : i32 to vector<16xi32>
      %and3A_1234 = arith.andi %add3A_5, %and3A_1233 : vector<16xi32>
      %and3A_1235 = arith.constant 127 : i32
      %and3A_1236 = arith.andi %squeeze3A_1212, %and3A_1235 : i32
      %add3A_1237 = vector.broadcast %and3A_1236 : i32 to vector<16xi32>
      %add3A_1238 = arith.addi %and3A_1234, %add3A_1237 : vector<16xi32>
      %mul3A_1239 = arith.constant 128 : i32
      %mul3A_1240 = vector.broadcast %mul3A_1239 : i32 to vector<16xi32>
      %mul3A_1241 = arith.muli %add3A_5, %mul3A_1240 : vector<16xi32>
      %add3A_1242 = arith.addi %mul3A_1241, %add3A_1238 : vector<16xi32>
      %gather3A_1243 = arith.constant 0 : i32
      %gather3A_1244 = tpu.memref_reshape %arg12 : memref<64x128xf32, #tpu.memory_space<vmem>> -> memref<1x8192xf32, #tpu.memory_space<vmem>>
      %gather3A_1245 = arith.constant 0 : i32
      %gather3A_1246 = tpu.memref_slice %gather3A_1244[%gather3A_1243, %gather3A_1245] : memref<1x8192xf32, #tpu.memory_space<vmem>> -> memref<1x8192xf32, #tpu.memory_space<vmem>>
      %gather3A_1247 = tpu.memref_squeeze %gather3A_1246 : memref<1x8192xf32, #tpu.memory_space<vmem>> -> memref<8192xf32, #tpu.memory_space<vmem>>
      %gather3A_1248 = tpu.vector_load_idx %gather3A_1247[%add3A_1242] : memref<8192xf32, #tpu.memory_space<vmem>>[vector<16xi32>], vector<16xf32>,
      %swap3A_1249 = arith.index_cast %add3A_1231 : i32 to index
      %swap3A_1250 = arith.constant 0 : index
      %swap3A_1251 = tpu.vector_load %arg14[%swap3A_1249, %swap3A_1250] {strides = array<i32>} : memref<256x64xf32, #tpu.memory_space<vmem>>, vector<16xf32>,
      tpu.vector_store %arg14[%swap3A_1249, %swap3A_1250], %gather3A_1248 {strides = array<i32>} : memref<256x64xf32, #tpu.memory_space<vmem>>, vector<16xf32>,
      %mul3A_1252 = arith.constant 128 : i32
      %mul3A_1253 = vector.broadcast %mul3A_1252 : i32 to vector<16xi32>
      %mul3A_1254 = arith.muli %add3A_9, %mul3A_1253 : vector<16xi32>
      %add3A_1255 = arith.addi %mul3A_1254, %add3A_1238 : vector<16xi32>
      %gather3A_1256 = arith.constant 0 : i32
      %gather3A_1257 = tpu.memref_reshape %arg12 : memref<64x128xf32, #tpu.memory_space<vmem>> -> memref<1x8192xf32, #tpu.memory_space<vmem>>
      %gather3A_1258 = arith.constant 0 : i32
      %gather3A_1259 = tpu.memref_slice %gather3A_1257[%gather3A_1256, %gather3A_1258] : memref<1x8192xf32, #tpu.memory_space<vmem>> -> memref<1x8192xf32, #tpu.memory_space<vmem>>
      %gather3A_1260 = tpu.memref_squeeze %gather3A_1259 : memref<1x8192xf32, #tpu.memory_space<vmem>> -> memref<8192xf32, #tpu.memory_space<vmem>>
      %gather3A_1261 = tpu.vector_load_idx %gather3A_1260[%add3A_1255] : memref<8192xf32, #tpu.memory_space<vmem>>[vector<16xi32>], vector<16xf32>,
      %swap3A_1262 = arith.index_cast %add3A_1231 : i32 to index
      %swap3A_1263 = arith.constant 16 : index
      %swap3A_1264 = tpu.vector_load %arg14[%swap3A_1262, %swap3A_1263] {strides = array<i32>} : memref<256x64xf32, #tpu.memory_space<vmem>>, vector<16xf32>,
      tpu.vector_store %arg14[%swap3A_1262, %swap3A_1263], %gather3A_1261 {strides = array<i32>} : memref<256x64xf32, #tpu.memory_space<vmem>>, vector<16xf32>,
      %mul3A_1265 = arith.constant 128 : i32
      %mul3A_1266 = vector.broadcast %mul3A_1265 : i32 to vector<16xi32>
      %mul3A_1267 = arith.muli %add3A_13, %mul3A_1266 : vector<16xi32>
      %add3A_1268 = arith.addi %mul3A_1267, %add3A_1238 : vector<16xi32>
      %gather3A_1269 = arith.constant 0 : i32
      %gather3A_1270 = tpu.memref_reshape %arg12 : memref<64x128xf32, #tpu.memory_space<vmem>> -> memref<1x8192xf32, #tpu.memory_space<vmem>>
      %gather3A_1271 = arith.constant 0 : i32
      %gather3A_1272 = tpu.memref_slice %gather3A_1270[%gather3A_1269, %gather3A_1271] : memref<1x8192xf32, #tpu.memory_space<vmem>> -> memref<1x8192xf32, #tpu.memory_space<vmem>>
      %gather3A_1273 = tpu.memref_squeeze %gather3A_1272 : memref<1x8192xf32, #tpu.memory_space<vmem>> -> memref<8192xf32, #tpu.memory_space<vmem>>
      %gather3A_1274 = tpu.vector_load_idx %gather3A_1273[%add3A_1268] : memref<8192xf32, #tpu.memory_space<vmem>>[vector<16xi32>], vector<16xf32>,
      %swap3A_1275 = arith.index_cast %add3A_1231 : i32 to index
      %swap3A_1276 = arith.constant 32 : index
      %swap3A_1277 = tpu.vector_load %arg14[%swap3A_1275, %swap3A_1276] {strides = array<i32>} : memref<256x64xf32, #tpu.memory_space<vmem>>, vector<16xf32>,
      tpu.vector_store %arg14[%swap3A_1275, %swap3A_1276], %gather3A_1274 {strides = array<i32>} : memref<256x64xf32, #tpu.memory_space<vmem>>, vector<16xf32>,
      %mul3A_1278 = arith.constant 128 : i32
      %mul3A_1279 = vector.broadcast %mul3A_1278 : i32 to vector<16xi32>
      %mul3A_1280 = arith.muli %add3A_17, %mul3A_1279 : vector<16xi32>
      %add3A_1281 = arith.addi %mul3A_1280, %add3A_1238 : vector<16xi32>
      %gather3A_1282 = arith.constant 0 : i32
      %gather3A_1283 = tpu.memref_reshape %arg12 : memref<64x128xf32, #tpu.memory_space<vmem>> -> memref<1x8192xf32, #tpu.memory_space<vmem>>
      %gather3A_1284 = arith.constant 0 : i32
      %gather3A_1285 = tpu.memref_slice %gather3A_1283[%gather3A_1282, %gather3A_1284] : memref<1x8192xf32, #tpu.memory_space<vmem>> -> memref<1x8192xf32, #tpu.memory_space<vmem>>
      %gather3A_1286 = tpu.memref_squeeze %gather3A_1285 : memref<1x8192xf32, #tpu.memory_space<vmem>> -> memref<8192xf32, #tpu.memory_space<vmem>>
      %gather3A_1287 = tpu.vector_load_idx %gather3A_1286[%add3A_1281] : memref<8192xf32, #tpu.memory_space<vmem>>[vector<16xi32>], vector<16xf32>,
      %swap3A_1288 = arith.index_cast %add3A_1231 : i32 to index
      %swap3A_1289 = arith.constant 48 : index
      %swap3A_1290 = tpu.vector_load %arg14[%swap3A_1288, %swap3A_1289] {strides = array<i32>} : memref<256x64xf32, #tpu.memory_space<vmem>>, vector<16xf32>,
      tpu.vector_store %arg14[%swap3A_1288, %swap3A_1289], %gather3A_1287 {strides = array<i32>} : memref<256x64xf32, #tpu.memory_space<vmem>>, vector<16xf32>,
      %slice3A_1291 = vector.extract_strided_slice %get3A_96 {offsets = [15], sizes = [1], strides = [1]} : vector<16xi32> to vector<1xi32>
      %squeeze3A_1292 = vector.extract %slice3A_1291[0] : i32 from vector<1xi32>
      %dma_wait3A_1293 = arith.constant 0 : i32
      %dma_wait3A_1294 = arith.constant 0 : i32
      %dma_wait3A_1295 = tpu.memref_slice %arg3[%dma_wait3A_1293, %dma_wait3A_1294] : memref<64x1000000xf32, #tpu.memory_space<hbm>> -> memref<64x128xf32, #tpu.memory_space<hbm>>
      %dma_wait3A_1296 = arith.constant 0 : i32
      %dma_wait3A_1297 = arith.constant 0 : i32
      %dma_wait3A_1298 = tpu.memref_slice %arg3[%dma_wait3A_1296, %dma_wait3A_1297] : memref<64x1000000xf32, #tpu.memory_space<hbm>> -> memref<64x128xf32, #tpu.memory_space<hbm>>
      tpu.wait_dma2 semaphore(%arg22 : memref<!tpu.dma_semaphore, #tpu.memory_space<semaphore_mem>>) src(%dma_wait3A_1298 : memref<64x128xf32, #tpu.memory_space<hbm>>) dst(%arg13 : memref<64x128xf32, #tpu.memory_space<vmem>>)
      %add3A_1299 = arith.constant 16 : i32
      %add3A_1300 = arith.addi %mul3A_94, %add3A_1299 : i32
      %add3A_1301 = arith.constant 6 : i32
      %add3A_1302 = arith.addi %add3A_1300, %add3A_1301 : i32
      %lt3A_1303 = arith.constant 512 : i32
      %lt3A_1304 = arith.cmpi slt, %add3A_1302, %lt3A_1303 : i32
      %convert_element_type3A_1305 = arith.extui %lt3A_1304 : i1 to i32
      %cond3A_1306 = arith.constant 0 : i32
      %cond3A_1307 = arith.cmpi ne, %convert_element_type3A_1305, %cond3A_1306 : i32
      scf.if %cond3A_1307 {
        %add3A_1371 = arith.constant 16 : i32
        %add3A_1372 = arith.addi %mul3A_94, %add3A_1371 : i32
        %get3A_1373 = arith.index_cast %add3A_1372 : i32 to index
        %get3A_1374 = tpu.vector_load %arg5[%get3A_1373] {strides = array<i32>} : memref<512xi32, #tpu.memory_space<vmem>>, vector<16xi32>,
        %slice3A_1375 = vector.extract_strided_slice %get3A_1374 {offsets = [6], sizes = [1], strides = [1]} : vector<16xi32> to vector<1xi32>
        %squeeze3A_1376 = vector.extract %slice3A_1375[0] : i32 from vector<1xi32>
        %and3A_1377 = arith.constant -128 : i32
        %and3A_1378 = arith.andi %squeeze3A_1376, %and3A_1377 : i32
        %multiple_of3A_1379 = tpu.assume_multiple %and3A_1378, 128 : i32
        %dma_start3A_1380 = arith.constant 0 : i32
        %dma_start3A_1381 = tpu.memref_slice %arg3[%dma_start3A_1380, %multiple_of3A_1379] : memref<64x1000000xf32, #tpu.memory_space<hbm>> -> memref<64x128xf32, #tpu.memory_space<hbm>>
        %dma_start3A_1382 = arith.constant 0 : i32
        %dma_start3A_1383 = tpu.memref_slice %arg3[%dma_start3A_1382, %multiple_of3A_1379] : memref<64x1000000xf32, #tpu.memory_space<hbm>> -> memref<64x128xf32, #tpu.memory_space<hbm>>
        tpu.enqueue_dma source(%dma_start3A_1383 : memref<64x128xf32, #tpu.memory_space<hbm>>) target(%arg12 : memref<64x128xf32, #tpu.memory_space<vmem>>) target_semaphore(%arg21 : memref<!tpu.dma_semaphore, #tpu.memory_space<semaphore_mem>>)
      } else {
      }
      %mul3A_1308 = arith.constant 16 : i32
      %mul3A_1309 = arith.muli %mul3A_1308, %scan3A_90 : i32
      %add3A_1310 = arith.constant 15 : i32
      %add3A_1311 = arith.addi %mul3A_1309, %add3A_1310 : i32
      %and3A_1312 = arith.constant 0 : i32
      %and3A_1313 = vector.broadcast %and3A_1312 : i32 to vector<16xi32>
      %and3A_1314 = arith.andi %add3A_5, %and3A_1313 : vector<16xi32>
      %and3A_1315 = arith.constant 127 : i32
      %and3A_1316 = arith.andi %squeeze3A_1292, %and3A_1315 : i32
      %add3A_1317 = vector.broadcast %and3A_1316 : i32 to vector<16xi32>
      %add3A_1318 = arith.addi %and3A_1314, %add3A_1317 : vector<16xi32>
      %mul3A_1319 = arith.constant 128 : i32
      %mul3A_1320 = vector.broadcast %mul3A_1319 : i32 to vector<16xi32>
      %mul3A_1321 = arith.muli %add3A_5, %mul3A_1320 : vector<16xi32>
      %add3A_1322 = arith.addi %mul3A_1321, %add3A_1318 : vector<16xi32>
      %gather3A_1323 = arith.constant 0 : i32
      %gather3A_1324 = tpu.memref_reshape %arg13 : memref<64x128xf32, #tpu.memory_space<vmem>> -> memref<1x8192xf32, #tpu.memory_space<vmem>>
      %gather3A_1325 = arith.constant 0 : i32
      %gather3A_1326 = tpu.memref_slice %gather3A_1324[%gather3A_1323, %gather3A_1325] : memref<1x8192xf32, #tpu.memory_space<vmem>> -> memref<1x8192xf32, #tpu.memory_space<vmem>>
      %gather3A_1327 = tpu.memref_squeeze %gather3A_1326 : memref<1x8192xf32, #tpu.memory_space<vmem>> -> memref<8192xf32, #tpu.memory_space<vmem>>
      %gather3A_1328 = tpu.vector_load_idx %gather3A_1327[%add3A_1322] : memref<8192xf32, #tpu.memory_space<vmem>>[vector<16xi32>], vector<16xf32>,
      %swap3A_1329 = arith.index_cast %add3A_1311 : i32 to index
      %swap3A_1330 = arith.constant 0 : index
      %swap3A_1331 = tpu.vector_load %arg14[%swap3A_1329, %swap3A_1330] {strides = array<i32>} : memref<256x64xf32, #tpu.memory_space<vmem>>, vector<16xf32>,
      tpu.vector_store %arg14[%swap3A_1329, %swap3A_1330], %gather3A_1328 {strides = array<i32>} : memref<256x64xf32, #tpu.memory_space<vmem>>, vector<16xf32>,
      %mul3A_1332 = arith.constant 128 : i32
      %mul3A_1333 = vector.broadcast %mul3A_1332 : i32 to vector<16xi32>
      %mul3A_1334 = arith.muli %add3A_9, %mul3A_1333 : vector<16xi32>
      %add3A_1335 = arith.addi %mul3A_1334, %add3A_1318 : vector<16xi32>
      %gather3A_1336 = arith.constant 0 : i32
      %gather3A_1337 = tpu.memref_reshape %arg13 : memref<64x128xf32, #tpu.memory_space<vmem>> -> memref<1x8192xf32, #tpu.memory_space<vmem>>
      %gather3A_1338 = arith.constant 0 : i32
      %gather3A_1339 = tpu.memref_slice %gather3A_1337[%gather3A_1336, %gather3A_1338] : memref<1x8192xf32, #tpu.memory_space<vmem>> -> memref<1x8192xf32, #tpu.memory_space<vmem>>
      %gather3A_1340 = tpu.memref_squeeze %gather3A_1339 : memref<1x8192xf32, #tpu.memory_space<vmem>> -> memref<8192xf32, #tpu.memory_space<vmem>>
      %gather3A_1341 = tpu.vector_load_idx %gather3A_1340[%add3A_1335] : memref<8192xf32, #tpu.memory_space<vmem>>[vector<16xi32>], vector<16xf32>,
      %swap3A_1342 = arith.index_cast %add3A_1311 : i32 to index
      %swap3A_1343 = arith.constant 16 : index
      %swap3A_1344 = tpu.vector_load %arg14[%swap3A_1342, %swap3A_1343] {strides = array<i32>} : memref<256x64xf32, #tpu.memory_space<vmem>>, vector<16xf32>,
      tpu.vector_store %arg14[%swap3A_1342, %swap3A_1343], %gather3A_1341 {strides = array<i32>} : memref<256x64xf32, #tpu.memory_space<vmem>>, vector<16xf32>,
      %mul3A_1345 = arith.constant 128 : i32
      %mul3A_1346 = vector.broadcast %mul3A_1345 : i32 to vector<16xi32>
      %mul3A_1347 = arith.muli %add3A_13, %mul3A_1346 : vector<16xi32>
      %add3A_1348 = arith.addi %mul3A_1347, %add3A_1318 : vector<16xi32>
      %gather3A_1349 = arith.constant 0 : i32
      %gather3A_1350 = tpu.memref_reshape %arg13 : memref<64x128xf32, #tpu.memory_space<vmem>> -> memref<1x8192xf32, #tpu.memory_space<vmem>>
      %gather3A_1351 = arith.constant 0 : i32
      %gather3A_1352 = tpu.memref_slice %gather3A_1350[%gather3A_1349, %gather3A_1351] : memref<1x8192xf32, #tpu.memory_space<vmem>> -> memref<1x8192xf32, #tpu.memory_space<vmem>>
      %gather3A_1353 = tpu.memref_squeeze %gather3A_1352 : memref<1x8192xf32, #tpu.memory_space<vmem>> -> memref<8192xf32, #tpu.memory_space<vmem>>
      %gather3A_1354 = tpu.vector_load_idx %gather3A_1353[%add3A_1348] : memref<8192xf32, #tpu.memory_space<vmem>>[vector<16xi32>], vector<16xf32>,
      %swap3A_1355 = arith.index_cast %add3A_1311 : i32 to index
      %swap3A_1356 = arith.constant 32 : index
      %swap3A_1357 = tpu.vector_load %arg14[%swap3A_1355, %swap3A_1356] {strides = array<i32>} : memref<256x64xf32, #tpu.memory_space<vmem>>, vector<16xf32>,
      tpu.vector_store %arg14[%swap3A_1355, %swap3A_1356], %gather3A_1354 {strides = array<i32>} : memref<256x64xf32, #tpu.memory_space<vmem>>, vector<16xf32>,
      %mul3A_1358 = arith.constant 128 : i32
      %mul3A_1359 = vector.broadcast %mul3A_1358 : i32 to vector<16xi32>
      %mul3A_1360 = arith.muli %add3A_17, %mul3A_1359 : vector<16xi32>
      %add3A_1361 = arith.addi %mul3A_1360, %add3A_1318 : vector<16xi32>
      %gather3A_1362 = arith.constant 0 : i32
      %gather3A_1363 = tpu.memref_reshape %arg13 : memref<64x128xf32, #tpu.memory_space<vmem>> -> memref<1x8192xf32, #tpu.memory_space<vmem>>
      %gather3A_1364 = arith.constant 0 : i32
      %gather3A_1365 = tpu.memref_slice %gather3A_1363[%gather3A_1362, %gather3A_1364] : memref<1x8192xf32, #tpu.memory_space<vmem>> -> memref<1x8192xf32, #tpu.memory_space<vmem>>
      %gather3A_1366 = tpu.memref_squeeze %gather3A_1365 : memref<1x8192xf32, #tpu.memory_space<vmem>> -> memref<8192xf32, #tpu.memory_space<vmem>>
      %gather3A_1367 = tpu.vector_load_idx %gather3A_1366[%add3A_1361] : memref<8192xf32, #tpu.memory_space<vmem>>[vector<16xi32>], vector<16xf32>,
      %swap3A_1368 = arith.index_cast %add3A_1311 : i32 to index
      %swap3A_1369 = arith.constant 48 : index
      %swap3A_1370 = tpu.vector_load %arg14[%swap3A_1368, %swap3A_1369] {strides = array<i32>} : memref<256x64xf32, #tpu.memory_space<vmem>>, vector<16xf32>,
      tpu.vector_store %arg14[%swap3A_1368, %swap3A_1369], %gather3A_1367 {strides = array<i32>} : memref<256x64xf32, #tpu.memory_space<vmem>>, vector<16xf32>,
    }
    %scan3A_87 = arith.constant 16 : i32
    %add3A_88 = arith.constant 256 : i32
    %add3A_89 = arith.addi %mul3A_2, %add3A_88 : i32
    "tpu.region"() ({
      %run_scoped3A = tpu.sem_alloc : memref<!tpu.dma_semaphore, #tpu.memory_space<semaphore_mem>>
      %dma_start3A_90 = arith.constant 0 : i32
      %dma_start3A_91 = tpu.memref_slice %arg4[%add3A_89, %dma_start3A_90] : memref<16384x64xf32, #tpu.memory_space<hbm>> -> memref<256x64xf32, #tpu.memory_space<hbm>>
      %dma_start3A_92 = arith.constant 0 : i32
      %dma_start3A_93 = tpu.memref_slice %arg4[%add3A_89, %dma_start3A_92] : memref<16384x64xf32, #tpu.memory_space<hbm>> -> memref<256x64xf32, #tpu.memory_space<hbm>>
      tpu.enqueue_dma source(%arg14 : memref<256x64xf32, #tpu.memory_space<vmem>>) target(%dma_start3A_93 : memref<256x64xf32, #tpu.memory_space<hbm>>) target_semaphore(%run_scoped3A : memref<!tpu.dma_semaphore, #tpu.memory_space<semaphore_mem>>)
      %dma_wait3A = arith.constant 0 : i32
      %dma_wait3A_94 = tpu.memref_slice %arg4[%add3A_89, %dma_wait3A] : memref<16384x64xf32, #tpu.memory_space<hbm>> -> memref<256x64xf32, #tpu.memory_space<hbm>>
      %dma_wait3A_95 = arith.constant 0 : i32
      %dma_wait3A_96 = tpu.memref_slice %arg4[%add3A_89, %dma_wait3A_95] : memref<16384x64xf32, #tpu.memory_space<hbm>> -> memref<256x64xf32, #tpu.memory_space<hbm>>
      tpu.wait_dma2 semaphore(%run_scoped3A : memref<!tpu.dma_semaphore, #tpu.memory_space<semaphore_mem>>) src(%arg14 : memref<256x64xf32, #tpu.memory_space<vmem>>) dst(%dma_wait3A_96 : memref<256x64xf32, #tpu.memory_space<hbm>>)
      tpu.yield
    }) : () -> ()
    return
  }
}

</mosaic_0001>

<sc_bundles>
// kernel: kernel.3.cloned.1.call-start
scs
__scs_entry_jumppad:
0x0: {  	(pc) =	sbr.rel $0x88, $3  }
0x1: {  	(tag) =	ssettag $0x0;
	lr =	simm.s32 $0x1  }
0x2: {  	[smem:$0x3F9F] =	sst lr;
	_ =	strace $0xD0000000  }
0x3: {  	_ = 	snop  }
0x4: {  	_ = 	snop  }
0x5: {  	_ = 	snop  }
0x6: {  	_ = 	snop  }
0x7: {  	_ = 	snop  }
__scs_overlays_trampoline_lowered:
0x8: {  	[smem:$0x3FAE] =	sst s0  }
0x9: {  	[smem:$0x3FAF] =	sst s1  }
0xa: {  	[smem:$0x3FB0] =	sst s2  }
0xb: {  	[smem:$0x3FB1] =	sst s3  }
0xc: {  	[smem:$0x3FB2] =	sst s4  }
0xd: {  	[smem:$0x3FB3] =	sst s5  }
0xe: {  	[smem:$0x3FB4] =	sst s6  }
0xf: {  	[smem:$0x3FB5] =	sst s7  }
0x10: {  	[smem:$0x3FB6] =	sst s8  }
0x11: {  	[smem:$0x3FB7] =	sst s9;
	s0 =	simm.s32 @!p0 $0x0  }
0x12: {  	s1 =	sld [smem:$0x3F9D];
	s0 =	simm.s32 @p0 $0x1  }
0x13: {  	[smem:$0x3FB8] =	sst s0;
	s0 =	simm.s32 @!p1 $0x0  }
0x14: {  	s2 =	sld [smem:$0x3F9C];
	s0 =	simm.s32 @p1 $0x1  }
0x15: {  	[smem:$0x3FB9] =	sst s0;
	s0 =	simm.s32 @!p2 $0x0  }
0x16: {  	s3 =	sld [smem:$0x3FDB];
	s0 =	simm.s32 @p2 $0x1  }
0x17: {  	s4 =	simm.s32 $0x1BF5;
	[smem:$0x3FBB] =	sst s0  }
0x18: {  	s0 =	sld [smem:$0x3F9E];
	_ =	swait.ge [sflag:s4], $0x0  }
0x19: {  	s7 =	sld [smem:$0x3F9F]  }
0x1a: {  	s8 =	sadd.s32 $0xFFFFE003, lr  }
0x1b: {  	s9 =	sadd.s32 $0xFFFFFEF7, lr;
	s5 =	simm.s32 $0xFFFFFFFF;
	p2 =	slt.u32 s8, $0xFFFFF086  }
0x1c: {  	p1 =	slt.u32 s9, $0xF7A;
	s5 =	simm.s32 @!p2 $0x0  }
0x1d: {  	s5 =	simm.s32 @p1 $0x1;
	p0 =	seq.s32 s7, s2  }
0x1e: {  	s7 =	smul.u32 @!p0 $0xF7A, s2;
	p2 =	seq.s32 @!p0 s5, $0x0  }
0x1f: {  	s9 =	smul.u32 $0xF7A, s1;
	s8 =	simm.s32 @!p0 $0x1BF5;
	p2 =	por !p2, p0  }
0x20: {  	[sflag:s8] =	ssyncset.s32 @!p0 $0xFFFFF086;
	s6 =	sadd.s32 @!p0 s3, s7;
	s7 =	simm.s32 @!p0 $0x108  }
0x21: {  	s3 =	sadd.s32 s3, s9;
	s6 =	sadd.s32 @!p0 $0x88, s6;
	s7 =	simm.s32 @p2 $0x1082  }
0x22: {  	[simem:s7], [sflag:s8] =	dma.local @!p0 [hbm:s6], $0xF7A  }
0x23: {  	s9 =	sor.u32 $0xD0000000, s2;
	s6 =	simm.s32 $0x108;
	_ =	swait.ge @!p0 [sflag:s8], $0x0  }
0x24: {  	s3 =	sadd.s32 $0x88, s3;
	s6 =	simm.s32 @!p1 $0x1082;
	[sflag:s4] =	ssyncset.s32 $0xFFFFF086  }
0x25: {  	[simem:s6], [sflag:s4] =	dma.local [hbm:s3], $0xF7A  }
0x26: {  	[smem:$0x3F9F] =	sst s1;
	(tag) =	ssettag s2;
	_ =	strace s9  }
0x27: {  	s1 =	sld [smem:$0x3FAF]  }
0x28: {  	s2 =	sld [smem:$0x3FB0]  }
0x29: {  	s4 =	sld [smem:$0x3FB2]  }
0x2a: {  	p0 =	seq.s32 s5, $0x0;
	s5 =	sld [smem:$0x3FB3]  }
0x2b: {  	s6 =	sld [smem:$0x3FB4]  }
0x2c: {  	s7 =	sld [smem:$0x3FB5]  }
0x2d: {  	s3 =	simm.s32 $0x108;
	s8 =	sld [smem:$0x3FB6]  }
0x2e: {  	s3 =	simm.s32 @!p0 $0x1082;
	s9 =	sld [smem:$0x3FB7]  }
0x2f: {  	lr =	sadd.s32 s0, s3;
	s0 =	sld [smem:$0x3FAE]  }
0x30: {  	s3 =	sld [smem:$0x3FB1]  }
0x31: {  	[smem:$0x3FBA] =	sst s10  }
0x32: {  	s10 =	sld [smem:$0x3FB8];
	_ =	sdelay $0x3  }
0x33: {  	p0 =	seq.s32 s10, $0x1;
	s10 =	sld [smem:$0x3FBA];
	_ =	sdelay $0x3  }
0x34: {  	[smem:$0x3FBA] =	sst s10  }
0x35: {  	s10 =	sld [smem:$0x3FB9];
	_ =	sdelay $0x3  }
0x36: {  	p1 =	seq.s32 s10, $0x1;
	s10 =	sld [smem:$0x3FBA];
	_ =	sdelay $0x3  }
0x37: {  	[smem:$0x3FBA] =	sst s10  }
0x38: {  	s10 =	sld [smem:$0x3FBB]  }
0x39: {  	_ = 	snop;
	(pc) =	sbr.ind lr, $3  }
0x3a: {  	_ = 	snop  }
0x3b: {  	_ = 	snop  }
0x3c: {  	p2 =	seq.s32 s10, $0x1;
	s10 =	sld [smem:$0x3FBA]  }
0x3d: {  	_ =	shalt  }
0x3e: {  	_ =	shalt  }
0x3f: {  	_ =	shalt  }
0x40: {  	_ =	shalt  }
0x41: {  	_ =	shalt  }
0x42: {  	_ =	shalt  }
0x43: {  	_ =	shalt  }
0x44: {  	_ =	shalt  }
0x45: {  	_ =	shalt  }
0x46: {  	_ =	shalt  }
0x47: {  	_ =	shalt  }
0x48: {  	_ =	shalt  }
0x49: {  	_ =	shalt  }
0x4a: {  	_ =	shalt  }
0x4b: {  	_ =	shalt  }
0x4c: {  	_ =	shalt  }
0x4d: {  	_ =	shalt  }
0x4e: {  	_ =	shalt  }
0x4f: {  	_ =	shalt  }
0x50: {  	_ =	shalt  }
0x51: {  	_ =	shalt  }
0x52: {  	_ =	shalt  }
0x53: {  	_ =	shalt  }
0x54: {  	_ =	shalt  }
0x55: {  	_ =	shalt  }
0x56: {  	_ =	shalt  }
0x57: {  	_ =	shalt  }
0x58: {  	_ =	shalt  }
0x59: {  	_ =	shalt  }
0x5a: {  	_ =	shalt  }
0x5b: {  	_ =	shalt  }
0x5c: {  	_ =	shalt  }
0x5d: {  	_ =	shalt  }
0x5e: {  	_ =	shalt  }
0x5f: {  	_ =	shalt  }
0x60: {  	_ =	shalt  }
0x61: {  	_ =	shalt  }
0x62: {  	_ =	shalt  }
0x63: {  	_ =	shalt  }
0x64: {  	_ =	shalt  }
0x65: {  	_ =	shalt  }
0x66: {  	_ =	shalt  }
0x67: {  	_ =	shalt  }
0x68: {  	_ =	shalt  }
0x69: {  	_ =	shalt  }
0x6a: {  	_ =	shalt  }
0x6b: {  	_ =	shalt  }
0x6c: {  	_ =	shalt  }
0x6d: {  	_ =	shalt  }
0x6e: {  	_ =	shalt  }
0x6f: {  	_ =	shalt  }
0x70: {  	_ =	shalt  }
0x71: {  	_ =	shalt  }
0x72: {  	_ =	shalt  }
0x73: {  	_ =	shalt  }
0x74: {  	_ =	shalt  }
0x75: {  	_ =	shalt  }
0x76: {  	_ =	shalt  }
0x77: {  	_ =	shalt  }
0x78: {  	_ =	shalt  }
0x79: {  	_ =	shalt  }
0x7a: {  	_ =	shalt  }
0x7b: {  	_ =	shalt  }
0x7c: {  	_ =	shalt  }
0x7d: {  	_ =	shalt  }
0x7e: {  	_ =	shalt  }
0x7f: {  	_ =	shalt  }
0x80: {  	_ =	shalt  }
0x81: {  	_ =	shalt  }
0x82: {  	_ =	shalt  }
0x83: {  	_ =	shalt  }
0x84: {  	_ =	shalt  }
0x85: {  	_ =	shalt  }
0x86: {  	_ =	shalt  }
0x87: {  	_ =	shalt  }
.Lfunc_end0:
.L_simem_size_0:
called_computation_lowered:
.L_overlay_start_0:
0x88: {  	s2 =	sld [smem:$0x3FD9]  }
0x89: {  	s3 =	sld [smem:$0x3FFE];
	_ =	sdelay $0x1  }
0x8a: {  	s1 =	srdreg.scid  }
0x8b: {  	s0 =	sand.u32 $0x1, s1  }
0x8c: {  	s17 =	sshll.u32 s0, $0xA;
	s2 =	sadd.s32 s3, s2  }
0x8d: {  	s2 =	sadd.s32 s2, s17  }
0x8e: {  	[smem:$0x3FC6] =	sst s2  }
0x8f: {  	_ = 	snop  }
0x90: {  	s2 =	sld [smem:$0x3FC9]  }
0x91: {  	s18 =	sld [smem:$0x3FC8];
	(tm) =	ssettm $0x1  }
0x92: {  	s4 =	sld [smem:$0x3FFB];
	_ =	sdelay $0x3  }
0x93: {  	_ =	strace s4  }
0x94: {  	s4 =	sld [smem:$0x3FFC];
	_ =	sdelay $0x3  }
0x95: {  	_ =	strace s4  }
0x96: {  	s4 =	sld [smem:$0x3FFD];
	_ =	sdelay $0x3  }
0x97: {  	_ =	strace s4  }
0x98: {  	_ =	strace $0x8FFFFFFF  }
0x99: {  	s19 =	sld [smem:$0x3FDB];
	_ =	sdelay $0x1  }
0x9a: {  	s5 =	simm.s32 $_scs_section_size  }
0x9b: {  	s6 =	simm.s32 $_size__tile_overlayer_lowered;
	s7 =	simm.s32 $_tile_overlayer_lowered  }
0x9c: {  	s22 =	simm.s32 $0x1BFF;
	s21 =	sshll.u32 s7, $0x1;
	s4 =	sadd.s32 s5, s19  }
0x9d: {  	s8 =	simm.s32 $0x0;
	s20 =	sshll.u32 s6, $0x1;
	s6 =	sadd.s32 s21, s4  }
0x9e: {  	[timem:s8], [sflag:s22] =	dma.local [hbm:s6], s20  }
0x9f: {  	_ =	swait.ge [sflag:s22], s20  }
0xa0: {  	s5 =	ssub.s32 $0x0, s20;
	[sflag:s22] =	ssyncset.done $0x0  }
0xa1: {  	[sflag:s22] =	ssyncadd.s32 s5;
	_ =	sdelay $0x1  }
0xa2: {  	s23 =	simm.s32 $0x1B8B  }
0xa3: {  	_ =	swait.ge [sflag:s23], $0x1  }
0xa4: {  	[sflag:s23] =	ssyncset.done $0x0  }
0xa5: {  	s25 =	simm.s32 $0x1B8E;
	s24 =	sld [smem:$0x3FFE];
	[sflag:s23] =	ssyncadd.s32 $0xFFFFFFFF  }
0xa6: {  	s26 =	simm.s32 $execute0_lowered;
	[smem:$0x3FD2] =	sst s25  }
0xa7: {  	s6 =	sshll.u32 s26, $0x1;
	_ =	strace $0x80000046;
	[dreg:$0x1] =	wrdreg $0xFFFFFFFF  }
0xa8: {  	s28 =	simm.s32 $_size_execute0_lowered;
	s4 =	sadd.s32 s4, s6;
	[dreg:$0x0] =	wrdreg $0x0  }
0xa9: {  	s6 =	sshll.u32 s28, $0x1;
	[dreg:$0x2] =	wrdreg s4  }
0xaa: {  	[dreg:$0x3] =	wrdreg s6  }
0xab: {  	[dreg:$0x4] =	wrdreg $0xC0  }
0xac: {  	_ =	task [dreg:s8], $0x5FFFF  }
0xad: {  	[dreg:$0x1] =	wrdreg $0xFFFFFFFF  }
0xae: {  	[dreg:$0x0] =	wrdreg $0x60  }
0xaf: {  	[dreg:$0x2] =	wrdreg s2  }
0xb0: {  	[dreg:$0x3] =	wrdreg s18  }
0xb1: {  	[dreg:$0x4] =	wrdreg s24  }
0xb2: {  	[dreg:$0x5] =	wrdreg $0x9  }
0xb3: {  	_ =	task.clear_ibuf [dreg:s8], $0x6FFFF;
	_ =	strace $0x90000046  }
0xb4: {  	s29 =	simm.s32 $0x9;
	_ =	strace $0x80000048  }
0xb5: {  	_ =	swait.ge [sflag:s29], $0x1  }
0xb6: {  	[sflag:s29] =	ssyncadd.s32 $0xFFFFFFFF  }
0xb7: {  	_ =	strace $0x90000048  }
0xb8: {  	_ =	sfence  }
0xb9: {  	s30 =	sld [smem:$0x0];
	_ =	sdelay $0x2  }
0xba: {  	s31 =	sshll.u32 s1, $0xD;
	s1 =	sshrl.u32 s1, $0x2  }
0xbb: {  	s3 =	sand.u32 $0x4000, s31;
	s1 =	sadd.s32 s1, s30  }
0xbc: {  	s0 =	sor.u32 s3, s0;
	s1 =	sshll.u32 s1, $0x11  }
0xbd: {  	s0 =	sor.u32 s1, s0  }
0xbe: {  	s0 =	sadd.s32 $0x8F2B, s0  }
0xbf: {  	[sflag:s0] =	ssyncadd.remote.s32 $0x1  }
0xc0: {  	_ =	sfence.sel $0xFFFF  }
0xc1: {  	[dreg:$0x0] =	wrdreg $0xFFFFFFFF;
	(pc) =	sbr.abs _section_cstart, $3  }
0xc2: {  	[dreg:$0x1] =	wrdreg $0xFFFFFFFF  }
0xc3: {  	_ =	task.clear_ibuf [dreg:s8], $0x2FFFF;
	_ =	strace $0x9FFFFFFF  }
0xc4: {  	(tm) =	ssettm $0x7FFFFFFF  }
0xc5: {  	_ =	shalt  }
tec
execute0_lowered:
.L_overlay_start_1:
0x0: {  	(tag) =	ssettag $0x1  }
0x1: {  	s0 =	rddreg [dreg:$0x0]  }
0x2: {  	s1 =	rddreg [dreg:$0x1]  }
0x3: {  	s2 =	rddreg [dreg:$0x2];
	s3 =	srdreg.scid  }
0x4: {  	s7 =	simm.s32 $0x0;
	s4 =	stileid.u32;
	s18 =	simm.s32 $0x9  }
0x5: {  	s9 =	simm.s32 $0x400;
	s10 =	simm.s32 $0x7A1400;
	s11 =	simm.s32 $0x200  }
0x6: {  	s12 =	simm.s32 $0x2200;
	s13 =	simm.s32 $0x4200;
	s14 =	simm.s32 $0x6200  }
0x7: {  	s15 =	simm.s32 $0x8200;
	s16 =	simm.s32 $0xA200;
	s17 =	simm.s32 $0xC200  }
0x8: {  	s20 =	simm.s32 $0x1;
	s19 =	simm.s32 $0xE200;
	s29 =	simm.s32 $0x2  }
0x9: {  	s21 =	simm.s32 $0x3;
	s22 =	simm.s32 $0x4;
	s3 =	sand.u32 $0x1, s3  }
0xa: {  	s23 =	simm.s32 $0x5;
	s4 =	sshll.u32 s4, $0xA;
	s5 =	sshll.u32 s3, $0x9  }
0xb: {  	[smem:$0x7FF] =	sst s7;
	s3 =	ssub.s32 $0x2, s3;
	s4 =	sor.u32 s5, s4  }
0xc: {  	s6 =	sshrl.u32 s3, $0x1;
	s5 =	sshll.u32 s4, $0x4;
	s4 =	sshrl.u32 s4, $0x3  }
0xd: {  	_ =	strace $0x80000047;
	s3 =	ssub.s32 s3, s6;
	s0 =	sadd.s32 s0, s4  }
0xe: {  	v0 =	vlaneseq.u32;
	s2 =	sadd.s32 s5, s2;
	s31 =	smax.u32 s3, $0x1;
	[dreg:$0x4] =	wrdreg s0  }
0xf: {  	s24 =	simm.s32 $0x6;
	v0 =	vmul.u32 $0x80, v0;
	s28 =	sadd.s32 $0x400, s2;
	[dreg:$0x7] =	wrdreg s31  }
0x10: {  	s25 =	simm.s32 $0x7;
	s30 =	sadd.s32 $0x1400, s2;
	[dreg:$0x5] =	wrdreg s28  }
0x11: {  	s26 =	simm.s32 $0x8;
	v1 =	vor.u32 $0x800, v0;
	v2 =	vor.u32 $0x1000, v0;
	v3 =	vor.u32 $0x1800, v0;
	s2 =	simm.s32 $0x0;
	[dreg:$0x6] =	wrdreg s30  }
.LBB2_1:
0x12: {  	[dreg:$0x8] =	wrdreg s2  }
0x13: {  	s0 =	rddreg [dreg:$0x4]  }
0x14: {  	[tilespmem:s7], [sflag:$0x9] =	stream.linear.gather [hbm4b:s0+s7], $0x200, $0x38;
	[tilespmem:$0x18200] =	vst v63  }
0x15: {  	_ =	swait.ge [sflag:s18], $0x200  }
0x16: {  	[sflag:s18] =	ssyncset.done $0x0  }
0x17: {  	[sflag:s18] =	ssyncadd.s32 $0xFFFFFE00  }
0x18: {  	v4 =	vld [tilespmem:$0x0];
	_ =	sdelay $0x4  }
0x19: {  	(v2sf) =	vpush v4, $0x0;
	_ =	sdelay $0x1  }
0x1a: {  	(v2sf) =	vpush v4, $0x1;
	_ =	sdelay $0x3  }
0x1b: {  	(v2sf) =	vpush v4, $0x2  }
0x1c: {  	(v2sf) =	vpush v4, $0x3;
	_ =	sdelay $0x1  }
0x1d: {  	(v2sf) =	vpush v4, $0x4;
	_ =	sdelay $0x5  }
0x1e: {  	s8 =	spop (v2sf);
	(v2sf) =	vpush v4, $0x5;
	_ =	sdelay $0x1  }
0x1f: {  	s28 =	spop (v2sf);
	(v2sf) =	vpush v4, $0x6  }
0x20: {  	s0 =	sand.u32 $0xFFFFF80, s8  }
0x21: {  	s0 =	sadd.s32 s1, s0  }
0x22: {  	[tilespmem:s11], [sflag:$0x1] =	stream.strided.gather [hbm4b:s0+s9], $0x2000, s10, s9, $0x38;
	[tilespmem:$0x18200] =	vst v63  }
0x23: {  	s31 =	spop (v2sf);
	s0 =	sand.u32 $0xFFFFF80, s28  }
0x24: {  	s3 =	sand.u32 $0xFFFFF80, s31;
	s4 =	spop (v2sf);
	s0 =	sadd.s32 s1, s0  }
0x25: {  	[tilespmem:s12], [sflag:$0x2] =	stream.strided.gather [hbm4b:s0+s9], $0x2000, s10, s9, $0x38;
	[tilespmem:$0x18200] =	vst v63  }
0x26: {  	s5 =	sand.u32 $0xFFFFF80, s4;
	s6 =	spop (v2sf);
	s0 =	sadd.s32 s1, s3  }
0x27: {  	[tilespmem:s13], [sflag:$0x3] =	stream.strided.gather [hbm4b:s0+s9], $0x2000, s10, s9, $0x38;
	[tilespmem:$0x18200] =	vst v63  }
0x28: {  	s7 =	sand.u32 $0xFFFFF80, s6;
	s0 =	sadd.s32 s1, s5  }
0x29: {  	[tilespmem:s14], [sflag:$0x4] =	stream.strided.gather [hbm4b:s0+s9], $0x2000, s10, s9, $0x38;
	[tilespmem:$0x18200] =	vst v63  }
0x2a: {  	s0 =	sadd.s32 s1, s7  }
0x2b: {  	[tilespmem:s15], [sflag:$0x5] =	stream.strided.gather [hbm4b:s0+s9], $0x2000, s10, s9, $0x38;
	[tilespmem:$0x18200] =	vst v63  }
0x2c: {  	s8 =	spop (v2sf)  }
0x2d: {  	s28 =	sand.u32 $0xFFFFF80, s8  }
0x2e: {  	s31 =	spop (v2sf);
	s0 =	sadd.s32 s1, s28  }
0x2f: {  	[tilespmem:s16], [sflag:$0x6] =	stream.strided.gather [hbm4b:s0+s9], $0x2000, s10, s9, $0x38;
	[tilespmem:$0x18200] =	vst v63  }
0x30: {  	s0 =	sand.u32 $0xFFFFF80, s31  }
0x31: {  	s0 =	sadd.s32 s1, s0  }
0x32: {  	[tilespmem:s17], [sflag:$0x7] =	stream.strided.gather [hbm4b:s0+s9], $0x2000, s10, s9, $0x38;
	[tilespmem:$0x18200] =	vst v63  }
0x33: {  	s30 =	simm.s32 $0x0;
	s0 =	simm.s32 $0x10600  }
.LBB2_2:
0x34: {  	s31 =	sshra.s32 s30, $0x2  }
0x35: {  	v4 =	vld [tilespmem:s31+$0x0];
	_ =	sdelay $0x3  }
0x36: {  	_ =	swait.ge [sflag:s20], $0x2000  }
0x37: {  	(v2sf) =	vpush v4, $0x7  }
0x38: {  	(v2sf) =	vpush v4, $0x0;
	_ =	sdelay $0xd  }
0x39: {  	s2 =	spop (v2sf)  }
0x3a: {  	s3 =	spop (v2sf)  }
0x3b: {  	s3 =	sand.u32 $0x7F, s3  }
0x3c: {  	v5 =	vor.u32 s3, v0;
	_ =	sdelay $0x1  }
0x3d: {  	[sflag:s20] =	ssyncset.done $0x0;
	s4 =	sand.u32 $0xFFFFF80, s2  }
0x3e: {  	[sflag:s20] =	ssyncadd.s32 $0xFFFFE000;
	s4 =	sadd.s32 s1, s4  }
0x3f: {  	[tilespmem:s19], [sflag:$0x8] =	stream.strided.gather [hbm4b:s4+s9], $0x2000, s10, s9, $0x38;
	[tilespmem:$0x18200] =	vst v63  }
0x40: {  	v5 =	vld.idx.msk [tilespmem:v5+s11+$0x0], $0xffff  }
0x41: {  	v6 =	vor.u32 s3, v1;
	_ =	sdelay $0x3  }
0x42: {  	[tilespmem:s0+$0xFFFFFC00] =	vst v5  }
0x43: {  	v5 =	vld.idx.msk [tilespmem:v6+s11+$0x0], $0xffff  }
0x44: {  	v41 =	vor.u32 s3, v2;
	_ =	sdelay $0x3  }
0x45: {  	[tilespmem:s0+$0xFFFFFC10] =	vst v5  }
0x46: {  	v5 =	vld.idx.msk [tilespmem:v41+s11+$0x0], $0xffff  }
0x47: {  	v42 =	vor.u32 s3, v3;
	_ =	sdelay $0x3  }
0x48: {  	[tilespmem:s0+$0xFFFFFC20] =	vst v5  }
0x49: {  	v5 =	vld.idx.msk [tilespmem:v42+s11+$0x0], $0xffff;
	_ =	sdelay $0x4  }
0x4a: {  	[tilespmem:s0+$0xFFFFFC30] =	vst v5  }
0x4b: {  	_ =	swait.ge [sflag:s29], $0x2000  }
0x4c: {  	(v2sf) =	vpush v4, $0x8  }
0x4d: {  	(v2sf) =	vpush v4, $0x1;
	_ =	sdelay $0xd  }
0x4e: {  	s4 =	spop (v2sf)  }
0x4f: {  	s5 =	spop (v2sf)  }
0x50: {  	s3 =	sand.u32 $0x7F, s5  }
0x51: {  	v5 =	vor.u32 s3, v0;
	_ =	sdelay $0x1  }
0x52: {  	[sflag:s29] =	ssyncset.done $0x0;
	s5 =	sand.u32 $0xFFFFF80, s4  }
0x53: {  	[sflag:s29] =	ssyncadd.s32 $0xFFFFE000;
	s5 =	sadd.s32 s1, s5  }
0x54: {  	[tilespmem:s11], [sflag:$0x1] =	stream.strided.gather [hbm4b:s5+s9], $0x2000, s10, s9, $0x38;
	[tilespmem:$0x18200] =	vst v63  }
0x55: {  	v5 =	vld.idx.msk [tilespmem:v5+s12+$0x0], $0xffff  }
0x56: {  	v43 =	vor.u32 s3, v1;
	_ =	sdelay $0x3  }
0x57: {  	[tilespmem:s0+$0xFFFFFC80] =	vst v5  }
0x58: {  	v5 =	vld.idx.msk [tilespmem:v43+s12+$0x0], $0xffff  }
0x59: {  	v44 =	vor.u32 s3, v2;
	_ =	sdelay $0x3  }
0x5a: {  	[tilespmem:s0+$0xFFFFFC90] =	vst v5  }
0x5b: {  	v5 =	vld.idx.msk [tilespmem:v44+s12+$0x0], $0xffff  }
0x5c: {  	v45 =	vor.u32 s3, v3;
	_ =	sdelay $0x3  }
0x5d: {  	[tilespmem:s0+$0xFFFFFCA0] =	vst v5  }
0x5e: {  	v5 =	vld.idx.msk [tilespmem:v45+s12+$0x0], $0xffff;
	_ =	sdelay $0x4  }
0x5f: {  	[tilespmem:s0+$0xFFFFFCB0] =	vst v5  }
0x60: {  	_ =	swait.ge [sflag:s21], $0x2000  }
0x61: {  	(v2sf) =	vpush v4, $0x9  }
0x62: {  	(v2sf) =	vpush v4, $0x2;
	_ =	sdelay $0xd  }
0x63: {  	s3 =	spop (v2sf)  }
0x64: {  	s6 =	spop (v2sf)  }
0x65: {  	s5 =	sand.u32 $0x7F, s6  }
0x66: {  	v5 =	vor.u32 s5, v0;
	_ =	sdelay $0x1  }
0x67: {  	[sflag:s21] =	ssyncset.done $0x0;
	s6 =	sand.u32 $0xFFFFF80, s3  }
0x68: {  	[sflag:s21] =	ssyncadd.s32 $0xFFFFE000;
	s6 =	sadd.s32 s1, s6  }
0x69: {  	[tilespmem:s12], [sflag:$0x2] =	stream.strided.gather [hbm4b:s6+s9], $0x2000, s10, s9, $0x38;
	[tilespmem:$0x18200] =	vst v63  }
0x6a: {  	v5 =	vld.idx.msk [tilespmem:v5+s13+$0x0], $0xffff  }
0x6b: {  	v46 =	vor.u32 s5, v1;
	_ =	sdelay $0x3  }
0x6c: {  	[tilespmem:s0+$0xFFFFFD00] =	vst v5  }
0x6d: {  	v5 =	vld.idx.msk [tilespmem:v46+s13+$0x0], $0xffff  }
0x6e: {  	v47 =	vor.u32 s5, v2;
	_ =	sdelay $0x3  }
0x6f: {  	[tilespmem:s0+$0xFFFFFD10] =	vst v5  }
0x70: {  	v5 =	vld.idx.msk [tilespmem:v47+s13+$0x0], $0xffff  }
0x71: {  	v48 =	vor.u32 s5, v3;
	_ =	sdelay $0x3  }
0x72: {  	[tilespmem:s0+$0xFFFFFD20] =	vst v5  }
0x73: {  	v5 =	vld.idx.msk [tilespmem:v48+s13+$0x0], $0xffff;
	_ =	sdelay $0x4  }
0x74: {  	[tilespmem:s0+$0xFFFFFD30] =	vst v5  }
0x75: {  	_ =	swait.ge [sflag:s22], $0x2000  }
0x76: {  	(v2sf) =	vpush v4, $0xA  }
0x77: {  	(v2sf) =	vpush v4, $0x3;
	_ =	sdelay $0xd  }
0x78: {  	s5 =	spop (v2sf)  }
0x79: {  	s7 =	spop (v2sf)  }
0x7a: {  	s6 =	sand.u32 $0x7F, s7  }
0x7b: {  	v5 =	vor.u32 s6, v0;
	_ =	sdelay $0x1  }
0x7c: {  	[sflag:s22] =	ssyncset.done $0x0;
	s7 =	sand.u32 $0xFFFFF80, s5  }
0x7d: {  	[sflag:s22] =	ssyncadd.s32 $0xFFFFE000;
	s7 =	sadd.s32 s1, s7  }
0x7e: {  	[tilespmem:s13], [sflag:$0x3] =	stream.strided.gather [hbm4b:s7+s9], $0x2000, s10, s9, $0x38;
	[tilespmem:$0x18200] =	vst v63  }
0x7f: {  	v5 =	vld.idx.msk [tilespmem:v5+s14+$0x0], $0xffff  }
0x80: {  	v49 =	vor.u32 s6, v1;
	_ =	sdelay $0x3  }
0x81: {  	[tilespmem:s0+$0xFFFFFD80] =	vst v5  }
0x82: {  	v5 =	vld.idx.msk [tilespmem:v49+s14+$0x0], $0xffff  }
0x83: {  	v50 =	vor.u32 s6, v2;
	_ =	sdelay $0x3  }
0x84: {  	[tilespmem:s0+$0xFFFFFD90] =	vst v5  }
0x85: {  	v5 =	vld.idx.msk [tilespmem:v50+s14+$0x0], $0xffff  }
0x86: {  	v51 =	vor.u32 s6, v3;
	_ =	sdelay $0x3  }
0x87: {  	[tilespmem:s0+$0xFFFFFDA0] =	vst v5  }
0x88: {  	v5 =	vld.idx.msk [tilespmem:v51+s14+$0x0], $0xffff;
	_ =	sdelay $0x4  }
0x89: {  	[tilespmem:s0+$0xFFFFFDB0] =	vst v5  }
0x8a: {  	_ =	swait.ge [sflag:s23], $0x2000  }
0x8b: {  	(v2sf) =	vpush v4, $0xB  }
0x8c: {  	(v2sf) =	vpush v4, $0x4;
	_ =	sdelay $0xd  }
0x8d: {  	s6 =	spop (v2sf)  }
0x8e: {  	s8 =	spop (v2sf)  }
0x8f: {  	s7 =	sand.u32 $0x7F, s8  }
0x90: {  	v5 =	vor.u32 s7, v0;
	_ =	sdelay $0x1  }
0x91: {  	[sflag:s23] =	ssyncset.done $0x0;
	s8 =	sand.u32 $0xFFFFF80, s6  }
0x92: {  	[sflag:s23] =	ssyncadd.s32 $0xFFFFE000;
	s8 =	sadd.s32 s1, s8  }
0x93: {  	[tilespmem:s14], [sflag:$0x4] =	stream.strided.gather [hbm4b:s8+s9], $0x2000, s10, s9, $0x38;
	[tilespmem:$0x18200] =	vst v63  }
0x94: {  	v5 =	vld.idx.msk [tilespmem:v5+s15+$0x0], $0xffff  }
0x95: {  	v52 =	vor.u32 s7, v1;
	_ =	sdelay $0x3  }
0x96: {  	[tilespmem:s0+$0xFFFFFE00] =	vst v5  }
0x97: {  	v5 =	vld.idx.msk [tilespmem:v52+s15+$0x0], $0xffff  }
0x98: {  	v53 =	vor.u32 s7, v2;
	_ =	sdelay $0x3  }
0x99: {  	[tilespmem:s0+$0xFFFFFE10] =	vst v5  }
0x9a: {  	v5 =	vld.idx.msk [tilespmem:v53+s15+$0x0], $0xffff  }
0x9b: {  	v54 =	vor.u32 s7, v3;
	_ =	sdelay $0x3  }
0x9c: {  	[tilespmem:s0+$0xFFFFFE20] =	vst v5  }
0x9d: {  	v5 =	vld.idx.msk [tilespmem:v54+s15+$0x0], $0xffff;
	_ =	sdelay $0x4  }
0x9e: {  	[tilespmem:s0+$0xFFFFFE30] =	vst v5  }
0x9f: {  	_ =	swait.ge [sflag:s24], $0x2000  }
0xa0: {  	(v2sf) =	vpush v4, $0xC  }
0xa1: {  	(v2sf) =	vpush v4, $0x5;
	_ =	sdelay $0xd  }
0xa2: {  	s7 =	spop (v2sf)  }
0xa3: {  	s28 =	spop (v2sf)  }
0xa4: {  	s8 =	sand.u32 $0x7F, s28  }
0xa5: {  	v5 =	vor.u32 s8, v0;
	_ =	sdelay $0x1  }
0xa6: {  	[sflag:s24] =	ssyncset.done $0x0;
	s28 =	sand.u32 $0xFFFFF80, s7  }
0xa7: {  	[sflag:s24] =	ssyncadd.s32 $0xFFFFE000;
	s28 =	sadd.s32 s1, s28  }
0xa8: {  	[tilespmem:s15], [sflag:$0x5] =	stream.strided.gather [hbm4b:s28+s9], $0x2000, s10, s9, $0x38;
	[tilespmem:$0x18200] =	vst v63  }
0xa9: {  	v5 =	vld.idx.msk [tilespmem:v5+s16+$0x0], $0xffff  }
0xaa: {  	v55 =	vor.u32 s8, v1;
	_ =	sdelay $0x3  }
0xab: {  	[tilespmem:s0+$0xFFFFFE80] =	vst v5  }
0xac: {  	v5 =	vld.idx.msk [tilespmem:v55+s16+$0x0], $0xffff  }
0xad: {  	v56 =	vor.u32 s8, v2;
	_ =	sdelay $0x3  }
0xae: {  	[tilespmem:s0+$0xFFFFFE90] =	vst v5  }
0xaf: {  	v5 =	vld.idx.msk [tilespmem:v56+s16+$0x0], $0xffff  }
0xb0: {  	v57 =	vor.u32 s8, v3;
	_ =	sdelay $0x3  }
0xb1: {  	[tilespmem:s0+$0xFFFFFEA0] =	vst v5  }
0xb2: {  	v5 =	vld.idx.msk [tilespmem:v57+s16+$0x0], $0xffff;
	_ =	sdelay $0x4  }
0xb3: {  	[tilespmem:s0+$0xFFFFFEB0] =	vst v5  }
0xb4: {  	_ =	swait.ge [sflag:s25], $0x2000  }
0xb5: {  	(v2sf) =	vpush v4, $0xD  }
0xb6: {  	(v2sf) =	vpush v4, $0x6;
	_ =	sdelay $0xd  }
0xb7: {  	s8 =	spop (v2sf)  }
0xb8: {  	s28 =	spop (v2sf)  }
0xb9: {  	s28 =	sand.u32 $0x7F, s28  }
0xba: {  	v5 =	vor.u32 s28, v0;
	_ =	sdelay $0x1  }
0xbb: {  	[sflag:s25] =	ssyncset.done $0x0;
	s29 =	sand.u32 $0xFFFFF80, s8  }
0xbc: {  	[sflag:s25] =	ssyncadd.s32 $0xFFFFE000;
	s29 =	sadd.s32 s1, s29  }
0xbd: {  	[tilespmem:s16], [sflag:$0x6] =	stream.strided.gather [hbm4b:s29+s9], $0x2000, s10, s9, $0x38;
	[tilespmem:$0x18200] =	vst v63  }
0xbe: {  	v5 =	vld.idx.msk [tilespmem:v5+s17+$0x0], $0xffff  }
0xbf: {  	v58 =	vor.u32 s28, v1;
	_ =	sdelay $0x3  }
0xc0: {  	[tilespmem:s0+$0xFFFFFF00] =	vst v5  }
0xc1: {  	v5 =	vld.idx.msk [tilespmem:v58+s17+$0x0], $0xffff  }
0xc2: {  	v59 =	vor.u32 s28, v2;
	_ =	sdelay $0x3  }
0xc3: {  	[tilespmem:s0+$0xFFFFFF10] =	vst v5  }
0xc4: {  	v5 =	vld.idx.msk [tilespmem:v59+s17+$0x0], $0xffff  }
0xc5: {  	v60 =	vor.u32 s28, v3;
	_ =	sdelay $0x3  }
0xc6: {  	[tilespmem:s0+$0xFFFFFF20] =	vst v5  }
0xc7: {  	v5 =	vld.idx.msk [tilespmem:v60+s17+$0x0], $0xffff;
	_ =	sdelay $0x4  }
0xc8: {  	[tilespmem:s0+$0xFFFFFF30] =	vst v5  }
0xc9: {  	_ =	swait.ge [sflag:s26], $0x2000  }
0xca: {  	(v2sf) =	vpush v4, $0xE;
	_ =	sdelay $0xc  }
0xcb: {  	s2 =	sand.u32 $0x7F, s2  }
0xcc: {  	v5 =	vor.u32 s2, v0  }
0xcd: {  	s28 =	spop (v2sf)  }
0xce: {  	[sflag:s26] =	ssyncset.done $0x0;
	s29 =	sand.u32 $0xFFFFF80, s28  }
0xcf: {  	[sflag:s26] =	ssyncadd.s32 $0xFFFFE000;
	s29 =	sadd.s32 s1, s29  }
0xd0: {  	[tilespmem:s17], [sflag:$0x7] =	stream.strided.gather [hbm4b:s29+s9], $0x2000, s10, s9, $0x38;
	[tilespmem:$0x18200] =	vst v63  }
0xd1: {  	v5 =	vld.idx.msk [tilespmem:v5+s19+$0x0], $0xffff  }
0xd2: {  	v61 =	vor.u32 s2, v1;
	_ =	sdelay $0x3  }
0xd3: {  	[tilespmem:s0+$0xFFFFFF80] =	vst v5  }
0xd4: {  	v5 =	vld.idx.msk [tilespmem:v61+s19+$0x0], $0xffff  }
0xd5: {  	v62 =	vor.u32 s2, v2;
	_ =	sdelay $0x3  }
0xd6: {  	[tilespmem:s0+$0xFFFFFF90] =	vst v5  }
0xd7: {  	v5 =	vld.idx.msk [tilespmem:v62+s19+$0x0], $0xffff  }
0xd8: {  	v63 =	vor.u32 s2, v3;
	_ =	sdelay $0x3  }
0xd9: {  	[tilespmem:s0+$0xFFFFFFA0] =	vst v5  }
0xda: {  	v5 =	vld.idx.msk [tilespmem:v63+s19+$0x0], $0xffff;
	_ =	sdelay $0x4  }
0xdb: {  	[tilespmem:s0+$0xFFFFFFB0] =	vst v5  }
0xdc: {  	_ =	swait.ge [sflag:s20], $0x2000  }
0xdd: {  	(v2sf) =	vpush v4, $0xF;
	_ =	sdelay $0xc  }
0xde: {  	s4 =	sand.u32 $0x7F, s4  }
0xdf: {  	v4 =	vor.u32 s4, v0  }
0xe0: {  	s2 =	spop (v2sf)  }
0xe1: {  	[sflag:s20] =	ssyncset.done $0x0;
	s29 =	sand.u32 $0xFFFFF80, s2  }
0xe2: {  	[sflag:s20] =	ssyncadd.s32 $0xFFFFE000;
	s29 =	sadd.s32 s1, s29  }
0xe3: {  	[tilespmem:s19], [sflag:$0x8] =	stream.strided.gather [hbm4b:s29+s9], $0x2000, s10, s9, $0x38;
	[tilespmem:$0x18200] =	vst v63  }
0xe4: {  	v4 =	vld.idx.msk [tilespmem:v4+s11+$0x0], $0xffff  }
0xe5: {  	v5 =	vor.u32 s4, v1;
	_ =	sdelay $0x3  }
0xe6: {  	[tilespmem:s0+$0x0] =	vst v4  }
0xe7: {  	v4 =	vld.idx.msk [tilespmem:v5+s11+$0x0], $0xffff  }
0xe8: {  	v5 =	vor.u32 s4, v2;
	_ =	sdelay $0x3  }
0xe9: {  	[tilespmem:s0+$0x10] =	vst v4  }
0xea: {  	v4 =	vld.idx.msk [tilespmem:v5+s11+$0x0], $0xffff  }
0xeb: {  	v5 =	vor.u32 s4, v3;
	_ =	sdelay $0x3  }
0xec: {  	[tilespmem:s0+$0x20] =	vst v4  }
0xed: {  	v4 =	vld.idx.msk [tilespmem:v5+s11+$0x0], $0xffff;
	_ =	sdelay $0x4  }
0xee: {  	s29 =	simm.s32 $0x2;
	[tilespmem:s0+$0x30] =	vst v4  }
0xef: {  	_ =	swait.ge [sflag:s29], $0x2000  }
0xf0: {  	[sflag:s29] =	ssyncset.done $0x0  }
0xf1: {  	[sflag:s29] =	ssyncadd.s32 $0xFFFFE000  }
0xf2: {  	v4 =	vld [tilespmem:s31+$0x10];
	_ =	sdelay $0x4  }
0xf3: {  	(v2sf) =	vpush v4, $0x0;
	_ =	sdelay $0xc  }
0xf4: {  	s3 =	sand.u32 $0x7F, s3  }
0xf5: {  	v4 =	vor.u32 s3, v0  }
0xf6: {  	s4 =	spop (v2sf)  }
0xf7: {  	s4 =	sand.u32 $0xFFFFF80, s4  }
0xf8: {  	s4 =	sadd.s32 s1, s4  }
0xf9: {  	[tilespmem:s11], [sflag:$0x1] =	stream.strided.gather [hbm4b:s4+s9], $0x2000, s10, s9, $0x38;
	[tilespmem:$0x18200] =	vst v63  }
0xfa: {  	v4 =	vld.idx.msk [tilespmem:v4+s12+$0x0], $0xffff  }
0xfb: {  	v5 =	vor.u32 s3, v1;
	_ =	sdelay $0x3  }
0xfc: {  	[tilespmem:s0+$0x80] =	vst v4  }
0xfd: {  	v4 =	vld.idx.msk [tilespmem:v5+s12+$0x0], $0xffff  }
0xfe: {  	v5 =	vor.u32 s3, v2;
	_ =	sdelay $0x3  }
0xff: {  	[tilespmem:s0+$0x90] =	vst v4  }
0x100: {  	v4 =	vld.idx.msk [tilespmem:v5+s12+$0x0], $0xffff  }
0x101: {  	v5 =	vor.u32 s3, v3;
	_ =	sdelay $0x3  }
0x102: {  	[tilespmem:s0+$0xA0] =	vst v4  }
0x103: {  	v4 =	vld.idx.msk [tilespmem:v5+s12+$0x0], $0xffff;
	_ =	sdelay $0x4  }
0x104: {  	[tilespmem:s0+$0xB0] =	vst v4  }
0x105: {  	_ =	swait.ge [sflag:s21], $0x2000  }
0x106: {  	[sflag:s21] =	ssyncset.done $0x0  }
0x107: {  	[sflag:s21] =	ssyncadd.s32 $0xFFFFE000  }
0x108: {  	v4 =	vld [tilespmem:s31+$0x10];
	_ =	sdelay $0x4  }
0x109: {  	(v2sf) =	vpush v4, $0x1;
	_ =	sdelay $0xc  }
0x10a: {  	s3 =	sand.u32 $0x7F, s5  }
0x10b: {  	v4 =	vor.u32 s3, v0  }
0x10c: {  	s5 =	spop (v2sf)  }
0x10d: {  	s4 =	sand.u32 $0xFFFFF80, s5  }
0x10e: {  	s4 =	sadd.s32 s1, s4  }
0x10f: {  	[tilespmem:s12], [sflag:$0x2] =	stream.strided.gather [hbm4b:s4+s9], $0x2000, s10, s9, $0x38;
	[tilespmem:$0x18200] =	vst v63  }
0x110: {  	v4 =	vld.idx.msk [tilespmem:v4+s13+$0x0], $0xffff  }
0x111: {  	v5 =	vor.u32 s3, v1;
	_ =	sdelay $0x3  }
0x112: {  	[tilespmem:s0+$0x100] =	vst v4  }
0x113: {  	v4 =	vld.idx.msk [tilespmem:v5+s13+$0x0], $0xffff  }
0x114: {  	v5 =	vor.u32 s3, v2;
	_ =	sdelay $0x3  }
0x115: {  	[tilespmem:s0+$0x110] =	vst v4  }
0x116: {  	v4 =	vld.idx.msk [tilespmem:v5+s13+$0x0], $0xffff  }
0x117: {  	v5 =	vor.u32 s3, v3;
	_ =	sdelay $0x3  }
0x118: {  	[tilespmem:s0+$0x120] =	vst v4  }
0x119: {  	v4 =	vld.idx.msk [tilespmem:v5+s13+$0x0], $0xffff;
	_ =	sdelay $0x4  }
0x11a: {  	[tilespmem:s0+$0x130] =	vst v4  }
0x11b: {  	_ =	swait.ge [sflag:s22], $0x2000  }
0x11c: {  	[sflag:s22] =	ssyncset.done $0x0  }
0x11d: {  	[sflag:s22] =	ssyncadd.s32 $0xFFFFE000  }
0x11e: {  	v4 =	vld [tilespmem:s31+$0x10];
	_ =	sdelay $0x4  }
0x11f: {  	(v2sf) =	vpush v4, $0x2;
	_ =	sdelay $0xc  }
0x120: {  	s5 =	sand.u32 $0x7F, s6  }
0x121: {  	v4 =	vor.u32 s5, v0  }
0x122: {  	s6 =	spop (v2sf)  }
0x123: {  	s4 =	sand.u32 $0xFFFFF80, s6  }
0x124: {  	s4 =	sadd.s32 s1, s4  }
0x125: {  	[tilespmem:s13], [sflag:$0x3] =	stream.strided.gather [hbm4b:s4+s9], $0x2000, s10, s9, $0x38;
	[tilespmem:$0x18200] =	vst v63  }
0x126: {  	v4 =	vld.idx.msk [tilespmem:v4+s14+$0x0], $0xffff  }
0x127: {  	v5 =	vor.u32 s5, v1;
	_ =	sdelay $0x3  }
0x128: {  	[tilespmem:s0+$0x180] =	vst v4  }
0x129: {  	v4 =	vld.idx.msk [tilespmem:v5+s14+$0x0], $0xffff  }
0x12a: {  	v5 =	vor.u32 s5, v2;
	_ =	sdelay $0x3  }
0x12b: {  	[tilespmem:s0+$0x190] =	vst v4  }
0x12c: {  	v4 =	vld.idx.msk [tilespmem:v5+s14+$0x0], $0xffff  }
0x12d: {  	v5 =	vor.u32 s5, v3;
	_ =	sdelay $0x3  }
0x12e: {  	[tilespmem:s0+$0x1A0] =	vst v4  }
0x12f: {  	v4 =	vld.idx.msk [tilespmem:v5+s14+$0x0], $0xffff;
	_ =	sdelay $0x4  }
0x130: {  	[tilespmem:s0+$0x1B0] =	vst v4  }
0x131: {  	_ =	swait.ge [sflag:s23], $0x2000  }
0x132: {  	[sflag:s23] =	ssyncset.done $0x0  }
0x133: {  	[sflag:s23] =	ssyncadd.s32 $0xFFFFE000  }
0x134: {  	v4 =	vld [tilespmem:s31+$0x10];
	_ =	sdelay $0x4  }
0x135: {  	(v2sf) =	vpush v4, $0x3;
	_ =	sdelay $0xc  }
0x136: {  	s7 =	sand.u32 $0x7F, s7  }
0x137: {  	v4 =	vor.u32 s7, v0  }
0x138: {  	s5 =	spop (v2sf)  }
0x139: {  	s4 =	sand.u32 $0xFFFFF80, s5  }
0x13a: {  	s4 =	sadd.s32 s1, s4  }
0x13b: {  	[tilespmem:s14], [sflag:$0x4] =	stream.strided.gather [hbm4b:s4+s9], $0x2000, s10, s9, $0x38;
	[tilespmem:$0x18200] =	vst v63  }
0x13c: {  	v4 =	vld.idx.msk [tilespmem:v4+s15+$0x0], $0xffff  }
0x13d: {  	v5 =	vor.u32 s7, v1;
	_ =	sdelay $0x3  }
0x13e: {  	[tilespmem:s0+$0x200] =	vst v4  }
0x13f: {  	v4 =	vld.idx.msk [tilespmem:v5+s15+$0x0], $0xffff  }
0x140: {  	v5 =	vor.u32 s7, v2;
	_ =	sdelay $0x3  }
0x141: {  	[tilespmem:s0+$0x210] =	vst v4  }
0x142: {  	v4 =	vld.idx.msk [tilespmem:v5+s15+$0x0], $0xffff  }
0x143: {  	v5 =	vor.u32 s7, v3;
	_ =	sdelay $0x3  }
0x144: {  	[tilespmem:s0+$0x220] =	vst v4  }
0x145: {  	v4 =	vld.idx.msk [tilespmem:v5+s15+$0x0], $0xffff;
	_ =	sdelay $0x4  }
0x146: {  	[tilespmem:s0+$0x230] =	vst v4  }
0x147: {  	_ =	swait.ge [sflag:s24], $0x2000  }
0x148: {  	[sflag:s24] =	ssyncset.done $0x0  }
0x149: {  	[sflag:s24] =	ssyncadd.s32 $0xFFFFE000  }
0x14a: {  	v4 =	vld [tilespmem:s31+$0x10];
	_ =	sdelay $0x4  }
0x14b: {  	(v2sf) =	vpush v4, $0x4;
	_ =	sdelay $0xc  }
0x14c: {  	s6 =	sand.u32 $0x7F, s8  }
0x14d: {  	v4 =	vor.u32 s6, v0  }
0x14e: {  	s7 =	spop (v2sf)  }
0x14f: {  	s4 =	sand.u32 $0xFFFFF80, s7  }
0x150: {  	s4 =	sadd.s32 s1, s4  }
0x151: {  	[tilespmem:s15], [sflag:$0x5] =	stream.strided.gather [hbm4b:s4+s9], $0x2000, s10, s9, $0x38;
	[tilespmem:$0x18200] =	vst v63  }
0x152: {  	v4 =	vld.idx.msk [tilespmem:v4+s16+$0x0], $0xffff  }
0x153: {  	v5 =	vor.u32 s6, v1;
	_ =	sdelay $0x3  }
0x154: {  	[tilespmem:s0+$0x280] =	vst v4  }
0x155: {  	v4 =	vld.idx.msk [tilespmem:v5+s16+$0x0], $0xffff  }
0x156: {  	v5 =	vor.u32 s6, v2;
	_ =	sdelay $0x3  }
0x157: {  	[tilespmem:s0+$0x290] =	vst v4  }
0x158: {  	v4 =	vld.idx.msk [tilespmem:v5+s16+$0x0], $0xffff  }
0x159: {  	v5 =	vor.u32 s6, v3;
	_ =	sdelay $0x3  }
0x15a: {  	[tilespmem:s0+$0x2A0] =	vst v4  }
0x15b: {  	v4 =	vld.idx.msk [tilespmem:v5+s16+$0x0], $0xffff;
	_ =	sdelay $0x4  }
0x15c: {  	[tilespmem:s0+$0x2B0] =	vst v4  }
0x15d: {  	_ =	swait.ge [sflag:s25], $0x2000  }
0x15e: {  	[sflag:s25] =	ssyncset.done $0x0  }
0x15f: {  	[sflag:s25] =	ssyncadd.s32 $0xFFFFE000  }
0x160: {  	v4 =	vld [tilespmem:s31+$0x10];
	_ =	sdelay $0x4  }
0x161: {  	(v2sf) =	vpush v4, $0x5;
	_ =	sdelay $0xc  }
0x162: {  	s8 =	sand.u32 $0x7F, s28  }
0x163: {  	v4 =	vor.u32 s8, v0  }
0x164: {  	s28 =	spop (v2sf)  }
0x165: {  	s4 =	sand.u32 $0xFFFFF80, s28  }
0x166: {  	s4 =	sadd.s32 s1, s4  }
0x167: {  	[tilespmem:s16], [sflag:$0x6] =	stream.strided.gather [hbm4b:s4+s9], $0x2000, s10, s9, $0x38;
	[tilespmem:$0x18200] =	vst v63  }
0x168: {  	v4 =	vld.idx.msk [tilespmem:v4+s17+$0x0], $0xffff  }
0x169: {  	v5 =	vor.u32 s8, v1;
	_ =	sdelay $0x3  }
0x16a: {  	[tilespmem:s0+$0x300] =	vst v4  }
0x16b: {  	v4 =	vld.idx.msk [tilespmem:v5+s17+$0x0], $0xffff  }
0x16c: {  	v5 =	vor.u32 s8, v2;
	_ =	sdelay $0x3  }
0x16d: {  	[tilespmem:s0+$0x310] =	vst v4  }
0x16e: {  	v4 =	vld.idx.msk [tilespmem:v5+s17+$0x0], $0xffff  }
0x16f: {  	v5 =	vor.u32 s8, v3;
	_ =	sdelay $0x3  }
0x170: {  	[tilespmem:s0+$0x320] =	vst v4  }
0x171: {  	v4 =	vld.idx.msk [tilespmem:v5+s17+$0x0], $0xffff;
	_ =	sdelay $0x4  }
0x172: {  	[tilespmem:s0+$0x330] =	vst v4  }
0x173: {  	_ =	swait.ge [sflag:s26], $0x2000  }
0x174: {  	[sflag:s26] =	ssyncset.done $0x0  }
0x175: {  	[sflag:s26] =	ssyncadd.s32 $0xFFFFE000  }
0x176: {  	v4 =	vld [tilespmem:s31+$0x10];
	_ =	sdelay $0x4  }
0x177: {  	(v2sf) =	vpush v4, $0x6;
	_ =	sdelay $0xc  }
0x178: {  	s2 =	sand.u32 $0x7F, s2  }
0x179: {  	v4 =	vor.u32 s2, v0  }
0x17a: {  	s31 =	spop (v2sf)  }
0x17b: {  	s3 =	sand.u32 $0xFFFFF80, s31  }
0x17c: {  	s3 =	sadd.s32 s1, s3  }
0x17d: {  	[tilespmem:s17], [sflag:$0x7] =	stream.strided.gather [hbm4b:s3+s9], $0x2000, s10, s9, $0x38;
	[tilespmem:$0x18200] =	vst v63  }
0x17e: {  	v4 =	vld.idx.msk [tilespmem:v4+s19+$0x0], $0xffff  }
0x17f: {  	v5 =	vor.u32 s2, v1;
	_ =	sdelay $0x3  }
0x180: {  	[tilespmem:s0+$0x380] =	vst v4  }
0x181: {  	v4 =	vld.idx.msk [tilespmem:v5+s19+$0x0], $0xffff  }
0x182: {  	v5 =	vor.u32 s2, v2;
	_ =	sdelay $0x3  }
0x183: {  	[tilespmem:s0+$0x390] =	vst v4  }
0x184: {  	v4 =	vld.idx.msk [tilespmem:v5+s19+$0x0], $0xffff  }
0x185: {  	v5 =	vor.u32 s2, v3;
	_ =	sdelay $0x3  }
0x186: {  	[tilespmem:s0+$0x3A0] =	vst v4  }
0x187: {  	p0 =	sne.s32 s30, $0x3C0;
	v4 =	vld.idx.msk [tilespmem:v5+s19+$0x0], $0xffff  }
.Ltmp0:
0x188: {  	_ = 	snop;
	(pc) =	sbr.rel @p0 .LBB2_2-.Ltmp0, $2  }
0x189: {  	_ =	sdelay $0x2  }
0x18a: {  	s30 =	sadd.s32 $0x40, s30;
	[tilespmem:s0+$0x3B0] =	vst v4;
	s0 =	sadd.s32 $0x800, s0  }
0x18b: {  	s30 =	simm.s32 $0x0;
	s0 =	rddreg [dreg:$0x5];
	s2 =	simm.s32 $0x10200  }
0x18c: {  	[hbm4b:s0+s30] =	stream.linear.scatter [tilespmem:s2], [sflag:$0x9], $0x8000, $0x38;
	[tilespmem:$0x18200] =	vst v63  }
0x18d: {  	_ =	swait.ge [sflag:s18], $0x8000  }
0x18e: {  	[sflag:s18] =	ssyncset.done $0x0  }
0x18f: {  	s31 =	simm.s32 $0x110;
	s0 =	simm.s32 $0x10600;
	[sflag:s18] =	ssyncadd.s32 $0xFFFF8000  }
.LBB2_4:
0x190: {  	s2 =	sand.u32 $0xF0, s30  }
0x191: {  	v4 =	vld [tilespmem:s2+$0x100];
	_ =	sdelay $0x3  }
0x192: {  	_ =	swait.ge [sflag:s20], $0x2000  }
0x193: {  	(v2sf) =	vpush v4, $0x7  }
0x194: {  	(v2sf) =	vpush v4, $0x0;
	_ =	sdelay $0xd  }
0x195: {  	s2 =	spop (v2sf)  }
0x196: {  	s3 =	spop (v2sf)  }
0x197: {  	s3 =	sand.u32 $0x7F, s3  }
0x198: {  	v5 =	vor.u32 s3, v0;
	_ =	sdelay $0x1  }
0x199: {  	[sflag:s20] =	ssyncset.done $0x0;
	s4 =	sand.u32 $0xFFFFF80, s2  }
0x19a: {  	[sflag:s20] =	ssyncadd.s32 $0xFFFFE000;
	s4 =	sadd.s32 s1, s4  }
0x19b: {  	[tilespmem:s19], [sflag:$0x8] =	stream.strided.gather [hbm4b:s4+s9], $0x2000, s10, s9, $0x38;
	[tilespmem:$0x18200] =	vst v63  }
0x19c: {  	v5 =	vld.idx.msk [tilespmem:v5+s11+$0x0], $0xffff  }
0x19d: {  	v6 =	vor.u32 s3, v1;
	_ =	sdelay $0x3  }
0x19e: {  	[tilespmem:s0+$0xFFFFFC00] =	vst v5  }
0x19f: {  	v5 =	vld.idx.msk [tilespmem:v6+s11+$0x0], $0xffff  }
0x1a0: {  	v41 =	vor.u32 s3, v2;
	_ =	sdelay $0x3  }
0x1a1: {  	[tilespmem:s0+$0xFFFFFC10] =	vst v5  }
0x1a2: {  	v5 =	vld.idx.msk [tilespmem:v41+s11+$0x0], $0xffff  }
0x1a3: {  	v42 =	vor.u32 s3, v3;
	_ =	sdelay $0x3  }
0x1a4: {  	[tilespmem:s0+$0xFFFFFC20] =	vst v5  }
0x1a5: {  	v5 =	vld.idx.msk [tilespmem:v42+s11+$0x0], $0xffff;
	_ =	sdelay $0x4  }
0x1a6: {  	[tilespmem:s0+$0xFFFFFC30] =	vst v5  }
0x1a7: {  	_ =	swait.ge [sflag:s29], $0x2000  }
0x1a8: {  	(v2sf) =	vpush v4, $0x8  }
0x1a9: {  	(v2sf) =	vpush v4, $0x1;
	_ =	sdelay $0xd  }
0x1aa: {  	s8 =	spop (v2sf)  }
0x1ab: {  	s5 =	spop (v2sf)  }
0x1ac: {  	s3 =	sand.u32 $0x7F, s5  }
0x1ad: {  	v5 =	vor.u32 s3, v0;
	_ =	sdelay $0x1  }
0x1ae: {  	[sflag:s29] =	ssyncset.done $0x0;
	s6 =	sand.u32 $0xFFFFF80, s8  }
0x1af: {  	[sflag:s29] =	ssyncadd.s32 $0xFFFFE000;
	s4 =	sadd.s32 s1, s6  }
0x1b0: {  	[tilespmem:s11], [sflag:$0x1] =	stream.strided.gather [hbm4b:s4+s9], $0x2000, s10, s9, $0x38;
	[tilespmem:$0x18200] =	vst v63  }
0x1b1: {  	v5 =	vld.idx.msk [tilespmem:v5+s12+$0x0], $0xffff  }
0x1b2: {  	v43 =	vor.u32 s3, v1;
	_ =	sdelay $0x3  }
0x1b3: {  	[tilespmem:s0+$0xFFFFFC80] =	vst v5  }
0x1b4: {  	v5 =	vld.idx.msk [tilespmem:v43+s12+$0x0], $0xffff  }
0x1b5: {  	v44 =	vor.u32 s3, v2;
	_ =	sdelay $0x3  }
0x1b6: {  	[tilespmem:s0+$0xFFFFFC90] =	vst v5  }
0x1b7: {  	v5 =	vld.idx.msk [tilespmem:v44+s12+$0x0], $0xffff  }
0x1b8: {  	v45 =	vor.u32 s3, v3;
	_ =	sdelay $0x3  }
0x1b9: {  	[tilespmem:s0+$0xFFFFFCA0] =	vst v5  }
0x1ba: {  	v5 =	vld.idx.msk [tilespmem:v45+s12+$0x0], $0xffff;
	_ =	sdelay $0x4  }
0x1bb: {  	[tilespmem:s0+$0xFFFFFCB0] =	vst v5  }
0x1bc: {  	_ =	swait.ge [sflag:s21], $0x2000  }
0x1bd: {  	(v2sf) =	vpush v4, $0x9  }
0x1be: {  	(v2sf) =	vpush v4, $0x2;
	_ =	sdelay $0xd  }
0x1bf: {  	s28 =	spop (v2sf)  }
0x1c0: {  	s7 =	spop (v2sf)  }
0x1c1: {  	s3 =	sand.u32 $0x7F, s7  }
0x1c2: {  	v5 =	vor.u32 s3, v0;
	_ =	sdelay $0x1  }
0x1c3: {  	[sflag:s21] =	ssyncset.done $0x0;
	s18 =	sand.u32 $0xFFFFF80, s28  }
0x1c4: {  	[sflag:s21] =	ssyncadd.s32 $0xFFFFE000;
	s4 =	sadd.s32 s1, s18  }
0x1c5: {  	[tilespmem:s12], [sflag:$0x2] =	stream.strided.gather [hbm4b:s4+s9], $0x2000, s10, s9, $0x38;
	[tilespmem:$0x18200] =	vst v63  }
0x1c6: {  	v5 =	vld.idx.msk [tilespmem:v5+s13+$0x0], $0xffff  }
0x1c7: {  	v46 =	vor.u32 s3, v1;
	_ =	sdelay $0x3  }
0x1c8: {  	[tilespmem:s0+$0xFFFFFD00] =	vst v5  }
0x1c9: {  	v5 =	vld.idx.msk [tilespmem:v46+s13+$0x0], $0xffff  }
0x1ca: {  	v47 =	vor.u32 s3, v2;
	_ =	sdelay $0x3  }
0x1cb: {  	[tilespmem:s0+$0xFFFFFD10] =	vst v5  }
0x1cc: {  	v5 =	vld.idx.msk [tilespmem:v47+s13+$0x0], $0xffff  }
0x1cd: {  	v48 =	vor.u32 s3, v3;
	_ =	sdelay $0x3  }
0x1ce: {  	[tilespmem:s0+$0xFFFFFD20] =	vst v5  }
0x1cf: {  	v5 =	vld.idx.msk [tilespmem:v48+s13+$0x0], $0xffff;
	_ =	sdelay $0x4  }
0x1d0: {  	[tilespmem:s0+$0xFFFFFD30] =	vst v5  }
0x1d1: {  	_ =	swait.ge [sflag:s22], $0x2000  }
0x1d2: {  	(v2sf) =	vpush v4, $0xA  }
0x1d3: {  	(v2sf) =	vpush v4, $0x3;
	_ =	sdelay $0xd  }
0x1d4: {  	s3 =	spop (v2sf)  }
0x1d5: {  	s5 =	spop (v2sf)  }
0x1d6: {  	s4 =	sand.u32 $0x7F, s5  }
0x1d7: {  	v5 =	vor.u32 s4, v0;
	_ =	sdelay $0x1  }
0x1d8: {  	[sflag:s22] =	ssyncset.done $0x0;
	s5 =	sand.u32 $0xFFFFF80, s3  }
0x1d9: {  	[sflag:s22] =	ssyncadd.s32 $0xFFFFE000;
	s5 =	sadd.s32 s1, s5  }
0x1da: {  	[tilespmem:s13], [sflag:$0x3] =	stream.strided.gather [hbm4b:s5+s9], $0x2000, s10, s9, $0x38;
	[tilespmem:$0x18200] =	vst v63  }
0x1db: {  	v5 =	vld.idx.msk [tilespmem:v5+s14+$0x0], $0xffff  }
0x1dc: {  	v49 =	vor.u32 s4, v1;
	_ =	sdelay $0x3  }
0x1dd: {  	[tilespmem:s0+$0xFFFFFD80] =	vst v5  }
0x1de: {  	v5 =	vld.idx.msk [tilespmem:v49+s14+$0x0], $0xffff  }
0x1df: {  	v50 =	vor.u32 s4, v2;
	_ =	sdelay $0x3  }
0x1e0: {  	[tilespmem:s0+$0xFFFFFD90] =	vst v5  }
0x1e1: {  	v5 =	vld.idx.msk [tilespmem:v50+s14+$0x0], $0xffff  }
0x1e2: {  	v51 =	vor.u32 s4, v3;
	_ =	sdelay $0x3  }
0x1e3: {  	[tilespmem:s0+$0xFFFFFDA0] =	vst v5  }
0x1e4: {  	v5 =	vld.idx.msk [tilespmem:v51+s14+$0x0], $0xffff;
	_ =	sdelay $0x4  }
0x1e5: {  	[tilespmem:s0+$0xFFFFFDB0] =	vst v5  }
0x1e6: {  	_ =	swait.ge [sflag:s23], $0x2000  }
0x1e7: {  	(v2sf) =	vpush v4, $0xB  }
0x1e8: {  	(v2sf) =	vpush v4, $0x4;
	_ =	sdelay $0xd  }
0x1e9: {  	s4 =	spop (v2sf)  }
0x1ea: {  	s6 =	spop (v2sf)  }
0x1eb: {  	s5 =	sand.u32 $0x7F, s6  }
0x1ec: {  	v5 =	vor.u32 s5, v0;
	_ =	sdelay $0x1  }
0x1ed: {  	[sflag:s23] =	ssyncset.done $0x0;
	s6 =	sand.u32 $0xFFFFF80, s4  }
0x1ee: {  	[sflag:s23] =	ssyncadd.s32 $0xFFFFE000;
	s6 =	sadd.s32 s1, s6  }
0x1ef: {  	[tilespmem:s14], [sflag:$0x4] =	stream.strided.gather [hbm4b:s6+s9], $0x2000, s10, s9, $0x38;
	[tilespmem:$0x18200] =	vst v63  }
0x1f0: {  	v5 =	vld.idx.msk [tilespmem:v5+s15+$0x0], $0xffff  }
0x1f1: {  	v52 =	vor.u32 s5, v1;
	_ =	sdelay $0x3  }
0x1f2: {  	[tilespmem:s0+$0xFFFFFE00] =	vst v5  }
0x1f3: {  	v5 =	vld.idx.msk [tilespmem:v52+s15+$0x0], $0xffff  }
0x1f4: {  	v53 =	vor.u32 s5, v2;
	_ =	sdelay $0x3  }
0x1f5: {  	[tilespmem:s0+$0xFFFFFE10] =	vst v5  }
0x1f6: {  	v5 =	vld.idx.msk [tilespmem:v53+s15+$0x0], $0xffff  }
0x1f7: {  	v54 =	vor.u32 s5, v3;
	_ =	sdelay $0x3  }
0x1f8: {  	[tilespmem:s0+$0xFFFFFE20] =	vst v5  }
0x1f9: {  	v5 =	vld.idx.msk [tilespmem:v54+s15+$0x0], $0xffff;
	_ =	sdelay $0x4  }
0x1fa: {  	[tilespmem:s0+$0xFFFFFE30] =	vst v5  }
0x1fb: {  	_ =	swait.ge [sflag:s24], $0x2000  }
0x1fc: {  	(v2sf) =	vpush v4, $0xC  }
0x1fd: {  	(v2sf) =	vpush v4, $0x5;
	_ =	sdelay $0xd  }
0x1fe: {  	s5 =	spop (v2sf)  }
0x1ff: {  	s7 =	spop (v2sf)  }
0x200: {  	s6 =	sand.u32 $0x7F, s7  }
0x201: {  	v5 =	vor.u32 s6, v0;
	_ =	sdelay $0x1  }
0x202: {  	[sflag:s24] =	ssyncset.done $0x0;
	s7 =	sand.u32 $0xFFFFF80, s5  }
0x203: {  	[sflag:s24] =	ssyncadd.s32 $0xFFFFE000;
	s7 =	sadd.s32 s1, s7  }
0x204: {  	[tilespmem:s15], [sflag:$0x5] =	stream.strided.gather [hbm4b:s7+s9], $0x2000, s10, s9, $0x38;
	[tilespmem:$0x18200] =	vst v63  }
0x205: {  	v5 =	vld.idx.msk [tilespmem:v5+s16+$0x0], $0xffff  }
0x206: {  	v55 =	vor.u32 s6, v1;
	_ =	sdelay $0x3  }
0x207: {  	[tilespmem:s0+$0xFFFFFE80] =	vst v5  }
0x208: {  	v5 =	vld.idx.msk [tilespmem:v55+s16+$0x0], $0xffff  }
0x209: {  	v56 =	vor.u32 s6, v2;
	_ =	sdelay $0x3  }
0x20a: {  	[tilespmem:s0+$0xFFFFFE90] =	vst v5  }
0x20b: {  	v5 =	vld.idx.msk [tilespmem:v56+s16+$0x0], $0xffff  }
0x20c: {  	v57 =	vor.u32 s6, v3;
	_ =	sdelay $0x3  }
0x20d: {  	[tilespmem:s0+$0xFFFFFEA0] =	vst v5  }
0x20e: {  	v5 =	vld.idx.msk [tilespmem:v57+s16+$0x0], $0xffff;
	_ =	sdelay $0x4  }
0x20f: {  	[tilespmem:s0+$0xFFFFFEB0] =	vst v5  }
0x210: {  	_ =	swait.ge [sflag:s25], $0x2000  }
0x211: {  	(v2sf) =	vpush v4, $0xD  }
0x212: {  	(v2sf) =	vpush v4, $0x6;
	_ =	sdelay $0xd  }
0x213: {  	s6 =	spop (v2sf)  }
0x214: {  	s18 =	spop (v2sf)  }
0x215: {  	s7 =	sand.u32 $0x7F, s18  }
0x216: {  	v5 =	vor.u32 s7, v0;
	_ =	sdelay $0x1  }
0x217: {  	[sflag:s25] =	ssyncset.done $0x0;
	s29 =	sand.u32 $0xFFFFF80, s6  }
0x218: {  	[sflag:s25] =	ssyncadd.s32 $0xFFFFE000;
	s29 =	sadd.s32 s1, s29  }
0x219: {  	[tilespmem:s16], [sflag:$0x6] =	stream.strided.gather [hbm4b:s29+s9], $0x2000, s10, s9, $0x38;
	[tilespmem:$0x18200] =	vst v63  }
0x21a: {  	v5 =	vld.idx.msk [tilespmem:v5+s17+$0x0], $0xffff  }
0x21b: {  	v58 =	vor.u32 s7, v1;
	_ =	sdelay $0x3  }
0x21c: {  	[tilespmem:s0+$0xFFFFFF00] =	vst v5  }
0x21d: {  	v5 =	vld.idx.msk [tilespmem:v58+s17+$0x0], $0xffff  }
0x21e: {  	v59 =	vor.u32 s7, v2;
	_ =	sdelay $0x3  }
0x21f: {  	[tilespmem:s0+$0xFFFFFF10] =	vst v5  }
0x220: {  	v5 =	vld.idx.msk [tilespmem:v59+s17+$0x0], $0xffff  }
0x221: {  	v60 =	vor.u32 s7, v3;
	_ =	sdelay $0x3  }
0x222: {  	[tilespmem:s0+$0xFFFFFF20] =	vst v5  }
0x223: {  	v5 =	vld.idx.msk [tilespmem:v60+s17+$0x0], $0xffff;
	_ =	sdelay $0x4  }
0x224: {  	[tilespmem:s0+$0xFFFFFF30] =	vst v5  }
0x225: {  	_ =	swait.ge [sflag:s26], $0x2000  }
0x226: {  	(v2sf) =	vpush v4, $0xE;
	_ =	sdelay $0xc  }
0x227: {  	s2 =	sand.u32 $0x7F, s2  }
0x228: {  	v5 =	vor.u32 s2, v0  }
0x229: {  	s7 =	spop (v2sf)  }
0x22a: {  	[sflag:s26] =	ssyncset.done $0x0;
	s29 =	sand.u32 $0xFFFFF80, s7  }
0x22b: {  	[sflag:s26] =	ssyncadd.s32 $0xFFFFE000;
	s29 =	sadd.s32 s1, s29  }
0x22c: {  	[tilespmem:s17], [sflag:$0x7] =	stream.strided.gather [hbm4b:s29+s9], $0x2000, s10, s9, $0x38;
	[tilespmem:$0x18200] =	vst v63  }
0x22d: {  	v5 =	vld.idx.msk [tilespmem:v5+s19+$0x0], $0xffff  }
0x22e: {  	v61 =	vor.u32 s2, v1;
	_ =	sdelay $0x3  }
0x22f: {  	[tilespmem:s0+$0xFFFFFF80] =	vst v5  }
0x230: {  	v5 =	vld.idx.msk [tilespmem:v61+s19+$0x0], $0xffff  }
0x231: {  	v62 =	vor.u32 s2, v2;
	_ =	sdelay $0x3  }
0x232: {  	[tilespmem:s0+$0xFFFFFF90] =	vst v5  }
0x233: {  	v5 =	vld.idx.msk [tilespmem:v62+s19+$0x0], $0xffff  }
0x234: {  	v63 =	vor.u32 s2, v3;
	_ =	sdelay $0x3  }
0x235: {  	[tilespmem:s0+$0xFFFFFFA0] =	vst v5  }
0x236: {  	v5 =	vld.idx.msk [tilespmem:v63+s19+$0x0], $0xffff;
	_ =	sdelay $0x4  }
0x237: {  	[tilespmem:s0+$0xFFFFFFB0] =	vst v5  }
0x238: {  	_ =	swait.ge [sflag:s20], $0x2000  }
0x239: {  	(v2sf) =	vpush v4, $0xF;
	_ =	sdelay $0xc  }
0x23a: {  	s8 =	sand.u32 $0x7F, s8  }
0x23b: {  	v4 =	vor.u32 s8, v0  }
0x23c: {  	s2 =	spop (v2sf)  }
0x23d: {  	[sflag:s20] =	ssyncset.done $0x0;
	s29 =	sand.u32 $0xFFFFF80, s2  }
0x23e: {  	[sflag:s20] =	ssyncadd.s32 $0xFFFFE000;
	s29 =	sadd.s32 s1, s29  }
0x23f: {  	[tilespmem:s19], [sflag:$0x8] =	stream.strided.gather [hbm4b:s29+s9], $0x2000, s10, s9, $0x38;
	[tilespmem:$0x18200] =	vst v63  }
0x240: {  	v4 =	vld.idx.msk [tilespmem:v4+s11+$0x0], $0xffff  }
0x241: {  	v5 =	vor.u32 s8, v1;
	_ =	sdelay $0x3  }
0x242: {  	[tilespmem:s0+$0x0] =	vst v4  }
0x243: {  	v4 =	vld.idx.msk [tilespmem:v5+s11+$0x0], $0xffff  }
0x244: {  	v5 =	vor.u32 s8, v2;
	_ =	sdelay $0x3  }
0x245: {  	[tilespmem:s0+$0x10] =	vst v4  }
0x246: {  	v4 =	vld.idx.msk [tilespmem:v5+s11+$0x0], $0xffff  }
0x247: {  	v5 =	vor.u32 s8, v3;
	_ =	sdelay $0x3  }
0x248: {  	[tilespmem:s0+$0x20] =	vst v4  }
0x249: {  	v4 =	vld.idx.msk [tilespmem:v5+s11+$0x0], $0xffff;
	_ =	sdelay $0x4  }
0x24a: {  	s18 =	simm.s32 $0x2;
	[tilespmem:s0+$0x30] =	vst v4  }
0x24b: {  	_ =	swait.ge [sflag:s18], $0x2000  }
0x24c: {  	[sflag:s18] =	ssyncset.done $0x0  }
0x24d: {  	p0 =	seq.s32 s30, $0xF0;
	[sflag:s18] =	ssyncadd.s32 $0xFFFFE000  }
0x24e: {  	v4 =	vld @!p0 [tilespmem:s31+$0x0];
	_ =	sdelay $0x4  }
0x24f: {  	(v2sf) =	vpush @!p0 v4, $0x0;
	_ =	sdelay $0xc  }
0x250: {  	s29 =	sand.u32 $0x7F, s28  }
0x251: {  	v4 =	vor.u32 s29, v0  }
0x252: {  	s8 =	spop @!p0 (v2sf)  }
0x253: {  	s20 =	simm.s32 @!p0 $0x200;
	s8 =	sand.u32 @!p0 $0xFFFFF80, s8  }
0x254: {  	s28 =	simm.s32 @!p0 $0x7A1400;
	s18 =	sadd.s32 @!p0 s1, s8;
	s8 =	simm.s32 @!p0 $0x400  }
0x255: {  	[tilespmem:s20], [sflag:$0x1] =	stream.strided.gather @!p0 [hbm4b:s18+s8], $0x2000, s28, s8, $0x38;
	[tilespmem:$0x18200] =	vst v63  }
0x256: {  	v4 =	vld.idx.msk [tilespmem:v4+s12+$0x0], $0xffff  }
0x257: {  	v5 =	vor.u32 s29, v1;
	_ =	sdelay $0x3  }
0x258: {  	[tilespmem:s0+$0x80] =	vst v4  }
0x259: {  	v4 =	vld.idx.msk [tilespmem:v5+s12+$0x0], $0xffff  }
0x25a: {  	v5 =	vor.u32 s29, v2;
	_ =	sdelay $0x3  }
0x25b: {  	[tilespmem:s0+$0x90] =	vst v4  }
0x25c: {  	v4 =	vld.idx.msk [tilespmem:v5+s12+$0x0], $0xffff  }
0x25d: {  	v5 =	vor.u32 s29, v3;
	_ =	sdelay $0x3  }
0x25e: {  	[tilespmem:s0+$0xA0] =	vst v4  }
0x25f: {  	v4 =	vld.idx.msk [tilespmem:v5+s12+$0x0], $0xffff;
	_ =	sdelay $0x4  }
0x260: {  	[tilespmem:s0+$0xB0] =	vst v4  }
0x261: {  	_ =	swait.ge [sflag:s21], $0x2000  }
0x262: {  	[sflag:s21] =	ssyncset.done $0x0  }
0x263: {  	[sflag:s21] =	ssyncadd.s32 $0xFFFFE000  }
0x264: {  	v4 =	vld @!p0 [tilespmem:s31+$0x0];
	_ =	sdelay $0x4  }
0x265: {  	(v2sf) =	vpush @!p0 v4, $0x1;
	_ =	sdelay $0xc  }
0x266: {  	s3 =	sand.u32 $0x7F, s3  }
0x267: {  	v4 =	vor.u32 s3, v0  }
0x268: {  	s18 =	spop @!p0 (v2sf)  }
0x269: {  	s18 =	sand.u32 @!p0 $0xFFFFF80, s18  }
0x26a: {  	s20 =	simm.s32 @!p0 $0x2200;
	s18 =	sadd.s32 @!p0 s1, s18  }
0x26b: {  	[tilespmem:s20], [sflag:$0x2] =	stream.strided.gather @!p0 [hbm4b:s18+s8], $0x2000, s28, s8, $0x38;
	[tilespmem:$0x18200] =	vst v63  }
0x26c: {  	v4 =	vld.idx.msk [tilespmem:v4+s13+$0x0], $0xffff  }
0x26d: {  	v5 =	vor.u32 s3, v1;
	_ =	sdelay $0x3  }
0x26e: {  	[tilespmem:s0+$0x100] =	vst v4  }
0x26f: {  	v4 =	vld.idx.msk [tilespmem:v5+s13+$0x0], $0xffff  }
0x270: {  	v5 =	vor.u32 s3, v2;
	_ =	sdelay $0x3  }
0x271: {  	[tilespmem:s0+$0x110] =	vst v4  }
0x272: {  	v4 =	vld.idx.msk [tilespmem:v5+s13+$0x0], $0xffff  }
0x273: {  	v5 =	vor.u32 s3, v3;
	_ =	sdelay $0x3  }
0x274: {  	[tilespmem:s0+$0x120] =	vst v4  }
0x275: {  	v4 =	vld.idx.msk [tilespmem:v5+s13+$0x0], $0xffff;
	_ =	sdelay $0x4  }
0x276: {  	[tilespmem:s0+$0x130] =	vst v4  }
0x277: {  	_ =	swait.ge [sflag:s22], $0x2000  }
0x278: {  	[sflag:s22] =	ssyncset.done $0x0  }
0x279: {  	[sflag:s22] =	ssyncadd.s32 $0xFFFFE000  }
0x27a: {  	v4 =	vld @!p0 [tilespmem:s31+$0x0];
	_ =	sdelay $0x4  }
0x27b: {  	(v2sf) =	vpush @!p0 v4, $0x2;
	_ =	sdelay $0xc  }
0x27c: {  	s3 =	sand.u32 $0x7F, s4  }
0x27d: {  	v4 =	vor.u32 s3, v0  }
0x27e: {  	s4 =	spop @!p0 (v2sf)  }
0x27f: {  	s4 =	sand.u32 @!p0 $0xFFFFF80, s4  }
0x280: {  	s18 =	simm.s32 @!p0 $0x4200;
	s4 =	sadd.s32 @!p0 s1, s4  }
0x281: {  	[tilespmem:s18], [sflag:$0x3] =	stream.strided.gather @!p0 [hbm4b:s4+s8], $0x2000, s28, s8, $0x38;
	[tilespmem:$0x18200] =	vst v63  }
0x282: {  	v4 =	vld.idx.msk [tilespmem:v4+s14+$0x0], $0xffff  }
0x283: {  	v5 =	vor.u32 s3, v1;
	_ =	sdelay $0x3  }
0x284: {  	[tilespmem:s0+$0x180] =	vst v4  }
0x285: {  	v4 =	vld.idx.msk [tilespmem:v5+s14+$0x0], $0xffff  }
0x286: {  	v5 =	vor.u32 s3, v2;
	_ =	sdelay $0x3  }
0x287: {  	[tilespmem:s0+$0x190] =	vst v4  }
0x288: {  	v4 =	vld.idx.msk [tilespmem:v5+s14+$0x0], $0xffff  }
0x289: {  	v5 =	vor.u32 s3, v3;
	_ =	sdelay $0x3  }
0x28a: {  	[tilespmem:s0+$0x1A0] =	vst v4  }
0x28b: {  	v4 =	vld.idx.msk [tilespmem:v5+s14+$0x0], $0xffff;
	_ =	sdelay $0x4  }
0x28c: {  	[tilespmem:s0+$0x1B0] =	vst v4  }
0x28d: {  	_ =	swait.ge [sflag:s23], $0x2000  }
0x28e: {  	[sflag:s23] =	ssyncset.done $0x0  }
0x28f: {  	[sflag:s23] =	ssyncadd.s32 $0xFFFFE000  }
0x290: {  	v4 =	vld @!p0 [tilespmem:s31+$0x0];
	_ =	sdelay $0x4  }
0x291: {  	(v2sf) =	vpush @!p0 v4, $0x3;
	_ =	sdelay $0xc  }
0x292: {  	s18 =	sand.u32 $0x7F, s5  }
0x293: {  	v4 =	vor.u32 s18, v0  }
0x294: {  	s4 =	spop @!p0 (v2sf)  }
0x295: {  	s4 =	sand.u32 @!p0 $0xFFFFF80, s4  }
0x296: {  	s5 =	simm.s32 @!p0 $0x6200;
	s4 =	sadd.s32 @!p0 s1, s4  }
0x297: {  	[tilespmem:s5], [sflag:$0x4] =	stream.strided.gather @!p0 [hbm4b:s4+s8], $0x2000, s28, s8, $0x38;
	[tilespmem:$0x18200] =	vst v63  }
0x298: {  	v4 =	vld.idx.msk [tilespmem:v4+s15+$0x0], $0xffff  }
0x299: {  	v5 =	vor.u32 s18, v1;
	_ =	sdelay $0x3  }
0x29a: {  	[tilespmem:s0+$0x200] =	vst v4  }
0x29b: {  	v4 =	vld.idx.msk [tilespmem:v5+s15+$0x0], $0xffff  }
0x29c: {  	v5 =	vor.u32 s18, v2;
	_ =	sdelay $0x3  }
0x29d: {  	[tilespmem:s0+$0x210] =	vst v4  }
0x29e: {  	v4 =	vld.idx.msk [tilespmem:v5+s15+$0x0], $0xffff  }
0x29f: {  	v5 =	vor.u32 s18, v3;
	_ =	sdelay $0x3  }
0x2a0: {  	[tilespmem:s0+$0x220] =	vst v4  }
0x2a1: {  	v4 =	vld.idx.msk [tilespmem:v5+s15+$0x0], $0xffff;
	_ =	sdelay $0x4  }
0x2a2: {  	[tilespmem:s0+$0x230] =	vst v4  }
0x2a3: {  	_ =	swait.ge [sflag:s24], $0x2000  }
0x2a4: {  	[sflag:s24] =	ssyncset.done $0x0  }
0x2a5: {  	[sflag:s24] =	ssyncadd.s32 $0xFFFFE000  }
0x2a6: {  	v4 =	vld @!p0 [tilespmem:s31+$0x0];
	_ =	sdelay $0x4  }
0x2a7: {  	(v2sf) =	vpush @!p0 v4, $0x4;
	_ =	sdelay $0xc  }
0x2a8: {  	s6 =	sand.u32 $0x7F, s6  }
0x2a9: {  	v4 =	vor.u32 s6, v0  }
0x2aa: {  	s4 =	spop @!p0 (v2sf)  }
0x2ab: {  	s4 =	sand.u32 @!p0 $0xFFFFF80, s4  }
0x2ac: {  	s5 =	simm.s32 @!p0 $0x8200;
	s4 =	sadd.s32 @!p0 s1, s4  }
0x2ad: {  	[tilespmem:s5], [sflag:$0x5] =	stream.strided.gather @!p0 [hbm4b:s4+s8], $0x2000, s28, s8, $0x38;
	[tilespmem:$0x18200] =	vst v63  }
0x2ae: {  	v4 =	vld.idx.msk [tilespmem:v4+s16+$0x0], $0xffff  }
0x2af: {  	v5 =	vor.u32 s6, v1;
	_ =	sdelay $0x3  }
0x2b0: {  	[tilespmem:s0+$0x280] =	vst v4  }
0x2b1: {  	v4 =	vld.idx.msk [tilespmem:v5+s16+$0x0], $0xffff  }
0x2b2: {  	v5 =	vor.u32 s6, v2;
	_ =	sdelay $0x3  }
0x2b3: {  	[tilespmem:s0+$0x290] =	vst v4  }
0x2b4: {  	v4 =	vld.idx.msk [tilespmem:v5+s16+$0x0], $0xffff  }
0x2b5: {  	v5 =	vor.u32 s6, v3;
	_ =	sdelay $0x3  }
0x2b6: {  	[tilespmem:s0+$0x2A0] =	vst v4  }
0x2b7: {  	v4 =	vld.idx.msk [tilespmem:v5+s16+$0x0], $0xffff;
	_ =	sdelay $0x4  }
0x2b8: {  	[tilespmem:s0+$0x2B0] =	vst v4  }
0x2b9: {  	_ =	swait.ge [sflag:s25], $0x2000  }
0x2ba: {  	[sflag:s25] =	ssyncset.done $0x0  }
0x2bb: {  	[sflag:s25] =	ssyncadd.s32 $0xFFFFE000  }
0x2bc: {  	v4 =	vld @!p0 [tilespmem:s31+$0x0];
	_ =	sdelay $0x4  }
0x2bd: {  	(v2sf) =	vpush @!p0 v4, $0x5;
	_ =	sdelay $0xc  }
0x2be: {  	s18 =	sand.u32 $0x7F, s7  }
0x2bf: {  	v4 =	vor.u32 s18, v0  }
0x2c0: {  	s4 =	spop @!p0 (v2sf)  }
0x2c1: {  	s4 =	sand.u32 @!p0 $0xFFFFF80, s4  }
0x2c2: {  	s5 =	simm.s32 @!p0 $0xA200;
	s4 =	sadd.s32 @!p0 s1, s4  }
0x2c3: {  	[tilespmem:s5], [sflag:$0x6] =	stream.strided.gather @!p0 [hbm4b:s4+s8], $0x2000, s28, s8, $0x38;
	[tilespmem:$0x18200] =	vst v63  }
0x2c4: {  	v4 =	vld.idx.msk [tilespmem:v4+s17+$0x0], $0xffff  }
0x2c5: {  	v5 =	vor.u32 s18, v1;
	_ =	sdelay $0x3  }
0x2c6: {  	[tilespmem:s0+$0x300] =	vst v4  }
0x2c7: {  	v4 =	vld.idx.msk [tilespmem:v5+s17+$0x0], $0xffff  }
0x2c8: {  	v5 =	vor.u32 s18, v2;
	_ =	sdelay $0x3  }
0x2c9: {  	[tilespmem:s0+$0x310] =	vst v4  }
0x2ca: {  	v4 =	vld.idx.msk [tilespmem:v5+s17+$0x0], $0xffff  }
0x2cb: {  	v5 =	vor.u32 s18, v3;
	_ =	sdelay $0x3  }
0x2cc: {  	[tilespmem:s0+$0x320] =	vst v4  }
0x2cd: {  	v4 =	vld.idx.msk [tilespmem:v5+s17+$0x0], $0xffff;
	_ =	sdelay $0x4  }
0x2ce: {  	[tilespmem:s0+$0x330] =	vst v4  }
0x2cf: {  	_ =	swait.ge [sflag:s26], $0x2000  }
0x2d0: {  	[sflag:s26] =	ssyncset.done $0x0  }
0x2d1: {  	[sflag:s26] =	ssyncadd.s32 $0xFFFFE000  }
0x2d2: {  	v4 =	vld @!p0 [tilespmem:s31+$0x0];
	_ =	sdelay $0x4  }
0x2d3: {  	(v2sf) =	vpush @!p0 v4, $0x6;
	_ =	sdelay $0xc  }
0x2d4: {  	s2 =	sand.u32 $0x7F, s2  }
0x2d5: {  	v4 =	vor.u32 s2, v0  }
0x2d6: {  	s3 =	spop @!p0 (v2sf)  }
0x2d7: {  	s3 =	sand.u32 @!p0 $0xFFFFF80, s3  }
0x2d8: {  	s4 =	simm.s32 @!p0 $0xC200;
	s3 =	sadd.s32 @!p0 s1, s3  }
0x2d9: {  	[tilespmem:s4], [sflag:$0x7] =	stream.strided.gather @!p0 [hbm4b:s3+s8], $0x2000, s28, s8, $0x38;
	[tilespmem:$0x18200] =	vst v63  }
0x2da: {  	v4 =	vld.idx.msk [tilespmem:v4+s19+$0x0], $0xffff  }
0x2db: {  	v5 =	vor.u32 s2, v1;
	_ =	sdelay $0x3  }
0x2dc: {  	[tilespmem:s0+$0x380] =	vst v4  }
0x2dd: {  	v4 =	vld.idx.msk [tilespmem:v5+s19+$0x0], $0xffff  }
0x2de: {  	v5 =	vor.u32 s2, v2;
	_ =	sdelay $0x3  }
0x2df: {  	[tilespmem:s0+$0x390] =	vst v4  }
0x2e0: {  	v4 =	vld.idx.msk [tilespmem:v5+s19+$0x0], $0xffff  }
0x2e1: {  	v5 =	vor.u32 s2, v3;
	_ =	sdelay $0x3  }
0x2e2: {  	s30 =	sadd.s32 $0x10, s30;
	[tilespmem:s0+$0x3A0] =	vst v4  }
0x2e3: {  	p0 =	sne.s32 s30, $0x100;
	v4 =	vld.idx.msk [tilespmem:v5+s19+$0x0], $0xffff  }
.Ltmp1:
0x2e4: {  	_ = 	snop;
	(pc) =	sbr.rel @p0 .LBB2_4-.Ltmp1, $3  }
0x2e5: {  	_ =	sdelay $0x1  }
0x2e6: {  	s29 =	simm.s32 $0x2  }
0x2e7: {  	s20 =	simm.s32 $0x1;
	s31 =	sadd.s32 $0x10, s31;
	[tilespmem:s0+$0x3B0] =	vst v4;
	s0 =	sadd.s32 $0x800, s0  }
0x2e8: {  	s7 =	simm.s32 $0x0  }
0x2e9: {  	s0 =	rddreg [dreg:$0x6];
	s2 =	simm.s32 $0x10200;
	s18 =	simm.s32 $0x9  }
0x2ea: {  	[hbm4b:s0+s7] =	stream.linear.scatter [tilespmem:s2], [sflag:$0x9], $0x8000, $0x38;
	[tilespmem:$0x18200] =	vst v63  }
0x2eb: {  	_ =	swait.ge [sflag:s18], $0x8000  }
0x2ec: {  	s30 =	rddreg [dreg:$0x8]  }
0x2ed: {  	s31 =	rddreg [dreg:$0x7];
	s2 =	sadd.s32 $0x1, s30  }
0x2ee: {  	p0 =	sne.s32 s2, s31  }
.Ltmp2:
0x2ef: {  	_ = 	snop;
	(pc) =	sbr.rel @p0 .LBB2_1-.Ltmp2, $3  }
0x2f0: {  	_ =	sdelay $0x1  }
0x2f1: {  	[sflag:s18] =	ssyncset.done $0x0  }
0x2f2: {  	[sflag:s18] =	ssyncadd.s32 $0xFFFF8000  }
0x2f3: {  	_ =	sfence.sel $0x180000  }
0x2f4: {  	[bflag:$0x0] =	sbarrier.arrive $0xFFFF  }
0x2f5: {  	_ =	strace $0x90000047  }
0x2f6: {  	s0 =	stileid.u32;
	[bflag:$0x2] =	sbarrier.arrive $0xFFFF  }
0x2f7: {  	p0 =	sne.s32 s0, $0x0;
	s0 =	rddreg [dreg:$0x3]  }
0x2f8: {  	s0 =	sadd.s32 @!p0 $0x100000, s0  }
0x2f9: {  	[sflag:s0] =	ssyncadd.tile.s32 @!p0 $0x1;
	_ =	shalt  }
.Lfunc_end2:
_tile_overlayer_lowered:
.L_overlay_start_2:
0x2fa: {  	(tag) =	ssettag $0x2  }
0x2fb: {  	s0 =	rddreg [dreg:$0x0];
	s2 =	stileid.u32  }
0x2fc: {  	s1 =	rddreg [dreg:$0x1];
	p0 =	sne.s32 s2, $0x0  }
0x2fd: {  	s3 =	rddreg [dreg:$0x2];
	[bflag:$0x3] =	sbarrier.arrive $0xFFFF;
	s2 =	simm.s32 @!p0 $0x1C09  }
0x2fe: {  	[timem:s3], [sflag:s2] =	dma.local @!p0 [hbm:s0], s1  }
0x2ff: {  	s0 =	simm.s32 @!p0 $0x9  }
0x300: {  	_ =	swait.ge @!p0 [sflag:s0], s1  }
0x301: {  	s1 =	ssub.s32 @!p0 $0x0, s1;
	[sflag:s0] =	ssyncset.done @!p0 $0x0  }
0x302: {  	[sflag:s0] =	ssyncadd.s32 @!p0 s1  }
0x303: {  	[bflag:$0x3] =	sbarrier.arrive $0xFFFF  }
0x304: {  	_ =	shalt  }

</sc_bundles>
